<compile_context>
chip_gen: v7x
topology: tpu7x:2x2x1
jax: 0.10.2.dev20260603
libtpu: 0.0.44.dev20260713+nightly
codegen_flags: <defaults>
</compile_context>

<pallas_src>
import math

import jax
import jax.numpy as jnp
import numpy as np
from jax.experimental import pallas as pl
from jax.experimental.pallas import tpu as pltpu
from jax.experimental.pallas import tpu_sc as plsc

_PERM_HD = np.concatenate([np.arange(0, 128, 2), np.arange(1, 128, 2)])
_PERM_C = np.concatenate([h * 128 + _PERM_HD for h in range(6)])

_B, _S, _C, _HD = 1, 4096, 768, 128
_H = _C // _HD
_S1 = _S // 64
_PTHR = 0.9
_NEG = -1e30
_BQ = 1024
_SLAB = 256
_BX = 512


def _qkv_body(x_ref, wq_ref, bq_ref, wk_ref, bk_ref, wv_ref, bv_ref,
              gq_ref, gk_ref, r00_ref, r01_ref, r10_ref, r11_ref,
              q_ref, k_ref, v_ref, qa_ref, ka_ref):
    x = x_ref[...]
    eps = jnp.finfo(jnp.float32).eps

    def norm_rope(t, g_ref):
        t3 = t.reshape(_BX, _H, _HD)
        ms = jnp.mean(t3 * t3, axis=-1, keepdims=True)
        t3 = t3 * jax.lax.rsqrt(ms + eps) * g_ref[...].reshape(1, 1, _HD)
        e = t3[:, :, : _HD // 2]
        o = t3[:, :, _HD // 2:]
        r00 = r00_ref[...][:, None, :]
        r01 = r01_ref[...][:, None, :]
        r10 = r10_ref[...][:, None, :]
        r11 = r11_ref[...][:, None, :]
        oe = r00 * e + r01 * o
        oo = r10 * e + r11 * o
        return jnp.concatenate([oe, oo], axis=-1).reshape(_BX, _C)

    xb = x.astype(jnp.bfloat16)
    q = jnp.dot(xb, wq_ref[...], preferred_element_type=jnp.float32) + bq_ref[...]
    k = jnp.dot(xb, wk_ref[...], preferred_element_type=jnp.float32) + bk_ref[...]
    v = jnp.dot(xb, wv_ref[...], preferred_element_type=jnp.float32) + bv_ref[...]
    qf = norm_rope(q, gq_ref)
    kf = norm_rope(k, gk_ref)
    q_ref[...] = qf.astype(jnp.bfloat16)
    k_ref[...] = kf.astype(jnp.bfloat16)
    v_ref[...] = v.astype(jnp.bfloat16)
    qa_ref[...] = jnp.mean(qf.reshape(_BX // 64, 64, _C), axis=1)
    ka_ref[...] = jnp.mean(kf.reshape(_BX // 64, 64, _C), axis=1)


def _amap_body(qa_ref, ka_ref, a_ref):
    qa = qa_ref[...]
    ka = ka_ref[...]
    logits = jax.lax.dot_general(
        qa, ka, (((1,), (1,)), ((), ())),
        preferred_element_type=jnp.float32) * (1.0 / math.sqrt(_HD))
    a_ref[0] = jax.nn.softmax(logits, axis=-1)



_RPW = 16
_NW = 32
_SCROWS = _RPW * _NW


def _sc_vsort(a):
    k, i = plsc.sort_key_val(a[0], a[1])
    return (k, i)


def _sc_rev(a):
    return (jax.lax.rev(a[0], (0,)), jax.lax.rev(a[1], (0,)))


def _sc_cmpx(a, b):
    m = a[0] <= b[0]
    lo = (jnp.where(m, a[0], b[0]), jnp.where(m, a[1], b[1]))
    hi = (jnp.where(m, b[0], a[0]), jnp.where(m, b[1], a[1]))
    return lo, hi


def _sc_sort64(vs):
    s = [_sc_vsort(v) for v in vs]
    a_lo, a_hi = _sc_cmpx(s[0], _sc_rev(s[1]))
    b_lo, b_hi = _sc_cmpx(s[2], _sc_rev(s[3]))
    a = (_sc_vsort(a_lo), _sc_vsort(a_hi))
    b = (_sc_vsort(b_lo), _sc_vsort(b_hi))
    l0, h0 = _sc_cmpx(a[0], _sc_rev(b[1]))
    l1, h1 = _sc_cmpx(a[1], _sc_rev(b[0]))
    out = []
    for x0, x1 in ((l0, l1), (h0, h1)):
        p, q = _sc_cmpx(x0, x1)
        out.append(_sc_vsort(p))
        out.append(_sc_vsort(q))
    return out


def _sc_mask_body(amap_hbm, out_hbm, amap_v, bias_v):
    wid = jax.lax.axis_index("s") * 2 + jax.lax.axis_index("c")
    base = wid * _RPW
    pltpu.sync_copy(amap_hbm.at[pl.ds(base, _RPW)], amap_v)
    thr = 1.0 - _PTHR
    for r in range(_RPW):
        vs = [(amap_v[r, pl.ds(16 * t, 16)],
               jax.lax.iota(jnp.int32, 16) + 16 * t) for t in range(4)]
        srt = _sc_sort64(vs)
        carry = 0.0
        for t in range(4):
            k, i = srt[t]
            c = plsc.cumsum(k) + carry
            carry = carry + jnp.sum(k)
            vals = jnp.where(c >= thr, 0.0, _NEG)
            plsc.store_scatter(
                bias_v, [jnp.full((16,), r, jnp.int32), i], vals)
    pltpu.sync_copy(bias_v, out_hbm.at[pl.ds(base, _RPW)])


def _expand_body(cb_ref, sta_ref, bias_ref):
    cb = jnp.where(sta_ref[0] > 0.0, 0.0, cb_ref[0])
    bcol = cb.astype(jnp.bfloat16).T
    bias_ref[0] = jnp.broadcast_to(
        bcol[:, None, :], (_S1, 64, _S1)).reshape(_S, _S1)


def _attn_body(q_ref, k_ref, v_ref, bias_ref, o_ref):
    i = pl.program_id(1)
    k = k_ref[...]
    v = v_ref[...]
    k_aug = jnp.concatenate([k, bias_ref[0]], axis=1)
    for s0 in range(0, _BQ, _SLAB):
        q = q_ref[pl.ds(s0, _SLAB), :]
        blk0 = i * (_BQ // 64) + s0 // 64
        r_blk = (jax.lax.broadcasted_iota(jnp.int32, (_SLAB, _S1), 0) // 64
                 + blk0)
        c_idx = jax.lax.broadcasted_iota(jnp.int32, (_SLAB, _S1), 1)
        onehot = (c_idx == r_blk).astype(jnp.bfloat16)
        q_aug = jnp.concatenate([q, onehot], axis=1)
        s = jax.lax.dot_general(
            q_aug, k_aug, (((1,), (1,)), ((), ())),
            preferred_element_type=jnp.float32)
        m = jnp.max(s, axis=-1, keepdims=True)
        p = jnp.exp((s - m) * (1.0 / math.sqrt(_HD)))
        l = jnp.sum(p, axis=-1, keepdims=True)
        o = jnp.dot(p.astype(jnp.bfloat16), v,
                    preferred_element_type=jnp.float32) / l
        o_ref[pl.ds(s0, _SLAB), :] = o.astype(jnp.bfloat16)


def _proj_body(x_ref, w_ref, b_ref, o_ref):
    o_ref[...] = (jnp.dot(x_ref[...], w_ref[...],
                          preferred_element_type=jnp.float32) + b_ref[...])


def kernel(x, rope, sta_mask, Wq, bq, Wk, bk, Wv, bv, gq, gk, Wo, bo):
    f32 = jnp.float32
    x2 = x.reshape(_S, _C)
    rr = rope.reshape(_S, _HD // 2, 2, 2)
    r00, r01 = rr[:, :, 0, 0], rr[:, :, 0, 1]
    r10, r11 = rr[:, :, 1, 0], rr[:, :, 1, 1]
    staf = sta_mask.reshape(_H, _S1, _S1).astype(f32)

    full_cc = pl.BlockSpec((_C, _C), lambda i: (0, 0))
    row_c = pl.BlockSpec((1, _C), lambda i: (0, 0))
    tile_x = pl.BlockSpec((_BX, _C), lambda i: (i, 0))
    tile_r = pl.BlockSpec((_BX, _HD // 2), lambda i: (i, 0))
    g_spec = pl.BlockSpec((1, _HD), lambda i: (0, 0))

    pool_tile = pl.BlockSpec((_BX // 64, _C), lambda i: (i, 0))
    q2, k2, v2, qa2, ka2 = pl.pallas_call(
        _qkv_body,
        grid=(_S // _BX,),
        in_specs=[tile_x, full_cc, row_c, full_cc, row_c, full_cc, row_c,
                  g_spec, g_spec, tile_r, tile_r, tile_r, tile_r],
        out_specs=[tile_x, tile_x, tile_x, pool_tile, pool_tile],
        out_shape=[jax.ShapeDtypeStruct((_S, _C), jnp.bfloat16)] * 3
        + [jax.ShapeDtypeStruct((_S1, _C), f32)] * 2,
    )(x2, Wq.T[:, _PERM_C].astype(jnp.bfloat16), bq[_PERM_C].reshape(1, _C),
      Wk.T[:, _PERM_C].astype(jnp.bfloat16), bk[_PERM_C].reshape(1, _C),
      Wv.T.astype(jnp.bfloat16), bv.reshape(1, _C),
      gq[_PERM_HD].reshape(1, _HD), gk[_PERM_HD].reshape(1, _HD),
      r00, r01, r10, r11)

    head_col = pl.BlockSpec((_S, _HD), lambda h: (0, h))
    pool_col = pl.BlockSpec((_S1, _HD), lambda h: (0, h))
    blk_spec = pl.BlockSpec((1, _S1, _S1), lambda h: (h, 0, 0))
    bias_spec = pl.BlockSpec((1, _S, _S1), lambda h: (h, 0, 0))
    amap = pl.pallas_call(
        _amap_body,
        grid=(_H,),
        in_specs=[pool_col, pool_col],
        out_specs=blk_spec,
        out_shape=jax.ShapeDtypeStruct((_H, _S1, _S1), f32),
    )(qa2, ka2)

    amap_pad = jnp.zeros((_SCROWS, _S1), f32)
    amap_pad = amap_pad.at[: _H * _S1].set(amap.reshape(_H * _S1, _S1))
    cb = pl.kernel(
        _sc_mask_body,
        out_type=jax.ShapeDtypeStruct((_SCROWS, _S1), f32),
        mesh=plsc.VectorSubcoreMesh(core_axis_name="c", subcore_axis_name="s"),
        scratch_types=[pltpu.VMEM((_RPW, _S1), f32),
                       pltpu.VMEM((_RPW, _S1), f32)],
        compiler_params=pltpu.CompilerParams(needs_layout_passes=False),
    )(amap_pad)

    bias = pl.pallas_call(
        _expand_body,
        grid=(_H,),
        in_specs=[blk_spec, blk_spec],
        out_specs=bias_spec,
        out_shape=jax.ShapeDtypeStruct((_H, _S, _S1), jnp.bfloat16),
    )(cb[: _H * _S1].reshape(_H, _S1, _S1), staf)

    att = pl.pallas_call(
        _attn_body,
        grid=(_H, _S // _BQ),
        in_specs=[pl.BlockSpec((_BQ, _HD), lambda h, i: (i, h)),
                  pl.BlockSpec((_S, _HD), lambda h, i: (0, h)),
                  pl.BlockSpec((_S, _HD), lambda h, i: (0, h)),
                  pl.BlockSpec((1, _S, _S1), lambda h, i: (h, 0, 0))],
        out_specs=pl.BlockSpec((_BQ, _HD), lambda h, i: (i, h)),
        out_shape=jax.ShapeDtypeStruct((_S, _C), jnp.bfloat16),
    )(q2, k2, v2, bias)

    out = pl.pallas_call(
        _proj_body,
        grid=(_S // _BX,),
        in_specs=[tile_x, full_cc, row_c],
        out_specs=tile_x,
        out_shape=jax.ShapeDtypeStruct((_S, _C), f32),
    )(att, Wo.T.astype(jnp.bfloat16), bo.reshape(1, _C))

    return out.reshape(_B, _S, _C)

# --- scband reference (transcript-rebuilt; emitter-appended) ---
"""Pipeline reference for scband-kandinsky5-multihead-self-attention-dec-25821343384000 (READ-ONLY COPY).

The authoritative reference and input builder live on the scoring server;
editing this copy changes nothing except your own understanding.
"""

import math
import jax
import jax.numpy as jnp
import numpy as np

B, S, C, HD = 1, 4096, 768, 128
H = C // HD  # 6 heads
S1 = S // 64  # 64 blocks
P_THR = 0.9


def setup_inputs(seed: int = 0) -> dict:
    key = jax.random.key(seed)
    ks = jax.random.split(key, 8)
    x = jax.random.normal(ks[0], (B, S, C), dtype=jnp.float32)
    rope = jax.random.normal(ks[1], (S, 1, HD // 2, 2, 2), dtype=jnp.float32)
    sta_mask = jnp.zeros((B, H, S1, S1), dtype=bool)
    Wq = jax.random.normal(ks[2], (C, C), dtype=jnp.float32) * 0.02
    bq = jnp.zeros((C,), dtype=jnp.float32)
    Wk = jax.random.normal(ks[3], (C, C), dtype=jnp.float32) * 0.02
    bk = jnp.zeros((C,), dtype=jnp.float32)
    Wv = jax.random.normal(ks[4], (C, C), dtype=jnp.float32) * 0.02
    bv = jnp.zeros((C,), dtype=jnp.float32)
    Wo = jax.random.normal(ks[5], (C, C), dtype=jnp.float32) * 0.02
    bo = jnp.zeros((C,), dtype=jnp.float32)
    gq = jnp.ones((HD,), dtype=jnp.float32)
    gk = jnp.ones((HD,), dtype=jnp.float32)
    return {"x": x, "rope": rope, "sta_mask": sta_mask, "Wq": Wq, "bq": bq,
            "Wk": Wk, "bk": bk, "Wv": Wv, "bv": bv, "gq": gq, "gk": gk,
            "Wo": Wo, "bo": bo}


def _rms_norm(t, g):
    eps = jnp.finfo(jnp.float32).eps
    return t * jax.lax.rsqrt(jnp.mean(t * t, axis=-1, keepdims=True) + eps) * g


def _apply_rotary(t, rope):
    # t: [B, S, H, HD] -> [B, S, H, HD/2, 1, 2]; rope: [S, 1, HD/2, 2, 2]
    t_ = t.reshape(t.shape[:-1] + (HD // 2, 1, 2))
    out = (rope * t_).sum(axis=-1)  # [B, S, H, HD/2, 2]
    return out.reshape(t.shape)


def reference(x, rope, sta_mask, Wq, bq, Wk, bk, Wv, bv, gq, gk, Wo, bo):
    q = (x @ Wq.T + bq).reshape(B, S, H, HD)
    k = (x @ Wk.T + bk).reshape(B, S, H, HD)
    v = (x @ Wv.T + bv).reshape(B, S, H, HD)
    q = _rms_norm(q, gq)
    k = _rms_norm(k, gk)
    q = _apply_rotary(q, rope)
    k = _apply_rotary(k, rope)
    # to [B, H, S, HD]
    qt = q.transpose(0, 2, 1, 3)
    kt = k.transpose(0, 2, 1, 3)
    vt = v.transpose(0, 2, 1, 3)
    # nablaT_v2 block mask: pool 64-token blocks, softmax block-affinity map,
    # keep blocks covering top (P_THR) probability mass, OR with sta mask
    qa = qt.reshape(B, H, S1, 64, HD).mean(axis=-2)
    ka = kt.reshape(B, H, S1, 64, HD).mean(axis=-2)
    amap = jax.nn.softmax((qa @ ka.transpose(0, 1, 3, 2)) / math.sqrt(HD), axis=-1)
    inds = jnp.argsort(amap, axis=-1)  # ascending
    vals = jnp.take_along_axis(amap, inds, axis=-1)
    cvals = jnp.cumsum(vals, axis=-1)
    msk = (cvals >= (1.0 - P_THR))
    msk = jnp.take_along_axis(msk, jnp.argsort(inds, axis=-1), axis=-1)
    blk = jnp.logical_or(msk, sta_mask)  # [B, H, S1, S1]
    # expand block mask to full token-level mask and run masked attention
    full = jnp.repeat(jnp.repeat(blk, 64, axis=-2), 64, axis=-1)  # [B, H, S, S]
    scores = (qt @ kt.transpose(0, 1, 3, 2)) / math.sqrt(HD)
    scores = jnp.where(full, scores, -jnp.inf)
    att = jax.nn.softmax(scores, axis=-1)
    out = att @ vt  # [B, H, S, HD]
    out = out.transpose(0, 2, 1, 3).reshape(B, S, C)
    out = out @ Wo.T + bo
    return out

if __name__ == "__main__":
    import jax
    _d = setup_inputs()
    print(jax.jit(kernel)(*tuple(_d.values())))

</pallas_src>

<mosaic_0001>
#map = affine_map<(d0, d1) -> (0, 0)>
module attributes {stable_mosaic.version = 14 : i64} {
  func.func @_sc_mask_body(%arg0: i32, %arg1: i32, %arg2: memref<512x64xf32, #tpu.memory_space<hbm>>, %arg3: memref<512x64xf32, #tpu.memory_space<hbm>>, %arg4: memref<16x64xf32, #tpu.memory_space<vmem>>, %arg5: memref<16x64xf32, #tpu.memory_space<vmem>>) attributes {dimension_semantics = [#tpu.dimension_semantics<core_parallel>, #tpu.dimension_semantics<subcore_parallel>], iteration_bounds = array<i64: 2, 16>, scalar_prefetch = 0 : i64, scratch_operands = 2 : i64, tpu.core_type = #tpu.core_type<sc_vector_subcore>, window_params = [{transform_indices = #map}, {transform_indices = #map}]} {
    %mul3A = arith.constant 2 : i32
    %mul3A_0 = arith.muli %arg1, %mul3A : i32
    %add3A = arith.addi %mul3A_0, %arg0 : i32
    %mul3A_1 = arith.constant 16 : i32
    %mul3A_2 = arith.muli %add3A, %mul3A_1 : i32
    "tpu.region"() ({
      %run_scoped3A = tpu.sem_alloc : memref<!tpu.dma_semaphore, #tpu.memory_space<semaphore_mem>>
      %dma_start3A = arith.constant 0 : i32
      %dma_start3A_3704 = tpu.memref_slice %arg2[%mul3A_2, %dma_start3A] : memref<512x64xf32, #tpu.memory_space<hbm>> -> memref<16x64xf32, #tpu.memory_space<hbm>>
      %dma_start3A_3705 = arith.constant 0 : i32
      %dma_start3A_3706 = tpu.memref_slice %arg2[%mul3A_2, %dma_start3A_3705] : memref<512x64xf32, #tpu.memory_space<hbm>> -> memref<16x64xf32, #tpu.memory_space<hbm>>
      tpu.enqueue_dma source(%dma_start3A_3706 : memref<16x64xf32, #tpu.memory_space<hbm>>) target(%arg4 : memref<16x64xf32, #tpu.memory_space<vmem>>) target_semaphore(%run_scoped3A : memref<!tpu.dma_semaphore, #tpu.memory_space<semaphore_mem>>)
      %dma_wait3A = arith.constant 0 : i32
      %dma_wait3A_3707 = tpu.memref_slice %arg2[%mul3A_2, %dma_wait3A] : memref<512x64xf32, #tpu.memory_space<hbm>> -> memref<16x64xf32, #tpu.memory_space<hbm>>
      %dma_wait3A_3708 = arith.constant 0 : i32
      %dma_wait3A_3709 = tpu.memref_slice %arg2[%mul3A_2, %dma_wait3A_3708] : memref<512x64xf32, #tpu.memory_space<hbm>> -> memref<16x64xf32, #tpu.memory_space<hbm>>
      tpu.wait_dma2 semaphore(%run_scoped3A : memref<!tpu.dma_semaphore, #tpu.memory_space<semaphore_mem>>) src(%dma_wait3A_3709 : memref<16x64xf32, #tpu.memory_space<hbm>>) dst(%arg4 : memref<16x64xf32, #tpu.memory_space<vmem>>)
      tpu.yield
    }) : () -> ()
    %get3A = arith.constant 0 : i32
    %get3A_3 = arith.index_cast %get3A : i32 to index
    %get3A_4 = arith.constant 0 : index
    %get3A_5 = tpu.vector_load %arg4[%get3A_3, %get3A_4] {strides = array<i32>} : memref<16x64xf32, #tpu.memory_space<vmem>>, vector<16xf32>,
    %iota3A = tpu.iota {dimensions = array<i32: 0>} : vector<16xi32>
    %add3A_6 = arith.constant 0 : i32
    %add3A_7 = vector.broadcast %add3A_6 : i32 to vector<16xi32>
    %add3A_8 = arith.addi %iota3A, %add3A_7 : vector<16xi32>
    %get3A_9 = arith.constant 0 : i32
    %get3A_10 = arith.index_cast %get3A_9 : i32 to index
    %get3A_11 = arith.constant 16 : index
    %get3A_12 = tpu.vector_load %arg4[%get3A_10, %get3A_11] {strides = array<i32>} : memref<16x64xf32, #tpu.memory_space<vmem>>, vector<16xf32>,
    %iota3A_13 = tpu.iota {dimensions = array<i32: 0>} : vector<16xi32>
    %add3A_14 = arith.constant 16 : i32
    %add3A_15 = vector.broadcast %add3A_14 : i32 to vector<16xi32>
    %add3A_16 = arith.addi %iota3A_13, %add3A_15 : vector<16xi32>
    %get3A_17 = arith.constant 0 : i32
    %get3A_18 = arith.index_cast %get3A_17 : i32 to index
    %get3A_19 = arith.constant 32 : index
    %get3A_20 = tpu.vector_load %arg4[%get3A_18, %get3A_19] {strides = array<i32>} : memref<16x64xf32, #tpu.memory_space<vmem>>, vector<16xf32>,
    %iota3A_21 = tpu.iota {dimensions = array<i32: 0>} : vector<16xi32>
    %add3A_22 = arith.constant 32 : i32
    %add3A_23 = vector.broadcast %add3A_22 : i32 to vector<16xi32>
    %add3A_24 = arith.addi %iota3A_21, %add3A_23 : vector<16xi32>
    %get3A_25 = arith.constant 0 : i32
    %get3A_26 = arith.index_cast %get3A_25 : i32 to index
    %get3A_27 = arith.constant 48 : index
    %get3A_28 = tpu.vector_load %arg4[%get3A_26, %get3A_27] {strides = array<i32>} : memref<16x64xf32, #tpu.memory_space<vmem>>, vector<16xf32>,
    %iota3A_29 = tpu.iota {dimensions = array<i32: 0>} : vector<16xi32>
    %add3A_30 = arith.constant 48 : i32
    %add3A_31 = vector.broadcast %add3A_30 : i32 to vector<16xi32>
    %add3A_32 = arith.addi %iota3A_29, %add3A_31 : vector<16xi32>
    %masked_sort3A = arith.constant dense<true> : vector<16xi1>
    %masked_sort3A_33, %masked_sort3A_34, %masked_sort3A_35 = tpu.sort %get3A_5, %add3A_8 masked %masked_sort3A : (vector<16xf32>, vector<16xi32>, vector<16xi1>) -> (vector<16xi1>, vector<16xf32>, vector<16xi32>)
    %masked_sort3A_36 = arith.constant dense<true> : vector<16xi1>
    %masked_sort3A_37, %masked_sort3A_38, %masked_sort3A_39 = tpu.sort %get3A_12, %add3A_16 masked %masked_sort3A_36 : (vector<16xf32>, vector<16xi32>, vector<16xi1>) -> (vector<16xi1>, vector<16xf32>, vector<16xi32>)
    %masked_sort3A_40 = arith.constant dense<true> : vector<16xi1>
    %masked_sort3A_41, %masked_sort3A_42, %masked_sort3A_43 = tpu.sort %get3A_20, %add3A_24 masked %masked_sort3A_40 : (vector<16xf32>, vector<16xi32>, vector<16xi1>) -> (vector<16xi1>, vector<16xf32>, vector<16xi32>)
    %masked_sort3A_44 = arith.constant dense<true> : vector<16xi1>
    %masked_sort3A_45, %masked_sort3A_46, %masked_sort3A_47 = tpu.sort %get3A_28, %add3A_32 masked %masked_sort3A_44 : (vector<16xf32>, vector<16xi32>, vector<16xi1>) -> (vector<16xi1>, vector<16xf32>, vector<16xi32>)
    %rev3A = arith.constant 15 : i32
    %rev3A_48 = vector.broadcast %rev3A : i32 to vector<16xi32>
    %rev3A_49 = tpu.iota {dimensions = array<i32: 0>} : vector<16xi32>
    %rev3A_50 = arith.subi %rev3A_48, %rev3A_49 : vector<16xi32>
    %rev3A_51 = tpu.dynamic_gather %masked_sort3A_38[%rev3A_50] in [0] : vector<16xf32>, vector<16xi32> -> vector<16xf32>
    %rev3A_52 = arith.constant 15 : i32
    %rev3A_53 = vector.broadcast %rev3A_52 : i32 to vector<16xi32>
    %rev3A_54 = tpu.iota {dimensions = array<i32: 0>} : vector<16xi32>
    %rev3A_55 = arith.subi %rev3A_53, %rev3A_54 : vector<16xi32>
    %rev3A_56 = tpu.dynamic_gather %masked_sort3A_39[%rev3A_55] in [0] : vector<16xi32>, vector<16xi32> -> vector<16xi32>
    %le3A = arith.cmpf ole, %masked_sort3A_34, %rev3A_51 : vector<16xf32>
    %select_n3A = arith.select %le3A, %masked_sort3A_34, %rev3A_51 : vector<16xi1>, vector<16xf32>
    %select_n3A_57 = arith.select %le3A, %masked_sort3A_35, %rev3A_56 : vector<16xi1>, vector<16xi32>
    %select_n3A_58 = arith.select %le3A, %rev3A_51, %masked_sort3A_34 : vector<16xi1>, vector<16xf32>
    %select_n3A_59 = arith.select %le3A, %rev3A_56, %masked_sort3A_35 : vector<16xi1>, vector<16xi32>
    %rev3A_60 = arith.constant 15 : i32
    %rev3A_61 = vector.broadcast %rev3A_60 : i32 to vector<16xi32>
    %rev3A_62 = tpu.iota {dimensions = array<i32: 0>} : vector<16xi32>
    %rev3A_63 = arith.subi %rev3A_61, %rev3A_62 : vector<16xi32>
    %rev3A_64 = tpu.dynamic_gather %masked_sort3A_46[%rev3A_63] in [0] : vector<16xf32>, vector<16xi32> -> vector<16xf32>
    %rev3A_65 = arith.constant 15 : i32
    %rev3A_66 = vector.broadcast %rev3A_65 : i32 to vector<16xi32>
    %rev3A_67 = tpu.iota {dimensions = array<i32: 0>} : vector<16xi32>
    %rev3A_68 = arith.subi %rev3A_66, %rev3A_67 : vector<16xi32>
    %rev3A_69 = tpu.dynamic_gather %masked_sort3A_47[%rev3A_68] in [0] : vector<16xi32>, vector<16xi32> -> vector<16xi32>
    %le3A_70 = arith.cmpf ole, %masked_sort3A_42, %rev3A_64 : vector<16xf32>
    %select_n3A_71 = arith.select %le3A_70, %masked_sort3A_42, %rev3A_64 : vector<16xi1>, vector<16xf32>
    %select_n3A_72 = arith.select %le3A_70, %masked_sort3A_43, %rev3A_69 : vector<16xi1>, vector<16xi32>
    %select_n3A_73 = arith.select %le3A_70, %rev3A_64, %masked_sort3A_42 : vector<16xi1>, vector<16xf32>
    %select_n3A_74 = arith.select %le3A_70, %rev3A_69, %masked_sort3A_43 : vector<16xi1>, vector<16xi32>
    %masked_sort3A_75 = arith.constant dense<true> : vector<16xi1>
    %masked_sort3A_76, %masked_sort3A_77, %masked_sort3A_78 = tpu.sort %select_n3A, %select_n3A_57 masked %masked_sort3A_75 : (vector<16xf32>, vector<16xi32>, vector<16xi1>) -> (vector<16xi1>, vector<16xf32>, vector<16xi32>)
    %masked_sort3A_79 = arith.constant dense<true> : vector<16xi1>
    %masked_sort3A_80, %masked_sort3A_81, %masked_sort3A_82 = tpu.sort %select_n3A_58, %select_n3A_59 masked %masked_sort3A_79 : (vector<16xf32>, vector<16xi32>, vector<16xi1>) -> (vector<16xi1>, vector<16xf32>, vector<16xi32>)
    %masked_sort3A_83 = arith.constant dense<true> : vector<16xi1>
    %masked_sort3A_84, %masked_sort3A_85, %masked_sort3A_86 = tpu.sort %select_n3A_71, %select_n3A_72 masked %masked_sort3A_83 : (vector<16xf32>, vector<16xi32>, vector<16xi1>) -> (vector<16xi1>, vector<16xf32>, vector<16xi32>)
    %masked_sort3A_87 = arith.constant dense<true> : vector<16xi1>
    %masked_sort3A_88, %masked_sort3A_89, %masked_sort3A_90 = tpu.sort %select_n3A_73, %select_n3A_74 masked %masked_sort3A_87 : (vector<16xf32>, vector<16xi32>, vector<16xi1>) -> (vector<16xi1>, vector<16xf32>, vector<16xi32>)
    %rev3A_91 = arith.constant 15 : i32
    %rev3A_92 = vector.broadcast %rev3A_91 : i32 to vector<16xi32>
    %rev3A_93 = tpu.iota {dimensions = array<i32: 0>} : vector<16xi32>
    %rev3A_94 = arith.subi %rev3A_92, %rev3A_93 : vector<16xi32>
    %rev3A_95 = tpu.dynamic_gather %masked_sort3A_89[%rev3A_94] in [0] : vector<16xf32>, vector<16xi32> -> vector<16xf32>
    %rev3A_96 = arith.constant 15 : i32
    %rev3A_97 = vector.broadcast %rev3A_96 : i32 to vector<16xi32>
    %rev3A_98 = tpu.iota {dimensions = array<i32: 0>} : vector<16xi32>
    %rev3A_99 = arith.subi %rev3A_97, %rev3A_98 : vector<16xi32>
    %rev3A_100 = tpu.dynamic_gather %masked_sort3A_90[%rev3A_99] in [0] : vector<16xi32>, vector<16xi32> -> vector<16xi32>
    %le3A_101 = arith.cmpf ole, %masked_sort3A_77, %rev3A_95 : vector<16xf32>
    %select_n3A_102 = arith.select %le3A_101, %masked_sort3A_77, %rev3A_95 : vector<16xi1>, vector<16xf32>
    %select_n3A_103 = arith.select %le3A_101, %masked_sort3A_78, %rev3A_100 : vector<16xi1>, vector<16xi32>
    %select_n3A_104 = arith.select %le3A_101, %rev3A_95, %masked_sort3A_77 : vector<16xi1>, vector<16xf32>
    %select_n3A_105 = arith.select %le3A_101, %rev3A_100, %masked_sort3A_78 : vector<16xi1>, vector<16xi32>
    %rev3A_106 = arith.constant 15 : i32
    %rev3A_107 = vector.broadcast %rev3A_106 : i32 to vector<16xi32>
    %rev3A_108 = tpu.iota {dimensions = array<i32: 0>} : vector<16xi32>
    %rev3A_109 = arith.subi %rev3A_107, %rev3A_108 : vector<16xi32>
    %rev3A_110 = tpu.dynamic_gather %masked_sort3A_85[%rev3A_109] in [0] : vector<16xf32>, vector<16xi32> -> vector<16xf32>
    %rev3A_111 = arith.constant 15 : i32
    %rev3A_112 = vector.broadcast %rev3A_111 : i32 to vector<16xi32>
    %rev3A_113 = tpu.iota {dimensions = array<i32: 0>} : vector<16xi32>
    %rev3A_114 = arith.subi %rev3A_112, %rev3A_113 : vector<16xi32>
    %rev3A_115 = tpu.dynamic_gather %masked_sort3A_86[%rev3A_114] in [0] : vector<16xi32>, vector<16xi32> -> vector<16xi32>
    %le3A_116 = arith.cmpf ole, %masked_sort3A_81, %rev3A_110 : vector<16xf32>
    %select_n3A_117 = arith.select %le3A_116, %masked_sort3A_81, %rev3A_110 : vector<16xi1>, vector<16xf32>
    %select_n3A_118 = arith.select %le3A_116, %masked_sort3A_82, %rev3A_115 : vector<16xi1>, vector<16xi32>
    %select_n3A_119 = arith.select %le3A_116, %rev3A_110, %masked_sort3A_81 : vector<16xi1>, vector<16xf32>
    %select_n3A_120 = arith.select %le3A_116, %rev3A_115, %masked_sort3A_82 : vector<16xi1>, vector<16xi32>
    %le3A_121 = arith.cmpf ole, %select_n3A_102, %select_n3A_117 : vector<16xf32>
    %select_n3A_122 = arith.select %le3A_121, %select_n3A_102, %select_n3A_117 : vector<16xi1>, vector<16xf32>
    %select_n3A_123 = arith.select %le3A_121, %select_n3A_103, %select_n3A_118 : vector<16xi1>, vector<16xi32>
    %select_n3A_124 = arith.select %le3A_121, %select_n3A_117, %select_n3A_102 : vector<16xi1>, vector<16xf32>
    %select_n3A_125 = arith.select %le3A_121, %select_n3A_118, %select_n3A_103 : vector<16xi1>, vector<16xi32>
    %masked_sort3A_126 = arith.constant dense<true> : vector<16xi1>
    %masked_sort3A_127, %masked_sort3A_128, %masked_sort3A_129 = tpu.sort %select_n3A_122, %select_n3A_123 masked %masked_sort3A_126 : (vector<16xf32>, vector<16xi32>, vector<16xi1>) -> (vector<16xi1>, vector<16xf32>, vector<16xi32>)
    %masked_sort3A_130 = arith.constant dense<true> : vector<16xi1>
    %masked_sort3A_131, %masked_sort3A_132, %masked_sort3A_133 = tpu.sort %select_n3A_124, %select_n3A_125 masked %masked_sort3A_130 : (vector<16xf32>, vector<16xi32>, vector<16xi1>) -> (vector<16xi1>, vector<16xf32>, vector<16xi32>)
    %le3A_134 = arith.cmpf ole, %select_n3A_104, %select_n3A_119 : vector<16xf32>
    %select_n3A_135 = arith.select %le3A_134, %select_n3A_104, %select_n3A_119 : vector<16xi1>, vector<16xf32>
    %select_n3A_136 = arith.select %le3A_134, %select_n3A_105, %select_n3A_120 : vector<16xi1>, vector<16xi32>
    %select_n3A_137 = arith.select %le3A_134, %select_n3A_119, %select_n3A_104 : vector<16xi1>, vector<16xf32>
    %select_n3A_138 = arith.select %le3A_134, %select_n3A_120, %select_n3A_105 : vector<16xi1>, vector<16xi32>
    %masked_sort3A_139 = arith.constant dense<true> : vector<16xi1>
    %masked_sort3A_140, %masked_sort3A_141, %masked_sort3A_142 = tpu.sort %select_n3A_135, %select_n3A_136 masked %masked_sort3A_139 : (vector<16xf32>, vector<16xi32>, vector<16xi1>) -> (vector<16xi1>, vector<16xf32>, vector<16xi32>)
    %masked_sort3A_143 = arith.constant dense<true> : vector<16xi1>
    %masked_sort3A_144, %masked_sort3A_145, %masked_sort3A_146 = tpu.sort %select_n3A_137, %select_n3A_138 masked %masked_sort3A_143 : (vector<16xf32>, vector<16xi32>, vector<16xi1>) -> (vector<16xi1>, vector<16xf32>, vector<16xi32>)
    %broadcast_in_dim3A = arith.constant true
    %broadcast_in_dim3A_147 = vector.broadcast %broadcast_in_dim3A : i1 to vector<16xi1>
    %masked_cumsum3A = tpu.scan <sum>, %masked_sort3A_128 masked %broadcast_in_dim3A_147 : vector<16xf32>, vector<16xi1> -> vector<16xf32>
    %add3A_148 = arith.constant 0.000000e+00 : f32
    %add3A_149 = vector.broadcast %add3A_148 : f32 to vector<16xf32>
    %add3A_150 = arith.addf %masked_cumsum3A, %add3A_149 : vector<16xf32>
    %reduce_sum3A = arith.constant true
    %reduce_sum3A_151 = vector.broadcast %reduce_sum3A : i1 to vector<16xi1>
    %reduce_sum3A_152 = tpu.scan <sum>, %masked_sort3A_128 masked %reduce_sum3A_151 : vector<16xf32>, vector<16xi1> -> vector<16xf32>
    %reduce_sum3A_153 = vector.extract %reduce_sum3A_152[15] : f32 from vector<16xf32>
    %add3A_154 = arith.constant 0.000000e+00 : f32
    %add3A_155 = arith.addf %add3A_154, %reduce_sum3A_153 : f32
    %ge3A = arith.constant 1.000000e-01 : f32
    %ge3A_156 = vector.broadcast %ge3A : f32 to vector<16xf32>
    %ge3A_157 = arith.cmpf oge, %add3A_150, %ge3A_156 : vector<16xf32>
    %jit3A = arith.constant 0.000000e+00 : f32
    %jit3A_158 = arith.constant -1.000000e+30 : f32
    %broadcast_in_dim3A_159 = vector.broadcast %jit3A : f32 to vector<16xf32>
    %broadcast_in_dim3A_160 = vector.broadcast %jit3A_158 : f32 to vector<16xf32>
    %select_n3A_161 = arith.select %ge3A_157, %broadcast_in_dim3A_159, %broadcast_in_dim3A_160 : vector<16xi1>, vector<16xf32>
    %broadcast_in_dim3A_162 = arith.constant 0 : i32
    %broadcast_in_dim3A_163 = vector.broadcast %broadcast_in_dim3A_162 : i32 to vector<16xi32>
    tpu.vector_store_idx %arg5[%broadcast_in_dim3A_163, %masked_sort3A_129], %select_n3A_161 : memref<16x64xf32, #tpu.memory_space<vmem>>[vector<16xi32>, vector<16xi32>], vector<16xf32>,
    %broadcast_in_dim3A_164 = arith.constant true
    %broadcast_in_dim3A_165 = vector.broadcast %broadcast_in_dim3A_164 : i1 to vector<16xi1>
    %masked_cumsum3A_166 = tpu.scan <sum>, %masked_sort3A_132 masked %broadcast_in_dim3A_165 : vector<16xf32>, vector<16xi1> -> vector<16xf32>
    %add3A_167 = vector.broadcast %add3A_155 : f32 to vector<16xf32>
    %add3A_168 = arith.addf %masked_cumsum3A_166, %add3A_167 : vector<16xf32>
    %reduce_sum3A_169 = arith.constant true
    %reduce_sum3A_170 = vector.broadcast %reduce_sum3A_169 : i1 to vector<16xi1>
    %reduce_sum3A_171 = tpu.scan <sum>, %masked_sort3A_132 masked %reduce_sum3A_170 : vector<16xf32>, vector<16xi1> -> vector<16xf32>
    %reduce_sum3A_172 = vector.extract %reduce_sum3A_171[15] : f32 from vector<16xf32>
    %add3A_173 = arith.addf %add3A_155, %reduce_sum3A_172 : f32
    %ge3A_174 = arith.constant 1.000000e-01 : f32
    %ge3A_175 = vector.broadcast %ge3A_174 : f32 to vector<16xf32>
    %ge3A_176 = arith.cmpf oge, %add3A_168, %ge3A_175 : vector<16xf32>
    %jit3A_177 = arith.constant 0.000000e+00 : f32
    %jit3A_178 = arith.constant -1.000000e+30 : f32
    %broadcast_in_dim3A_179 = vector.broadcast %jit3A_177 : f32 to vector<16xf32>
    %broadcast_in_dim3A_180 = vector.broadcast %jit3A_178 : f32 to vector<16xf32>
    %select_n3A_181 = arith.select %ge3A_176, %broadcast_in_dim3A_179, %broadcast_in_dim3A_180 : vector<16xi1>, vector<16xf32>
    %broadcast_in_dim3A_182 = arith.constant 0 : i32
    %broadcast_in_dim3A_183 = vector.broadcast %broadcast_in_dim3A_182 : i32 to vector<16xi32>
    tpu.vector_store_idx %arg5[%broadcast_in_dim3A_183, %masked_sort3A_133], %select_n3A_181 : memref<16x64xf32, #tpu.memory_space<vmem>>[vector<16xi32>, vector<16xi32>], vector<16xf32>,
    %broadcast_in_dim3A_184 = arith.constant true
    %broadcast_in_dim3A_185 = vector.broadcast %broadcast_in_dim3A_184 : i1 to vector<16xi1>
    %masked_cumsum3A_186 = tpu.scan <sum>, %masked_sort3A_141 masked %broadcast_in_dim3A_185 : vector<16xf32>, vector<16xi1> -> vector<16xf32>
    %add3A_187 = vector.broadcast %add3A_173 : f32 to vector<16xf32>
    %add3A_188 = arith.addf %masked_cumsum3A_186, %add3A_187 : vector<16xf32>
    %reduce_sum3A_189 = arith.constant true
    %reduce_sum3A_190 = vector.broadcast %reduce_sum3A_189 : i1 to vector<16xi1>
    %reduce_sum3A_191 = tpu.scan <sum>, %masked_sort3A_141 masked %reduce_sum3A_190 : vector<16xf32>, vector<16xi1> -> vector<16xf32>
    %reduce_sum3A_192 = vector.extract %reduce_sum3A_191[15] : f32 from vector<16xf32>
    %add3A_193 = arith.addf %add3A_173, %reduce_sum3A_192 : f32
    %ge3A_194 = arith.constant 1.000000e-01 : f32
    %ge3A_195 = vector.broadcast %ge3A_194 : f32 to vector<16xf32>
    %ge3A_196 = arith.cmpf oge, %add3A_188, %ge3A_195 : vector<16xf32>
    %jit3A_197 = arith.constant 0.000000e+00 : f32
    %jit3A_198 = arith.constant -1.000000e+30 : f32
    %broadcast_in_dim3A_199 = vector.broadcast %jit3A_197 : f32 to vector<16xf32>
    %broadcast_in_dim3A_200 = vector.broadcast %jit3A_198 : f32 to vector<16xf32>
    %select_n3A_201 = arith.select %ge3A_196, %broadcast_in_dim3A_199, %broadcast_in_dim3A_200 : vector<16xi1>, vector<16xf32>
    %broadcast_in_dim3A_202 = arith.constant 0 : i32
    %broadcast_in_dim3A_203 = vector.broadcast %broadcast_in_dim3A_202 : i32 to vector<16xi32>
    tpu.vector_store_idx %arg5[%broadcast_in_dim3A_203, %masked_sort3A_142], %select_n3A_201 : memref<16x64xf32, #tpu.memory_space<vmem>>[vector<16xi32>, vector<16xi32>], vector<16xf32>,
    %broadcast_in_dim3A_204 = arith.constant true
    %broadcast_in_dim3A_205 = vector.broadcast %broadcast_in_dim3A_204 : i1 to vector<16xi1>
    %masked_cumsum3A_206 = tpu.scan <sum>, %masked_sort3A_145 masked %broadcast_in_dim3A_205 : vector<16xf32>, vector<16xi1> -> vector<16xf32>
    %add3A_207 = vector.broadcast %add3A_193 : f32 to vector<16xf32>
    %add3A_208 = arith.addf %masked_cumsum3A_206, %add3A_207 : vector<16xf32>
    %reduce_sum3A_209 = arith.constant true
    %reduce_sum3A_210 = vector.broadcast %reduce_sum3A_209 : i1 to vector<16xi1>
    %reduce_sum3A_211 = tpu.scan <sum>, %masked_sort3A_145 masked %reduce_sum3A_210 : vector<16xf32>, vector<16xi1> -> vector<16xf32>
    %reduce_sum3A_212 = vector.extract %reduce_sum3A_211[15] : f32 from vector<16xf32>
    %add3A_213 = arith.addf %add3A_193, %reduce_sum3A_212 : f32
    %ge3A_214 = arith.constant 1.000000e-01 : f32
    %ge3A_215 = vector.broadcast %ge3A_214 : f32 to vector<16xf32>
    %ge3A_216 = arith.cmpf oge, %add3A_208, %ge3A_215 : vector<16xf32>
    %jit3A_217 = arith.constant 0.000000e+00 : f32
    %jit3A_218 = arith.constant -1.000000e+30 : f32
    %broadcast_in_dim3A_219 = vector.broadcast %jit3A_217 : f32 to vector<16xf32>
    %broadcast_in_dim3A_220 = vector.broadcast %jit3A_218 : f32 to vector<16xf32>
    %select_n3A_221 = arith.select %ge3A_216, %broadcast_in_dim3A_219, %broadcast_in_dim3A_220 : vector<16xi1>, vector<16xf32>
    %broadcast_in_dim3A_222 = arith.constant 0 : i32
    %broadcast_in_dim3A_223 = vector.broadcast %broadcast_in_dim3A_222 : i32 to vector<16xi32>
    tpu.vector_store_idx %arg5[%broadcast_in_dim3A_223, %masked_sort3A_146], %select_n3A_221 : memref<16x64xf32, #tpu.memory_space<vmem>>[vector<16xi32>, vector<16xi32>], vector<16xf32>,
    %get3A_224 = arith.constant 1 : i32
    %get3A_225 = arith.index_cast %get3A_224 : i32 to index
    %get3A_226 = arith.constant 0 : index
    %get3A_227 = tpu.vector_load %arg4[%get3A_225, %get3A_226] {strides = array<i32>} : memref<16x64xf32, #tpu.memory_space<vmem>>, vector<16xf32>,
    %iota3A_228 = tpu.iota {dimensions = array<i32: 0>} : vector<16xi32>
    %add3A_229 = arith.constant 0 : i32
    %add3A_230 = vector.broadcast %add3A_229 : i32 to vector<16xi32>
    %add3A_231 = arith.addi %iota3A_228, %add3A_230 : vector<16xi32>
    %get3A_232 = arith.constant 1 : i32
    %get3A_233 = arith.index_cast %get3A_232 : i32 to index
    %get3A_234 = arith.constant 16 : index
    %get3A_235 = tpu.vector_load %arg4[%get3A_233, %get3A_234] {strides = array<i32>} : memref<16x64xf32, #tpu.memory_space<vmem>>, vector<16xf32>,
    %iota3A_236 = tpu.iota {dimensions = array<i32: 0>} : vector<16xi32>
    %add3A_237 = arith.constant 16 : i32
    %add3A_238 = vector.broadcast %add3A_237 : i32 to vector<16xi32>
    %add3A_239 = arith.addi %iota3A_236, %add3A_238 : vector<16xi32>
    %get3A_240 = arith.constant 1 : i32
    %get3A_241 = arith.index_cast %get3A_240 : i32 to index
    %get3A_242 = arith.constant 32 : index
    %get3A_243 = tpu.vector_load %arg4[%get3A_241, %get3A_242] {strides = array<i32>} : memref<16x64xf32, #tpu.memory_space<vmem>>, vector<16xf32>,
    %iota3A_244 = tpu.iota {dimensions = array<i32: 0>} : vector<16xi32>
    %add3A_245 = arith.constant 32 : i32
    %add3A_246 = vector.broadcast %add3A_245 : i32 to vector<16xi32>
    %add3A_247 = arith.addi %iota3A_244, %add3A_246 : vector<16xi32>
    %get3A_248 = arith.constant 1 : i32
    %get3A_249 = arith.index_cast %get3A_248 : i32 to index
    %get3A_250 = arith.constant 48 : index
    %get3A_251 = tpu.vector_load %arg4[%get3A_249, %get3A_250] {strides = array<i32>} : memref<16x64xf32, #tpu.memory_space<vmem>>, vector<16xf32>,
    %iota3A_252 = tpu.iota {dimensions = array<i32: 0>} : vector<16xi32>
    %add3A_253 = arith.constant 48 : i32
    %add3A_254 = vector.broadcast %add3A_253 : i32 to vector<16xi32>
    %add3A_255 = arith.addi %iota3A_252, %add3A_254 : vector<16xi32>
    %masked_sort3A_256 = arith.constant dense<true> : vector<16xi1>
    %masked_sort3A_257, %masked_sort3A_258, %masked_sort3A_259 = tpu.sort %get3A_227, %add3A_231 masked %masked_sort3A_256 : (vector<16xf32>, vector<16xi32>, vector<16xi1>) -> (vector<16xi1>, vector<16xf32>, vector<16xi32>)
    %masked_sort3A_260 = arith.constant dense<true> : vector<16xi1>
    %masked_sort3A_261, %masked_sort3A_262, %masked_sort3A_263 = tpu.sort %get3A_235, %add3A_239 masked %masked_sort3A_260 : (vector<16xf32>, vector<16xi32>, vector<16xi1>) -> (vector<16xi1>, vector<16xf32>, vector<16xi32>)
    %masked_sort3A_264 = arith.constant dense<true> : vector<16xi1>
    %masked_sort3A_265, %masked_sort3A_266, %masked_sort3A_267 = tpu.sort %get3A_243, %add3A_247 masked %masked_sort3A_264 : (vector<16xf32>, vector<16xi32>, vector<16xi1>) -> (vector<16xi1>, vector<16xf32>, vector<16xi32>)
    %masked_sort3A_268 = arith.constant dense<true> : vector<16xi1>
    %masked_sort3A_269, %masked_sort3A_270, %masked_sort3A_271 = tpu.sort %get3A_251, %add3A_255 masked %masked_sort3A_268 : (vector<16xf32>, vector<16xi32>, vector<16xi1>) -> (vector<16xi1>, vector<16xf32>, vector<16xi32>)
    %rev3A_272 = arith.constant 15 : i32
    %rev3A_273 = vector.broadcast %rev3A_272 : i32 to vector<16xi32>
    %rev3A_274 = tpu.iota {dimensions = array<i32: 0>} : vector<16xi32>
    %rev3A_275 = arith.subi %rev3A_273, %rev3A_274 : vector<16xi32>
    %rev3A_276 = tpu.dynamic_gather %masked_sort3A_262[%rev3A_275] in [0] : vector<16xf32>, vector<16xi32> -> vector<16xf32>
    %rev3A_277 = arith.constant 15 : i32
    %rev3A_278 = vector.broadcast %rev3A_277 : i32 to vector<16xi32>
    %rev3A_279 = tpu.iota {dimensions = array<i32: 0>} : vector<16xi32>
    %rev3A_280 = arith.subi %rev3A_278, %rev3A_279 : vector<16xi32>
    %rev3A_281 = tpu.dynamic_gather %masked_sort3A_263[%rev3A_280] in [0] : vector<16xi32>, vector<16xi32> -> vector<16xi32>
    %le3A_282 = arith.cmpf ole, %masked_sort3A_258, %rev3A_276 : vector<16xf32>
    %select_n3A_283 = arith.select %le3A_282, %masked_sort3A_258, %rev3A_276 : vector<16xi1>, vector<16xf32>
    %select_n3A_284 = arith.select %le3A_282, %masked_sort3A_259, %rev3A_281 : vector<16xi1>, vector<16xi32>
    %select_n3A_285 = arith.select %le3A_282, %rev3A_276, %masked_sort3A_258 : vector<16xi1>, vector<16xf32>
    %select_n3A_286 = arith.select %le3A_282, %rev3A_281, %masked_sort3A_259 : vector<16xi1>, vector<16xi32>
    %rev3A_287 = arith.constant 15 : i32
    %rev3A_288 = vector.broadcast %rev3A_287 : i32 to vector<16xi32>
    %rev3A_289 = tpu.iota {dimensions = array<i32: 0>} : vector<16xi32>
    %rev3A_290 = arith.subi %rev3A_288, %rev3A_289 : vector<16xi32>
    %rev3A_291 = tpu.dynamic_gather %masked_sort3A_270[%rev3A_290] in [0] : vector<16xf32>, vector<16xi32> -> vector<16xf32>
    %rev3A_292 = arith.constant 15 : i32
    %rev3A_293 = vector.broadcast %rev3A_292 : i32 to vector<16xi32>
    %rev3A_294 = tpu.iota {dimensions = array<i32: 0>} : vector<16xi32>
    %rev3A_295 = arith.subi %rev3A_293, %rev3A_294 : vector<16xi32>
    %rev3A_296 = tpu.dynamic_gather %masked_sort3A_271[%rev3A_295] in [0] : vector<16xi32>, vector<16xi32> -> vector<16xi32>
    %le3A_297 = arith.cmpf ole, %masked_sort3A_266, %rev3A_291 : vector<16xf32>
    %select_n3A_298 = arith.select %le3A_297, %masked_sort3A_266, %rev3A_291 : vector<16xi1>, vector<16xf32>
    %select_n3A_299 = arith.select %le3A_297, %masked_sort3A_267, %rev3A_296 : vector<16xi1>, vector<16xi32>
    %select_n3A_300 = arith.select %le3A_297, %rev3A_291, %masked_sort3A_266 : vector<16xi1>, vector<16xf32>
    %select_n3A_301 = arith.select %le3A_297, %rev3A_296, %masked_sort3A_267 : vector<16xi1>, vector<16xi32>
    %masked_sort3A_302 = arith.constant dense<true> : vector<16xi1>
    %masked_sort3A_303, %masked_sort3A_304, %masked_sort3A_305 = tpu.sort %select_n3A_283, %select_n3A_284 masked %masked_sort3A_302 : (vector<16xf32>, vector<16xi32>, vector<16xi1>) -> (vector<16xi1>, vector<16xf32>, vector<16xi32>)
    %masked_sort3A_306 = arith.constant dense<true> : vector<16xi1>
    %masked_sort3A_307, %masked_sort3A_308, %masked_sort3A_309 = tpu.sort %select_n3A_285, %select_n3A_286 masked %masked_sort3A_306 : (vector<16xf32>, vector<16xi32>, vector<16xi1>) -> (vector<16xi1>, vector<16xf32>, vector<16xi32>)
    %masked_sort3A_310 = arith.constant dense<true> : vector<16xi1>
    %masked_sort3A_311, %masked_sort3A_312, %masked_sort3A_313 = tpu.sort %select_n3A_298, %select_n3A_299 masked %masked_sort3A_310 : (vector<16xf32>, vector<16xi32>, vector<16xi1>) -> (vector<16xi1>, vector<16xf32>, vector<16xi32>)
    %masked_sort3A_314 = arith.constant dense<true> : vector<16xi1>
    %masked_sort3A_315, %masked_sort3A_316, %masked_sort3A_317 = tpu.sort %select_n3A_300, %select_n3A_301 masked %masked_sort3A_314 : (vector<16xf32>, vector<16xi32>, vector<16xi1>) -> (vector<16xi1>, vector<16xf32>, vector<16xi32>)
    %rev3A_318 = arith.constant 15 : i32
    %rev3A_319 = vector.broadcast %rev3A_318 : i32 to vector<16xi32>
    %rev3A_320 = tpu.iota {dimensions = array<i32: 0>} : vector<16xi32>
    %rev3A_321 = arith.subi %rev3A_319, %rev3A_320 : vector<16xi32>
    %rev3A_322 = tpu.dynamic_gather %masked_sort3A_316[%rev3A_321] in [0] : vector<16xf32>, vector<16xi32> -> vector<16xf32>
    %rev3A_323 = arith.constant 15 : i32
    %rev3A_324 = vector.broadcast %rev3A_323 : i32 to vector<16xi32>
    %rev3A_325 = tpu.iota {dimensions = array<i32: 0>} : vector<16xi32>
    %rev3A_326 = arith.subi %rev3A_324, %rev3A_325 : vector<16xi32>
    %rev3A_327 = tpu.dynamic_gather %masked_sort3A_317[%rev3A_326] in [0] : vector<16xi32>, vector<16xi32> -> vector<16xi32>
    %le3A_328 = arith.cmpf ole, %masked_sort3A_304, %rev3A_322 : vector<16xf32>
    %select_n3A_329 = arith.select %le3A_328, %masked_sort3A_304, %rev3A_322 : vector<16xi1>, vector<16xf32>
    %select_n3A_330 = arith.select %le3A_328, %masked_sort3A_305, %rev3A_327 : vector<16xi1>, vector<16xi32>
    %select_n3A_331 = arith.select %le3A_328, %rev3A_322, %masked_sort3A_304 : vector<16xi1>, vector<16xf32>
    %select_n3A_332 = arith.select %le3A_328, %rev3A_327, %masked_sort3A_305 : vector<16xi1>, vector<16xi32>
    %rev3A_333 = arith.constant 15 : i32
    %rev3A_334 = vector.broadcast %rev3A_333 : i32 to vector<16xi32>
    %rev3A_335 = tpu.iota {dimensions = array<i32: 0>} : vector<16xi32>
    %rev3A_336 = arith.subi %rev3A_334, %rev3A_335 : vector<16xi32>
    %rev3A_337 = tpu.dynamic_gather %masked_sort3A_312[%rev3A_336] in [0] : vector<16xf32>, vector<16xi32> -> vector<16xf32>
    %rev3A_338 = arith.constant 15 : i32
    %rev3A_339 = vector.broadcast %rev3A_338 : i32 to vector<16xi32>
    %rev3A_340 = tpu.iota {dimensions = array<i32: 0>} : vector<16xi32>
    %rev3A_341 = arith.subi %rev3A_339, %rev3A_340 : vector<16xi32>
    %rev3A_342 = tpu.dynamic_gather %masked_sort3A_313[%rev3A_341] in [0] : vector<16xi32>, vector<16xi32> -> vector<16xi32>
    %le3A_343 = arith.cmpf ole, %masked_sort3A_308, %rev3A_337 : vector<16xf32>
    %select_n3A_344 = arith.select %le3A_343, %masked_sort3A_308, %rev3A_337 : vector<16xi1>, vector<16xf32>
    %select_n3A_345 = arith.select %le3A_343, %masked_sort3A_309, %rev3A_342 : vector<16xi1>, vector<16xi32>
    %select_n3A_346 = arith.select %le3A_343, %rev3A_337, %masked_sort3A_308 : vector<16xi1>, vector<16xf32>
    %select_n3A_347 = arith.select %le3A_343, %rev3A_342, %masked_sort3A_309 : vector<16xi1>, vector<16xi32>
    %le3A_348 = arith.cmpf ole, %select_n3A_329, %select_n3A_344 : vector<16xf32>
    %select_n3A_349 = arith.select %le3A_348, %select_n3A_329, %select_n3A_344 : vector<16xi1>, vector<16xf32>
    %select_n3A_350 = arith.select %le3A_348, %select_n3A_330, %select_n3A_345 : vector<16xi1>, vector<16xi32>
    %select_n3A_351 = arith.select %le3A_348, %select_n3A_344, %select_n3A_329 : vector<16xi1>, vector<16xf32>
    %select_n3A_352 = arith.select %le3A_348, %select_n3A_345, %select_n3A_330 : vector<16xi1>, vector<16xi32>
    %masked_sort3A_353 = arith.constant dense<true> : vector<16xi1>
    %masked_sort3A_354, %masked_sort3A_355, %masked_sort3A_356 = tpu.sort %select_n3A_349, %select_n3A_350 masked %masked_sort3A_353 : (vector<16xf32>, vector<16xi32>, vector<16xi1>) -> (vector<16xi1>, vector<16xf32>, vector<16xi32>)
    %masked_sort3A_357 = arith.constant dense<true> : vector<16xi1>
    %masked_sort3A_358, %masked_sort3A_359, %masked_sort3A_360 = tpu.sort %select_n3A_351, %select_n3A_352 masked %masked_sort3A_357 : (vector<16xf32>, vector<16xi32>, vector<16xi1>) -> (vector<16xi1>, vector<16xf32>, vector<16xi32>)
    %le3A_361 = arith.cmpf ole, %select_n3A_331, %select_n3A_346 : vector<16xf32>
    %select_n3A_362 = arith.select %le3A_361, %select_n3A_331, %select_n3A_346 : vector<16xi1>, vector<16xf32>
    %select_n3A_363 = arith.select %le3A_361, %select_n3A_332, %select_n3A_347 : vector<16xi1>, vector<16xi32>
    %select_n3A_364 = arith.select %le3A_361, %select_n3A_346, %select_n3A_331 : vector<16xi1>, vector<16xf32>
    %select_n3A_365 = arith.select %le3A_361, %select_n3A_347, %select_n3A_332 : vector<16xi1>, vector<16xi32>
    %masked_sort3A_366 = arith.constant dense<true> : vector<16xi1>
    %masked_sort3A_367, %masked_sort3A_368, %masked_sort3A_369 = tpu.sort %select_n3A_362, %select_n3A_363 masked %masked_sort3A_366 : (vector<16xf32>, vector<16xi32>, vector<16xi1>) -> (vector<16xi1>, vector<16xf32>, vector<16xi32>)
    %masked_sort3A_370 = arith.constant dense<true> : vector<16xi1>
    %masked_sort3A_371, %masked_sort3A_372, %masked_sort3A_373 = tpu.sort %select_n3A_364, %select_n3A_365 masked %masked_sort3A_370 : (vector<16xf32>, vector<16xi32>, vector<16xi1>) -> (vector<16xi1>, vector<16xf32>, vector<16xi32>)
    %broadcast_in_dim3A_374 = arith.constant true
    %broadcast_in_dim3A_375 = vector.broadcast %broadcast_in_dim3A_374 : i1 to vector<16xi1>
    %masked_cumsum3A_376 = tpu.scan <sum>, %masked_sort3A_355 masked %broadcast_in_dim3A_375 : vector<16xf32>, vector<16xi1> -> vector<16xf32>
    %add3A_377 = arith.constant 0.000000e+00 : f32
    %add3A_378 = vector.broadcast %add3A_377 : f32 to vector<16xf32>
    %add3A_379 = arith.addf %masked_cumsum3A_376, %add3A_378 : vector<16xf32>
    %reduce_sum3A_380 = arith.constant true
    %reduce_sum3A_381 = vector.broadcast %reduce_sum3A_380 : i1 to vector<16xi1>
    %reduce_sum3A_382 = tpu.scan <sum>, %masked_sort3A_355 masked %reduce_sum3A_381 : vector<16xf32>, vector<16xi1> -> vector<16xf32>
    %reduce_sum3A_383 = vector.extract %reduce_sum3A_382[15] : f32 from vector<16xf32>
    %add3A_384 = arith.constant 0.000000e+00 : f32
    %add3A_385 = arith.addf %add3A_384, %reduce_sum3A_383 : f32
    %ge3A_386 = arith.constant 1.000000e-01 : f32
    %ge3A_387 = vector.broadcast %ge3A_386 : f32 to vector<16xf32>
    %ge3A_388 = arith.cmpf oge, %add3A_379, %ge3A_387 : vector<16xf32>
    %jit3A_389 = arith.constant 0.000000e+00 : f32
    %jit3A_390 = arith.constant -1.000000e+30 : f32
    %broadcast_in_dim3A_391 = vector.broadcast %jit3A_389 : f32 to vector<16xf32>
    %broadcast_in_dim3A_392 = vector.broadcast %jit3A_390 : f32 to vector<16xf32>
    %select_n3A_393 = arith.select %ge3A_388, %broadcast_in_dim3A_391, %broadcast_in_dim3A_392 : vector<16xi1>, vector<16xf32>
    %broadcast_in_dim3A_394 = arith.constant 1 : i32
    %broadcast_in_dim3A_395 = vector.broadcast %broadcast_in_dim3A_394 : i32 to vector<16xi32>
    tpu.vector_store_idx %arg5[%broadcast_in_dim3A_395, %masked_sort3A_356], %select_n3A_393 : memref<16x64xf32, #tpu.memory_space<vmem>>[vector<16xi32>, vector<16xi32>], vector<16xf32>,
    %broadcast_in_dim3A_396 = arith.constant true
    %broadcast_in_dim3A_397 = vector.broadcast %broadcast_in_dim3A_396 : i1 to vector<16xi1>
    %masked_cumsum3A_398 = tpu.scan <sum>, %masked_sort3A_359 masked %broadcast_in_dim3A_397 : vector<16xf32>, vector<16xi1> -> vector<16xf32>
    %add3A_399 = vector.broadcast %add3A_385 : f32 to vector<16xf32>
    %add3A_400 = arith.addf %masked_cumsum3A_398, %add3A_399 : vector<16xf32>
    %reduce_sum3A_401 = arith.constant true
    %reduce_sum3A_402 = vector.broadcast %reduce_sum3A_401 : i1 to vector<16xi1>
    %reduce_sum3A_403 = tpu.scan <sum>, %masked_sort3A_359 masked %reduce_sum3A_402 : vector<16xf32>, vector<16xi1> -> vector<16xf32>
    %reduce_sum3A_404 = vector.extract %reduce_sum3A_403[15] : f32 from vector<16xf32>
    %add3A_405 = arith.addf %add3A_385, %reduce_sum3A_404 : f32
    %ge3A_406 = arith.constant 1.000000e-01 : f32
    %ge3A_407 = vector.broadcast %ge3A_406 : f32 to vector<16xf32>
    %ge3A_408 = arith.cmpf oge, %add3A_400, %ge3A_407 : vector<16xf32>
    %jit3A_409 = arith.constant 0.000000e+00 : f32
    %jit3A_410 = arith.constant -1.000000e+30 : f32
    %broadcast_in_dim3A_411 = vector.broadcast %jit3A_409 : f32 to vector<16xf32>
    %broadcast_in_dim3A_412 = vector.broadcast %jit3A_410 : f32 to vector<16xf32>
    %select_n3A_413 = arith.select %ge3A_408, %broadcast_in_dim3A_411, %broadcast_in_dim3A_412 : vector<16xi1>, vector<16xf32>
    %broadcast_in_dim3A_414 = arith.constant 1 : i32
    %broadcast_in_dim3A_415 = vector.broadcast %broadcast_in_dim3A_414 : i32 to vector<16xi32>
    tpu.vector_store_idx %arg5[%broadcast_in_dim3A_415, %masked_sort3A_360], %select_n3A_413 : memref<16x64xf32, #tpu.memory_space<vmem>>[vector<16xi32>, vector<16xi32>], vector<16xf32>,
    %broadcast_in_dim3A_416 = arith.constant true
    %broadcast_in_dim3A_417 = vector.broadcast %broadcast_in_dim3A_416 : i1 to vector<16xi1>
    %masked_cumsum3A_418 = tpu.scan <sum>, %masked_sort3A_368 masked %broadcast_in_dim3A_417 : vector<16xf32>, vector<16xi1> -> vector<16xf32>
    %add3A_419 = vector.broadcast %add3A_405 : f32 to vector<16xf32>
    %add3A_420 = arith.addf %masked_cumsum3A_418, %add3A_419 : vector<16xf32>
    %reduce_sum3A_421 = arith.constant true
    %reduce_sum3A_422 = vector.broadcast %reduce_sum3A_421 : i1 to vector<16xi1>
    %reduce_sum3A_423 = tpu.scan <sum>, %masked_sort3A_368 masked %reduce_sum3A_422 : vector<16xf32>, vector<16xi1> -> vector<16xf32>
    %reduce_sum3A_424 = vector.extract %reduce_sum3A_423[15] : f32 from vector<16xf32>
    %add3A_425 = arith.addf %add3A_405, %reduce_sum3A_424 : f32
    %ge3A_426 = arith.constant 1.000000e-01 : f32
    %ge3A_427 = vector.broadcast %ge3A_426 : f32 to vector<16xf32>
    %ge3A_428 = arith.cmpf oge, %add3A_420, %ge3A_427 : vector<16xf32>
    %jit3A_429 = arith.constant 0.000000e+00 : f32
    %jit3A_430 = arith.constant -1.000000e+30 : f32
    %broadcast_in_dim3A_431 = vector.broadcast %jit3A_429 : f32 to vector<16xf32>
    %broadcast_in_dim3A_432 = vector.broadcast %jit3A_430 : f32 to vector<16xf32>
    %select_n3A_433 = arith.select %ge3A_428, %broadcast_in_dim3A_431, %broadcast_in_dim3A_432 : vector<16xi1>, vector<16xf32>
    %broadcast_in_dim3A_434 = arith.constant 1 : i32
    %broadcast_in_dim3A_435 = vector.broadcast %broadcast_in_dim3A_434 : i32 to vector<16xi32>
    tpu.vector_store_idx %arg5[%broadcast_in_dim3A_435, %masked_sort3A_369], %select_n3A_433 : memref<16x64xf32, #tpu.memory_space<vmem>>[vector<16xi32>, vector<16xi32>], vector<16xf32>,
    %broadcast_in_dim3A_436 = arith.constant true
    %broadcast_in_dim3A_437 = vector.broadcast %broadcast_in_dim3A_436 : i1 to vector<16xi1>
    %masked_cumsum3A_438 = tpu.scan <sum>, %masked_sort3A_372 masked %broadcast_in_dim3A_437 : vector<16xf32>, vector<16xi1> -> vector<16xf32>
    %add3A_439 = vector.broadcast %add3A_425 : f32 to vector<16xf32>
    %add3A_440 = arith.addf %masked_cumsum3A_438, %add3A_439 : vector<16xf32>
    %reduce_sum3A_441 = arith.constant true
    %reduce_sum3A_442 = vector.broadcast %reduce_sum3A_441 : i1 to vector<16xi1>
    %reduce_sum3A_443 = tpu.scan <sum>, %masked_sort3A_372 masked %reduce_sum3A_442 : vector<16xf32>, vector<16xi1> -> vector<16xf32>
    %reduce_sum3A_444 = vector.extract %reduce_sum3A_443[15] : f32 from vector<16xf32>
    %add3A_445 = arith.addf %add3A_425, %reduce_sum3A_444 : f32
    %ge3A_446 = arith.constant 1.000000e-01 : f32
    %ge3A_447 = vector.broadcast %ge3A_446 : f32 to vector<16xf32>
    %ge3A_448 = arith.cmpf oge, %add3A_440, %ge3A_447 : vector<16xf32>
    %jit3A_449 = arith.constant 0.000000e+00 : f32
    %jit3A_450 = arith.constant -1.000000e+30 : f32
    %broadcast_in_dim3A_451 = vector.broadcast %jit3A_449 : f32 to vector<16xf32>
    %broadcast_in_dim3A_452 = vector.broadcast %jit3A_450 : f32 to vector<16xf32>
    %select_n3A_453 = arith.select %ge3A_448, %broadcast_in_dim3A_451, %broadcast_in_dim3A_452 : vector<16xi1>, vector<16xf32>
    %broadcast_in_dim3A_454 = arith.constant 1 : i32
    %broadcast_in_dim3A_455 = vector.broadcast %broadcast_in_dim3A_454 : i32 to vector<16xi32>
    tpu.vector_store_idx %arg5[%broadcast_in_dim3A_455, %masked_sort3A_373], %select_n3A_453 : memref<16x64xf32, #tpu.memory_space<vmem>>[vector<16xi32>, vector<16xi32>], vector<16xf32>,
    %get3A_456 = arith.constant 2 : i32
    %get3A_457 = arith.index_cast %get3A_456 : i32 to index
    %get3A_458 = arith.constant 0 : index
    %get3A_459 = tpu.vector_load %arg4[%get3A_457, %get3A_458] {strides = array<i32>} : memref<16x64xf32, #tpu.memory_space<vmem>>, vector<16xf32>,
    %iota3A_460 = tpu.iota {dimensions = array<i32: 0>} : vector<16xi32>
    %add3A_461 = arith.constant 0 : i32
    %add3A_462 = vector.broadcast %add3A_461 : i32 to vector<16xi32>
    %add3A_463 = arith.addi %iota3A_460, %add3A_462 : vector<16xi32>
    %get3A_464 = arith.constant 2 : i32
    %get3A_465 = arith.index_cast %get3A_464 : i32 to index
    %get3A_466 = arith.constant 16 : index
    %get3A_467 = tpu.vector_load %arg4[%get3A_465, %get3A_466] {strides = array<i32>} : memref<16x64xf32, #tpu.memory_space<vmem>>, vector<16xf32>,
    %iota3A_468 = tpu.iota {dimensions = array<i32: 0>} : vector<16xi32>
    %add3A_469 = arith.constant 16 : i32
    %add3A_470 = vector.broadcast %add3A_469 : i32 to vector<16xi32>
    %add3A_471 = arith.addi %iota3A_468, %add3A_470 : vector<16xi32>
    %get3A_472 = arith.constant 2 : i32
    %get3A_473 = arith.index_cast %get3A_472 : i32 to index
    %get3A_474 = arith.constant 32 : index
    %get3A_475 = tpu.vector_load %arg4[%get3A_473, %get3A_474] {strides = array<i32>} : memref<16x64xf32, #tpu.memory_space<vmem>>, vector<16xf32>,
    %iota3A_476 = tpu.iota {dimensions = array<i32: 0>} : vector<16xi32>
    %add3A_477 = arith.constant 32 : i32
    %add3A_478 = vector.broadcast %add3A_477 : i32 to vector<16xi32>
    %add3A_479 = arith.addi %iota3A_476, %add3A_478 : vector<16xi32>
    %get3A_480 = arith.constant 2 : i32
    %get3A_481 = arith.index_cast %get3A_480 : i32 to index
    %get3A_482 = arith.constant 48 : index
    %get3A_483 = tpu.vector_load %arg4[%get3A_481, %get3A_482] {strides = array<i32>} : memref<16x64xf32, #tpu.memory_space<vmem>>, vector<16xf32>,
    %iota3A_484 = tpu.iota {dimensions = array<i32: 0>} : vector<16xi32>
    %add3A_485 = arith.constant 48 : i32
    %add3A_486 = vector.broadcast %add3A_485 : i32 to vector<16xi32>
    %add3A_487 = arith.addi %iota3A_484, %add3A_486 : vector<16xi32>
    %masked_sort3A_488 = arith.constant dense<true> : vector<16xi1>
    %masked_sort3A_489, %masked_sort3A_490, %masked_sort3A_491 = tpu.sort %get3A_459, %add3A_463 masked %masked_sort3A_488 : (vector<16xf32>, vector<16xi32>, vector<16xi1>) -> (vector<16xi1>, vector<16xf32>, vector<16xi32>)
    %masked_sort3A_492 = arith.constant dense<true> : vector<16xi1>
    %masked_sort3A_493, %masked_sort3A_494, %masked_sort3A_495 = tpu.sort %get3A_467, %add3A_471 masked %masked_sort3A_492 : (vector<16xf32>, vector<16xi32>, vector<16xi1>) -> (vector<16xi1>, vector<16xf32>, vector<16xi32>)
    %masked_sort3A_496 = arith.constant dense<true> : vector<16xi1>
    %masked_sort3A_497, %masked_sort3A_498, %masked_sort3A_499 = tpu.sort %get3A_475, %add3A_479 masked %masked_sort3A_496 : (vector<16xf32>, vector<16xi32>, vector<16xi1>) -> (vector<16xi1>, vector<16xf32>, vector<16xi32>)
    %masked_sort3A_500 = arith.constant dense<true> : vector<16xi1>
    %masked_sort3A_501, %masked_sort3A_502, %masked_sort3A_503 = tpu.sort %get3A_483, %add3A_487 masked %masked_sort3A_500 : (vector<16xf32>, vector<16xi32>, vector<16xi1>) -> (vector<16xi1>, vector<16xf32>, vector<16xi32>)
    %rev3A_504 = arith.constant 15 : i32
    %rev3A_505 = vector.broadcast %rev3A_504 : i32 to vector<16xi32>
    %rev3A_506 = tpu.iota {dimensions = array<i32: 0>} : vector<16xi32>
    %rev3A_507 = arith.subi %rev3A_505, %rev3A_506 : vector<16xi32>
    %rev3A_508 = tpu.dynamic_gather %masked_sort3A_494[%rev3A_507] in [0] : vector<16xf32>, vector<16xi32> -> vector<16xf32>
    %rev3A_509 = arith.constant 15 : i32
    %rev3A_510 = vector.broadcast %rev3A_509 : i32 to vector<16xi32>
    %rev3A_511 = tpu.iota {dimensions = array<i32: 0>} : vector<16xi32>
    %rev3A_512 = arith.subi %rev3A_510, %rev3A_511 : vector<16xi32>
    %rev3A_513 = tpu.dynamic_gather %masked_sort3A_495[%rev3A_512] in [0] : vector<16xi32>, vector<16xi32> -> vector<16xi32>
    %le3A_514 = arith.cmpf ole, %masked_sort3A_490, %rev3A_508 : vector<16xf32>
    %select_n3A_515 = arith.select %le3A_514, %masked_sort3A_490, %rev3A_508 : vector<16xi1>, vector<16xf32>
    %select_n3A_516 = arith.select %le3A_514, %masked_sort3A_491, %rev3A_513 : vector<16xi1>, vector<16xi32>
    %select_n3A_517 = arith.select %le3A_514, %rev3A_508, %masked_sort3A_490 : vector<16xi1>, vector<16xf32>
    %select_n3A_518 = arith.select %le3A_514, %rev3A_513, %masked_sort3A_491 : vector<16xi1>, vector<16xi32>
    %rev3A_519 = arith.constant 15 : i32
    %rev3A_520 = vector.broadcast %rev3A_519 : i32 to vector<16xi32>
    %rev3A_521 = tpu.iota {dimensions = array<i32: 0>} : vector<16xi32>
    %rev3A_522 = arith.subi %rev3A_520, %rev3A_521 : vector<16xi32>
    %rev3A_523 = tpu.dynamic_gather %masked_sort3A_502[%rev3A_522] in [0] : vector<16xf32>, vector<16xi32> -> vector<16xf32>
    %rev3A_524 = arith.constant 15 : i32
    %rev3A_525 = vector.broadcast %rev3A_524 : i32 to vector<16xi32>
    %rev3A_526 = tpu.iota {dimensions = array<i32: 0>} : vector<16xi32>
    %rev3A_527 = arith.subi %rev3A_525, %rev3A_526 : vector<16xi32>
    %rev3A_528 = tpu.dynamic_gather %masked_sort3A_503[%rev3A_527] in [0] : vector<16xi32>, vector<16xi32> -> vector<16xi32>
    %le3A_529 = arith.cmpf ole, %masked_sort3A_498, %rev3A_523 : vector<16xf32>
    %select_n3A_530 = arith.select %le3A_529, %masked_sort3A_498, %rev3A_523 : vector<16xi1>, vector<16xf32>
    %select_n3A_531 = arith.select %le3A_529, %masked_sort3A_499, %rev3A_528 : vector<16xi1>, vector<16xi32>
    %select_n3A_532 = arith.select %le3A_529, %rev3A_523, %masked_sort3A_498 : vector<16xi1>, vector<16xf32>
    %select_n3A_533 = arith.select %le3A_529, %rev3A_528, %masked_sort3A_499 : vector<16xi1>, vector<16xi32>
    %masked_sort3A_534 = arith.constant dense<true> : vector<16xi1>
    %masked_sort3A_535, %masked_sort3A_536, %masked_sort3A_537 = tpu.sort %select_n3A_515, %select_n3A_516 masked %masked_sort3A_534 : (vector<16xf32>, vector<16xi32>, vector<16xi1>) -> (vector<16xi1>, vector<16xf32>, vector<16xi32>)
    %masked_sort3A_538 = arith.constant dense<true> : vector<16xi1>
    %masked_sort3A_539, %masked_sort3A_540, %masked_sort3A_541 = tpu.sort %select_n3A_517, %select_n3A_518 masked %masked_sort3A_538 : (vector<16xf32>, vector<16xi32>, vector<16xi1>) -> (vector<16xi1>, vector<16xf32>, vector<16xi32>)
    %masked_sort3A_542 = arith.constant dense<true> : vector<16xi1>
    %masked_sort3A_543, %masked_sort3A_544, %masked_sort3A_545 = tpu.sort %select_n3A_530, %select_n3A_531 masked %masked_sort3A_542 : (vector<16xf32>, vector<16xi32>, vector<16xi1>) -> (vector<16xi1>, vector<16xf32>, vector<16xi32>)
    %masked_sort3A_546 = arith.constant dense<true> : vector<16xi1>
    %masked_sort3A_547, %masked_sort3A_548, %masked_sort3A_549 = tpu.sort %select_n3A_532, %select_n3A_533 masked %masked_sort3A_546 : (vector<16xf32>, vector<16xi32>, vector<16xi1>) -> (vector<16xi1>, vector<16xf32>, vector<16xi32>)
    %rev3A_550 = arith.constant 15 : i32
    %rev3A_551 = vector.broadcast %rev3A_550 : i32 to vector<16xi32>
    %rev3A_552 = tpu.iota {dimensions = array<i32: 0>} : vector<16xi32>
    %rev3A_553 = arith.subi %rev3A_551, %rev3A_552 : vector<16xi32>
    %rev3A_554 = tpu.dynamic_gather %masked_sort3A_548[%rev3A_553] in [0] : vector<16xf32>, vector<16xi32> -> vector<16xf32>
    %rev3A_555 = arith.constant 15 : i32
    %rev3A_556 = vector.broadcast %rev3A_555 : i32 to vector<16xi32>
    %rev3A_557 = tpu.iota {dimensions = array<i32: 0>} : vector<16xi32>
    %rev3A_558 = arith.subi %rev3A_556, %rev3A_557 : vector<16xi32>
    %rev3A_559 = tpu.dynamic_gather %masked_sort3A_549[%rev3A_558] in [0] : vector<16xi32>, vector<16xi32> -> vector<16xi32>
    %le3A_560 = arith.cmpf ole, %masked_sort3A_536, %rev3A_554 : vector<16xf32>
    %select_n3A_561 = arith.select %le3A_560, %masked_sort3A_536, %rev3A_554 : vector<16xi1>, vector<16xf32>
    %select_n3A_562 = arith.select %le3A_560, %masked_sort3A_537, %rev3A_559 : vector<16xi1>, vector<16xi32>
    %select_n3A_563 = arith.select %le3A_560, %rev3A_554, %masked_sort3A_536 : vector<16xi1>, vector<16xf32>
    %select_n3A_564 = arith.select %le3A_560, %rev3A_559, %masked_sort3A_537 : vector<16xi1>, vector<16xi32>
    %rev3A_565 = arith.constant 15 : i32
    %rev3A_566 = vector.broadcast %rev3A_565 : i32 to vector<16xi32>
    %rev3A_567 = tpu.iota {dimensions = array<i32: 0>} : vector<16xi32>
    %rev3A_568 = arith.subi %rev3A_566, %rev3A_567 : vector<16xi32>
    %rev3A_569 = tpu.dynamic_gather %masked_sort3A_544[%rev3A_568] in [0] : vector<16xf32>, vector<16xi32> -> vector<16xf32>
    %rev3A_570 = arith.constant 15 : i32
    %rev3A_571 = vector.broadcast %rev3A_570 : i32 to vector<16xi32>
    %rev3A_572 = tpu.iota {dimensions = array<i32: 0>} : vector<16xi32>
    %rev3A_573 = arith.subi %rev3A_571, %rev3A_572 : vector<16xi32>
    %rev3A_574 = tpu.dynamic_gather %masked_sort3A_545[%rev3A_573] in [0] : vector<16xi32>, vector<16xi32> -> vector<16xi32>
    %le3A_575 = arith.cmpf ole, %masked_sort3A_540, %rev3A_569 : vector<16xf32>
    %select_n3A_576 = arith.select %le3A_575, %masked_sort3A_540, %rev3A_569 : vector<16xi1>, vector<16xf32>
    %select_n3A_577 = arith.select %le3A_575, %masked_sort3A_541, %rev3A_574 : vector<16xi1>, vector<16xi32>
    %select_n3A_578 = arith.select %le3A_575, %rev3A_569, %masked_sort3A_540 : vector<16xi1>, vector<16xf32>
    %select_n3A_579 = arith.select %le3A_575, %rev3A_574, %masked_sort3A_541 : vector<16xi1>, vector<16xi32>
    %le3A_580 = arith.cmpf ole, %select_n3A_561, %select_n3A_576 : vector<16xf32>
    %select_n3A_581 = arith.select %le3A_580, %select_n3A_561, %select_n3A_576 : vector<16xi1>, vector<16xf32>
    %select_n3A_582 = arith.select %le3A_580, %select_n3A_562, %select_n3A_577 : vector<16xi1>, vector<16xi32>
    %select_n3A_583 = arith.select %le3A_580, %select_n3A_576, %select_n3A_561 : vector<16xi1>, vector<16xf32>
    %select_n3A_584 = arith.select %le3A_580, %select_n3A_577, %select_n3A_562 : vector<16xi1>, vector<16xi32>
    %masked_sort3A_585 = arith.constant dense<true> : vector<16xi1>
    %masked_sort3A_586, %masked_sort3A_587, %masked_sort3A_588 = tpu.sort %select_n3A_581, %select_n3A_582 masked %masked_sort3A_585 : (vector<16xf32>, vector<16xi32>, vector<16xi1>) -> (vector<16xi1>, vector<16xf32>, vector<16xi32>)
    %masked_sort3A_589 = arith.constant dense<true> : vector<16xi1>
    %masked_sort3A_590, %masked_sort3A_591, %masked_sort3A_592 = tpu.sort %select_n3A_583, %select_n3A_584 masked %masked_sort3A_589 : (vector<16xf32>, vector<16xi32>, vector<16xi1>) -> (vector<16xi1>, vector<16xf32>, vector<16xi32>)
    %le3A_593 = arith.cmpf ole, %select_n3A_563, %select_n3A_578 : vector<16xf32>
    %select_n3A_594 = arith.select %le3A_593, %select_n3A_563, %select_n3A_578 : vector<16xi1>, vector<16xf32>
    %select_n3A_595 = arith.select %le3A_593, %select_n3A_564, %select_n3A_579 : vector<16xi1>, vector<16xi32>
    %select_n3A_596 = arith.select %le3A_593, %select_n3A_578, %select_n3A_563 : vector<16xi1>, vector<16xf32>
    %select_n3A_597 = arith.select %le3A_593, %select_n3A_579, %select_n3A_564 : vector<16xi1>, vector<16xi32>
    %masked_sort3A_598 = arith.constant dense<true> : vector<16xi1>
    %masked_sort3A_599, %masked_sort3A_600, %masked_sort3A_601 = tpu.sort %select_n3A_594, %select_n3A_595 masked %masked_sort3A_598 : (vector<16xf32>, vector<16xi32>, vector<16xi1>) -> (vector<16xi1>, vector<16xf32>, vector<16xi32>)
    %masked_sort3A_602 = arith.constant dense<true> : vector<16xi1>
    %masked_sort3A_603, %masked_sort3A_604, %masked_sort3A_605 = tpu.sort %select_n3A_596, %select_n3A_597 masked %masked_sort3A_602 : (vector<16xf32>, vector<16xi32>, vector<16xi1>) -> (vector<16xi1>, vector<16xf32>, vector<16xi32>)
    %broadcast_in_dim3A_606 = arith.constant true
    %broadcast_in_dim3A_607 = vector.broadcast %broadcast_in_dim3A_606 : i1 to vector<16xi1>
    %masked_cumsum3A_608 = tpu.scan <sum>, %masked_sort3A_587 masked %broadcast_in_dim3A_607 : vector<16xf32>, vector<16xi1> -> vector<16xf32>
    %add3A_609 = arith.constant 0.000000e+00 : f32
    %add3A_610 = vector.broadcast %add3A_609 : f32 to vector<16xf32>
    %add3A_611 = arith.addf %masked_cumsum3A_608, %add3A_610 : vector<16xf32>
    %reduce_sum3A_612 = arith.constant true
    %reduce_sum3A_613 = vector.broadcast %reduce_sum3A_612 : i1 to vector<16xi1>
    %reduce_sum3A_614 = tpu.scan <sum>, %masked_sort3A_587 masked %reduce_sum3A_613 : vector<16xf32>, vector<16xi1> -> vector<16xf32>
    %reduce_sum3A_615 = vector.extract %reduce_sum3A_614[15] : f32 from vector<16xf32>
    %add3A_616 = arith.constant 0.000000e+00 : f32
    %add3A_617 = arith.addf %add3A_616, %reduce_sum3A_615 : f32
    %ge3A_618 = arith.constant 1.000000e-01 : f32
    %ge3A_619 = vector.broadcast %ge3A_618 : f32 to vector<16xf32>
    %ge3A_620 = arith.cmpf oge, %add3A_611, %ge3A_619 : vector<16xf32>
    %jit3A_621 = arith.constant 0.000000e+00 : f32
    %jit3A_622 = arith.constant -1.000000e+30 : f32
    %broadcast_in_dim3A_623 = vector.broadcast %jit3A_621 : f32 to vector<16xf32>
    %broadcast_in_dim3A_624 = vector.broadcast %jit3A_622 : f32 to vector<16xf32>
    %select_n3A_625 = arith.select %ge3A_620, %broadcast_in_dim3A_623, %broadcast_in_dim3A_624 : vector<16xi1>, vector<16xf32>
    %broadcast_in_dim3A_626 = arith.constant 2 : i32
    %broadcast_in_dim3A_627 = vector.broadcast %broadcast_in_dim3A_626 : i32 to vector<16xi32>
    tpu.vector_store_idx %arg5[%broadcast_in_dim3A_627, %masked_sort3A_588], %select_n3A_625 : memref<16x64xf32, #tpu.memory_space<vmem>>[vector<16xi32>, vector<16xi32>], vector<16xf32>,
    %broadcast_in_dim3A_628 = arith.constant true
    %broadcast_in_dim3A_629 = vector.broadcast %broadcast_in_dim3A_628 : i1 to vector<16xi1>
    %masked_cumsum3A_630 = tpu.scan <sum>, %masked_sort3A_591 masked %broadcast_in_dim3A_629 : vector<16xf32>, vector<16xi1> -> vector<16xf32>
    %add3A_631 = vector.broadcast %add3A_617 : f32 to vector<16xf32>
    %add3A_632 = arith.addf %masked_cumsum3A_630, %add3A_631 : vector<16xf32>
    %reduce_sum3A_633 = arith.constant true
    %reduce_sum3A_634 = vector.broadcast %reduce_sum3A_633 : i1 to vector<16xi1>
    %reduce_sum3A_635 = tpu.scan <sum>, %masked_sort3A_591 masked %reduce_sum3A_634 : vector<16xf32>, vector<16xi1> -> vector<16xf32>
    %reduce_sum3A_636 = vector.extract %reduce_sum3A_635[15] : f32 from vector<16xf32>
    %add3A_637 = arith.addf %add3A_617, %reduce_sum3A_636 : f32
    %ge3A_638 = arith.constant 1.000000e-01 : f32
    %ge3A_639 = vector.broadcast %ge3A_638 : f32 to vector<16xf32>
    %ge3A_640 = arith.cmpf oge, %add3A_632, %ge3A_639 : vector<16xf32>
    %jit3A_641 = arith.constant 0.000000e+00 : f32
    %jit3A_642 = arith.constant -1.000000e+30 : f32
    %broadcast_in_dim3A_643 = vector.broadcast %jit3A_641 : f32 to vector<16xf32>
    %broadcast_in_dim3A_644 = vector.broadcast %jit3A_642 : f32 to vector<16xf32>
    %select_n3A_645 = arith.select %ge3A_640, %broadcast_in_dim3A_643, %broadcast_in_dim3A_644 : vector<16xi1>, vector<16xf32>
    %broadcast_in_dim3A_646 = arith.constant 2 : i32
    %broadcast_in_dim3A_647 = vector.broadcast %broadcast_in_dim3A_646 : i32 to vector<16xi32>
    tpu.vector_store_idx %arg5[%broadcast_in_dim3A_647, %masked_sort3A_592], %select_n3A_645 : memref<16x64xf32, #tpu.memory_space<vmem>>[vector<16xi32>, vector<16xi32>], vector<16xf32>,
    %broadcast_in_dim3A_648 = arith.constant true
    %broadcast_in_dim3A_649 = vector.broadcast %broadcast_in_dim3A_648 : i1 to vector<16xi1>
    %masked_cumsum3A_650 = tpu.scan <sum>, %masked_sort3A_600 masked %broadcast_in_dim3A_649 : vector<16xf32>, vector<16xi1> -> vector<16xf32>
    %add3A_651 = vector.broadcast %add3A_637 : f32 to vector<16xf32>
    %add3A_652 = arith.addf %masked_cumsum3A_650, %add3A_651 : vector<16xf32>
    %reduce_sum3A_653 = arith.constant true
    %reduce_sum3A_654 = vector.broadcast %reduce_sum3A_653 : i1 to vector<16xi1>
    %reduce_sum3A_655 = tpu.scan <sum>, %masked_sort3A_600 masked %reduce_sum3A_654 : vector<16xf32>, vector<16xi1> -> vector<16xf32>
    %reduce_sum3A_656 = vector.extract %reduce_sum3A_655[15] : f32 from vector<16xf32>
    %add3A_657 = arith.addf %add3A_637, %reduce_sum3A_656 : f32
    %ge3A_658 = arith.constant 1.000000e-01 : f32
    %ge3A_659 = vector.broadcast %ge3A_658 : f32 to vector<16xf32>
    %ge3A_660 = arith.cmpf oge, %add3A_652, %ge3A_659 : vector<16xf32>
    %jit3A_661 = arith.constant 0.000000e+00 : f32
    %jit3A_662 = arith.constant -1.000000e+30 : f32
    %broadcast_in_dim3A_663 = vector.broadcast %jit3A_661 : f32 to vector<16xf32>
    %broadcast_in_dim3A_664 = vector.broadcast %jit3A_662 : f32 to vector<16xf32>
    %select_n3A_665 = arith.select %ge3A_660, %broadcast_in_dim3A_663, %broadcast_in_dim3A_664 : vector<16xi1>, vector<16xf32>
    %broadcast_in_dim3A_666 = arith.constant 2 : i32
    %broadcast_in_dim3A_667 = vector.broadcast %broadcast_in_dim3A_666 : i32 to vector<16xi32>
    tpu.vector_store_idx %arg5[%broadcast_in_dim3A_667, %masked_sort3A_601], %select_n3A_665 : memref<16x64xf32, #tpu.memory_space<vmem>>[vector<16xi32>, vector<16xi32>], vector<16xf32>,
    %broadcast_in_dim3A_668 = arith.constant true
    %broadcast_in_dim3A_669 = vector.broadcast %broadcast_in_dim3A_668 : i1 to vector<16xi1>
    %masked_cumsum3A_670 = tpu.scan <sum>, %masked_sort3A_604 masked %broadcast_in_dim3A_669 : vector<16xf32>, vector<16xi1> -> vector<16xf32>
    %add3A_671 = vector.broadcast %add3A_657 : f32 to vector<16xf32>
    %add3A_672 = arith.addf %masked_cumsum3A_670, %add3A_671 : vector<16xf32>
    %reduce_sum3A_673 = arith.constant true
    %reduce_sum3A_674 = vector.broadcast %reduce_sum3A_673 : i1 to vector<16xi1>
    %reduce_sum3A_675 = tpu.scan <sum>, %masked_sort3A_604 masked %reduce_sum3A_674 : vector<16xf32>, vector<16xi1> -> vector<16xf32>
    %reduce_sum3A_676 = vector.extract %reduce_sum3A_675[15] : f32 from vector<16xf32>
    %add3A_677 = arith.addf %add3A_657, %reduce_sum3A_676 : f32
    %ge3A_678 = arith.constant 1.000000e-01 : f32
    %ge3A_679 = vector.broadcast %ge3A_678 : f32 to vector<16xf32>
    %ge3A_680 = arith.cmpf oge, %add3A_672, %ge3A_679 : vector<16xf32>
    %jit3A_681 = arith.constant 0.000000e+00 : f32
    %jit3A_682 = arith.constant -1.000000e+30 : f32
    %broadcast_in_dim3A_683 = vector.broadcast %jit3A_681 : f32 to vector<16xf32>
    %broadcast_in_dim3A_684 = vector.broadcast %jit3A_682 : f32 to vector<16xf32>
    %select_n3A_685 = arith.select %ge3A_680, %broadcast_in_dim3A_683, %broadcast_in_dim3A_684 : vector<16xi1>, vector<16xf32>
    %broadcast_in_dim3A_686 = arith.constant 2 : i32
    %broadcast_in_dim3A_687 = vector.broadcast %broadcast_in_dim3A_686 : i32 to vector<16xi32>
    tpu.vector_store_idx %arg5[%broadcast_in_dim3A_687, %masked_sort3A_605], %select_n3A_685 : memref<16x64xf32, #tpu.memory_space<vmem>>[vector<16xi32>, vector<16xi32>], vector<16xf32>,
    %get3A_688 = arith.constant 3 : i32
    %get3A_689 = arith.index_cast %get3A_688 : i32 to index
    %get3A_690 = arith.constant 0 : index
    %get3A_691 = tpu.vector_load %arg4[%get3A_689, %get3A_690] {strides = array<i32>} : memref<16x64xf32, #tpu.memory_space<vmem>>, vector<16xf32>,
    %iota3A_692 = tpu.iota {dimensions = array<i32: 0>} : vector<16xi32>
    %add3A_693 = arith.constant 0 : i32
    %add3A_694 = vector.broadcast %add3A_693 : i32 to vector<16xi32>
    %add3A_695 = arith.addi %iota3A_692, %add3A_694 : vector<16xi32>
    %get3A_696 = arith.constant 3 : i32
    %get3A_697 = arith.index_cast %get3A_696 : i32 to index
    %get3A_698 = arith.constant 16 : index
    %get3A_699 = tpu.vector_load %arg4[%get3A_697, %get3A_698] {strides = array<i32>} : memref<16x64xf32, #tpu.memory_space<vmem>>, vector<16xf32>,
    %iota3A_700 = tpu.iota {dimensions = array<i32: 0>} : vector<16xi32>
    %add3A_701 = arith.constant 16 : i32
    %add3A_702 = vector.broadcast %add3A_701 : i32 to vector<16xi32>
    %add3A_703 = arith.addi %iota3A_700, %add3A_702 : vector<16xi32>
    %get3A_704 = arith.constant 3 : i32
    %get3A_705 = arith.index_cast %get3A_704 : i32 to index
    %get3A_706 = arith.constant 32 : index
    %get3A_707 = tpu.vector_load %arg4[%get3A_705, %get3A_706] {strides = array<i32>} : memref<16x64xf32, #tpu.memory_space<vmem>>, vector<16xf32>,
    %iota3A_708 = tpu.iota {dimensions = array<i32: 0>} : vector<16xi32>
    %add3A_709 = arith.constant 32 : i32
    %add3A_710 = vector.broadcast %add3A_709 : i32 to vector<16xi32>
    %add3A_711 = arith.addi %iota3A_708, %add3A_710 : vector<16xi32>
    %get3A_712 = arith.constant 3 : i32
    %get3A_713 = arith.index_cast %get3A_712 : i32 to index
    %get3A_714 = arith.constant 48 : index
    %get3A_715 = tpu.vector_load %arg4[%get3A_713, %get3A_714] {strides = array<i32>} : memref<16x64xf32, #tpu.memory_space<vmem>>, vector<16xf32>,
    %iota3A_716 = tpu.iota {dimensions = array<i32: 0>} : vector<16xi32>
    %add3A_717 = arith.constant 48 : i32
    %add3A_718 = vector.broadcast %add3A_717 : i32 to vector<16xi32>
    %add3A_719 = arith.addi %iota3A_716, %add3A_718 : vector<16xi32>
    %masked_sort3A_720 = arith.constant dense<true> : vector<16xi1>
    %masked_sort3A_721, %masked_sort3A_722, %masked_sort3A_723 = tpu.sort %get3A_691, %add3A_695 masked %masked_sort3A_720 : (vector<16xf32>, vector<16xi32>, vector<16xi1>) -> (vector<16xi1>, vector<16xf32>, vector<16xi32>)
    %masked_sort3A_724 = arith.constant dense<true> : vector<16xi1>
    %masked_sort3A_725, %masked_sort3A_726, %masked_sort3A_727 = tpu.sort %get3A_699, %add3A_703 masked %masked_sort3A_724 : (vector<16xf32>, vector<16xi32>, vector<16xi1>) -> (vector<16xi1>, vector<16xf32>, vector<16xi32>)
    %masked_sort3A_728 = arith.constant dense<true> : vector<16xi1>
    %masked_sort3A_729, %masked_sort3A_730, %masked_sort3A_731 = tpu.sort %get3A_707, %add3A_711 masked %masked_sort3A_728 : (vector<16xf32>, vector<16xi32>, vector<16xi1>) -> (vector<16xi1>, vector<16xf32>, vector<16xi32>)
    %masked_sort3A_732 = arith.constant dense<true> : vector<16xi1>
    %masked_sort3A_733, %masked_sort3A_734, %masked_sort3A_735 = tpu.sort %get3A_715, %add3A_719 masked %masked_sort3A_732 : (vector<16xf32>, vector<16xi32>, vector<16xi1>) -> (vector<16xi1>, vector<16xf32>, vector<16xi32>)
    %rev3A_736 = arith.constant 15 : i32
    %rev3A_737 = vector.broadcast %rev3A_736 : i32 to vector<16xi32>
    %rev3A_738 = tpu.iota {dimensions = array<i32: 0>} : vector<16xi32>
    %rev3A_739 = arith.subi %rev3A_737, %rev3A_738 : vector<16xi32>
    %rev3A_740 = tpu.dynamic_gather %masked_sort3A_726[%rev3A_739] in [0] : vector<16xf32>, vector<16xi32> -> vector<16xf32>
    %rev3A_741 = arith.constant 15 : i32
    %rev3A_742 = vector.broadcast %rev3A_741 : i32 to vector<16xi32>
    %rev3A_743 = tpu.iota {dimensions = array<i32: 0>} : vector<16xi32>
    %rev3A_744 = arith.subi %rev3A_742, %rev3A_743 : vector<16xi32>
    %rev3A_745 = tpu.dynamic_gather %masked_sort3A_727[%rev3A_744] in [0] : vector<16xi32>, vector<16xi32> -> vector<16xi32>
    %le3A_746 = arith.cmpf ole, %masked_sort3A_722, %rev3A_740 : vector<16xf32>
    %select_n3A_747 = arith.select %le3A_746, %masked_sort3A_722, %rev3A_740 : vector<16xi1>, vector<16xf32>
    %select_n3A_748 = arith.select %le3A_746, %masked_sort3A_723, %rev3A_745 : vector<16xi1>, vector<16xi32>
    %select_n3A_749 = arith.select %le3A_746, %rev3A_740, %masked_sort3A_722 : vector<16xi1>, vector<16xf32>
    %select_n3A_750 = arith.select %le3A_746, %rev3A_745, %masked_sort3A_723 : vector<16xi1>, vector<16xi32>
    %rev3A_751 = arith.constant 15 : i32
    %rev3A_752 = vector.broadcast %rev3A_751 : i32 to vector<16xi32>
    %rev3A_753 = tpu.iota {dimensions = array<i32: 0>} : vector<16xi32>
    %rev3A_754 = arith.subi %rev3A_752, %rev3A_753 : vector<16xi32>
    %rev3A_755 = tpu.dynamic_gather %masked_sort3A_734[%rev3A_754] in [0] : vector<16xf32>, vector<16xi32> -> vector<16xf32>
    %rev3A_756 = arith.constant 15 : i32
    %rev3A_757 = vector.broadcast %rev3A_756 : i32 to vector<16xi32>
    %rev3A_758 = tpu.iota {dimensions = array<i32: 0>} : vector<16xi32>
    %rev3A_759 = arith.subi %rev3A_757, %rev3A_758 : vector<16xi32>
    %rev3A_760 = tpu.dynamic_gather %masked_sort3A_735[%rev3A_759] in [0] : vector<16xi32>, vector<16xi32> -> vector<16xi32>
    %le3A_761 = arith.cmpf ole, %masked_sort3A_730, %rev3A_755 : vector<16xf32>
    %select_n3A_762 = arith.select %le3A_761, %masked_sort3A_730, %rev3A_755 : vector<16xi1>, vector<16xf32>
    %select_n3A_763 = arith.select %le3A_761, %masked_sort3A_731, %rev3A_760 : vector<16xi1>, vector<16xi32>
    %select_n3A_764 = arith.select %le3A_761, %rev3A_755, %masked_sort3A_730 : vector<16xi1>, vector<16xf32>
    %select_n3A_765 = arith.select %le3A_761, %rev3A_760, %masked_sort3A_731 : vector<16xi1>, vector<16xi32>
    %masked_sort3A_766 = arith.constant dense<true> : vector<16xi1>
    %masked_sort3A_767, %masked_sort3A_768, %masked_sort3A_769 = tpu.sort %select_n3A_747, %select_n3A_748 masked %masked_sort3A_766 : (vector<16xf32>, vector<16xi32>, vector<16xi1>) -> (vector<16xi1>, vector<16xf32>, vector<16xi32>)
    %masked_sort3A_770 = arith.constant dense<true> : vector<16xi1>
    %masked_sort3A_771, %masked_sort3A_772, %masked_sort3A_773 = tpu.sort %select_n3A_749, %select_n3A_750 masked %masked_sort3A_770 : (vector<16xf32>, vector<16xi32>, vector<16xi1>) -> (vector<16xi1>, vector<16xf32>, vector<16xi32>)
    %masked_sort3A_774 = arith.constant dense<true> : vector<16xi1>
    %masked_sort3A_775, %masked_sort3A_776, %masked_sort3A_777 = tpu.sort %select_n3A_762, %select_n3A_763 masked %masked_sort3A_774 : (vector<16xf32>, vector<16xi32>, vector<16xi1>) -> (vector<16xi1>, vector<16xf32>, vector<16xi32>)
    %masked_sort3A_778 = arith.constant dense<true> : vector<16xi1>
    %masked_sort3A_779, %masked_sort3A_780, %masked_sort3A_781 = tpu.sort %select_n3A_764, %select_n3A_765 masked %masked_sort3A_778 : (vector<16xf32>, vector<16xi32>, vector<16xi1>) -> (vector<16xi1>, vector<16xf32>, vector<16xi32>)
    %rev3A_782 = arith.constant 15 : i32
    %rev3A_783 = vector.broadcast %rev3A_782 : i32 to vector<16xi32>
    %rev3A_784 = tpu.iota {dimensions = array<i32: 0>} : vector<16xi32>
    %rev3A_785 = arith.subi %rev3A_783, %rev3A_784 : vector<16xi32>
    %rev3A_786 = tpu.dynamic_gather %masked_sort3A_780[%rev3A_785] in [0] : vector<16xf32>, vector<16xi32> -> vector<16xf32>
    %rev3A_787 = arith.constant 15 : i32
    %rev3A_788 = vector.broadcast %rev3A_787 : i32 to vector<16xi32>
    %rev3A_789 = tpu.iota {dimensions = array<i32: 0>} : vector<16xi32>
    %rev3A_790 = arith.subi %rev3A_788, %rev3A_789 : vector<16xi32>
    %rev3A_791 = tpu.dynamic_gather %masked_sort3A_781[%rev3A_790] in [0] : vector<16xi32>, vector<16xi32> -> vector<16xi32>
    %le3A_792 = arith.cmpf ole, %masked_sort3A_768, %rev3A_786 : vector<16xf32>
    %select_n3A_793 = arith.select %le3A_792, %masked_sort3A_768, %rev3A_786 : vector<16xi1>, vector<16xf32>
    %select_n3A_794 = arith.select %le3A_792, %masked_sort3A_769, %rev3A_791 : vector<16xi1>, vector<16xi32>
    %select_n3A_795 = arith.select %le3A_792, %rev3A_786, %masked_sort3A_768 : vector<16xi1>, vector<16xf32>
    %select_n3A_796 = arith.select %le3A_792, %rev3A_791, %masked_sort3A_769 : vector<16xi1>, vector<16xi32>
    %rev3A_797 = arith.constant 15 : i32
    %rev3A_798 = vector.broadcast %rev3A_797 : i32 to vector<16xi32>
    %rev3A_799 = tpu.iota {dimensions = array<i32: 0>} : vector<16xi32>
    %rev3A_800 = arith.subi %rev3A_798, %rev3A_799 : vector<16xi32>
    %rev3A_801 = tpu.dynamic_gather %masked_sort3A_776[%rev3A_800] in [0] : vector<16xf32>, vector<16xi32> -> vector<16xf32>
    %rev3A_802 = arith.constant 15 : i32
    %rev3A_803 = vector.broadcast %rev3A_802 : i32 to vector<16xi32>
    %rev3A_804 = tpu.iota {dimensions = array<i32: 0>} : vector<16xi32>
    %rev3A_805 = arith.subi %rev3A_803, %rev3A_804 : vector<16xi32>
    %rev3A_806 = tpu.dynamic_gather %masked_sort3A_777[%rev3A_805] in [0] : vector<16xi32>, vector<16xi32> -> vector<16xi32>
    %le3A_807 = arith.cmpf ole, %masked_sort3A_772, %rev3A_801 : vector<16xf32>
    %select_n3A_808 = arith.select %le3A_807, %masked_sort3A_772, %rev3A_801 : vector<16xi1>, vector<16xf32>
    %select_n3A_809 = arith.select %le3A_807, %masked_sort3A_773, %rev3A_806 : vector<16xi1>, vector<16xi32>
    %select_n3A_810 = arith.select %le3A_807, %rev3A_801, %masked_sort3A_772 : vector<16xi1>, vector<16xf32>
    %select_n3A_811 = arith.select %le3A_807, %rev3A_806, %masked_sort3A_773 : vector<16xi1>, vector<16xi32>
    %le3A_812 = arith.cmpf ole, %select_n3A_793, %select_n3A_808 : vector<16xf32>
    %select_n3A_813 = arith.select %le3A_812, %select_n3A_793, %select_n3A_808 : vector<16xi1>, vector<16xf32>
    %select_n3A_814 = arith.select %le3A_812, %select_n3A_794, %select_n3A_809 : vector<16xi1>, vector<16xi32>
    %select_n3A_815 = arith.select %le3A_812, %select_n3A_808, %select_n3A_793 : vector<16xi1>, vector<16xf32>
    %select_n3A_816 = arith.select %le3A_812, %select_n3A_809, %select_n3A_794 : vector<16xi1>, vector<16xi32>
    %masked_sort3A_817 = arith.constant dense<true> : vector<16xi1>
    %masked_sort3A_818, %masked_sort3A_819, %masked_sort3A_820 = tpu.sort %select_n3A_813, %select_n3A_814 masked %masked_sort3A_817 : (vector<16xf32>, vector<16xi32>, vector<16xi1>) -> (vector<16xi1>, vector<16xf32>, vector<16xi32>)
    %masked_sort3A_821 = arith.constant dense<true> : vector<16xi1>
    %masked_sort3A_822, %masked_sort3A_823, %masked_sort3A_824 = tpu.sort %select_n3A_815, %select_n3A_816 masked %masked_sort3A_821 : (vector<16xf32>, vector<16xi32>, vector<16xi1>) -> (vector<16xi1>, vector<16xf32>, vector<16xi32>)
    %le3A_825 = arith.cmpf ole, %select_n3A_795, %select_n3A_810 : vector<16xf32>
    %select_n3A_826 = arith.select %le3A_825, %select_n3A_795, %select_n3A_810 : vector<16xi1>, vector<16xf32>
    %select_n3A_827 = arith.select %le3A_825, %select_n3A_796, %select_n3A_811 : vector<16xi1>, vector<16xi32>
    %select_n3A_828 = arith.select %le3A_825, %select_n3A_810, %select_n3A_795 : vector<16xi1>, vector<16xf32>
    %select_n3A_829 = arith.select %le3A_825, %select_n3A_811, %select_n3A_796 : vector<16xi1>, vector<16xi32>
    %masked_sort3A_830 = arith.constant dense<true> : vector<16xi1>
    %masked_sort3A_831, %masked_sort3A_832, %masked_sort3A_833 = tpu.sort %select_n3A_826, %select_n3A_827 masked %masked_sort3A_830 : (vector<16xf32>, vector<16xi32>, vector<16xi1>) -> (vector<16xi1>, vector<16xf32>, vector<16xi32>)
    %masked_sort3A_834 = arith.constant dense<true> : vector<16xi1>
    %masked_sort3A_835, %masked_sort3A_836, %masked_sort3A_837 = tpu.sort %select_n3A_828, %select_n3A_829 masked %masked_sort3A_834 : (vector<16xf32>, vector<16xi32>, vector<16xi1>) -> (vector<16xi1>, vector<16xf32>, vector<16xi32>)
    %broadcast_in_dim3A_838 = arith.constant true
    %broadcast_in_dim3A_839 = vector.broadcast %broadcast_in_dim3A_838 : i1 to vector<16xi1>
    %masked_cumsum3A_840 = tpu.scan <sum>, %masked_sort3A_819 masked %broadcast_in_dim3A_839 : vector<16xf32>, vector<16xi1> -> vector<16xf32>
    %add3A_841 = arith.constant 0.000000e+00 : f32
    %add3A_842 = vector.broadcast %add3A_841 : f32 to vector<16xf32>
    %add3A_843 = arith.addf %masked_cumsum3A_840, %add3A_842 : vector<16xf32>
    %reduce_sum3A_844 = arith.constant true
    %reduce_sum3A_845 = vector.broadcast %reduce_sum3A_844 : i1 to vector<16xi1>
    %reduce_sum3A_846 = tpu.scan <sum>, %masked_sort3A_819 masked %reduce_sum3A_845 : vector<16xf32>, vector<16xi1> -> vector<16xf32>
    %reduce_sum3A_847 = vector.extract %reduce_sum3A_846[15] : f32 from vector<16xf32>
    %add3A_848 = arith.constant 0.000000e+00 : f32
    %add3A_849 = arith.addf %add3A_848, %reduce_sum3A_847 : f32
    %ge3A_850 = arith.constant 1.000000e-01 : f32
    %ge3A_851 = vector.broadcast %ge3A_850 : f32 to vector<16xf32>
    %ge3A_852 = arith.cmpf oge, %add3A_843, %ge3A_851 : vector<16xf32>
    %jit3A_853 = arith.constant 0.000000e+00 : f32
    %jit3A_854 = arith.constant -1.000000e+30 : f32
    %broadcast_in_dim3A_855 = vector.broadcast %jit3A_853 : f32 to vector<16xf32>
    %broadcast_in_dim3A_856 = vector.broadcast %jit3A_854 : f32 to vector<16xf32>
    %select_n3A_857 = arith.select %ge3A_852, %broadcast_in_dim3A_855, %broadcast_in_dim3A_856 : vector<16xi1>, vector<16xf32>
    %broadcast_in_dim3A_858 = arith.constant 3 : i32
    %broadcast_in_dim3A_859 = vector.broadcast %broadcast_in_dim3A_858 : i32 to vector<16xi32>
    tpu.vector_store_idx %arg5[%broadcast_in_dim3A_859, %masked_sort3A_820], %select_n3A_857 : memref<16x64xf32, #tpu.memory_space<vmem>>[vector<16xi32>, vector<16xi32>], vector<16xf32>,
    %broadcast_in_dim3A_860 = arith.constant true
    %broadcast_in_dim3A_861 = vector.broadcast %broadcast_in_dim3A_860 : i1 to vector<16xi1>
    %masked_cumsum3A_862 = tpu.scan <sum>, %masked_sort3A_823 masked %broadcast_in_dim3A_861 : vector<16xf32>, vector<16xi1> -> vector<16xf32>
    %add3A_863 = vector.broadcast %add3A_849 : f32 to vector<16xf32>
    %add3A_864 = arith.addf %masked_cumsum3A_862, %add3A_863 : vector<16xf32>
    %reduce_sum3A_865 = arith.constant true
    %reduce_sum3A_866 = vector.broadcast %reduce_sum3A_865 : i1 to vector<16xi1>
    %reduce_sum3A_867 = tpu.scan <sum>, %masked_sort3A_823 masked %reduce_sum3A_866 : vector<16xf32>, vector<16xi1> -> vector<16xf32>
    %reduce_sum3A_868 = vector.extract %reduce_sum3A_867[15] : f32 from vector<16xf32>
    %add3A_869 = arith.addf %add3A_849, %reduce_sum3A_868 : f32
    %ge3A_870 = arith.constant 1.000000e-01 : f32
    %ge3A_871 = vector.broadcast %ge3A_870 : f32 to vector<16xf32>
    %ge3A_872 = arith.cmpf oge, %add3A_864, %ge3A_871 : vector<16xf32>
    %jit3A_873 = arith.constant 0.000000e+00 : f32
    %jit3A_874 = arith.constant -1.000000e+30 : f32
    %broadcast_in_dim3A_875 = vector.broadcast %jit3A_873 : f32 to vector<16xf32>
    %broadcast_in_dim3A_876 = vector.broadcast %jit3A_874 : f32 to vector<16xf32>
    %select_n3A_877 = arith.select %ge3A_872, %broadcast_in_dim3A_875, %broadcast_in_dim3A_876 : vector<16xi1>, vector<16xf32>
    %broadcast_in_dim3A_878 = arith.constant 3 : i32
    %broadcast_in_dim3A_879 = vector.broadcast %broadcast_in_dim3A_878 : i32 to vector<16xi32>
    tpu.vector_store_idx %arg5[%broadcast_in_dim3A_879, %masked_sort3A_824], %select_n3A_877 : memref<16x64xf32, #tpu.memory_space<vmem>>[vector<16xi32>, vector<16xi32>], vector<16xf32>,
    %broadcast_in_dim3A_880 = arith.constant true
    %broadcast_in_dim3A_881 = vector.broadcast %broadcast_in_dim3A_880 : i1 to vector<16xi1>
    %masked_cumsum3A_882 = tpu.scan <sum>, %masked_sort3A_832 masked %broadcast_in_dim3A_881 : vector<16xf32>, vector<16xi1> -> vector<16xf32>
    %add3A_883 = vector.broadcast %add3A_869 : f32 to vector<16xf32>
    %add3A_884 = arith.addf %masked_cumsum3A_882, %add3A_883 : vector<16xf32>
    %reduce_sum3A_885 = arith.constant true
    %reduce_sum3A_886 = vector.broadcast %reduce_sum3A_885 : i1 to vector<16xi1>
    %reduce_sum3A_887 = tpu.scan <sum>, %masked_sort3A_832 masked %reduce_sum3A_886 : vector<16xf32>, vector<16xi1> -> vector<16xf32>
    %reduce_sum3A_888 = vector.extract %reduce_sum3A_887[15] : f32 from vector<16xf32>
    %add3A_889 = arith.addf %add3A_869, %reduce_sum3A_888 : f32
    %ge3A_890 = arith.constant 1.000000e-01 : f32
    %ge3A_891 = vector.broadcast %ge3A_890 : f32 to vector<16xf32>
    %ge3A_892 = arith.cmpf oge, %add3A_884, %ge3A_891 : vector<16xf32>
    %jit3A_893 = arith.constant 0.000000e+00 : f32
    %jit3A_894 = arith.constant -1.000000e+30 : f32
    %broadcast_in_dim3A_895 = vector.broadcast %jit3A_893 : f32 to vector<16xf32>
    %broadcast_in_dim3A_896 = vector.broadcast %jit3A_894 : f32 to vector<16xf32>
    %select_n3A_897 = arith.select %ge3A_892, %broadcast_in_dim3A_895, %broadcast_in_dim3A_896 : vector<16xi1>, vector<16xf32>
    %broadcast_in_dim3A_898 = arith.constant 3 : i32
    %broadcast_in_dim3A_899 = vector.broadcast %broadcast_in_dim3A_898 : i32 to vector<16xi32>
    tpu.vector_store_idx %arg5[%broadcast_in_dim3A_899, %masked_sort3A_833], %select_n3A_897 : memref<16x64xf32, #tpu.memory_space<vmem>>[vector<16xi32>, vector<16xi32>], vector<16xf32>,
    %broadcast_in_dim3A_900 = arith.constant true
    %broadcast_in_dim3A_901 = vector.broadcast %broadcast_in_dim3A_900 : i1 to vector<16xi1>
    %masked_cumsum3A_902 = tpu.scan <sum>, %masked_sort3A_836 masked %broadcast_in_dim3A_901 : vector<16xf32>, vector<16xi1> -> vector<16xf32>
    %add3A_903 = vector.broadcast %add3A_889 : f32 to vector<16xf32>
    %add3A_904 = arith.addf %masked_cumsum3A_902, %add3A_903 : vector<16xf32>
    %reduce_sum3A_905 = arith.constant true
    %reduce_sum3A_906 = vector.broadcast %reduce_sum3A_905 : i1 to vector<16xi1>
    %reduce_sum3A_907 = tpu.scan <sum>, %masked_sort3A_836 masked %reduce_sum3A_906 : vector<16xf32>, vector<16xi1> -> vector<16xf32>
    %reduce_sum3A_908 = vector.extract %reduce_sum3A_907[15] : f32 from vector<16xf32>
    %add3A_909 = arith.addf %add3A_889, %reduce_sum3A_908 : f32
    %ge3A_910 = arith.constant 1.000000e-01 : f32
    %ge3A_911 = vector.broadcast %ge3A_910 : f32 to vector<16xf32>
    %ge3A_912 = arith.cmpf oge, %add3A_904, %ge3A_911 : vector<16xf32>
    %jit3A_913 = arith.constant 0.000000e+00 : f32
    %jit3A_914 = arith.constant -1.000000e+30 : f32
    %broadcast_in_dim3A_915 = vector.broadcast %jit3A_913 : f32 to vector<16xf32>
    %broadcast_in_dim3A_916 = vector.broadcast %jit3A_914 : f32 to vector<16xf32>
    %select_n3A_917 = arith.select %ge3A_912, %broadcast_in_dim3A_915, %broadcast_in_dim3A_916 : vector<16xi1>, vector<16xf32>
    %broadcast_in_dim3A_918 = arith.constant 3 : i32
    %broadcast_in_dim3A_919 = vector.broadcast %broadcast_in_dim3A_918 : i32 to vector<16xi32>
    tpu.vector_store_idx %arg5[%broadcast_in_dim3A_919, %masked_sort3A_837], %select_n3A_917 : memref<16x64xf32, #tpu.memory_space<vmem>>[vector<16xi32>, vector<16xi32>], vector<16xf32>,
    %get3A_920 = arith.constant 4 : i32
    %get3A_921 = arith.index_cast %get3A_920 : i32 to index
    %get3A_922 = arith.constant 0 : index
    %get3A_923 = tpu.vector_load %arg4[%get3A_921, %get3A_922] {strides = array<i32>} : memref<16x64xf32, #tpu.memory_space<vmem>>, vector<16xf32>,
    %iota3A_924 = tpu.iota {dimensions = array<i32: 0>} : vector<16xi32>
    %add3A_925 = arith.constant 0 : i32
    %add3A_926 = vector.broadcast %add3A_925 : i32 to vector<16xi32>
    %add3A_927 = arith.addi %iota3A_924, %add3A_926 : vector<16xi32>
    %get3A_928 = arith.constant 4 : i32
    %get3A_929 = arith.index_cast %get3A_928 : i32 to index
    %get3A_930 = arith.constant 16 : index
    %get3A_931 = tpu.vector_load %arg4[%get3A_929, %get3A_930] {strides = array<i32>} : memref<16x64xf32, #tpu.memory_space<vmem>>, vector<16xf32>,
    %iota3A_932 = tpu.iota {dimensions = array<i32: 0>} : vector<16xi32>
    %add3A_933 = arith.constant 16 : i32
    %add3A_934 = vector.broadcast %add3A_933 : i32 to vector<16xi32>
    %add3A_935 = arith.addi %iota3A_932, %add3A_934 : vector<16xi32>
    %get3A_936 = arith.constant 4 : i32
    %get3A_937 = arith.index_cast %get3A_936 : i32 to index
    %get3A_938 = arith.constant 32 : index
    %get3A_939 = tpu.vector_load %arg4[%get3A_937, %get3A_938] {strides = array<i32>} : memref<16x64xf32, #tpu.memory_space<vmem>>, vector<16xf32>,
    %iota3A_940 = tpu.iota {dimensions = array<i32: 0>} : vector<16xi32>
    %add3A_941 = arith.constant 32 : i32
    %add3A_942 = vector.broadcast %add3A_941 : i32 to vector<16xi32>
    %add3A_943 = arith.addi %iota3A_940, %add3A_942 : vector<16xi32>
    %get3A_944 = arith.constant 4 : i32
    %get3A_945 = arith.index_cast %get3A_944 : i32 to index
    %get3A_946 = arith.constant 48 : index
    %get3A_947 = tpu.vector_load %arg4[%get3A_945, %get3A_946] {strides = array<i32>} : memref<16x64xf32, #tpu.memory_space<vmem>>, vector<16xf32>,
    %iota3A_948 = tpu.iota {dimensions = array<i32: 0>} : vector<16xi32>
    %add3A_949 = arith.constant 48 : i32
    %add3A_950 = vector.broadcast %add3A_949 : i32 to vector<16xi32>
    %add3A_951 = arith.addi %iota3A_948, %add3A_950 : vector<16xi32>
    %masked_sort3A_952 = arith.constant dense<true> : vector<16xi1>
    %masked_sort3A_953, %masked_sort3A_954, %masked_sort3A_955 = tpu.sort %get3A_923, %add3A_927 masked %masked_sort3A_952 : (vector<16xf32>, vector<16xi32>, vector<16xi1>) -> (vector<16xi1>, vector<16xf32>, vector<16xi32>)
    %masked_sort3A_956 = arith.constant dense<true> : vector<16xi1>
    %masked_sort3A_957, %masked_sort3A_958, %masked_sort3A_959 = tpu.sort %get3A_931, %add3A_935 masked %masked_sort3A_956 : (vector<16xf32>, vector<16xi32>, vector<16xi1>) -> (vector<16xi1>, vector<16xf32>, vector<16xi32>)
    %masked_sort3A_960 = arith.constant dense<true> : vector<16xi1>
    %masked_sort3A_961, %masked_sort3A_962, %masked_sort3A_963 = tpu.sort %get3A_939, %add3A_943 masked %masked_sort3A_960 : (vector<16xf32>, vector<16xi32>, vector<16xi1>) -> (vector<16xi1>, vector<16xf32>, vector<16xi32>)
    %masked_sort3A_964 = arith.constant dense<true> : vector<16xi1>
    %masked_sort3A_965, %masked_sort3A_966, %masked_sort3A_967 = tpu.sort %get3A_947, %add3A_951 masked %masked_sort3A_964 : (vector<16xf32>, vector<16xi32>, vector<16xi1>) -> (vector<16xi1>, vector<16xf32>, vector<16xi32>)
    %rev3A_968 = arith.constant 15 : i32
    %rev3A_969 = vector.broadcast %rev3A_968 : i32 to vector<16xi32>
    %rev3A_970 = tpu.iota {dimensions = array<i32: 0>} : vector<16xi32>
    %rev3A_971 = arith.subi %rev3A_969, %rev3A_970 : vector<16xi32>
    %rev3A_972 = tpu.dynamic_gather %masked_sort3A_958[%rev3A_971] in [0] : vector<16xf32>, vector<16xi32> -> vector<16xf32>
    %rev3A_973 = arith.constant 15 : i32
    %rev3A_974 = vector.broadcast %rev3A_973 : i32 to vector<16xi32>
    %rev3A_975 = tpu.iota {dimensions = array<i32: 0>} : vector<16xi32>
    %rev3A_976 = arith.subi %rev3A_974, %rev3A_975 : vector<16xi32>
    %rev3A_977 = tpu.dynamic_gather %masked_sort3A_959[%rev3A_976] in [0] : vector<16xi32>, vector<16xi32> -> vector<16xi32>
    %le3A_978 = arith.cmpf ole, %masked_sort3A_954, %rev3A_972 : vector<16xf32>
    %select_n3A_979 = arith.select %le3A_978, %masked_sort3A_954, %rev3A_972 : vector<16xi1>, vector<16xf32>
    %select_n3A_980 = arith.select %le3A_978, %masked_sort3A_955, %rev3A_977 : vector<16xi1>, vector<16xi32>
    %select_n3A_981 = arith.select %le3A_978, %rev3A_972, %masked_sort3A_954 : vector<16xi1>, vector<16xf32>
    %select_n3A_982 = arith.select %le3A_978, %rev3A_977, %masked_sort3A_955 : vector<16xi1>, vector<16xi32>
    %rev3A_983 = arith.constant 15 : i32
    %rev3A_984 = vector.broadcast %rev3A_983 : i32 to vector<16xi32>
    %rev3A_985 = tpu.iota {dimensions = array<i32: 0>} : vector<16xi32>
    %rev3A_986 = arith.subi %rev3A_984, %rev3A_985 : vector<16xi32>
    %rev3A_987 = tpu.dynamic_gather %masked_sort3A_966[%rev3A_986] in [0] : vector<16xf32>, vector<16xi32> -> vector<16xf32>
    %rev3A_988 = arith.constant 15 : i32
    %rev3A_989 = vector.broadcast %rev3A_988 : i32 to vector<16xi32>
    %rev3A_990 = tpu.iota {dimensions = array<i32: 0>} : vector<16xi32>
    %rev3A_991 = arith.subi %rev3A_989, %rev3A_990 : vector<16xi32>
    %rev3A_992 = tpu.dynamic_gather %masked_sort3A_967[%rev3A_991] in [0] : vector<16xi32>, vector<16xi32> -> vector<16xi32>
    %le3A_993 = arith.cmpf ole, %masked_sort3A_962, %rev3A_987 : vector<16xf32>
    %select_n3A_994 = arith.select %le3A_993, %masked_sort3A_962, %rev3A_987 : vector<16xi1>, vector<16xf32>
    %select_n3A_995 = arith.select %le3A_993, %masked_sort3A_963, %rev3A_992 : vector<16xi1>, vector<16xi32>
    %select_n3A_996 = arith.select %le3A_993, %rev3A_987, %masked_sort3A_962 : vector<16xi1>, vector<16xf32>
    %select_n3A_997 = arith.select %le3A_993, %rev3A_992, %masked_sort3A_963 : vector<16xi1>, vector<16xi32>
    %masked_sort3A_998 = arith.constant dense<true> : vector<16xi1>
    %masked_sort3A_999, %masked_sort3A_1000, %masked_sort3A_1001 = tpu.sort %select_n3A_979, %select_n3A_980 masked %masked_sort3A_998 : (vector<16xf32>, vector<16xi32>, vector<16xi1>) -> (vector<16xi1>, vector<16xf32>, vector<16xi32>)
    %masked_sort3A_1002 = arith.constant dense<true> : vector<16xi1>
    %masked_sort3A_1003, %masked_sort3A_1004, %masked_sort3A_1005 = tpu.sort %select_n3A_981, %select_n3A_982 masked %masked_sort3A_1002 : (vector<16xf32>, vector<16xi32>, vector<16xi1>) -> (vector<16xi1>, vector<16xf32>, vector<16xi32>)
    %masked_sort3A_1006 = arith.constant dense<true> : vector<16xi1>
    %masked_sort3A_1007, %masked_sort3A_1008, %masked_sort3A_1009 = tpu.sort %select_n3A_994, %select_n3A_995 masked %masked_sort3A_1006 : (vector<16xf32>, vector<16xi32>, vector<16xi1>) -> (vector<16xi1>, vector<16xf32>, vector<16xi32>)
    %masked_sort3A_1010 = arith.constant dense<true> : vector<16xi1>
    %masked_sort3A_1011, %masked_sort3A_1012, %masked_sort3A_1013 = tpu.sort %select_n3A_996, %select_n3A_997 masked %masked_sort3A_1010 : (vector<16xf32>, vector<16xi32>, vector<16xi1>) -> (vector<16xi1>, vector<16xf32>, vector<16xi32>)
    %rev3A_1014 = arith.constant 15 : i32
    %rev3A_1015 = vector.broadcast %rev3A_1014 : i32 to vector<16xi32>
    %rev3A_1016 = tpu.iota {dimensions = array<i32: 0>} : vector<16xi32>
    %rev3A_1017 = arith.subi %rev3A_1015, %rev3A_1016 : vector<16xi32>
    %rev3A_1018 = tpu.dynamic_gather %masked_sort3A_1012[%rev3A_1017] in [0] : vector<16xf32>, vector<16xi32> -> vector<16xf32>
    %rev3A_1019 = arith.constant 15 : i32
    %rev3A_1020 = vector.broadcast %rev3A_1019 : i32 to vector<16xi32>
    %rev3A_1021 = tpu.iota {dimensions = array<i32: 0>} : vector<16xi32>
    %rev3A_1022 = arith.subi %rev3A_1020, %rev3A_1021 : vector<16xi32>
    %rev3A_1023 = tpu.dynamic_gather %masked_sort3A_1013[%rev3A_1022] in [0] : vector<16xi32>, vector<16xi32> -> vector<16xi32>
    %le3A_1024 = arith.cmpf ole, %masked_sort3A_1000, %rev3A_1018 : vector<16xf32>
    %select_n3A_1025 = arith.select %le3A_1024, %masked_sort3A_1000, %rev3A_1018 : vector<16xi1>, vector<16xf32>
    %select_n3A_1026 = arith.select %le3A_1024, %masked_sort3A_1001, %rev3A_1023 : vector<16xi1>, vector<16xi32>
    %select_n3A_1027 = arith.select %le3A_1024, %rev3A_1018, %masked_sort3A_1000 : vector<16xi1>, vector<16xf32>
    %select_n3A_1028 = arith.select %le3A_1024, %rev3A_1023, %masked_sort3A_1001 : vector<16xi1>, vector<16xi32>
    %rev3A_1029 = arith.constant 15 : i32
    %rev3A_1030 = vector.broadcast %rev3A_1029 : i32 to vector<16xi32>
    %rev3A_1031 = tpu.iota {dimensions = array<i32: 0>} : vector<16xi32>
    %rev3A_1032 = arith.subi %rev3A_1030, %rev3A_1031 : vector<16xi32>
    %rev3A_1033 = tpu.dynamic_gather %masked_sort3A_1008[%rev3A_1032] in [0] : vector<16xf32>, vector<16xi32> -> vector<16xf32>
    %rev3A_1034 = arith.constant 15 : i32
    %rev3A_1035 = vector.broadcast %rev3A_1034 : i32 to vector<16xi32>
    %rev3A_1036 = tpu.iota {dimensions = array<i32: 0>} : vector<16xi32>
    %rev3A_1037 = arith.subi %rev3A_1035, %rev3A_1036 : vector<16xi32>
    %rev3A_1038 = tpu.dynamic_gather %masked_sort3A_1009[%rev3A_1037] in [0] : vector<16xi32>, vector<16xi32> -> vector<16xi32>
    %le3A_1039 = arith.cmpf ole, %masked_sort3A_1004, %rev3A_1033 : vector<16xf32>
    %select_n3A_1040 = arith.select %le3A_1039, %masked_sort3A_1004, %rev3A_1033 : vector<16xi1>, vector<16xf32>
    %select_n3A_1041 = arith.select %le3A_1039, %masked_sort3A_1005, %rev3A_1038 : vector<16xi1>, vector<16xi32>
    %select_n3A_1042 = arith.select %le3A_1039, %rev3A_1033, %masked_sort3A_1004 : vector<16xi1>, vector<16xf32>
    %select_n3A_1043 = arith.select %le3A_1039, %rev3A_1038, %masked_sort3A_1005 : vector<16xi1>, vector<16xi32>
    %le3A_1044 = arith.cmpf ole, %select_n3A_1025, %select_n3A_1040 : vector<16xf32>
    %select_n3A_1045 = arith.select %le3A_1044, %select_n3A_1025, %select_n3A_1040 : vector<16xi1>, vector<16xf32>
    %select_n3A_1046 = arith.select %le3A_1044, %select_n3A_1026, %select_n3A_1041 : vector<16xi1>, vector<16xi32>
    %select_n3A_1047 = arith.select %le3A_1044, %select_n3A_1040, %select_n3A_1025 : vector<16xi1>, vector<16xf32>
    %select_n3A_1048 = arith.select %le3A_1044, %select_n3A_1041, %select_n3A_1026 : vector<16xi1>, vector<16xi32>
    %masked_sort3A_1049 = arith.constant dense<true> : vector<16xi1>
    %masked_sort3A_1050, %masked_sort3A_1051, %masked_sort3A_1052 = tpu.sort %select_n3A_1045, %select_n3A_1046 masked %masked_sort3A_1049 : (vector<16xf32>, vector<16xi32>, vector<16xi1>) -> (vector<16xi1>, vector<16xf32>, vector<16xi32>)
    %masked_sort3A_1053 = arith.constant dense<true> : vector<16xi1>
    %masked_sort3A_1054, %masked_sort3A_1055, %masked_sort3A_1056 = tpu.sort %select_n3A_1047, %select_n3A_1048 masked %masked_sort3A_1053 : (vector<16xf32>, vector<16xi32>, vector<16xi1>) -> (vector<16xi1>, vector<16xf32>, vector<16xi32>)
    %le3A_1057 = arith.cmpf ole, %select_n3A_1027, %select_n3A_1042 : vector<16xf32>
    %select_n3A_1058 = arith.select %le3A_1057, %select_n3A_1027, %select_n3A_1042 : vector<16xi1>, vector<16xf32>
    %select_n3A_1059 = arith.select %le3A_1057, %select_n3A_1028, %select_n3A_1043 : vector<16xi1>, vector<16xi32>
    %select_n3A_1060 = arith.select %le3A_1057, %select_n3A_1042, %select_n3A_1027 : vector<16xi1>, vector<16xf32>
    %select_n3A_1061 = arith.select %le3A_1057, %select_n3A_1043, %select_n3A_1028 : vector<16xi1>, vector<16xi32>
    %masked_sort3A_1062 = arith.constant dense<true> : vector<16xi1>
    %masked_sort3A_1063, %masked_sort3A_1064, %masked_sort3A_1065 = tpu.sort %select_n3A_1058, %select_n3A_1059 masked %masked_sort3A_1062 : (vector<16xf32>, vector<16xi32>, vector<16xi1>) -> (vector<16xi1>, vector<16xf32>, vector<16xi32>)
    %masked_sort3A_1066 = arith.constant dense<true> : vector<16xi1>
    %masked_sort3A_1067, %masked_sort3A_1068, %masked_sort3A_1069 = tpu.sort %select_n3A_1060, %select_n3A_1061 masked %masked_sort3A_1066 : (vector<16xf32>, vector<16xi32>, vector<16xi1>) -> (vector<16xi1>, vector<16xf32>, vector<16xi32>)
    %broadcast_in_dim3A_1070 = arith.constant true
    %broadcast_in_dim3A_1071 = vector.broadcast %broadcast_in_dim3A_1070 : i1 to vector<16xi1>
    %masked_cumsum3A_1072 = tpu.scan <sum>, %masked_sort3A_1051 masked %broadcast_in_dim3A_1071 : vector<16xf32>, vector<16xi1> -> vector<16xf32>
    %add3A_1073 = arith.constant 0.000000e+00 : f32
    %add3A_1074 = vector.broadcast %add3A_1073 : f32 to vector<16xf32>
    %add3A_1075 = arith.addf %masked_cumsum3A_1072, %add3A_1074 : vector<16xf32>
    %reduce_sum3A_1076 = arith.constant true
    %reduce_sum3A_1077 = vector.broadcast %reduce_sum3A_1076 : i1 to vector<16xi1>
    %reduce_sum3A_1078 = tpu.scan <sum>, %masked_sort3A_1051 masked %reduce_sum3A_1077 : vector<16xf32>, vector<16xi1> -> vector<16xf32>
    %reduce_sum3A_1079 = vector.extract %reduce_sum3A_1078[15] : f32 from vector<16xf32>
    %add3A_1080 = arith.constant 0.000000e+00 : f32
    %add3A_1081 = arith.addf %add3A_1080, %reduce_sum3A_1079 : f32
    %ge3A_1082 = arith.constant 1.000000e-01 : f32
    %ge3A_1083 = vector.broadcast %ge3A_1082 : f32 to vector<16xf32>
    %ge3A_1084 = arith.cmpf oge, %add3A_1075, %ge3A_1083 : vector<16xf32>
    %jit3A_1085 = arith.constant 0.000000e+00 : f32
    %jit3A_1086 = arith.constant -1.000000e+30 : f32
    %broadcast_in_dim3A_1087 = vector.broadcast %jit3A_1085 : f32 to vector<16xf32>
    %broadcast_in_dim3A_1088 = vector.broadcast %jit3A_1086 : f32 to vector<16xf32>
    %select_n3A_1089 = arith.select %ge3A_1084, %broadcast_in_dim3A_1087, %broadcast_in_dim3A_1088 : vector<16xi1>, vector<16xf32>
    %broadcast_in_dim3A_1090 = arith.constant 4 : i32
    %broadcast_in_dim3A_1091 = vector.broadcast %broadcast_in_dim3A_1090 : i32 to vector<16xi32>
    tpu.vector_store_idx %arg5[%broadcast_in_dim3A_1091, %masked_sort3A_1052], %select_n3A_1089 : memref<16x64xf32, #tpu.memory_space<vmem>>[vector<16xi32>, vector<16xi32>], vector<16xf32>,
    %broadcast_in_dim3A_1092 = arith.constant true
    %broadcast_in_dim3A_1093 = vector.broadcast %broadcast_in_dim3A_1092 : i1 to vector<16xi1>
    %masked_cumsum3A_1094 = tpu.scan <sum>, %masked_sort3A_1055 masked %broadcast_in_dim3A_1093 : vector<16xf32>, vector<16xi1> -> vector<16xf32>
    %add3A_1095 = vector.broadcast %add3A_1081 : f32 to vector<16xf32>
    %add3A_1096 = arith.addf %masked_cumsum3A_1094, %add3A_1095 : vector<16xf32>
    %reduce_sum3A_1097 = arith.constant true
    %reduce_sum3A_1098 = vector.broadcast %reduce_sum3A_1097 : i1 to vector<16xi1>
    %reduce_sum3A_1099 = tpu.scan <sum>, %masked_sort3A_1055 masked %reduce_sum3A_1098 : vector<16xf32>, vector<16xi1> -> vector<16xf32>
    %reduce_sum3A_1100 = vector.extract %reduce_sum3A_1099[15] : f32 from vector<16xf32>
    %add3A_1101 = arith.addf %add3A_1081, %reduce_sum3A_1100 : f32
    %ge3A_1102 = arith.constant 1.000000e-01 : f32
    %ge3A_1103 = vector.broadcast %ge3A_1102 : f32 to vector<16xf32>
    %ge3A_1104 = arith.cmpf oge, %add3A_1096, %ge3A_1103 : vector<16xf32>
    %jit3A_1105 = arith.constant 0.000000e+00 : f32
    %jit3A_1106 = arith.constant -1.000000e+30 : f32
    %broadcast_in_dim3A_1107 = vector.broadcast %jit3A_1105 : f32 to vector<16xf32>
    %broadcast_in_dim3A_1108 = vector.broadcast %jit3A_1106 : f32 to vector<16xf32>
    %select_n3A_1109 = arith.select %ge3A_1104, %broadcast_in_dim3A_1107, %broadcast_in_dim3A_1108 : vector<16xi1>, vector<16xf32>
    %broadcast_in_dim3A_1110 = arith.constant 4 : i32
    %broadcast_in_dim3A_1111 = vector.broadcast %broadcast_in_dim3A_1110 : i32 to vector<16xi32>
    tpu.vector_store_idx %arg5[%broadcast_in_dim3A_1111, %masked_sort3A_1056], %select_n3A_1109 : memref<16x64xf32, #tpu.memory_space<vmem>>[vector<16xi32>, vector<16xi32>], vector<16xf32>,
    %broadcast_in_dim3A_1112 = arith.constant true
    %broadcast_in_dim3A_1113 = vector.broadcast %broadcast_in_dim3A_1112 : i1 to vector<16xi1>
    %masked_cumsum3A_1114 = tpu.scan <sum>, %masked_sort3A_1064 masked %broadcast_in_dim3A_1113 : vector<16xf32>, vector<16xi1> -> vector<16xf32>
    %add3A_1115 = vector.broadcast %add3A_1101 : f32 to vector<16xf32>
    %add3A_1116 = arith.addf %masked_cumsum3A_1114, %add3A_1115 : vector<16xf32>
    %reduce_sum3A_1117 = arith.constant true
    %reduce_sum3A_1118 = vector.broadcast %reduce_sum3A_1117 : i1 to vector<16xi1>
    %reduce_sum3A_1119 = tpu.scan <sum>, %masked_sort3A_1064 masked %reduce_sum3A_1118 : vector<16xf32>, vector<16xi1> -> vector<16xf32>
    %reduce_sum3A_1120 = vector.extract %reduce_sum3A_1119[15] : f32 from vector<16xf32>
    %add3A_1121 = arith.addf %add3A_1101, %reduce_sum3A_1120 : f32
    %ge3A_1122 = arith.constant 1.000000e-01 : f32
    %ge3A_1123 = vector.broadcast %ge3A_1122 : f32 to vector<16xf32>
    %ge3A_1124 = arith.cmpf oge, %add3A_1116, %ge3A_1123 : vector<16xf32>
    %jit3A_1125 = arith.constant 0.000000e+00 : f32
    %jit3A_1126 = arith.constant -1.000000e+30 : f32
    %broadcast_in_dim3A_1127 = vector.broadcast %jit3A_1125 : f32 to vector<16xf32>
    %broadcast_in_dim3A_1128 = vector.broadcast %jit3A_1126 : f32 to vector<16xf32>
    %select_n3A_1129 = arith.select %ge3A_1124, %broadcast_in_dim3A_1127, %broadcast_in_dim3A_1128 : vector<16xi1>, vector<16xf32>
    %broadcast_in_dim3A_1130 = arith.constant 4 : i32
    %broadcast_in_dim3A_1131 = vector.broadcast %broadcast_in_dim3A_1130 : i32 to vector<16xi32>
    tpu.vector_store_idx %arg5[%broadcast_in_dim3A_1131, %masked_sort3A_1065], %select_n3A_1129 : memref<16x64xf32, #tpu.memory_space<vmem>>[vector<16xi32>, vector<16xi32>], vector<16xf32>,
    %broadcast_in_dim3A_1132 = arith.constant true
    %broadcast_in_dim3A_1133 = vector.broadcast %broadcast_in_dim3A_1132 : i1 to vector<16xi1>
    %masked_cumsum3A_1134 = tpu.scan <sum>, %masked_sort3A_1068 masked %broadcast_in_dim3A_1133 : vector<16xf32>, vector<16xi1> -> vector<16xf32>
    %add3A_1135 = vector.broadcast %add3A_1121 : f32 to vector<16xf32>
    %add3A_1136 = arith.addf %masked_cumsum3A_1134, %add3A_1135 : vector<16xf32>
    %reduce_sum3A_1137 = arith.constant true
    %reduce_sum3A_1138 = vector.broadcast %reduce_sum3A_1137 : i1 to vector<16xi1>
    %reduce_sum3A_1139 = tpu.scan <sum>, %masked_sort3A_1068 masked %reduce_sum3A_1138 : vector<16xf32>, vector<16xi1> -> vector<16xf32>
    %reduce_sum3A_1140 = vector.extract %reduce_sum3A_1139[15] : f32 from vector<16xf32>
    %add3A_1141 = arith.addf %add3A_1121, %reduce_sum3A_1140 : f32
    %ge3A_1142 = arith.constant 1.000000e-01 : f32
    %ge3A_1143 = vector.broadcast %ge3A_1142 : f32 to vector<16xf32>
    %ge3A_1144 = arith.cmpf oge, %add3A_1136, %ge3A_1143 : vector<16xf32>
    %jit3A_1145 = arith.constant 0.000000e+00 : f32
    %jit3A_1146 = arith.constant -1.000000e+30 : f32
    %broadcast_in_dim3A_1147 = vector.broadcast %jit3A_1145 : f32 to vector<16xf32>
    %broadcast_in_dim3A_1148 = vector.broadcast %jit3A_1146 : f32 to vector<16xf32>
    %select_n3A_1149 = arith.select %ge3A_1144, %broadcast_in_dim3A_1147, %broadcast_in_dim3A_1148 : vector<16xi1>, vector<16xf32>
    %broadcast_in_dim3A_1150 = arith.constant 4 : i32
    %broadcast_in_dim3A_1151 = vector.broadcast %broadcast_in_dim3A_1150 : i32 to vector<16xi32>
    tpu.vector_store_idx %arg5[%broadcast_in_dim3A_1151, %masked_sort3A_1069], %select_n3A_1149 : memref<16x64xf32, #tpu.memory_space<vmem>>[vector<16xi32>, vector<16xi32>], vector<16xf32>,
    %get3A_1152 = arith.constant 5 : i32
    %get3A_1153 = arith.index_cast %get3A_1152 : i32 to index
    %get3A_1154 = arith.constant 0 : index
    %get3A_1155 = tpu.vector_load %arg4[%get3A_1153, %get3A_1154] {strides = array<i32>} : memref<16x64xf32, #tpu.memory_space<vmem>>, vector<16xf32>,
    %iota3A_1156 = tpu.iota {dimensions = array<i32: 0>} : vector<16xi32>
    %add3A_1157 = arith.constant 0 : i32
    %add3A_1158 = vector.broadcast %add3A_1157 : i32 to vector<16xi32>
    %add3A_1159 = arith.addi %iota3A_1156, %add3A_1158 : vector<16xi32>
    %get3A_1160 = arith.constant 5 : i32
    %get3A_1161 = arith.index_cast %get3A_1160 : i32 to index
    %get3A_1162 = arith.constant 16 : index
    %get3A_1163 = tpu.vector_load %arg4[%get3A_1161, %get3A_1162] {strides = array<i32>} : memref<16x64xf32, #tpu.memory_space<vmem>>, vector<16xf32>,
    %iota3A_1164 = tpu.iota {dimensions = array<i32: 0>} : vector<16xi32>
    %add3A_1165 = arith.constant 16 : i32
    %add3A_1166 = vector.broadcast %add3A_1165 : i32 to vector<16xi32>
    %add3A_1167 = arith.addi %iota3A_1164, %add3A_1166 : vector<16xi32>
    %get3A_1168 = arith.constant 5 : i32
    %get3A_1169 = arith.index_cast %get3A_1168 : i32 to index
    %get3A_1170 = arith.constant 32 : index
    %get3A_1171 = tpu.vector_load %arg4[%get3A_1169, %get3A_1170] {strides = array<i32>} : memref<16x64xf32, #tpu.memory_space<vmem>>, vector<16xf32>,
    %iota3A_1172 = tpu.iota {dimensions = array<i32: 0>} : vector<16xi32>
    %add3A_1173 = arith.constant 32 : i32
    %add3A_1174 = vector.broadcast %add3A_1173 : i32 to vector<16xi32>
    %add3A_1175 = arith.addi %iota3A_1172, %add3A_1174 : vector<16xi32>
    %get3A_1176 = arith.constant 5 : i32
    %get3A_1177 = arith.index_cast %get3A_1176 : i32 to index
    %get3A_1178 = arith.constant 48 : index
    %get3A_1179 = tpu.vector_load %arg4[%get3A_1177, %get3A_1178] {strides = array<i32>} : memref<16x64xf32, #tpu.memory_space<vmem>>, vector<16xf32>,
    %iota3A_1180 = tpu.iota {dimensions = array<i32: 0>} : vector<16xi32>
    %add3A_1181 = arith.constant 48 : i32
    %add3A_1182 = vector.broadcast %add3A_1181 : i32 to vector<16xi32>
    %add3A_1183 = arith.addi %iota3A_1180, %add3A_1182 : vector<16xi32>
    %masked_sort3A_1184 = arith.constant dense<true> : vector<16xi1>
    %masked_sort3A_1185, %masked_sort3A_1186, %masked_sort3A_1187 = tpu.sort %get3A_1155, %add3A_1159 masked %masked_sort3A_1184 : (vector<16xf32>, vector<16xi32>, vector<16xi1>) -> (vector<16xi1>, vector<16xf32>, vector<16xi32>)
    %masked_sort3A_1188 = arith.constant dense<true> : vector<16xi1>
    %masked_sort3A_1189, %masked_sort3A_1190, %masked_sort3A_1191 = tpu.sort %get3A_1163, %add3A_1167 masked %masked_sort3A_1188 : (vector<16xf32>, vector<16xi32>, vector<16xi1>) -> (vector<16xi1>, vector<16xf32>, vector<16xi32>)
    %masked_sort3A_1192 = arith.constant dense<true> : vector<16xi1>
    %masked_sort3A_1193, %masked_sort3A_1194, %masked_sort3A_1195 = tpu.sort %get3A_1171, %add3A_1175 masked %masked_sort3A_1192 : (vector<16xf32>, vector<16xi32>, vector<16xi1>) -> (vector<16xi1>, vector<16xf32>, vector<16xi32>)
    %masked_sort3A_1196 = arith.constant dense<true> : vector<16xi1>
    %masked_sort3A_1197, %masked_sort3A_1198, %masked_sort3A_1199 = tpu.sort %get3A_1179, %add3A_1183 masked %masked_sort3A_1196 : (vector<16xf32>, vector<16xi32>, vector<16xi1>) -> (vector<16xi1>, vector<16xf32>, vector<16xi32>)
    %rev3A_1200 = arith.constant 15 : i32
    %rev3A_1201 = vector.broadcast %rev3A_1200 : i32 to vector<16xi32>
    %rev3A_1202 = tpu.iota {dimensions = array<i32: 0>} : vector<16xi32>
    %rev3A_1203 = arith.subi %rev3A_1201, %rev3A_1202 : vector<16xi32>
    %rev3A_1204 = tpu.dynamic_gather %masked_sort3A_1190[%rev3A_1203] in [0] : vector<16xf32>, vector<16xi32> -> vector<16xf32>
    %rev3A_1205 = arith.constant 15 : i32
    %rev3A_1206 = vector.broadcast %rev3A_1205 : i32 to vector<16xi32>
    %rev3A_1207 = tpu.iota {dimensions = array<i32: 0>} : vector<16xi32>
    %rev3A_1208 = arith.subi %rev3A_1206, %rev3A_1207 : vector<16xi32>
    %rev3A_1209 = tpu.dynamic_gather %masked_sort3A_1191[%rev3A_1208] in [0] : vector<16xi32>, vector<16xi32> -> vector<16xi32>
    %le3A_1210 = arith.cmpf ole, %masked_sort3A_1186, %rev3A_1204 : vector<16xf32>
    %select_n3A_1211 = arith.select %le3A_1210, %masked_sort3A_1186, %rev3A_1204 : vector<16xi1>, vector<16xf32>
    %select_n3A_1212 = arith.select %le3A_1210, %masked_sort3A_1187, %rev3A_1209 : vector<16xi1>, vector<16xi32>
    %select_n3A_1213 = arith.select %le3A_1210, %rev3A_1204, %masked_sort3A_1186 : vector<16xi1>, vector<16xf32>
    %select_n3A_1214 = arith.select %le3A_1210, %rev3A_1209, %masked_sort3A_1187 : vector<16xi1>, vector<16xi32>
    %rev3A_1215 = arith.constant 15 : i32
    %rev3A_1216 = vector.broadcast %rev3A_1215 : i32 to vector<16xi32>
    %rev3A_1217 = tpu.iota {dimensions = array<i32: 0>} : vector<16xi32>
    %rev3A_1218 = arith.subi %rev3A_1216, %rev3A_1217 : vector<16xi32>
    %rev3A_1219 = tpu.dynamic_gather %masked_sort3A_1198[%rev3A_1218] in [0] : vector<16xf32>, vector<16xi32> -> vector<16xf32>
    %rev3A_1220 = arith.constant 15 : i32
    %rev3A_1221 = vector.broadcast %rev3A_1220 : i32 to vector<16xi32>
    %rev3A_1222 = tpu.iota {dimensions = array<i32: 0>} : vector<16xi32>
    %rev3A_1223 = arith.subi %rev3A_1221, %rev3A_1222 : vector<16xi32>
    %rev3A_1224 = tpu.dynamic_gather %masked_sort3A_1199[%rev3A_1223] in [0] : vector<16xi32>, vector<16xi32> -> vector<16xi32>
    %le3A_1225 = arith.cmpf ole, %masked_sort3A_1194, %rev3A_1219 : vector<16xf32>
    %select_n3A_1226 = arith.select %le3A_1225, %masked_sort3A_1194, %rev3A_1219 : vector<16xi1>, vector<16xf32>
    %select_n3A_1227 = arith.select %le3A_1225, %masked_sort3A_1195, %rev3A_1224 : vector<16xi1>, vector<16xi32>
    %select_n3A_1228 = arith.select %le3A_1225, %rev3A_1219, %masked_sort3A_1194 : vector<16xi1>, vector<16xf32>
    %select_n3A_1229 = arith.select %le3A_1225, %rev3A_1224, %masked_sort3A_1195 : vector<16xi1>, vector<16xi32>
    %masked_sort3A_1230 = arith.constant dense<true> : vector<16xi1>
    %masked_sort3A_1231, %masked_sort3A_1232, %masked_sort3A_1233 = tpu.sort %select_n3A_1211, %select_n3A_1212 masked %masked_sort3A_1230 : (vector<16xf32>, vector<16xi32>, vector<16xi1>) -> (vector<16xi1>, vector<16xf32>, vector<16xi32>)
    %masked_sort3A_1234 = arith.constant dense<true> : vector<16xi1>
    %masked_sort3A_1235, %masked_sort3A_1236, %masked_sort3A_1237 = tpu.sort %select_n3A_1213, %select_n3A_1214 masked %masked_sort3A_1234 : (vector<16xf32>, vector<16xi32>, vector<16xi1>) -> (vector<16xi1>, vector<16xf32>, vector<16xi32>)
    %masked_sort3A_1238 = arith.constant dense<true> : vector<16xi1>
    %masked_sort3A_1239, %masked_sort3A_1240, %masked_sort3A_1241 = tpu.sort %select_n3A_1226, %select_n3A_1227 masked %masked_sort3A_1238 : (vector<16xf32>, vector<16xi32>, vector<16xi1>) -> (vector<16xi1>, vector<16xf32>, vector<16xi32>)
    %masked_sort3A_1242 = arith.constant dense<true> : vector<16xi1>
    %masked_sort3A_1243, %masked_sort3A_1244, %masked_sort3A_1245 = tpu.sort %select_n3A_1228, %select_n3A_1229 masked %masked_sort3A_1242 : (vector<16xf32>, vector<16xi32>, vector<16xi1>) -> (vector<16xi1>, vector<16xf32>, vector<16xi32>)
    %rev3A_1246 = arith.constant 15 : i32
    %rev3A_1247 = vector.broadcast %rev3A_1246 : i32 to vector<16xi32>
    %rev3A_1248 = tpu.iota {dimensions = array<i32: 0>} : vector<16xi32>
    %rev3A_1249 = arith.subi %rev3A_1247, %rev3A_1248 : vector<16xi32>
    %rev3A_1250 = tpu.dynamic_gather %masked_sort3A_1244[%rev3A_1249] in [0] : vector<16xf32>, vector<16xi32> -> vector<16xf32>
    %rev3A_1251 = arith.constant 15 : i32
    %rev3A_1252 = vector.broadcast %rev3A_1251 : i32 to vector<16xi32>
    %rev3A_1253 = tpu.iota {dimensions = array<i32: 0>} : vector<16xi32>
    %rev3A_1254 = arith.subi %rev3A_1252, %rev3A_1253 : vector<16xi32>
    %rev3A_1255 = tpu.dynamic_gather %masked_sort3A_1245[%rev3A_1254] in [0] : vector<16xi32>, vector<16xi32> -> vector<16xi32>
    %le3A_1256 = arith.cmpf ole, %masked_sort3A_1232, %rev3A_1250 : vector<16xf32>
    %select_n3A_1257 = arith.select %le3A_1256, %masked_sort3A_1232, %rev3A_1250 : vector<16xi1>, vector<16xf32>
    %select_n3A_1258 = arith.select %le3A_1256, %masked_sort3A_1233, %rev3A_1255 : vector<16xi1>, vector<16xi32>
    %select_n3A_1259 = arith.select %le3A_1256, %rev3A_1250, %masked_sort3A_1232 : vector<16xi1>, vector<16xf32>
    %select_n3A_1260 = arith.select %le3A_1256, %rev3A_1255, %masked_sort3A_1233 : vector<16xi1>, vector<16xi32>
    %rev3A_1261 = arith.constant 15 : i32
    %rev3A_1262 = vector.broadcast %rev3A_1261 : i32 to vector<16xi32>
    %rev3A_1263 = tpu.iota {dimensions = array<i32: 0>} : vector<16xi32>
    %rev3A_1264 = arith.subi %rev3A_1262, %rev3A_1263 : vector<16xi32>
    %rev3A_1265 = tpu.dynamic_gather %masked_sort3A_1240[%rev3A_1264] in [0] : vector<16xf32>, vector<16xi32> -> vector<16xf32>
    %rev3A_1266 = arith.constant 15 : i32
    %rev3A_1267 = vector.broadcast %rev3A_1266 : i32 to vector<16xi32>
    %rev3A_1268 = tpu.iota {dimensions = array<i32: 0>} : vector<16xi32>
    %rev3A_1269 = arith.subi %rev3A_1267, %rev3A_1268 : vector<16xi32>
    %rev3A_1270 = tpu.dynamic_gather %masked_sort3A_1241[%rev3A_1269] in [0] : vector<16xi32>, vector<16xi32> -> vector<16xi32>
    %le3A_1271 = arith.cmpf ole, %masked_sort3A_1236, %rev3A_1265 : vector<16xf32>
    %select_n3A_1272 = arith.select %le3A_1271, %masked_sort3A_1236, %rev3A_1265 : vector<16xi1>, vector<16xf32>
    %select_n3A_1273 = arith.select %le3A_1271, %masked_sort3A_1237, %rev3A_1270 : vector<16xi1>, vector<16xi32>
    %select_n3A_1274 = arith.select %le3A_1271, %rev3A_1265, %masked_sort3A_1236 : vector<16xi1>, vector<16xf32>
    %select_n3A_1275 = arith.select %le3A_1271, %rev3A_1270, %masked_sort3A_1237 : vector<16xi1>, vector<16xi32>
    %le3A_1276 = arith.cmpf ole, %select_n3A_1257, %select_n3A_1272 : vector<16xf32>
    %select_n3A_1277 = arith.select %le3A_1276, %select_n3A_1257, %select_n3A_1272 : vector<16xi1>, vector<16xf32>
    %select_n3A_1278 = arith.select %le3A_1276, %select_n3A_1258, %select_n3A_1273 : vector<16xi1>, vector<16xi32>
    %select_n3A_1279 = arith.select %le3A_1276, %select_n3A_1272, %select_n3A_1257 : vector<16xi1>, vector<16xf32>
    %select_n3A_1280 = arith.select %le3A_1276, %select_n3A_1273, %select_n3A_1258 : vector<16xi1>, vector<16xi32>
    %masked_sort3A_1281 = arith.constant dense<true> : vector<16xi1>
    %masked_sort3A_1282, %masked_sort3A_1283, %masked_sort3A_1284 = tpu.sort %select_n3A_1277, %select_n3A_1278 masked %masked_sort3A_1281 : (vector<16xf32>, vector<16xi32>, vector<16xi1>) -> (vector<16xi1>, vector<16xf32>, vector<16xi32>)
    %masked_sort3A_1285 = arith.constant dense<true> : vector<16xi1>
    %masked_sort3A_1286, %masked_sort3A_1287, %masked_sort3A_1288 = tpu.sort %select_n3A_1279, %select_n3A_1280 masked %masked_sort3A_1285 : (vector<16xf32>, vector<16xi32>, vector<16xi1>) -> (vector<16xi1>, vector<16xf32>, vector<16xi32>)
    %le3A_1289 = arith.cmpf ole, %select_n3A_1259, %select_n3A_1274 : vector<16xf32>
    %select_n3A_1290 = arith.select %le3A_1289, %select_n3A_1259, %select_n3A_1274 : vector<16xi1>, vector<16xf32>
    %select_n3A_1291 = arith.select %le3A_1289, %select_n3A_1260, %select_n3A_1275 : vector<16xi1>, vector<16xi32>
    %select_n3A_1292 = arith.select %le3A_1289, %select_n3A_1274, %select_n3A_1259 : vector<16xi1>, vector<16xf32>
    %select_n3A_1293 = arith.select %le3A_1289, %select_n3A_1275, %select_n3A_1260 : vector<16xi1>, vector<16xi32>
    %masked_sort3A_1294 = arith.constant dense<true> : vector<16xi1>
    %masked_sort3A_1295, %masked_sort3A_1296, %masked_sort3A_1297 = tpu.sort %select_n3A_1290, %select_n3A_1291 masked %masked_sort3A_1294 : (vector<16xf32>, vector<16xi32>, vector<16xi1>) -> (vector<16xi1>, vector<16xf32>, vector<16xi32>)
    %masked_sort3A_1298 = arith.constant dense<true> : vector<16xi1>
    %masked_sort3A_1299, %masked_sort3A_1300, %masked_sort3A_1301 = tpu.sort %select_n3A_1292, %select_n3A_1293 masked %masked_sort3A_1298 : (vector<16xf32>, vector<16xi32>, vector<16xi1>) -> (vector<16xi1>, vector<16xf32>, vector<16xi32>)
    %broadcast_in_dim3A_1302 = arith.constant true
    %broadcast_in_dim3A_1303 = vector.broadcast %broadcast_in_dim3A_1302 : i1 to vector<16xi1>
    %masked_cumsum3A_1304 = tpu.scan <sum>, %masked_sort3A_1283 masked %broadcast_in_dim3A_1303 : vector<16xf32>, vector<16xi1> -> vector<16xf32>
    %add3A_1305 = arith.constant 0.000000e+00 : f32
    %add3A_1306 = vector.broadcast %add3A_1305 : f32 to vector<16xf32>
    %add3A_1307 = arith.addf %masked_cumsum3A_1304, %add3A_1306 : vector<16xf32>
    %reduce_sum3A_1308 = arith.constant true
    %reduce_sum3A_1309 = vector.broadcast %reduce_sum3A_1308 : i1 to vector<16xi1>
    %reduce_sum3A_1310 = tpu.scan <sum>, %masked_sort3A_1283 masked %reduce_sum3A_1309 : vector<16xf32>, vector<16xi1> -> vector<16xf32>
    %reduce_sum3A_1311 = vector.extract %reduce_sum3A_1310[15] : f32 from vector<16xf32>
    %add3A_1312 = arith.constant 0.000000e+00 : f32
    %add3A_1313 = arith.addf %add3A_1312, %reduce_sum3A_1311 : f32
    %ge3A_1314 = arith.constant 1.000000e-01 : f32
    %ge3A_1315 = vector.broadcast %ge3A_1314 : f32 to vector<16xf32>
    %ge3A_1316 = arith.cmpf oge, %add3A_1307, %ge3A_1315 : vector<16xf32>
    %jit3A_1317 = arith.constant 0.000000e+00 : f32
    %jit3A_1318 = arith.constant -1.000000e+30 : f32
    %broadcast_in_dim3A_1319 = vector.broadcast %jit3A_1317 : f32 to vector<16xf32>
    %broadcast_in_dim3A_1320 = vector.broadcast %jit3A_1318 : f32 to vector<16xf32>
    %select_n3A_1321 = arith.select %ge3A_1316, %broadcast_in_dim3A_1319, %broadcast_in_dim3A_1320 : vector<16xi1>, vector<16xf32>
    %broadcast_in_dim3A_1322 = arith.constant 5 : i32
    %broadcast_in_dim3A_1323 = vector.broadcast %broadcast_in_dim3A_1322 : i32 to vector<16xi32>
    tpu.vector_store_idx %arg5[%broadcast_in_dim3A_1323, %masked_sort3A_1284], %select_n3A_1321 : memref<16x64xf32, #tpu.memory_space<vmem>>[vector<16xi32>, vector<16xi32>], vector<16xf32>,
    %broadcast_in_dim3A_1324 = arith.constant true
    %broadcast_in_dim3A_1325 = vector.broadcast %broadcast_in_dim3A_1324 : i1 to vector<16xi1>
    %masked_cumsum3A_1326 = tpu.scan <sum>, %masked_sort3A_1287 masked %broadcast_in_dim3A_1325 : vector<16xf32>, vector<16xi1> -> vector<16xf32>
    %add3A_1327 = vector.broadcast %add3A_1313 : f32 to vector<16xf32>
    %add3A_1328 = arith.addf %masked_cumsum3A_1326, %add3A_1327 : vector<16xf32>
    %reduce_sum3A_1329 = arith.constant true
    %reduce_sum3A_1330 = vector.broadcast %reduce_sum3A_1329 : i1 to vector<16xi1>
    %reduce_sum3A_1331 = tpu.scan <sum>, %masked_sort3A_1287 masked %reduce_sum3A_1330 : vector<16xf32>, vector<16xi1> -> vector<16xf32>
    %reduce_sum3A_1332 = vector.extract %reduce_sum3A_1331[15] : f32 from vector<16xf32>
    %add3A_1333 = arith.addf %add3A_1313, %reduce_sum3A_1332 : f32
    %ge3A_1334 = arith.constant 1.000000e-01 : f32
    %ge3A_1335 = vector.broadcast %ge3A_1334 : f32 to vector<16xf32>
    %ge3A_1336 = arith.cmpf oge, %add3A_1328, %ge3A_1335 : vector<16xf32>
    %jit3A_1337 = arith.constant 0.000000e+00 : f32
    %jit3A_1338 = arith.constant -1.000000e+30 : f32
    %broadcast_in_dim3A_1339 = vector.broadcast %jit3A_1337 : f32 to vector<16xf32>
    %broadcast_in_dim3A_1340 = vector.broadcast %jit3A_1338 : f32 to vector<16xf32>
    %select_n3A_1341 = arith.select %ge3A_1336, %broadcast_in_dim3A_1339, %broadcast_in_dim3A_1340 : vector<16xi1>, vector<16xf32>
    %broadcast_in_dim3A_1342 = arith.constant 5 : i32
    %broadcast_in_dim3A_1343 = vector.broadcast %broadcast_in_dim3A_1342 : i32 to vector<16xi32>
    tpu.vector_store_idx %arg5[%broadcast_in_dim3A_1343, %masked_sort3A_1288], %select_n3A_1341 : memref<16x64xf32, #tpu.memory_space<vmem>>[vector<16xi32>, vector<16xi32>], vector<16xf32>,
    %broadcast_in_dim3A_1344 = arith.constant true
    %broadcast_in_dim3A_1345 = vector.broadcast %broadcast_in_dim3A_1344 : i1 to vector<16xi1>
    %masked_cumsum3A_1346 = tpu.scan <sum>, %masked_sort3A_1296 masked %broadcast_in_dim3A_1345 : vector<16xf32>, vector<16xi1> -> vector<16xf32>
    %add3A_1347 = vector.broadcast %add3A_1333 : f32 to vector<16xf32>
    %add3A_1348 = arith.addf %masked_cumsum3A_1346, %add3A_1347 : vector<16xf32>
    %reduce_sum3A_1349 = arith.constant true
    %reduce_sum3A_1350 = vector.broadcast %reduce_sum3A_1349 : i1 to vector<16xi1>
    %reduce_sum3A_1351 = tpu.scan <sum>, %masked_sort3A_1296 masked %reduce_sum3A_1350 : vector<16xf32>, vector<16xi1> -> vector<16xf32>
    %reduce_sum3A_1352 = vector.extract %reduce_sum3A_1351[15] : f32 from vector<16xf32>
    %add3A_1353 = arith.addf %add3A_1333, %reduce_sum3A_1352 : f32
    %ge3A_1354 = arith.constant 1.000000e-01 : f32
    %ge3A_1355 = vector.broadcast %ge3A_1354 : f32 to vector<16xf32>
    %ge3A_1356 = arith.cmpf oge, %add3A_1348, %ge3A_1355 : vector<16xf32>
    %jit3A_1357 = arith.constant 0.000000e+00 : f32
    %jit3A_1358 = arith.constant -1.000000e+30 : f32
    %broadcast_in_dim3A_1359 = vector.broadcast %jit3A_1357 : f32 to vector<16xf32>
    %broadcast_in_dim3A_1360 = vector.broadcast %jit3A_1358 : f32 to vector<16xf32>
    %select_n3A_1361 = arith.select %ge3A_1356, %broadcast_in_dim3A_1359, %broadcast_in_dim3A_1360 : vector<16xi1>, vector<16xf32>
    %broadcast_in_dim3A_1362 = arith.constant 5 : i32
    %broadcast_in_dim3A_1363 = vector.broadcast %broadcast_in_dim3A_1362 : i32 to vector<16xi32>
    tpu.vector_store_idx %arg5[%broadcast_in_dim3A_1363, %masked_sort3A_1297], %select_n3A_1361 : memref<16x64xf32, #tpu.memory_space<vmem>>[vector<16xi32>, vector<16xi32>], vector<16xf32>,
    %broadcast_in_dim3A_1364 = arith.constant true
    %broadcast_in_dim3A_1365 = vector.broadcast %broadcast_in_dim3A_1364 : i1 to vector<16xi1>
    %masked_cumsum3A_1366 = tpu.scan <sum>, %masked_sort3A_1300 masked %broadcast_in_dim3A_1365 : vector<16xf32>, vector<16xi1> -> vector<16xf32>
    %add3A_1367 = vector.broadcast %add3A_1353 : f32 to vector<16xf32>
    %add3A_1368 = arith.addf %masked_cumsum3A_1366, %add3A_1367 : vector<16xf32>
    %reduce_sum3A_1369 = arith.constant true
    %reduce_sum3A_1370 = vector.broadcast %reduce_sum3A_1369 : i1 to vector<16xi1>
    %reduce_sum3A_1371 = tpu.scan <sum>, %masked_sort3A_1300 masked %reduce_sum3A_1370 : vector<16xf32>, vector<16xi1> -> vector<16xf32>
    %reduce_sum3A_1372 = vector.extract %reduce_sum3A_1371[15] : f32 from vector<16xf32>
    %add3A_1373 = arith.addf %add3A_1353, %reduce_sum3A_1372 : f32
    %ge3A_1374 = arith.constant 1.000000e-01 : f32
    %ge3A_1375 = vector.broadcast %ge3A_1374 : f32 to vector<16xf32>
    %ge3A_1376 = arith.cmpf oge, %add3A_1368, %ge3A_1375 : vector<16xf32>
    %jit3A_1377 = arith.constant 0.000000e+00 : f32
    %jit3A_1378 = arith.constant -1.000000e+30 : f32
    %broadcast_in_dim3A_1379 = vector.broadcast %jit3A_1377 : f32 to vector<16xf32>
    %broadcast_in_dim3A_1380 = vector.broadcast %jit3A_1378 : f32 to vector<16xf32>
    %select_n3A_1381 = arith.select %ge3A_1376, %broadcast_in_dim3A_1379, %broadcast_in_dim3A_1380 : vector<16xi1>, vector<16xf32>
    %broadcast_in_dim3A_1382 = arith.constant 5 : i32
    %broadcast_in_dim3A_1383 = vector.broadcast %broadcast_in_dim3A_1382 : i32 to vector<16xi32>
    tpu.vector_store_idx %arg5[%broadcast_in_dim3A_1383, %masked_sort3A_1301], %select_n3A_1381 : memref<16x64xf32, #tpu.memory_space<vmem>>[vector<16xi32>, vector<16xi32>], vector<16xf32>,
    %get3A_1384 = arith.constant 6 : i32
    %get3A_1385 = arith.index_cast %get3A_1384 : i32 to index
    %get3A_1386 = arith.constant 0 : index
    %get3A_1387 = tpu.vector_load %arg4[%get3A_1385, %get3A_1386] {strides = array<i32>} : memref<16x64xf32, #tpu.memory_space<vmem>>, vector<16xf32>,
    %iota3A_1388 = tpu.iota {dimensions = array<i32: 0>} : vector<16xi32>
    %add3A_1389 = arith.constant 0 : i32
    %add3A_1390 = vector.broadcast %add3A_1389 : i32 to vector<16xi32>
    %add3A_1391 = arith.addi %iota3A_1388, %add3A_1390 : vector<16xi32>
    %get3A_1392 = arith.constant 6 : i32
    %get3A_1393 = arith.index_cast %get3A_1392 : i32 to index
    %get3A_1394 = arith.constant 16 : index
    %get3A_1395 = tpu.vector_load %arg4[%get3A_1393, %get3A_1394] {strides = array<i32>} : memref<16x64xf32, #tpu.memory_space<vmem>>, vector<16xf32>,
    %iota3A_1396 = tpu.iota {dimensions = array<i32: 0>} : vector<16xi32>
    %add3A_1397 = arith.constant 16 : i32
    %add3A_1398 = vector.broadcast %add3A_1397 : i32 to vector<16xi32>
    %add3A_1399 = arith.addi %iota3A_1396, %add3A_1398 : vector<16xi32>
    %get3A_1400 = arith.constant 6 : i32
    %get3A_1401 = arith.index_cast %get3A_1400 : i32 to index
    %get3A_1402 = arith.constant 32 : index
    %get3A_1403 = tpu.vector_load %arg4[%get3A_1401, %get3A_1402] {strides = array<i32>} : memref<16x64xf32, #tpu.memory_space<vmem>>, vector<16xf32>,
    %iota3A_1404 = tpu.iota {dimensions = array<i32: 0>} : vector<16xi32>
    %add3A_1405 = arith.constant 32 : i32
    %add3A_1406 = vector.broadcast %add3A_1405 : i32 to vector<16xi32>
    %add3A_1407 = arith.addi %iota3A_1404, %add3A_1406 : vector<16xi32>
    %get3A_1408 = arith.constant 6 : i32
    %get3A_1409 = arith.index_cast %get3A_1408 : i32 to index
    %get3A_1410 = arith.constant 48 : index
    %get3A_1411 = tpu.vector_load %arg4[%get3A_1409, %get3A_1410] {strides = array<i32>} : memref<16x64xf32, #tpu.memory_space<vmem>>, vector<16xf32>,
    %iota3A_1412 = tpu.iota {dimensions = array<i32: 0>} : vector<16xi32>
    %add3A_1413 = arith.constant 48 : i32
    %add3A_1414 = vector.broadcast %add3A_1413 : i32 to vector<16xi32>
    %add3A_1415 = arith.addi %iota3A_1412, %add3A_1414 : vector<16xi32>
    %masked_sort3A_1416 = arith.constant dense<true> : vector<16xi1>
    %masked_sort3A_1417, %masked_sort3A_1418, %masked_sort3A_1419 = tpu.sort %get3A_1387, %add3A_1391 masked %masked_sort3A_1416 : (vector<16xf32>, vector<16xi32>, vector<16xi1>) -> (vector<16xi1>, vector<16xf32>, vector<16xi32>)
    %masked_sort3A_1420 = arith.constant dense<true> : vector<16xi1>
    %masked_sort3A_1421, %masked_sort3A_1422, %masked_sort3A_1423 = tpu.sort %get3A_1395, %add3A_1399 masked %masked_sort3A_1420 : (vector<16xf32>, vector<16xi32>, vector<16xi1>) -> (vector<16xi1>, vector<16xf32>, vector<16xi32>)
    %masked_sort3A_1424 = arith.constant dense<true> : vector<16xi1>
    %masked_sort3A_1425, %masked_sort3A_1426, %masked_sort3A_1427 = tpu.sort %get3A_1403, %add3A_1407 masked %masked_sort3A_1424 : (vector<16xf32>, vector<16xi32>, vector<16xi1>) -> (vector<16xi1>, vector<16xf32>, vector<16xi32>)
    %masked_sort3A_1428 = arith.constant dense<true> : vector<16xi1>
    %masked_sort3A_1429, %masked_sort3A_1430, %masked_sort3A_1431 = tpu.sort %get3A_1411, %add3A_1415 masked %masked_sort3A_1428 : (vector<16xf32>, vector<16xi32>, vector<16xi1>) -> (vector<16xi1>, vector<16xf32>, vector<16xi32>)
    %rev3A_1432 = arith.constant 15 : i32
    %rev3A_1433 = vector.broadcast %rev3A_1432 : i32 to vector<16xi32>
    %rev3A_1434 = tpu.iota {dimensions = array<i32: 0>} : vector<16xi32>
    %rev3A_1435 = arith.subi %rev3A_1433, %rev3A_1434 : vector<16xi32>
    %rev3A_1436 = tpu.dynamic_gather %masked_sort3A_1422[%rev3A_1435] in [0] : vector<16xf32>, vector<16xi32> -> vector<16xf32>
    %rev3A_1437 = arith.constant 15 : i32
    %rev3A_1438 = vector.broadcast %rev3A_1437 : i32 to vector<16xi32>
    %rev3A_1439 = tpu.iota {dimensions = array<i32: 0>} : vector<16xi32>
    %rev3A_1440 = arith.subi %rev3A_1438, %rev3A_1439 : vector<16xi32>
    %rev3A_1441 = tpu.dynamic_gather %masked_sort3A_1423[%rev3A_1440] in [0] : vector<16xi32>, vector<16xi32> -> vector<16xi32>
    %le3A_1442 = arith.cmpf ole, %masked_sort3A_1418, %rev3A_1436 : vector<16xf32>
    %select_n3A_1443 = arith.select %le3A_1442, %masked_sort3A_1418, %rev3A_1436 : vector<16xi1>, vector<16xf32>
    %select_n3A_1444 = arith.select %le3A_1442, %masked_sort3A_1419, %rev3A_1441 : vector<16xi1>, vector<16xi32>
    %select_n3A_1445 = arith.select %le3A_1442, %rev3A_1436, %masked_sort3A_1418 : vector<16xi1>, vector<16xf32>
    %select_n3A_1446 = arith.select %le3A_1442, %rev3A_1441, %masked_sort3A_1419 : vector<16xi1>, vector<16xi32>
    %rev3A_1447 = arith.constant 15 : i32
    %rev3A_1448 = vector.broadcast %rev3A_1447 : i32 to vector<16xi32>
    %rev3A_1449 = tpu.iota {dimensions = array<i32: 0>} : vector<16xi32>
    %rev3A_1450 = arith.subi %rev3A_1448, %rev3A_1449 : vector<16xi32>
    %rev3A_1451 = tpu.dynamic_gather %masked_sort3A_1430[%rev3A_1450] in [0] : vector<16xf32>, vector<16xi32> -> vector<16xf32>
    %rev3A_1452 = arith.constant 15 : i32
    %rev3A_1453 = vector.broadcast %rev3A_1452 : i32 to vector<16xi32>
    %rev3A_1454 = tpu.iota {dimensions = array<i32: 0>} : vector<16xi32>
    %rev3A_1455 = arith.subi %rev3A_1453, %rev3A_1454 : vector<16xi32>
    %rev3A_1456 = tpu.dynamic_gather %masked_sort3A_1431[%rev3A_1455] in [0] : vector<16xi32>, vector<16xi32> -> vector<16xi32>
    %le3A_1457 = arith.cmpf ole, %masked_sort3A_1426, %rev3A_1451 : vector<16xf32>
    %select_n3A_1458 = arith.select %le3A_1457, %masked_sort3A_1426, %rev3A_1451 : vector<16xi1>, vector<16xf32>
    %select_n3A_1459 = arith.select %le3A_1457, %masked_sort3A_1427, %rev3A_1456 : vector<16xi1>, vector<16xi32>
    %select_n3A_1460 = arith.select %le3A_1457, %rev3A_1451, %masked_sort3A_1426 : vector<16xi1>, vector<16xf32>
    %select_n3A_1461 = arith.select %le3A_1457, %rev3A_1456, %masked_sort3A_1427 : vector<16xi1>, vector<16xi32>
    %masked_sort3A_1462 = arith.constant dense<true> : vector<16xi1>
    %masked_sort3A_1463, %masked_sort3A_1464, %masked_sort3A_1465 = tpu.sort %select_n3A_1443, %select_n3A_1444 masked %masked_sort3A_1462 : (vector<16xf32>, vector<16xi32>, vector<16xi1>) -> (vector<16xi1>, vector<16xf32>, vector<16xi32>)
    %masked_sort3A_1466 = arith.constant dense<true> : vector<16xi1>
    %masked_sort3A_1467, %masked_sort3A_1468, %masked_sort3A_1469 = tpu.sort %select_n3A_1445, %select_n3A_1446 masked %masked_sort3A_1466 : (vector<16xf32>, vector<16xi32>, vector<16xi1>) -> (vector<16xi1>, vector<16xf32>, vector<16xi32>)
    %masked_sort3A_1470 = arith.constant dense<true> : vector<16xi1>
    %masked_sort3A_1471, %masked_sort3A_1472, %masked_sort3A_1473 = tpu.sort %select_n3A_1458, %select_n3A_1459 masked %masked_sort3A_1470 : (vector<16xf32>, vector<16xi32>, vector<16xi1>) -> (vector<16xi1>, vector<16xf32>, vector<16xi32>)
    %masked_sort3A_1474 = arith.constant dense<true> : vector<16xi1>
    %masked_sort3A_1475, %masked_sort3A_1476, %masked_sort3A_1477 = tpu.sort %select_n3A_1460, %select_n3A_1461 masked %masked_sort3A_1474 : (vector<16xf32>, vector<16xi32>, vector<16xi1>) -> (vector<16xi1>, vector<16xf32>, vector<16xi32>)
    %rev3A_1478 = arith.constant 15 : i32
    %rev3A_1479 = vector.broadcast %rev3A_1478 : i32 to vector<16xi32>
    %rev3A_1480 = tpu.iota {dimensions = array<i32: 0>} : vector<16xi32>
    %rev3A_1481 = arith.subi %rev3A_1479, %rev3A_1480 : vector<16xi32>
    %rev3A_1482 = tpu.dynamic_gather %masked_sort3A_1476[%rev3A_1481] in [0] : vector<16xf32>, vector<16xi32> -> vector<16xf32>
    %rev3A_1483 = arith.constant 15 : i32
    %rev3A_1484 = vector.broadcast %rev3A_1483 : i32 to vector<16xi32>
    %rev3A_1485 = tpu.iota {dimensions = array<i32: 0>} : vector<16xi32>
    %rev3A_1486 = arith.subi %rev3A_1484, %rev3A_1485 : vector<16xi32>
    %rev3A_1487 = tpu.dynamic_gather %masked_sort3A_1477[%rev3A_1486] in [0] : vector<16xi32>, vector<16xi32> -> vector<16xi32>
    %le3A_1488 = arith.cmpf ole, %masked_sort3A_1464, %rev3A_1482 : vector<16xf32>
    %select_n3A_1489 = arith.select %le3A_1488, %masked_sort3A_1464, %rev3A_1482 : vector<16xi1>, vector<16xf32>
    %select_n3A_1490 = arith.select %le3A_1488, %masked_sort3A_1465, %rev3A_1487 : vector<16xi1>, vector<16xi32>
    %select_n3A_1491 = arith.select %le3A_1488, %rev3A_1482, %masked_sort3A_1464 : vector<16xi1>, vector<16xf32>
    %select_n3A_1492 = arith.select %le3A_1488, %rev3A_1487, %masked_sort3A_1465 : vector<16xi1>, vector<16xi32>
    %rev3A_1493 = arith.constant 15 : i32
    %rev3A_1494 = vector.broadcast %rev3A_1493 : i32 to vector<16xi32>
    %rev3A_1495 = tpu.iota {dimensions = array<i32: 0>} : vector<16xi32>
    %rev3A_1496 = arith.subi %rev3A_1494, %rev3A_1495 : vector<16xi32>
    %rev3A_1497 = tpu.dynamic_gather %masked_sort3A_1472[%rev3A_1496] in [0] : vector<16xf32>, vector<16xi32> -> vector<16xf32>
    %rev3A_1498 = arith.constant 15 : i32
    %rev3A_1499 = vector.broadcast %rev3A_1498 : i32 to vector<16xi32>
    %rev3A_1500 = tpu.iota {dimensions = array<i32: 0>} : vector<16xi32>
    %rev3A_1501 = arith.subi %rev3A_1499, %rev3A_1500 : vector<16xi32>
    %rev3A_1502 = tpu.dynamic_gather %masked_sort3A_1473[%rev3A_1501] in [0] : vector<16xi32>, vector<16xi32> -> vector<16xi32>
    %le3A_1503 = arith.cmpf ole, %masked_sort3A_1468, %rev3A_1497 : vector<16xf32>
    %select_n3A_1504 = arith.select %le3A_1503, %masked_sort3A_1468, %rev3A_1497 : vector<16xi1>, vector<16xf32>
    %select_n3A_1505 = arith.select %le3A_1503, %masked_sort3A_1469, %rev3A_1502 : vector<16xi1>, vector<16xi32>
    %select_n3A_1506 = arith.select %le3A_1503, %rev3A_1497, %masked_sort3A_1468 : vector<16xi1>, vector<16xf32>
    %select_n3A_1507 = arith.select %le3A_1503, %rev3A_1502, %masked_sort3A_1469 : vector<16xi1>, vector<16xi32>
    %le3A_1508 = arith.cmpf ole, %select_n3A_1489, %select_n3A_1504 : vector<16xf32>
    %select_n3A_1509 = arith.select %le3A_1508, %select_n3A_1489, %select_n3A_1504 : vector<16xi1>, vector<16xf32>
    %select_n3A_1510 = arith.select %le3A_1508, %select_n3A_1490, %select_n3A_1505 : vector<16xi1>, vector<16xi32>
    %select_n3A_1511 = arith.select %le3A_1508, %select_n3A_1504, %select_n3A_1489 : vector<16xi1>, vector<16xf32>
    %select_n3A_1512 = arith.select %le3A_1508, %select_n3A_1505, %select_n3A_1490 : vector<16xi1>, vector<16xi32>
    %masked_sort3A_1513 = arith.constant dense<true> : vector<16xi1>
    %masked_sort3A_1514, %masked_sort3A_1515, %masked_sort3A_1516 = tpu.sort %select_n3A_1509, %select_n3A_1510 masked %masked_sort3A_1513 : (vector<16xf32>, vector<16xi32>, vector<16xi1>) -> (vector<16xi1>, vector<16xf32>, vector<16xi32>)
    %masked_sort3A_1517 = arith.constant dense<true> : vector<16xi1>
    %masked_sort3A_1518, %masked_sort3A_1519, %masked_sort3A_1520 = tpu.sort %select_n3A_1511, %select_n3A_1512 masked %masked_sort3A_1517 : (vector<16xf32>, vector<16xi32>, vector<16xi1>) -> (vector<16xi1>, vector<16xf32>, vector<16xi32>)
    %le3A_1521 = arith.cmpf ole, %select_n3A_1491, %select_n3A_1506 : vector<16xf32>
    %select_n3A_1522 = arith.select %le3A_1521, %select_n3A_1491, %select_n3A_1506 : vector<16xi1>, vector<16xf32>
    %select_n3A_1523 = arith.select %le3A_1521, %select_n3A_1492, %select_n3A_1507 : vector<16xi1>, vector<16xi32>
    %select_n3A_1524 = arith.select %le3A_1521, %select_n3A_1506, %select_n3A_1491 : vector<16xi1>, vector<16xf32>
    %select_n3A_1525 = arith.select %le3A_1521, %select_n3A_1507, %select_n3A_1492 : vector<16xi1>, vector<16xi32>
    %masked_sort3A_1526 = arith.constant dense<true> : vector<16xi1>
    %masked_sort3A_1527, %masked_sort3A_1528, %masked_sort3A_1529 = tpu.sort %select_n3A_1522, %select_n3A_1523 masked %masked_sort3A_1526 : (vector<16xf32>, vector<16xi32>, vector<16xi1>) -> (vector<16xi1>, vector<16xf32>, vector<16xi32>)
    %masked_sort3A_1530 = arith.constant dense<true> : vector<16xi1>
    %masked_sort3A_1531, %masked_sort3A_1532, %masked_sort3A_1533 = tpu.sort %select_n3A_1524, %select_n3A_1525 masked %masked_sort3A_1530 : (vector<16xf32>, vector<16xi32>, vector<16xi1>) -> (vector<16xi1>, vector<16xf32>, vector<16xi32>)
    %broadcast_in_dim3A_1534 = arith.constant true
    %broadcast_in_dim3A_1535 = vector.broadcast %broadcast_in_dim3A_1534 : i1 to vector<16xi1>
    %masked_cumsum3A_1536 = tpu.scan <sum>, %masked_sort3A_1515 masked %broadcast_in_dim3A_1535 : vector<16xf32>, vector<16xi1> -> vector<16xf32>
    %add3A_1537 = arith.constant 0.000000e+00 : f32
    %add3A_1538 = vector.broadcast %add3A_1537 : f32 to vector<16xf32>
    %add3A_1539 = arith.addf %masked_cumsum3A_1536, %add3A_1538 : vector<16xf32>
    %reduce_sum3A_1540 = arith.constant true
    %reduce_sum3A_1541 = vector.broadcast %reduce_sum3A_1540 : i1 to vector<16xi1>
    %reduce_sum3A_1542 = tpu.scan <sum>, %masked_sort3A_1515 masked %reduce_sum3A_1541 : vector<16xf32>, vector<16xi1> -> vector<16xf32>
    %reduce_sum3A_1543 = vector.extract %reduce_sum3A_1542[15] : f32 from vector<16xf32>
    %add3A_1544 = arith.constant 0.000000e+00 : f32
    %add3A_1545 = arith.addf %add3A_1544, %reduce_sum3A_1543 : f32
    %ge3A_1546 = arith.constant 1.000000e-01 : f32
    %ge3A_1547 = vector.broadcast %ge3A_1546 : f32 to vector<16xf32>
    %ge3A_1548 = arith.cmpf oge, %add3A_1539, %ge3A_1547 : vector<16xf32>
    %jit3A_1549 = arith.constant 0.000000e+00 : f32
    %jit3A_1550 = arith.constant -1.000000e+30 : f32
    %broadcast_in_dim3A_1551 = vector.broadcast %jit3A_1549 : f32 to vector<16xf32>
    %broadcast_in_dim3A_1552 = vector.broadcast %jit3A_1550 : f32 to vector<16xf32>
    %select_n3A_1553 = arith.select %ge3A_1548, %broadcast_in_dim3A_1551, %broadcast_in_dim3A_1552 : vector<16xi1>, vector<16xf32>
    %broadcast_in_dim3A_1554 = arith.constant 6 : i32
    %broadcast_in_dim3A_1555 = vector.broadcast %broadcast_in_dim3A_1554 : i32 to vector<16xi32>
    tpu.vector_store_idx %arg5[%broadcast_in_dim3A_1555, %masked_sort3A_1516], %select_n3A_1553 : memref<16x64xf32, #tpu.memory_space<vmem>>[vector<16xi32>, vector<16xi32>], vector<16xf32>,
    %broadcast_in_dim3A_1556 = arith.constant true
    %broadcast_in_dim3A_1557 = vector.broadcast %broadcast_in_dim3A_1556 : i1 to vector<16xi1>
    %masked_cumsum3A_1558 = tpu.scan <sum>, %masked_sort3A_1519 masked %broadcast_in_dim3A_1557 : vector<16xf32>, vector<16xi1> -> vector<16xf32>
    %add3A_1559 = vector.broadcast %add3A_1545 : f32 to vector<16xf32>
    %add3A_1560 = arith.addf %masked_cumsum3A_1558, %add3A_1559 : vector<16xf32>
    %reduce_sum3A_1561 = arith.constant true
    %reduce_sum3A_1562 = vector.broadcast %reduce_sum3A_1561 : i1 to vector<16xi1>
    %reduce_sum3A_1563 = tpu.scan <sum>, %masked_sort3A_1519 masked %reduce_sum3A_1562 : vector<16xf32>, vector<16xi1> -> vector<16xf32>
    %reduce_sum3A_1564 = vector.extract %reduce_sum3A_1563[15] : f32 from vector<16xf32>
    %add3A_1565 = arith.addf %add3A_1545, %reduce_sum3A_1564 : f32
    %ge3A_1566 = arith.constant 1.000000e-01 : f32
    %ge3A_1567 = vector.broadcast %ge3A_1566 : f32 to vector<16xf32>
    %ge3A_1568 = arith.cmpf oge, %add3A_1560, %ge3A_1567 : vector<16xf32>
    %jit3A_1569 = arith.constant 0.000000e+00 : f32
    %jit3A_1570 = arith.constant -1.000000e+30 : f32
    %broadcast_in_dim3A_1571 = vector.broadcast %jit3A_1569 : f32 to vector<16xf32>
    %broadcast_in_dim3A_1572 = vector.broadcast %jit3A_1570 : f32 to vector<16xf32>
    %select_n3A_1573 = arith.select %ge3A_1568, %broadcast_in_dim3A_1571, %broadcast_in_dim3A_1572 : vector<16xi1>, vector<16xf32>
    %broadcast_in_dim3A_1574 = arith.constant 6 : i32
    %broadcast_in_dim3A_1575 = vector.broadcast %broadcast_in_dim3A_1574 : i32 to vector<16xi32>
    tpu.vector_store_idx %arg5[%broadcast_in_dim3A_1575, %masked_sort3A_1520], %select_n3A_1573 : memref<16x64xf32, #tpu.memory_space<vmem>>[vector<16xi32>, vector<16xi32>], vector<16xf32>,
    %broadcast_in_dim3A_1576 = arith.constant true
    %broadcast_in_dim3A_1577 = vector.broadcast %broadcast_in_dim3A_1576 : i1 to vector<16xi1>
    %masked_cumsum3A_1578 = tpu.scan <sum>, %masked_sort3A_1528 masked %broadcast_in_dim3A_1577 : vector<16xf32>, vector<16xi1> -> vector<16xf32>
    %add3A_1579 = vector.broadcast %add3A_1565 : f32 to vector<16xf32>
    %add3A_1580 = arith.addf %masked_cumsum3A_1578, %add3A_1579 : vector<16xf32>
    %reduce_sum3A_1581 = arith.constant true
    %reduce_sum3A_1582 = vector.broadcast %reduce_sum3A_1581 : i1 to vector<16xi1>
    %reduce_sum3A_1583 = tpu.scan <sum>, %masked_sort3A_1528 masked %reduce_sum3A_1582 : vector<16xf32>, vector<16xi1> -> vector<16xf32>
    %reduce_sum3A_1584 = vector.extract %reduce_sum3A_1583[15] : f32 from vector<16xf32>
    %add3A_1585 = arith.addf %add3A_1565, %reduce_sum3A_1584 : f32
    %ge3A_1586 = arith.constant 1.000000e-01 : f32
    %ge3A_1587 = vector.broadcast %ge3A_1586 : f32 to vector<16xf32>
    %ge3A_1588 = arith.cmpf oge, %add3A_1580, %ge3A_1587 : vector<16xf32>
    %jit3A_1589 = arith.constant 0.000000e+00 : f32
    %jit3A_1590 = arith.constant -1.000000e+30 : f32
    %broadcast_in_dim3A_1591 = vector.broadcast %jit3A_1589 : f32 to vector<16xf32>
    %broadcast_in_dim3A_1592 = vector.broadcast %jit3A_1590 : f32 to vector<16xf32>
    %select_n3A_1593 = arith.select %ge3A_1588, %broadcast_in_dim3A_1591, %broadcast_in_dim3A_1592 : vector<16xi1>, vector<16xf32>
    %broadcast_in_dim3A_1594 = arith.constant 6 : i32
    %broadcast_in_dim3A_1595 = vector.broadcast %broadcast_in_dim3A_1594 : i32 to vector<16xi32>
    tpu.vector_store_idx %arg5[%broadcast_in_dim3A_1595, %masked_sort3A_1529], %select_n3A_1593 : memref<16x64xf32, #tpu.memory_space<vmem>>[vector<16xi32>, vector<16xi32>], vector<16xf32>,
    %broadcast_in_dim3A_1596 = arith.constant true
    %broadcast_in_dim3A_1597 = vector.broadcast %broadcast_in_dim3A_1596 : i1 to vector<16xi1>
    %masked_cumsum3A_1598 = tpu.scan <sum>, %masked_sort3A_1532 masked %broadcast_in_dim3A_1597 : vector<16xf32>, vector<16xi1> -> vector<16xf32>
    %add3A_1599 = vector.broadcast %add3A_1585 : f32 to vector<16xf32>
    %add3A_1600 = arith.addf %masked_cumsum3A_1598, %add3A_1599 : vector<16xf32>
    %reduce_sum3A_1601 = arith.constant true
    %reduce_sum3A_1602 = vector.broadcast %reduce_sum3A_1601 : i1 to vector<16xi1>
    %reduce_sum3A_1603 = tpu.scan <sum>, %masked_sort3A_1532 masked %reduce_sum3A_1602 : vector<16xf32>, vector<16xi1> -> vector<16xf32>
    %reduce_sum3A_1604 = vector.extract %reduce_sum3A_1603[15] : f32 from vector<16xf32>
    %add3A_1605 = arith.addf %add3A_1585, %reduce_sum3A_1604 : f32
    %ge3A_1606 = arith.constant 1.000000e-01 : f32
    %ge3A_1607 = vector.broadcast %ge3A_1606 : f32 to vector<16xf32>
    %ge3A_1608 = arith.cmpf oge, %add3A_1600, %ge3A_1607 : vector<16xf32>
    %jit3A_1609 = arith.constant 0.000000e+00 : f32
    %jit3A_1610 = arith.constant -1.000000e+30 : f32
    %broadcast_in_dim3A_1611 = vector.broadcast %jit3A_1609 : f32 to vector<16xf32>
    %broadcast_in_dim3A_1612 = vector.broadcast %jit3A_1610 : f32 to vector<16xf32>
    %select_n3A_1613 = arith.select %ge3A_1608, %broadcast_in_dim3A_1611, %broadcast_in_dim3A_1612 : vector<16xi1>, vector<16xf32>
    %broadcast_in_dim3A_1614 = arith.constant 6 : i32
    %broadcast_in_dim3A_1615 = vector.broadcast %broadcast_in_dim3A_1614 : i32 to vector<16xi32>
    tpu.vector_store_idx %arg5[%broadcast_in_dim3A_1615, %masked_sort3A_1533], %select_n3A_1613 : memref<16x64xf32, #tpu.memory_space<vmem>>[vector<16xi32>, vector<16xi32>], vector<16xf32>,
    %get3A_1616 = arith.constant 7 : i32
    %get3A_1617 = arith.index_cast %get3A_1616 : i32 to index
    %get3A_1618 = arith.constant 0 : index
    %get3A_1619 = tpu.vector_load %arg4[%get3A_1617, %get3A_1618] {strides = array<i32>} : memref<16x64xf32, #tpu.memory_space<vmem>>, vector<16xf32>,
    %iota3A_1620 = tpu.iota {dimensions = array<i32: 0>} : vector<16xi32>
    %add3A_1621 = arith.constant 0 : i32
    %add3A_1622 = vector.broadcast %add3A_1621 : i32 to vector<16xi32>
    %add3A_1623 = arith.addi %iota3A_1620, %add3A_1622 : vector<16xi32>
    %get3A_1624 = arith.constant 7 : i32
    %get3A_1625 = arith.index_cast %get3A_1624 : i32 to index
    %get3A_1626 = arith.constant 16 : index
    %get3A_1627 = tpu.vector_load %arg4[%get3A_1625, %get3A_1626] {strides = array<i32>} : memref<16x64xf32, #tpu.memory_space<vmem>>, vector<16xf32>,
    %iota3A_1628 = tpu.iota {dimensions = array<i32: 0>} : vector<16xi32>
    %add3A_1629 = arith.constant 16 : i32
    %add3A_1630 = vector.broadcast %add3A_1629 : i32 to vector<16xi32>
    %add3A_1631 = arith.addi %iota3A_1628, %add3A_1630 : vector<16xi32>
    %get3A_1632 = arith.constant 7 : i32
    %get3A_1633 = arith.index_cast %get3A_1632 : i32 to index
    %get3A_1634 = arith.constant 32 : index
    %get3A_1635 = tpu.vector_load %arg4[%get3A_1633, %get3A_1634] {strides = array<i32>} : memref<16x64xf32, #tpu.memory_space<vmem>>, vector<16xf32>,
    %iota3A_1636 = tpu.iota {dimensions = array<i32: 0>} : vector<16xi32>
    %add3A_1637 = arith.constant 32 : i32
    %add3A_1638 = vector.broadcast %add3A_1637 : i32 to vector<16xi32>
    %add3A_1639 = arith.addi %iota3A_1636, %add3A_1638 : vector<16xi32>
    %get3A_1640 = arith.constant 7 : i32
    %get3A_1641 = arith.index_cast %get3A_1640 : i32 to index
    %get3A_1642 = arith.constant 48 : index
    %get3A_1643 = tpu.vector_load %arg4[%get3A_1641, %get3A_1642] {strides = array<i32>} : memref<16x64xf32, #tpu.memory_space<vmem>>, vector<16xf32>,
    %iota3A_1644 = tpu.iota {dimensions = array<i32: 0>} : vector<16xi32>
    %add3A_1645 = arith.constant 48 : i32
    %add3A_1646 = vector.broadcast %add3A_1645 : i32 to vector<16xi32>
    %add3A_1647 = arith.addi %iota3A_1644, %add3A_1646 : vector<16xi32>
    %masked_sort3A_1648 = arith.constant dense<true> : vector<16xi1>
    %masked_sort3A_1649, %masked_sort3A_1650, %masked_sort3A_1651 = tpu.sort %get3A_1619, %add3A_1623 masked %masked_sort3A_1648 : (vector<16xf32>, vector<16xi32>, vector<16xi1>) -> (vector<16xi1>, vector<16xf32>, vector<16xi32>)
    %masked_sort3A_1652 = arith.constant dense<true> : vector<16xi1>
    %masked_sort3A_1653, %masked_sort3A_1654, %masked_sort3A_1655 = tpu.sort %get3A_1627, %add3A_1631 masked %masked_sort3A_1652 : (vector<16xf32>, vector<16xi32>, vector<16xi1>) -> (vector<16xi1>, vector<16xf32>, vector<16xi32>)
    %masked_sort3A_1656 = arith.constant dense<true> : vector<16xi1>
    %masked_sort3A_1657, %masked_sort3A_1658, %masked_sort3A_1659 = tpu.sort %get3A_1635, %add3A_1639 masked %masked_sort3A_1656 : (vector<16xf32>, vector<16xi32>, vector<16xi1>) -> (vector<16xi1>, vector<16xf32>, vector<16xi32>)
    %masked_sort3A_1660 = arith.constant dense<true> : vector<16xi1>
    %masked_sort3A_1661, %masked_sort3A_1662, %masked_sort3A_1663 = tpu.sort %get3A_1643, %add3A_1647 masked %masked_sort3A_1660 : (vector<16xf32>, vector<16xi32>, vector<16xi1>) -> (vector<16xi1>, vector<16xf32>, vector<16xi32>)
    %rev3A_1664 = arith.constant 15 : i32
    %rev3A_1665 = vector.broadcast %rev3A_1664 : i32 to vector<16xi32>
    %rev3A_1666 = tpu.iota {dimensions = array<i32: 0>} : vector<16xi32>
    %rev3A_1667 = arith.subi %rev3A_1665, %rev3A_1666 : vector<16xi32>
    %rev3A_1668 = tpu.dynamic_gather %masked_sort3A_1654[%rev3A_1667] in [0] : vector<16xf32>, vector<16xi32> -> vector<16xf32>
    %rev3A_1669 = arith.constant 15 : i32
    %rev3A_1670 = vector.broadcast %rev3A_1669 : i32 to vector<16xi32>
    %rev3A_1671 = tpu.iota {dimensions = array<i32: 0>} : vector<16xi32>
    %rev3A_1672 = arith.subi %rev3A_1670, %rev3A_1671 : vector<16xi32>
    %rev3A_1673 = tpu.dynamic_gather %masked_sort3A_1655[%rev3A_1672] in [0] : vector<16xi32>, vector<16xi32> -> vector<16xi32>
    %le3A_1674 = arith.cmpf ole, %masked_sort3A_1650, %rev3A_1668 : vector<16xf32>
    %select_n3A_1675 = arith.select %le3A_1674, %masked_sort3A_1650, %rev3A_1668 : vector<16xi1>, vector<16xf32>
    %select_n3A_1676 = arith.select %le3A_1674, %masked_sort3A_1651, %rev3A_1673 : vector<16xi1>, vector<16xi32>
    %select_n3A_1677 = arith.select %le3A_1674, %rev3A_1668, %masked_sort3A_1650 : vector<16xi1>, vector<16xf32>
    %select_n3A_1678 = arith.select %le3A_1674, %rev3A_1673, %masked_sort3A_1651 : vector<16xi1>, vector<16xi32>
    %rev3A_1679 = arith.constant 15 : i32
    %rev3A_1680 = vector.broadcast %rev3A_1679 : i32 to vector<16xi32>
    %rev3A_1681 = tpu.iota {dimensions = array<i32: 0>} : vector<16xi32>
    %rev3A_1682 = arith.subi %rev3A_1680, %rev3A_1681 : vector<16xi32>
    %rev3A_1683 = tpu.dynamic_gather %masked_sort3A_1662[%rev3A_1682] in [0] : vector<16xf32>, vector<16xi32> -> vector<16xf32>
    %rev3A_1684 = arith.constant 15 : i32
    %rev3A_1685 = vector.broadcast %rev3A_1684 : i32 to vector<16xi32>
    %rev3A_1686 = tpu.iota {dimensions = array<i32: 0>} : vector<16xi32>
    %rev3A_1687 = arith.subi %rev3A_1685, %rev3A_1686 : vector<16xi32>
    %rev3A_1688 = tpu.dynamic_gather %masked_sort3A_1663[%rev3A_1687] in [0] : vector<16xi32>, vector<16xi32> -> vector<16xi32>
    %le3A_1689 = arith.cmpf ole, %masked_sort3A_1658, %rev3A_1683 : vector<16xf32>
    %select_n3A_1690 = arith.select %le3A_1689, %masked_sort3A_1658, %rev3A_1683 : vector<16xi1>, vector<16xf32>
    %select_n3A_1691 = arith.select %le3A_1689, %masked_sort3A_1659, %rev3A_1688 : vector<16xi1>, vector<16xi32>
    %select_n3A_1692 = arith.select %le3A_1689, %rev3A_1683, %masked_sort3A_1658 : vector<16xi1>, vector<16xf32>
    %select_n3A_1693 = arith.select %le3A_1689, %rev3A_1688, %masked_sort3A_1659 : vector<16xi1>, vector<16xi32>
    %masked_sort3A_1694 = arith.constant dense<true> : vector<16xi1>
    %masked_sort3A_1695, %masked_sort3A_1696, %masked_sort3A_1697 = tpu.sort %select_n3A_1675, %select_n3A_1676 masked %masked_sort3A_1694 : (vector<16xf32>, vector<16xi32>, vector<16xi1>) -> (vector<16xi1>, vector<16xf32>, vector<16xi32>)
    %masked_sort3A_1698 = arith.constant dense<true> : vector<16xi1>
    %masked_sort3A_1699, %masked_sort3A_1700, %masked_sort3A_1701 = tpu.sort %select_n3A_1677, %select_n3A_1678 masked %masked_sort3A_1698 : (vector<16xf32>, vector<16xi32>, vector<16xi1>) -> (vector<16xi1>, vector<16xf32>, vector<16xi32>)
    %masked_sort3A_1702 = arith.constant dense<true> : vector<16xi1>
    %masked_sort3A_1703, %masked_sort3A_1704, %masked_sort3A_1705 = tpu.sort %select_n3A_1690, %select_n3A_1691 masked %masked_sort3A_1702 : (vector<16xf32>, vector<16xi32>, vector<16xi1>) -> (vector<16xi1>, vector<16xf32>, vector<16xi32>)
    %masked_sort3A_1706 = arith.constant dense<true> : vector<16xi1>
    %masked_sort3A_1707, %masked_sort3A_1708, %masked_sort3A_1709 = tpu.sort %select_n3A_1692, %select_n3A_1693 masked %masked_sort3A_1706 : (vector<16xf32>, vector<16xi32>, vector<16xi1>) -> (vector<16xi1>, vector<16xf32>, vector<16xi32>)
    %rev3A_1710 = arith.constant 15 : i32
    %rev3A_1711 = vector.broadcast %rev3A_1710 : i32 to vector<16xi32>
    %rev3A_1712 = tpu.iota {dimensions = array<i32: 0>} : vector<16xi32>
    %rev3A_1713 = arith.subi %rev3A_1711, %rev3A_1712 : vector<16xi32>
    %rev3A_1714 = tpu.dynamic_gather %masked_sort3A_1708[%rev3A_1713] in [0] : vector<16xf32>, vector<16xi32> -> vector<16xf32>
    %rev3A_1715 = arith.constant 15 : i32
    %rev3A_1716 = vector.broadcast %rev3A_1715 : i32 to vector<16xi32>
    %rev3A_1717 = tpu.iota {dimensions = array<i32: 0>} : vector<16xi32>
    %rev3A_1718 = arith.subi %rev3A_1716, %rev3A_1717 : vector<16xi32>
    %rev3A_1719 = tpu.dynamic_gather %masked_sort3A_1709[%rev3A_1718] in [0] : vector<16xi32>, vector<16xi32> -> vector<16xi32>
    %le3A_1720 = arith.cmpf ole, %masked_sort3A_1696, %rev3A_1714 : vector<16xf32>
    %select_n3A_1721 = arith.select %le3A_1720, %masked_sort3A_1696, %rev3A_1714 : vector<16xi1>, vector<16xf32>
    %select_n3A_1722 = arith.select %le3A_1720, %masked_sort3A_1697, %rev3A_1719 : vector<16xi1>, vector<16xi32>
    %select_n3A_1723 = arith.select %le3A_1720, %rev3A_1714, %masked_sort3A_1696 : vector<16xi1>, vector<16xf32>
    %select_n3A_1724 = arith.select %le3A_1720, %rev3A_1719, %masked_sort3A_1697 : vector<16xi1>, vector<16xi32>
    %rev3A_1725 = arith.constant 15 : i32
    %rev3A_1726 = vector.broadcast %rev3A_1725 : i32 to vector<16xi32>
    %rev3A_1727 = tpu.iota {dimensions = array<i32: 0>} : vector<16xi32>
    %rev3A_1728 = arith.subi %rev3A_1726, %rev3A_1727 : vector<16xi32>
    %rev3A_1729 = tpu.dynamic_gather %masked_sort3A_1704[%rev3A_1728] in [0] : vector<16xf32>, vector<16xi32> -> vector<16xf32>
    %rev3A_1730 = arith.constant 15 : i32
    %rev3A_1731 = vector.broadcast %rev3A_1730 : i32 to vector<16xi32>
    %rev3A_1732 = tpu.iota {dimensions = array<i32: 0>} : vector<16xi32>
    %rev3A_1733 = arith.subi %rev3A_1731, %rev3A_1732 : vector<16xi32>
    %rev3A_1734 = tpu.dynamic_gather %masked_sort3A_1705[%rev3A_1733] in [0] : vector<16xi32>, vector<16xi32> -> vector<16xi32>
    %le3A_1735 = arith.cmpf ole, %masked_sort3A_1700, %rev3A_1729 : vector<16xf32>
    %select_n3A_1736 = arith.select %le3A_1735, %masked_sort3A_1700, %rev3A_1729 : vector<16xi1>, vector<16xf32>
    %select_n3A_1737 = arith.select %le3A_1735, %masked_sort3A_1701, %rev3A_1734 : vector<16xi1>, vector<16xi32>
    %select_n3A_1738 = arith.select %le3A_1735, %rev3A_1729, %masked_sort3A_1700 : vector<16xi1>, vector<16xf32>
    %select_n3A_1739 = arith.select %le3A_1735, %rev3A_1734, %masked_sort3A_1701 : vector<16xi1>, vector<16xi32>
    %le3A_1740 = arith.cmpf ole, %select_n3A_1721, %select_n3A_1736 : vector<16xf32>
    %select_n3A_1741 = arith.select %le3A_1740, %select_n3A_1721, %select_n3A_1736 : vector<16xi1>, vector<16xf32>
    %select_n3A_1742 = arith.select %le3A_1740, %select_n3A_1722, %select_n3A_1737 : vector<16xi1>, vector<16xi32>
    %select_n3A_1743 = arith.select %le3A_1740, %select_n3A_1736, %select_n3A_1721 : vector<16xi1>, vector<16xf32>
    %select_n3A_1744 = arith.select %le3A_1740, %select_n3A_1737, %select_n3A_1722 : vector<16xi1>, vector<16xi32>
    %masked_sort3A_1745 = arith.constant dense<true> : vector<16xi1>
    %masked_sort3A_1746, %masked_sort3A_1747, %masked_sort3A_1748 = tpu.sort %select_n3A_1741, %select_n3A_1742 masked %masked_sort3A_1745 : (vector<16xf32>, vector<16xi32>, vector<16xi1>) -> (vector<16xi1>, vector<16xf32>, vector<16xi32>)
    %masked_sort3A_1749 = arith.constant dense<true> : vector<16xi1>
    %masked_sort3A_1750, %masked_sort3A_1751, %masked_sort3A_1752 = tpu.sort %select_n3A_1743, %select_n3A_1744 masked %masked_sort3A_1749 : (vector<16xf32>, vector<16xi32>, vector<16xi1>) -> (vector<16xi1>, vector<16xf32>, vector<16xi32>)
    %le3A_1753 = arith.cmpf ole, %select_n3A_1723, %select_n3A_1738 : vector<16xf32>
    %select_n3A_1754 = arith.select %le3A_1753, %select_n3A_1723, %select_n3A_1738 : vector<16xi1>, vector<16xf32>
    %select_n3A_1755 = arith.select %le3A_1753, %select_n3A_1724, %select_n3A_1739 : vector<16xi1>, vector<16xi32>
    %select_n3A_1756 = arith.select %le3A_1753, %select_n3A_1738, %select_n3A_1723 : vector<16xi1>, vector<16xf32>
    %select_n3A_1757 = arith.select %le3A_1753, %select_n3A_1739, %select_n3A_1724 : vector<16xi1>, vector<16xi32>
    %masked_sort3A_1758 = arith.constant dense<true> : vector<16xi1>
    %masked_sort3A_1759, %masked_sort3A_1760, %masked_sort3A_1761 = tpu.sort %select_n3A_1754, %select_n3A_1755 masked %masked_sort3A_1758 : (vector<16xf32>, vector<16xi32>, vector<16xi1>) -> (vector<16xi1>, vector<16xf32>, vector<16xi32>)
    %masked_sort3A_1762 = arith.constant dense<true> : vector<16xi1>
    %masked_sort3A_1763, %masked_sort3A_1764, %masked_sort3A_1765 = tpu.sort %select_n3A_1756, %select_n3A_1757 masked %masked_sort3A_1762 : (vector<16xf32>, vector<16xi32>, vector<16xi1>) -> (vector<16xi1>, vector<16xf32>, vector<16xi32>)
    %broadcast_in_dim3A_1766 = arith.constant true
    %broadcast_in_dim3A_1767 = vector.broadcast %broadcast_in_dim3A_1766 : i1 to vector<16xi1>
    %masked_cumsum3A_1768 = tpu.scan <sum>, %masked_sort3A_1747 masked %broadcast_in_dim3A_1767 : vector<16xf32>, vector<16xi1> -> vector<16xf32>
    %add3A_1769 = arith.constant 0.000000e+00 : f32
    %add3A_1770 = vector.broadcast %add3A_1769 : f32 to vector<16xf32>
    %add3A_1771 = arith.addf %masked_cumsum3A_1768, %add3A_1770 : vector<16xf32>
    %reduce_sum3A_1772 = arith.constant true
    %reduce_sum3A_1773 = vector.broadcast %reduce_sum3A_1772 : i1 to vector<16xi1>
    %reduce_sum3A_1774 = tpu.scan <sum>, %masked_sort3A_1747 masked %reduce_sum3A_1773 : vector<16xf32>, vector<16xi1> -> vector<16xf32>
    %reduce_sum3A_1775 = vector.extract %reduce_sum3A_1774[15] : f32 from vector<16xf32>
    %add3A_1776 = arith.constant 0.000000e+00 : f32
    %add3A_1777 = arith.addf %add3A_1776, %reduce_sum3A_1775 : f32
    %ge3A_1778 = arith.constant 1.000000e-01 : f32
    %ge3A_1779 = vector.broadcast %ge3A_1778 : f32 to vector<16xf32>
    %ge3A_1780 = arith.cmpf oge, %add3A_1771, %ge3A_1779 : vector<16xf32>
    %jit3A_1781 = arith.constant 0.000000e+00 : f32
    %jit3A_1782 = arith.constant -1.000000e+30 : f32
    %broadcast_in_dim3A_1783 = vector.broadcast %jit3A_1781 : f32 to vector<16xf32>
    %broadcast_in_dim3A_1784 = vector.broadcast %jit3A_1782 : f32 to vector<16xf32>
    %select_n3A_1785 = arith.select %ge3A_1780, %broadcast_in_dim3A_1783, %broadcast_in_dim3A_1784 : vector<16xi1>, vector<16xf32>
    %broadcast_in_dim3A_1786 = arith.constant 7 : i32
    %broadcast_in_dim3A_1787 = vector.broadcast %broadcast_in_dim3A_1786 : i32 to vector<16xi32>
    tpu.vector_store_idx %arg5[%broadcast_in_dim3A_1787, %masked_sort3A_1748], %select_n3A_1785 : memref<16x64xf32, #tpu.memory_space<vmem>>[vector<16xi32>, vector<16xi32>], vector<16xf32>,
    %broadcast_in_dim3A_1788 = arith.constant true
    %broadcast_in_dim3A_1789 = vector.broadcast %broadcast_in_dim3A_1788 : i1 to vector<16xi1>
    %masked_cumsum3A_1790 = tpu.scan <sum>, %masked_sort3A_1751 masked %broadcast_in_dim3A_1789 : vector<16xf32>, vector<16xi1> -> vector<16xf32>
    %add3A_1791 = vector.broadcast %add3A_1777 : f32 to vector<16xf32>
    %add3A_1792 = arith.addf %masked_cumsum3A_1790, %add3A_1791 : vector<16xf32>
    %reduce_sum3A_1793 = arith.constant true
    %reduce_sum3A_1794 = vector.broadcast %reduce_sum3A_1793 : i1 to vector<16xi1>
    %reduce_sum3A_1795 = tpu.scan <sum>, %masked_sort3A_1751 masked %reduce_sum3A_1794 : vector<16xf32>, vector<16xi1> -> vector<16xf32>
    %reduce_sum3A_1796 = vector.extract %reduce_sum3A_1795[15] : f32 from vector<16xf32>
    %add3A_1797 = arith.addf %add3A_1777, %reduce_sum3A_1796 : f32
    %ge3A_1798 = arith.constant 1.000000e-01 : f32
    %ge3A_1799 = vector.broadcast %ge3A_1798 : f32 to vector<16xf32>
    %ge3A_1800 = arith.cmpf oge, %add3A_1792, %ge3A_1799 : vector<16xf32>
    %jit3A_1801 = arith.constant 0.000000e+00 : f32
    %jit3A_1802 = arith.constant -1.000000e+30 : f32
    %broadcast_in_dim3A_1803 = vector.broadcast %jit3A_1801 : f32 to vector<16xf32>
    %broadcast_in_dim3A_1804 = vector.broadcast %jit3A_1802 : f32 to vector<16xf32>
    %select_n3A_1805 = arith.select %ge3A_1800, %broadcast_in_dim3A_1803, %broadcast_in_dim3A_1804 : vector<16xi1>, vector<16xf32>
    %broadcast_in_dim3A_1806 = arith.constant 7 : i32
    %broadcast_in_dim3A_1807 = vector.broadcast %broadcast_in_dim3A_1806 : i32 to vector<16xi32>
    tpu.vector_store_idx %arg5[%broadcast_in_dim3A_1807, %masked_sort3A_1752], %select_n3A_1805 : memref<16x64xf32, #tpu.memory_space<vmem>>[vector<16xi32>, vector<16xi32>], vector<16xf32>,
    %broadcast_in_dim3A_1808 = arith.constant true
    %broadcast_in_dim3A_1809 = vector.broadcast %broadcast_in_dim3A_1808 : i1 to vector<16xi1>
    %masked_cumsum3A_1810 = tpu.scan <sum>, %masked_sort3A_1760 masked %broadcast_in_dim3A_1809 : vector<16xf32>, vector<16xi1> -> vector<16xf32>
    %add3A_1811 = vector.broadcast %add3A_1797 : f32 to vector<16xf32>
    %add3A_1812 = arith.addf %masked_cumsum3A_1810, %add3A_1811 : vector<16xf32>
    %reduce_sum3A_1813 = arith.constant true
    %reduce_sum3A_1814 = vector.broadcast %reduce_sum3A_1813 : i1 to vector<16xi1>
    %reduce_sum3A_1815 = tpu.scan <sum>, %masked_sort3A_1760 masked %reduce_sum3A_1814 : vector<16xf32>, vector<16xi1> -> vector<16xf32>
    %reduce_sum3A_1816 = vector.extract %reduce_sum3A_1815[15] : f32 from vector<16xf32>
    %add3A_1817 = arith.addf %add3A_1797, %reduce_sum3A_1816 : f32
    %ge3A_1818 = arith.constant 1.000000e-01 : f32
    %ge3A_1819 = vector.broadcast %ge3A_1818 : f32 to vector<16xf32>
    %ge3A_1820 = arith.cmpf oge, %add3A_1812, %ge3A_1819 : vector<16xf32>
    %jit3A_1821 = arith.constant 0.000000e+00 : f32
    %jit3A_1822 = arith.constant -1.000000e+30 : f32
    %broadcast_in_dim3A_1823 = vector.broadcast %jit3A_1821 : f32 to vector<16xf32>
    %broadcast_in_dim3A_1824 = vector.broadcast %jit3A_1822 : f32 to vector<16xf32>
    %select_n3A_1825 = arith.select %ge3A_1820, %broadcast_in_dim3A_1823, %broadcast_in_dim3A_1824 : vector<16xi1>, vector<16xf32>
    %broadcast_in_dim3A_1826 = arith.constant 7 : i32
    %broadcast_in_dim3A_1827 = vector.broadcast %broadcast_in_dim3A_1826 : i32 to vector<16xi32>
    tpu.vector_store_idx %arg5[%broadcast_in_dim3A_1827, %masked_sort3A_1761], %select_n3A_1825 : memref<16x64xf32, #tpu.memory_space<vmem>>[vector<16xi32>, vector<16xi32>], vector<16xf32>,
    %broadcast_in_dim3A_1828 = arith.constant true
    %broadcast_in_dim3A_1829 = vector.broadcast %broadcast_in_dim3A_1828 : i1 to vector<16xi1>
    %masked_cumsum3A_1830 = tpu.scan <sum>, %masked_sort3A_1764 masked %broadcast_in_dim3A_1829 : vector<16xf32>, vector<16xi1> -> vector<16xf32>
    %add3A_1831 = vector.broadcast %add3A_1817 : f32 to vector<16xf32>
    %add3A_1832 = arith.addf %masked_cumsum3A_1830, %add3A_1831 : vector<16xf32>
    %reduce_sum3A_1833 = arith.constant true
    %reduce_sum3A_1834 = vector.broadcast %reduce_sum3A_1833 : i1 to vector<16xi1>
    %reduce_sum3A_1835 = tpu.scan <sum>, %masked_sort3A_1764 masked %reduce_sum3A_1834 : vector<16xf32>, vector<16xi1> -> vector<16xf32>
    %reduce_sum3A_1836 = vector.extract %reduce_sum3A_1835[15] : f32 from vector<16xf32>
    %add3A_1837 = arith.addf %add3A_1817, %reduce_sum3A_1836 : f32
    %ge3A_1838 = arith.constant 1.000000e-01 : f32
    %ge3A_1839 = vector.broadcast %ge3A_1838 : f32 to vector<16xf32>
    %ge3A_1840 = arith.cmpf oge, %add3A_1832, %ge3A_1839 : vector<16xf32>
    %jit3A_1841 = arith.constant 0.000000e+00 : f32
    %jit3A_1842 = arith.constant -1.000000e+30 : f32
    %broadcast_in_dim3A_1843 = vector.broadcast %jit3A_1841 : f32 to vector<16xf32>
    %broadcast_in_dim3A_1844 = vector.broadcast %jit3A_1842 : f32 to vector<16xf32>
    %select_n3A_1845 = arith.select %ge3A_1840, %broadcast_in_dim3A_1843, %broadcast_in_dim3A_1844 : vector<16xi1>, vector<16xf32>
    %broadcast_in_dim3A_1846 = arith.constant 7 : i32
    %broadcast_in_dim3A_1847 = vector.broadcast %broadcast_in_dim3A_1846 : i32 to vector<16xi32>
    tpu.vector_store_idx %arg5[%broadcast_in_dim3A_1847, %masked_sort3A_1765], %select_n3A_1845 : memref<16x64xf32, #tpu.memory_space<vmem>>[vector<16xi32>, vector<16xi32>], vector<16xf32>,
    %get3A_1848 = arith.constant 8 : i32
    %get3A_1849 = arith.index_cast %get3A_1848 : i32 to index
    %get3A_1850 = arith.constant 0 : index
    %get3A_1851 = tpu.vector_load %arg4[%get3A_1849, %get3A_1850] {strides = array<i32>} : memref<16x64xf32, #tpu.memory_space<vmem>>, vector<16xf32>,
    %iota3A_1852 = tpu.iota {dimensions = array<i32: 0>} : vector<16xi32>
    %add3A_1853 = arith.constant 0 : i32
    %add3A_1854 = vector.broadcast %add3A_1853 : i32 to vector<16xi32>
    %add3A_1855 = arith.addi %iota3A_1852, %add3A_1854 : vector<16xi32>
    %get3A_1856 = arith.constant 8 : i32
    %get3A_1857 = arith.index_cast %get3A_1856 : i32 to index
    %get3A_1858 = arith.constant 16 : index
    %get3A_1859 = tpu.vector_load %arg4[%get3A_1857, %get3A_1858] {strides = array<i32>} : memref<16x64xf32, #tpu.memory_space<vmem>>, vector<16xf32>,
    %iota3A_1860 = tpu.iota {dimensions = array<i32: 0>} : vector<16xi32>
    %add3A_1861 = arith.constant 16 : i32
    %add3A_1862 = vector.broadcast %add3A_1861 : i32 to vector<16xi32>
    %add3A_1863 = arith.addi %iota3A_1860, %add3A_1862 : vector<16xi32>
    %get3A_1864 = arith.constant 8 : i32
    %get3A_1865 = arith.index_cast %get3A_1864 : i32 to index
    %get3A_1866 = arith.constant 32 : index
    %get3A_1867 = tpu.vector_load %arg4[%get3A_1865, %get3A_1866] {strides = array<i32>} : memref<16x64xf32, #tpu.memory_space<vmem>>, vector<16xf32>,
    %iota3A_1868 = tpu.iota {dimensions = array<i32: 0>} : vector<16xi32>
    %add3A_1869 = arith.constant 32 : i32
    %add3A_1870 = vector.broadcast %add3A_1869 : i32 to vector<16xi32>
    %add3A_1871 = arith.addi %iota3A_1868, %add3A_1870 : vector<16xi32>
    %get3A_1872 = arith.constant 8 : i32
    %get3A_1873 = arith.index_cast %get3A_1872 : i32 to index
    %get3A_1874 = arith.constant 48 : index
    %get3A_1875 = tpu.vector_load %arg4[%get3A_1873, %get3A_1874] {strides = array<i32>} : memref<16x64xf32, #tpu.memory_space<vmem>>, vector<16xf32>,
    %iota3A_1876 = tpu.iota {dimensions = array<i32: 0>} : vector<16xi32>
    %add3A_1877 = arith.constant 48 : i32
    %add3A_1878 = vector.broadcast %add3A_1877 : i32 to vector<16xi32>
    %add3A_1879 = arith.addi %iota3A_1876, %add3A_1878 : vector<16xi32>
    %masked_sort3A_1880 = arith.constant dense<true> : vector<16xi1>
    %masked_sort3A_1881, %masked_sort3A_1882, %masked_sort3A_1883 = tpu.sort %get3A_1851, %add3A_1855 masked %masked_sort3A_1880 : (vector<16xf32>, vector<16xi32>, vector<16xi1>) -> (vector<16xi1>, vector<16xf32>, vector<16xi32>)
    %masked_sort3A_1884 = arith.constant dense<true> : vector<16xi1>
    %masked_sort3A_1885, %masked_sort3A_1886, %masked_sort3A_1887 = tpu.sort %get3A_1859, %add3A_1863 masked %masked_sort3A_1884 : (vector<16xf32>, vector<16xi32>, vector<16xi1>) -> (vector<16xi1>, vector<16xf32>, vector<16xi32>)
    %masked_sort3A_1888 = arith.constant dense<true> : vector<16xi1>
    %masked_sort3A_1889, %masked_sort3A_1890, %masked_sort3A_1891 = tpu.sort %get3A_1867, %add3A_1871 masked %masked_sort3A_1888 : (vector<16xf32>, vector<16xi32>, vector<16xi1>) -> (vector<16xi1>, vector<16xf32>, vector<16xi32>)
    %masked_sort3A_1892 = arith.constant dense<true> : vector<16xi1>
    %masked_sort3A_1893, %masked_sort3A_1894, %masked_sort3A_1895 = tpu.sort %get3A_1875, %add3A_1879 masked %masked_sort3A_1892 : (vector<16xf32>, vector<16xi32>, vector<16xi1>) -> (vector<16xi1>, vector<16xf32>, vector<16xi32>)
    %rev3A_1896 = arith.constant 15 : i32
    %rev3A_1897 = vector.broadcast %rev3A_1896 : i32 to vector<16xi32>
    %rev3A_1898 = tpu.iota {dimensions = array<i32: 0>} : vector<16xi32>
    %rev3A_1899 = arith.subi %rev3A_1897, %rev3A_1898 : vector<16xi32>
    %rev3A_1900 = tpu.dynamic_gather %masked_sort3A_1886[%rev3A_1899] in [0] : vector<16xf32>, vector<16xi32> -> vector<16xf32>
    %rev3A_1901 = arith.constant 15 : i32
    %rev3A_1902 = vector.broadcast %rev3A_1901 : i32 to vector<16xi32>
    %rev3A_1903 = tpu.iota {dimensions = array<i32: 0>} : vector<16xi32>
    %rev3A_1904 = arith.subi %rev3A_1902, %rev3A_1903 : vector<16xi32>
    %rev3A_1905 = tpu.dynamic_gather %masked_sort3A_1887[%rev3A_1904] in [0] : vector<16xi32>, vector<16xi32> -> vector<16xi32>
    %le3A_1906 = arith.cmpf ole, %masked_sort3A_1882, %rev3A_1900 : vector<16xf32>
    %select_n3A_1907 = arith.select %le3A_1906, %masked_sort3A_1882, %rev3A_1900 : vector<16xi1>, vector<16xf32>
    %select_n3A_1908 = arith.select %le3A_1906, %masked_sort3A_1883, %rev3A_1905 : vector<16xi1>, vector<16xi32>
    %select_n3A_1909 = arith.select %le3A_1906, %rev3A_1900, %masked_sort3A_1882 : vector<16xi1>, vector<16xf32>
    %select_n3A_1910 = arith.select %le3A_1906, %rev3A_1905, %masked_sort3A_1883 : vector<16xi1>, vector<16xi32>
    %rev3A_1911 = arith.constant 15 : i32
    %rev3A_1912 = vector.broadcast %rev3A_1911 : i32 to vector<16xi32>
    %rev3A_1913 = tpu.iota {dimensions = array<i32: 0>} : vector<16xi32>
    %rev3A_1914 = arith.subi %rev3A_1912, %rev3A_1913 : vector<16xi32>
    %rev3A_1915 = tpu.dynamic_gather %masked_sort3A_1894[%rev3A_1914] in [0] : vector<16xf32>, vector<16xi32> -> vector<16xf32>
    %rev3A_1916 = arith.constant 15 : i32
    %rev3A_1917 = vector.broadcast %rev3A_1916 : i32 to vector<16xi32>
    %rev3A_1918 = tpu.iota {dimensions = array<i32: 0>} : vector<16xi32>
    %rev3A_1919 = arith.subi %rev3A_1917, %rev3A_1918 : vector<16xi32>
    %rev3A_1920 = tpu.dynamic_gather %masked_sort3A_1895[%rev3A_1919] in [0] : vector<16xi32>, vector<16xi32> -> vector<16xi32>
    %le3A_1921 = arith.cmpf ole, %masked_sort3A_1890, %rev3A_1915 : vector<16xf32>
    %select_n3A_1922 = arith.select %le3A_1921, %masked_sort3A_1890, %rev3A_1915 : vector<16xi1>, vector<16xf32>
    %select_n3A_1923 = arith.select %le3A_1921, %masked_sort3A_1891, %rev3A_1920 : vector<16xi1>, vector<16xi32>
    %select_n3A_1924 = arith.select %le3A_1921, %rev3A_1915, %masked_sort3A_1890 : vector<16xi1>, vector<16xf32>
    %select_n3A_1925 = arith.select %le3A_1921, %rev3A_1920, %masked_sort3A_1891 : vector<16xi1>, vector<16xi32>
    %masked_sort3A_1926 = arith.constant dense<true> : vector<16xi1>
    %masked_sort3A_1927, %masked_sort3A_1928, %masked_sort3A_1929 = tpu.sort %select_n3A_1907, %select_n3A_1908 masked %masked_sort3A_1926 : (vector<16xf32>, vector<16xi32>, vector<16xi1>) -> (vector<16xi1>, vector<16xf32>, vector<16xi32>)
    %masked_sort3A_1930 = arith.constant dense<true> : vector<16xi1>
    %masked_sort3A_1931, %masked_sort3A_1932, %masked_sort3A_1933 = tpu.sort %select_n3A_1909, %select_n3A_1910 masked %masked_sort3A_1930 : (vector<16xf32>, vector<16xi32>, vector<16xi1>) -> (vector<16xi1>, vector<16xf32>, vector<16xi32>)
    %masked_sort3A_1934 = arith.constant dense<true> : vector<16xi1>
    %masked_sort3A_1935, %masked_sort3A_1936, %masked_sort3A_1937 = tpu.sort %select_n3A_1922, %select_n3A_1923 masked %masked_sort3A_1934 : (vector<16xf32>, vector<16xi32>, vector<16xi1>) -> (vector<16xi1>, vector<16xf32>, vector<16xi32>)
    %masked_sort3A_1938 = arith.constant dense<true> : vector<16xi1>
    %masked_sort3A_1939, %masked_sort3A_1940, %masked_sort3A_1941 = tpu.sort %select_n3A_1924, %select_n3A_1925 masked %masked_sort3A_1938 : (vector<16xf32>, vector<16xi32>, vector<16xi1>) -> (vector<16xi1>, vector<16xf32>, vector<16xi32>)
    %rev3A_1942 = arith.constant 15 : i32
    %rev3A_1943 = vector.broadcast %rev3A_1942 : i32 to vector<16xi32>
    %rev3A_1944 = tpu.iota {dimensions = array<i32: 0>} : vector<16xi32>
    %rev3A_1945 = arith.subi %rev3A_1943, %rev3A_1944 : vector<16xi32>
    %rev3A_1946 = tpu.dynamic_gather %masked_sort3A_1940[%rev3A_1945] in [0] : vector<16xf32>, vector<16xi32> -> vector<16xf32>
    %rev3A_1947 = arith.constant 15 : i32
    %rev3A_1948 = vector.broadcast %rev3A_1947 : i32 to vector<16xi32>
    %rev3A_1949 = tpu.iota {dimensions = array<i32: 0>} : vector<16xi32>
    %rev3A_1950 = arith.subi %rev3A_1948, %rev3A_1949 : vector<16xi32>
    %rev3A_1951 = tpu.dynamic_gather %masked_sort3A_1941[%rev3A_1950] in [0] : vector<16xi32>, vector<16xi32> -> vector<16xi32>
    %le3A_1952 = arith.cmpf ole, %masked_sort3A_1928, %rev3A_1946 : vector<16xf32>
    %select_n3A_1953 = arith.select %le3A_1952, %masked_sort3A_1928, %rev3A_1946 : vector<16xi1>, vector<16xf32>
    %select_n3A_1954 = arith.select %le3A_1952, %masked_sort3A_1929, %rev3A_1951 : vector<16xi1>, vector<16xi32>
    %select_n3A_1955 = arith.select %le3A_1952, %rev3A_1946, %masked_sort3A_1928 : vector<16xi1>, vector<16xf32>
    %select_n3A_1956 = arith.select %le3A_1952, %rev3A_1951, %masked_sort3A_1929 : vector<16xi1>, vector<16xi32>
    %rev3A_1957 = arith.constant 15 : i32
    %rev3A_1958 = vector.broadcast %rev3A_1957 : i32 to vector<16xi32>
    %rev3A_1959 = tpu.iota {dimensions = array<i32: 0>} : vector<16xi32>
    %rev3A_1960 = arith.subi %rev3A_1958, %rev3A_1959 : vector<16xi32>
    %rev3A_1961 = tpu.dynamic_gather %masked_sort3A_1936[%rev3A_1960] in [0] : vector<16xf32>, vector<16xi32> -> vector<16xf32>
    %rev3A_1962 = arith.constant 15 : i32
    %rev3A_1963 = vector.broadcast %rev3A_1962 : i32 to vector<16xi32>
    %rev3A_1964 = tpu.iota {dimensions = array<i32: 0>} : vector<16xi32>
    %rev3A_1965 = arith.subi %rev3A_1963, %rev3A_1964 : vector<16xi32>
    %rev3A_1966 = tpu.dynamic_gather %masked_sort3A_1937[%rev3A_1965] in [0] : vector<16xi32>, vector<16xi32> -> vector<16xi32>
    %le3A_1967 = arith.cmpf ole, %masked_sort3A_1932, %rev3A_1961 : vector<16xf32>
    %select_n3A_1968 = arith.select %le3A_1967, %masked_sort3A_1932, %rev3A_1961 : vector<16xi1>, vector<16xf32>
    %select_n3A_1969 = arith.select %le3A_1967, %masked_sort3A_1933, %rev3A_1966 : vector<16xi1>, vector<16xi32>
    %select_n3A_1970 = arith.select %le3A_1967, %rev3A_1961, %masked_sort3A_1932 : vector<16xi1>, vector<16xf32>
    %select_n3A_1971 = arith.select %le3A_1967, %rev3A_1966, %masked_sort3A_1933 : vector<16xi1>, vector<16xi32>
    %le3A_1972 = arith.cmpf ole, %select_n3A_1953, %select_n3A_1968 : vector<16xf32>
    %select_n3A_1973 = arith.select %le3A_1972, %select_n3A_1953, %select_n3A_1968 : vector<16xi1>, vector<16xf32>
    %select_n3A_1974 = arith.select %le3A_1972, %select_n3A_1954, %select_n3A_1969 : vector<16xi1>, vector<16xi32>
    %select_n3A_1975 = arith.select %le3A_1972, %select_n3A_1968, %select_n3A_1953 : vector<16xi1>, vector<16xf32>
    %select_n3A_1976 = arith.select %le3A_1972, %select_n3A_1969, %select_n3A_1954 : vector<16xi1>, vector<16xi32>
    %masked_sort3A_1977 = arith.constant dense<true> : vector<16xi1>
    %masked_sort3A_1978, %masked_sort3A_1979, %masked_sort3A_1980 = tpu.sort %select_n3A_1973, %select_n3A_1974 masked %masked_sort3A_1977 : (vector<16xf32>, vector<16xi32>, vector<16xi1>) -> (vector<16xi1>, vector<16xf32>, vector<16xi32>)
    %masked_sort3A_1981 = arith.constant dense<true> : vector<16xi1>
    %masked_sort3A_1982, %masked_sort3A_1983, %masked_sort3A_1984 = tpu.sort %select_n3A_1975, %select_n3A_1976 masked %masked_sort3A_1981 : (vector<16xf32>, vector<16xi32>, vector<16xi1>) -> (vector<16xi1>, vector<16xf32>, vector<16xi32>)
    %le3A_1985 = arith.cmpf ole, %select_n3A_1955, %select_n3A_1970 : vector<16xf32>
    %select_n3A_1986 = arith.select %le3A_1985, %select_n3A_1955, %select_n3A_1970 : vector<16xi1>, vector<16xf32>
    %select_n3A_1987 = arith.select %le3A_1985, %select_n3A_1956, %select_n3A_1971 : vector<16xi1>, vector<16xi32>
    %select_n3A_1988 = arith.select %le3A_1985, %select_n3A_1970, %select_n3A_1955 : vector<16xi1>, vector<16xf32>
    %select_n3A_1989 = arith.select %le3A_1985, %select_n3A_1971, %select_n3A_1956 : vector<16xi1>, vector<16xi32>
    %masked_sort3A_1990 = arith.constant dense<true> : vector<16xi1>
    %masked_sort3A_1991, %masked_sort3A_1992, %masked_sort3A_1993 = tpu.sort %select_n3A_1986, %select_n3A_1987 masked %masked_sort3A_1990 : (vector<16xf32>, vector<16xi32>, vector<16xi1>) -> (vector<16xi1>, vector<16xf32>, vector<16xi32>)
    %masked_sort3A_1994 = arith.constant dense<true> : vector<16xi1>
    %masked_sort3A_1995, %masked_sort3A_1996, %masked_sort3A_1997 = tpu.sort %select_n3A_1988, %select_n3A_1989 masked %masked_sort3A_1994 : (vector<16xf32>, vector<16xi32>, vector<16xi1>) -> (vector<16xi1>, vector<16xf32>, vector<16xi32>)
    %broadcast_in_dim3A_1998 = arith.constant true
    %broadcast_in_dim3A_1999 = vector.broadcast %broadcast_in_dim3A_1998 : i1 to vector<16xi1>
    %masked_cumsum3A_2000 = tpu.scan <sum>, %masked_sort3A_1979 masked %broadcast_in_dim3A_1999 : vector<16xf32>, vector<16xi1> -> vector<16xf32>
    %add3A_2001 = arith.constant 0.000000e+00 : f32
    %add3A_2002 = vector.broadcast %add3A_2001 : f32 to vector<16xf32>
    %add3A_2003 = arith.addf %masked_cumsum3A_2000, %add3A_2002 : vector<16xf32>
    %reduce_sum3A_2004 = arith.constant true
    %reduce_sum3A_2005 = vector.broadcast %reduce_sum3A_2004 : i1 to vector<16xi1>
    %reduce_sum3A_2006 = tpu.scan <sum>, %masked_sort3A_1979 masked %reduce_sum3A_2005 : vector<16xf32>, vector<16xi1> -> vector<16xf32>
    %reduce_sum3A_2007 = vector.extract %reduce_sum3A_2006[15] : f32 from vector<16xf32>
    %add3A_2008 = arith.constant 0.000000e+00 : f32
    %add3A_2009 = arith.addf %add3A_2008, %reduce_sum3A_2007 : f32
    %ge3A_2010 = arith.constant 1.000000e-01 : f32
    %ge3A_2011 = vector.broadcast %ge3A_2010 : f32 to vector<16xf32>
    %ge3A_2012 = arith.cmpf oge, %add3A_2003, %ge3A_2011 : vector<16xf32>
    %jit3A_2013 = arith.constant 0.000000e+00 : f32
    %jit3A_2014 = arith.constant -1.000000e+30 : f32
    %broadcast_in_dim3A_2015 = vector.broadcast %jit3A_2013 : f32 to vector<16xf32>
    %broadcast_in_dim3A_2016 = vector.broadcast %jit3A_2014 : f32 to vector<16xf32>
    %select_n3A_2017 = arith.select %ge3A_2012, %broadcast_in_dim3A_2015, %broadcast_in_dim3A_2016 : vector<16xi1>, vector<16xf32>
    %broadcast_in_dim3A_2018 = arith.constant 8 : i32
    %broadcast_in_dim3A_2019 = vector.broadcast %broadcast_in_dim3A_2018 : i32 to vector<16xi32>
    tpu.vector_store_idx %arg5[%broadcast_in_dim3A_2019, %masked_sort3A_1980], %select_n3A_2017 : memref<16x64xf32, #tpu.memory_space<vmem>>[vector<16xi32>, vector<16xi32>], vector<16xf32>,
    %broadcast_in_dim3A_2020 = arith.constant true
    %broadcast_in_dim3A_2021 = vector.broadcast %broadcast_in_dim3A_2020 : i1 to vector<16xi1>
    %masked_cumsum3A_2022 = tpu.scan <sum>, %masked_sort3A_1983 masked %broadcast_in_dim3A_2021 : vector<16xf32>, vector<16xi1> -> vector<16xf32>
    %add3A_2023 = vector.broadcast %add3A_2009 : f32 to vector<16xf32>
    %add3A_2024 = arith.addf %masked_cumsum3A_2022, %add3A_2023 : vector<16xf32>
    %reduce_sum3A_2025 = arith.constant true
    %reduce_sum3A_2026 = vector.broadcast %reduce_sum3A_2025 : i1 to vector<16xi1>
    %reduce_sum3A_2027 = tpu.scan <sum>, %masked_sort3A_1983 masked %reduce_sum3A_2026 : vector<16xf32>, vector<16xi1> -> vector<16xf32>
    %reduce_sum3A_2028 = vector.extract %reduce_sum3A_2027[15] : f32 from vector<16xf32>
    %add3A_2029 = arith.addf %add3A_2009, %reduce_sum3A_2028 : f32
    %ge3A_2030 = arith.constant 1.000000e-01 : f32
    %ge3A_2031 = vector.broadcast %ge3A_2030 : f32 to vector<16xf32>
    %ge3A_2032 = arith.cmpf oge, %add3A_2024, %ge3A_2031 : vector<16xf32>
    %jit3A_2033 = arith.constant 0.000000e+00 : f32
    %jit3A_2034 = arith.constant -1.000000e+30 : f32
    %broadcast_in_dim3A_2035 = vector.broadcast %jit3A_2033 : f32 to vector<16xf32>
    %broadcast_in_dim3A_2036 = vector.broadcast %jit3A_2034 : f32 to vector<16xf32>
    %select_n3A_2037 = arith.select %ge3A_2032, %broadcast_in_dim3A_2035, %broadcast_in_dim3A_2036 : vector<16xi1>, vector<16xf32>
    %broadcast_in_dim3A_2038 = arith.constant 8 : i32
    %broadcast_in_dim3A_2039 = vector.broadcast %broadcast_in_dim3A_2038 : i32 to vector<16xi32>
    tpu.vector_store_idx %arg5[%broadcast_in_dim3A_2039, %masked_sort3A_1984], %select_n3A_2037 : memref<16x64xf32, #tpu.memory_space<vmem>>[vector<16xi32>, vector<16xi32>], vector<16xf32>,
    %broadcast_in_dim3A_2040 = arith.constant true
    %broadcast_in_dim3A_2041 = vector.broadcast %broadcast_in_dim3A_2040 : i1 to vector<16xi1>
    %masked_cumsum3A_2042 = tpu.scan <sum>, %masked_sort3A_1992 masked %broadcast_in_dim3A_2041 : vector<16xf32>, vector<16xi1> -> vector<16xf32>
    %add3A_2043 = vector.broadcast %add3A_2029 : f32 to vector<16xf32>
    %add3A_2044 = arith.addf %masked_cumsum3A_2042, %add3A_2043 : vector<16xf32>
    %reduce_sum3A_2045 = arith.constant true
    %reduce_sum3A_2046 = vector.broadcast %reduce_sum3A_2045 : i1 to vector<16xi1>
    %reduce_sum3A_2047 = tpu.scan <sum>, %masked_sort3A_1992 masked %reduce_sum3A_2046 : vector<16xf32>, vector<16xi1> -> vector<16xf32>
    %reduce_sum3A_2048 = vector.extract %reduce_sum3A_2047[15] : f32 from vector<16xf32>
    %add3A_2049 = arith.addf %add3A_2029, %reduce_sum3A_2048 : f32
    %ge3A_2050 = arith.constant 1.000000e-01 : f32
    %ge3A_2051 = vector.broadcast %ge3A_2050 : f32 to vector<16xf32>
    %ge3A_2052 = arith.cmpf oge, %add3A_2044, %ge3A_2051 : vector<16xf32>
    %jit3A_2053 = arith.constant 0.000000e+00 : f32
    %jit3A_2054 = arith.constant -1.000000e+30 : f32
    %broadcast_in_dim3A_2055 = vector.broadcast %jit3A_2053 : f32 to vector<16xf32>
    %broadcast_in_dim3A_2056 = vector.broadcast %jit3A_2054 : f32 to vector<16xf32>
    %select_n3A_2057 = arith.select %ge3A_2052, %broadcast_in_dim3A_2055, %broadcast_in_dim3A_2056 : vector<16xi1>, vector<16xf32>
    %broadcast_in_dim3A_2058 = arith.constant 8 : i32
    %broadcast_in_dim3A_2059 = vector.broadcast %broadcast_in_dim3A_2058 : i32 to vector<16xi32>
    tpu.vector_store_idx %arg5[%broadcast_in_dim3A_2059, %masked_sort3A_1993], %select_n3A_2057 : memref<16x64xf32, #tpu.memory_space<vmem>>[vector<16xi32>, vector<16xi32>], vector<16xf32>,
    %broadcast_in_dim3A_2060 = arith.constant true
    %broadcast_in_dim3A_2061 = vector.broadcast %broadcast_in_dim3A_2060 : i1 to vector<16xi1>
    %masked_cumsum3A_2062 = tpu.scan <sum>, %masked_sort3A_1996 masked %broadcast_in_dim3A_2061 : vector<16xf32>, vector<16xi1> -> vector<16xf32>
    %add3A_2063 = vector.broadcast %add3A_2049 : f32 to vector<16xf32>
    %add3A_2064 = arith.addf %masked_cumsum3A_2062, %add3A_2063 : vector<16xf32>
    %reduce_sum3A_2065 = arith.constant true
    %reduce_sum3A_2066 = vector.broadcast %reduce_sum3A_2065 : i1 to vector<16xi1>
    %reduce_sum3A_2067 = tpu.scan <sum>, %masked_sort3A_1996 masked %reduce_sum3A_2066 : vector<16xf32>, vector<16xi1> -> vector<16xf32>
    %reduce_sum3A_2068 = vector.extract %reduce_sum3A_2067[15] : f32 from vector<16xf32>
    %add3A_2069 = arith.addf %add3A_2049, %reduce_sum3A_2068 : f32
    %ge3A_2070 = arith.constant 1.000000e-01 : f32
    %ge3A_2071 = vector.broadcast %ge3A_2070 : f32 to vector<16xf32>
    %ge3A_2072 = arith.cmpf oge, %add3A_2064, %ge3A_2071 : vector<16xf32>
    %jit3A_2073 = arith.constant 0.000000e+00 : f32
    %jit3A_2074 = arith.constant -1.000000e+30 : f32
    %broadcast_in_dim3A_2075 = vector.broadcast %jit3A_2073 : f32 to vector<16xf32>
    %broadcast_in_dim3A_2076 = vector.broadcast %jit3A_2074 : f32 to vector<16xf32>
    %select_n3A_2077 = arith.select %ge3A_2072, %broadcast_in_dim3A_2075, %broadcast_in_dim3A_2076 : vector<16xi1>, vector<16xf32>
    %broadcast_in_dim3A_2078 = arith.constant 8 : i32
    %broadcast_in_dim3A_2079 = vector.broadcast %broadcast_in_dim3A_2078 : i32 to vector<16xi32>
    tpu.vector_store_idx %arg5[%broadcast_in_dim3A_2079, %masked_sort3A_1997], %select_n3A_2077 : memref<16x64xf32, #tpu.memory_space<vmem>>[vector<16xi32>, vector<16xi32>], vector<16xf32>,
    %get3A_2080 = arith.constant 9 : i32
    %get3A_2081 = arith.index_cast %get3A_2080 : i32 to index
    %get3A_2082 = arith.constant 0 : index
    %get3A_2083 = tpu.vector_load %arg4[%get3A_2081, %get3A_2082] {strides = array<i32>} : memref<16x64xf32, #tpu.memory_space<vmem>>, vector<16xf32>,
    %iota3A_2084 = tpu.iota {dimensions = array<i32: 0>} : vector<16xi32>
    %add3A_2085 = arith.constant 0 : i32
    %add3A_2086 = vector.broadcast %add3A_2085 : i32 to vector<16xi32>
    %add3A_2087 = arith.addi %iota3A_2084, %add3A_2086 : vector<16xi32>
    %get3A_2088 = arith.constant 9 : i32
    %get3A_2089 = arith.index_cast %get3A_2088 : i32 to index
    %get3A_2090 = arith.constant 16 : index
    %get3A_2091 = tpu.vector_load %arg4[%get3A_2089, %get3A_2090] {strides = array<i32>} : memref<16x64xf32, #tpu.memory_space<vmem>>, vector<16xf32>,
    %iota3A_2092 = tpu.iota {dimensions = array<i32: 0>} : vector<16xi32>
    %add3A_2093 = arith.constant 16 : i32
    %add3A_2094 = vector.broadcast %add3A_2093 : i32 to vector<16xi32>
    %add3A_2095 = arith.addi %iota3A_2092, %add3A_2094 : vector<16xi32>
    %get3A_2096 = arith.constant 9 : i32
    %get3A_2097 = arith.index_cast %get3A_2096 : i32 to index
    %get3A_2098 = arith.constant 32 : index
    %get3A_2099 = tpu.vector_load %arg4[%get3A_2097, %get3A_2098] {strides = array<i32>} : memref<16x64xf32, #tpu.memory_space<vmem>>, vector<16xf32>,
    %iota3A_2100 = tpu.iota {dimensions = array<i32: 0>} : vector<16xi32>
    %add3A_2101 = arith.constant 32 : i32
    %add3A_2102 = vector.broadcast %add3A_2101 : i32 to vector<16xi32>
    %add3A_2103 = arith.addi %iota3A_2100, %add3A_2102 : vector<16xi32>
    %get3A_2104 = arith.constant 9 : i32
    %get3A_2105 = arith.index_cast %get3A_2104 : i32 to index
    %get3A_2106 = arith.constant 48 : index
    %get3A_2107 = tpu.vector_load %arg4[%get3A_2105, %get3A_2106] {strides = array<i32>} : memref<16x64xf32, #tpu.memory_space<vmem>>, vector<16xf32>,
    %iota3A_2108 = tpu.iota {dimensions = array<i32: 0>} : vector<16xi32>
    %add3A_2109 = arith.constant 48 : i32
    %add3A_2110 = vector.broadcast %add3A_2109 : i32 to vector<16xi32>
    %add3A_2111 = arith.addi %iota3A_2108, %add3A_2110 : vector<16xi32>
    %masked_sort3A_2112 = arith.constant dense<true> : vector<16xi1>
    %masked_sort3A_2113, %masked_sort3A_2114, %masked_sort3A_2115 = tpu.sort %get3A_2083, %add3A_2087 masked %masked_sort3A_2112 : (vector<16xf32>, vector<16xi32>, vector<16xi1>) -> (vector<16xi1>, vector<16xf32>, vector<16xi32>)
    %masked_sort3A_2116 = arith.constant dense<true> : vector<16xi1>
    %masked_sort3A_2117, %masked_sort3A_2118, %masked_sort3A_2119 = tpu.sort %get3A_2091, %add3A_2095 masked %masked_sort3A_2116 : (vector<16xf32>, vector<16xi32>, vector<16xi1>) -> (vector<16xi1>, vector<16xf32>, vector<16xi32>)
    %masked_sort3A_2120 = arith.constant dense<true> : vector<16xi1>
    %masked_sort3A_2121, %masked_sort3A_2122, %masked_sort3A_2123 = tpu.sort %get3A_2099, %add3A_2103 masked %masked_sort3A_2120 : (vector<16xf32>, vector<16xi32>, vector<16xi1>) -> (vector<16xi1>, vector<16xf32>, vector<16xi32>)
    %masked_sort3A_2124 = arith.constant dense<true> : vector<16xi1>
    %masked_sort3A_2125, %masked_sort3A_2126, %masked_sort3A_2127 = tpu.sort %get3A_2107, %add3A_2111 masked %masked_sort3A_2124 : (vector<16xf32>, vector<16xi32>, vector<16xi1>) -> (vector<16xi1>, vector<16xf32>, vector<16xi32>)
    %rev3A_2128 = arith.constant 15 : i32
    %rev3A_2129 = vector.broadcast %rev3A_2128 : i32 to vector<16xi32>
    %rev3A_2130 = tpu.iota {dimensions = array<i32: 0>} : vector<16xi32>
    %rev3A_2131 = arith.subi %rev3A_2129, %rev3A_2130 : vector<16xi32>
    %rev3A_2132 = tpu.dynamic_gather %masked_sort3A_2118[%rev3A_2131] in [0] : vector<16xf32>, vector<16xi32> -> vector<16xf32>
    %rev3A_2133 = arith.constant 15 : i32
    %rev3A_2134 = vector.broadcast %rev3A_2133 : i32 to vector<16xi32>
    %rev3A_2135 = tpu.iota {dimensions = array<i32: 0>} : vector<16xi32>
    %rev3A_2136 = arith.subi %rev3A_2134, %rev3A_2135 : vector<16xi32>
    %rev3A_2137 = tpu.dynamic_gather %masked_sort3A_2119[%rev3A_2136] in [0] : vector<16xi32>, vector<16xi32> -> vector<16xi32>
    %le3A_2138 = arith.cmpf ole, %masked_sort3A_2114, %rev3A_2132 : vector<16xf32>
    %select_n3A_2139 = arith.select %le3A_2138, %masked_sort3A_2114, %rev3A_2132 : vector<16xi1>, vector<16xf32>
    %select_n3A_2140 = arith.select %le3A_2138, %masked_sort3A_2115, %rev3A_2137 : vector<16xi1>, vector<16xi32>
    %select_n3A_2141 = arith.select %le3A_2138, %rev3A_2132, %masked_sort3A_2114 : vector<16xi1>, vector<16xf32>
    %select_n3A_2142 = arith.select %le3A_2138, %rev3A_2137, %masked_sort3A_2115 : vector<16xi1>, vector<16xi32>
    %rev3A_2143 = arith.constant 15 : i32
    %rev3A_2144 = vector.broadcast %rev3A_2143 : i32 to vector<16xi32>
    %rev3A_2145 = tpu.iota {dimensions = array<i32: 0>} : vector<16xi32>
    %rev3A_2146 = arith.subi %rev3A_2144, %rev3A_2145 : vector<16xi32>
    %rev3A_2147 = tpu.dynamic_gather %masked_sort3A_2126[%rev3A_2146] in [0] : vector<16xf32>, vector<16xi32> -> vector<16xf32>
    %rev3A_2148 = arith.constant 15 : i32
    %rev3A_2149 = vector.broadcast %rev3A_2148 : i32 to vector<16xi32>
    %rev3A_2150 = tpu.iota {dimensions = array<i32: 0>} : vector<16xi32>
    %rev3A_2151 = arith.subi %rev3A_2149, %rev3A_2150 : vector<16xi32>
    %rev3A_2152 = tpu.dynamic_gather %masked_sort3A_2127[%rev3A_2151] in [0] : vector<16xi32>, vector<16xi32> -> vector<16xi32>
    %le3A_2153 = arith.cmpf ole, %masked_sort3A_2122, %rev3A_2147 : vector<16xf32>
    %select_n3A_2154 = arith.select %le3A_2153, %masked_sort3A_2122, %rev3A_2147 : vector<16xi1>, vector<16xf32>
    %select_n3A_2155 = arith.select %le3A_2153, %masked_sort3A_2123, %rev3A_2152 : vector<16xi1>, vector<16xi32>
    %select_n3A_2156 = arith.select %le3A_2153, %rev3A_2147, %masked_sort3A_2122 : vector<16xi1>, vector<16xf32>
    %select_n3A_2157 = arith.select %le3A_2153, %rev3A_2152, %masked_sort3A_2123 : vector<16xi1>, vector<16xi32>
    %masked_sort3A_2158 = arith.constant dense<true> : vector<16xi1>
    %masked_sort3A_2159, %masked_sort3A_2160, %masked_sort3A_2161 = tpu.sort %select_n3A_2139, %select_n3A_2140 masked %masked_sort3A_2158 : (vector<16xf32>, vector<16xi32>, vector<16xi1>) -> (vector<16xi1>, vector<16xf32>, vector<16xi32>)
    %masked_sort3A_2162 = arith.constant dense<true> : vector<16xi1>
    %masked_sort3A_2163, %masked_sort3A_2164, %masked_sort3A_2165 = tpu.sort %select_n3A_2141, %select_n3A_2142 masked %masked_sort3A_2162 : (vector<16xf32>, vector<16xi32>, vector<16xi1>) -> (vector<16xi1>, vector<16xf32>, vector<16xi32>)
    %masked_sort3A_2166 = arith.constant dense<true> : vector<16xi1>
    %masked_sort3A_2167, %masked_sort3A_2168, %masked_sort3A_2169 = tpu.sort %select_n3A_2154, %select_n3A_2155 masked %masked_sort3A_2166 : (vector<16xf32>, vector<16xi32>, vector<16xi1>) -> (vector<16xi1>, vector<16xf32>, vector<16xi32>)
    %masked_sort3A_2170 = arith.constant dense<true> : vector<16xi1>
    %masked_sort3A_2171, %masked_sort3A_2172, %masked_sort3A_2173 = tpu.sort %select_n3A_2156, %select_n3A_2157 masked %masked_sort3A_2170 : (vector<16xf32>, vector<16xi32>, vector<16xi1>) -> (vector<16xi1>, vector<16xf32>, vector<16xi32>)
    %rev3A_2174 = arith.constant 15 : i32
    %rev3A_2175 = vector.broadcast %rev3A_2174 : i32 to vector<16xi32>
    %rev3A_2176 = tpu.iota {dimensions = array<i32: 0>} : vector<16xi32>
    %rev3A_2177 = arith.subi %rev3A_2175, %rev3A_2176 : vector<16xi32>
    %rev3A_2178 = tpu.dynamic_gather %masked_sort3A_2172[%rev3A_2177] in [0] : vector<16xf32>, vector<16xi32> -> vector<16xf32>
    %rev3A_2179 = arith.constant 15 : i32
    %rev3A_2180 = vector.broadcast %rev3A_2179 : i32 to vector<16xi32>
    %rev3A_2181 = tpu.iota {dimensions = array<i32: 0>} : vector<16xi32>
    %rev3A_2182 = arith.subi %rev3A_2180, %rev3A_2181 : vector<16xi32>
    %rev3A_2183 = tpu.dynamic_gather %masked_sort3A_2173[%rev3A_2182] in [0] : vector<16xi32>, vector<16xi32> -> vector<16xi32>
    %le3A_2184 = arith.cmpf ole, %masked_sort3A_2160, %rev3A_2178 : vector<16xf32>
    %select_n3A_2185 = arith.select %le3A_2184, %masked_sort3A_2160, %rev3A_2178 : vector<16xi1>, vector<16xf32>
    %select_n3A_2186 = arith.select %le3A_2184, %masked_sort3A_2161, %rev3A_2183 : vector<16xi1>, vector<16xi32>
    %select_n3A_2187 = arith.select %le3A_2184, %rev3A_2178, %masked_sort3A_2160 : vector<16xi1>, vector<16xf32>
    %select_n3A_2188 = arith.select %le3A_2184, %rev3A_2183, %masked_sort3A_2161 : vector<16xi1>, vector<16xi32>
    %rev3A_2189 = arith.constant 15 : i32
    %rev3A_2190 = vector.broadcast %rev3A_2189 : i32 to vector<16xi32>
    %rev3A_2191 = tpu.iota {dimensions = array<i32: 0>} : vector<16xi32>
    %rev3A_2192 = arith.subi %rev3A_2190, %rev3A_2191 : vector<16xi32>
    %rev3A_2193 = tpu.dynamic_gather %masked_sort3A_2168[%rev3A_2192] in [0] : vector<16xf32>, vector<16xi32> -> vector<16xf32>
    %rev3A_2194 = arith.constant 15 : i32
    %rev3A_2195 = vector.broadcast %rev3A_2194 : i32 to vector<16xi32>
    %rev3A_2196 = tpu.iota {dimensions = array<i32: 0>} : vector<16xi32>
    %rev3A_2197 = arith.subi %rev3A_2195, %rev3A_2196 : vector<16xi32>
    %rev3A_2198 = tpu.dynamic_gather %masked_sort3A_2169[%rev3A_2197] in [0] : vector<16xi32>, vector<16xi32> -> vector<16xi32>
    %le3A_2199 = arith.cmpf ole, %masked_sort3A_2164, %rev3A_2193 : vector<16xf32>
    %select_n3A_2200 = arith.select %le3A_2199, %masked_sort3A_2164, %rev3A_2193 : vector<16xi1>, vector<16xf32>
    %select_n3A_2201 = arith.select %le3A_2199, %masked_sort3A_2165, %rev3A_2198 : vector<16xi1>, vector<16xi32>
    %select_n3A_2202 = arith.select %le3A_2199, %rev3A_2193, %masked_sort3A_2164 : vector<16xi1>, vector<16xf32>
    %select_n3A_2203 = arith.select %le3A_2199, %rev3A_2198, %masked_sort3A_2165 : vector<16xi1>, vector<16xi32>
    %le3A_2204 = arith.cmpf ole, %select_n3A_2185, %select_n3A_2200 : vector<16xf32>
    %select_n3A_2205 = arith.select %le3A_2204, %select_n3A_2185, %select_n3A_2200 : vector<16xi1>, vector<16xf32>
    %select_n3A_2206 = arith.select %le3A_2204, %select_n3A_2186, %select_n3A_2201 : vector<16xi1>, vector<16xi32>
    %select_n3A_2207 = arith.select %le3A_2204, %select_n3A_2200, %select_n3A_2185 : vector<16xi1>, vector<16xf32>
    %select_n3A_2208 = arith.select %le3A_2204, %select_n3A_2201, %select_n3A_2186 : vector<16xi1>, vector<16xi32>
    %masked_sort3A_2209 = arith.constant dense<true> : vector<16xi1>
    %masked_sort3A_2210, %masked_sort3A_2211, %masked_sort3A_2212 = tpu.sort %select_n3A_2205, %select_n3A_2206 masked %masked_sort3A_2209 : (vector<16xf32>, vector<16xi32>, vector<16xi1>) -> (vector<16xi1>, vector<16xf32>, vector<16xi32>)
    %masked_sort3A_2213 = arith.constant dense<true> : vector<16xi1>
    %masked_sort3A_2214, %masked_sort3A_2215, %masked_sort3A_2216 = tpu.sort %select_n3A_2207, %select_n3A_2208 masked %masked_sort3A_2213 : (vector<16xf32>, vector<16xi32>, vector<16xi1>) -> (vector<16xi1>, vector<16xf32>, vector<16xi32>)
    %le3A_2217 = arith.cmpf ole, %select_n3A_2187, %select_n3A_2202 : vector<16xf32>
    %select_n3A_2218 = arith.select %le3A_2217, %select_n3A_2187, %select_n3A_2202 : vector<16xi1>, vector<16xf32>
    %select_n3A_2219 = arith.select %le3A_2217, %select_n3A_2188, %select_n3A_2203 : vector<16xi1>, vector<16xi32>
    %select_n3A_2220 = arith.select %le3A_2217, %select_n3A_2202, %select_n3A_2187 : vector<16xi1>, vector<16xf32>
    %select_n3A_2221 = arith.select %le3A_2217, %select_n3A_2203, %select_n3A_2188 : vector<16xi1>, vector<16xi32>
    %masked_sort3A_2222 = arith.constant dense<true> : vector<16xi1>
    %masked_sort3A_2223, %masked_sort3A_2224, %masked_sort3A_2225 = tpu.sort %select_n3A_2218, %select_n3A_2219 masked %masked_sort3A_2222 : (vector<16xf32>, vector<16xi32>, vector<16xi1>) -> (vector<16xi1>, vector<16xf32>, vector<16xi32>)
    %masked_sort3A_2226 = arith.constant dense<true> : vector<16xi1>
    %masked_sort3A_2227, %masked_sort3A_2228, %masked_sort3A_2229 = tpu.sort %select_n3A_2220, %select_n3A_2221 masked %masked_sort3A_2226 : (vector<16xf32>, vector<16xi32>, vector<16xi1>) -> (vector<16xi1>, vector<16xf32>, vector<16xi32>)
    %broadcast_in_dim3A_2230 = arith.constant true
    %broadcast_in_dim3A_2231 = vector.broadcast %broadcast_in_dim3A_2230 : i1 to vector<16xi1>
    %masked_cumsum3A_2232 = tpu.scan <sum>, %masked_sort3A_2211 masked %broadcast_in_dim3A_2231 : vector<16xf32>, vector<16xi1> -> vector<16xf32>
    %add3A_2233 = arith.constant 0.000000e+00 : f32
    %add3A_2234 = vector.broadcast %add3A_2233 : f32 to vector<16xf32>
    %add3A_2235 = arith.addf %masked_cumsum3A_2232, %add3A_2234 : vector<16xf32>
    %reduce_sum3A_2236 = arith.constant true
    %reduce_sum3A_2237 = vector.broadcast %reduce_sum3A_2236 : i1 to vector<16xi1>
    %reduce_sum3A_2238 = tpu.scan <sum>, %masked_sort3A_2211 masked %reduce_sum3A_2237 : vector<16xf32>, vector<16xi1> -> vector<16xf32>
    %reduce_sum3A_2239 = vector.extract %reduce_sum3A_2238[15] : f32 from vector<16xf32>
    %add3A_2240 = arith.constant 0.000000e+00 : f32
    %add3A_2241 = arith.addf %add3A_2240, %reduce_sum3A_2239 : f32
    %ge3A_2242 = arith.constant 1.000000e-01 : f32
    %ge3A_2243 = vector.broadcast %ge3A_2242 : f32 to vector<16xf32>
    %ge3A_2244 = arith.cmpf oge, %add3A_2235, %ge3A_2243 : vector<16xf32>
    %jit3A_2245 = arith.constant 0.000000e+00 : f32
    %jit3A_2246 = arith.constant -1.000000e+30 : f32
    %broadcast_in_dim3A_2247 = vector.broadcast %jit3A_2245 : f32 to vector<16xf32>
    %broadcast_in_dim3A_2248 = vector.broadcast %jit3A_2246 : f32 to vector<16xf32>
    %select_n3A_2249 = arith.select %ge3A_2244, %broadcast_in_dim3A_2247, %broadcast_in_dim3A_2248 : vector<16xi1>, vector<16xf32>
    %broadcast_in_dim3A_2250 = arith.constant 9 : i32
    %broadcast_in_dim3A_2251 = vector.broadcast %broadcast_in_dim3A_2250 : i32 to vector<16xi32>
    tpu.vector_store_idx %arg5[%broadcast_in_dim3A_2251, %masked_sort3A_2212], %select_n3A_2249 : memref<16x64xf32, #tpu.memory_space<vmem>>[vector<16xi32>, vector<16xi32>], vector<16xf32>,
    %broadcast_in_dim3A_2252 = arith.constant true
    %broadcast_in_dim3A_2253 = vector.broadcast %broadcast_in_dim3A_2252 : i1 to vector<16xi1>
    %masked_cumsum3A_2254 = tpu.scan <sum>, %masked_sort3A_2215 masked %broadcast_in_dim3A_2253 : vector<16xf32>, vector<16xi1> -> vector<16xf32>
    %add3A_2255 = vector.broadcast %add3A_2241 : f32 to vector<16xf32>
    %add3A_2256 = arith.addf %masked_cumsum3A_2254, %add3A_2255 : vector<16xf32>
    %reduce_sum3A_2257 = arith.constant true
    %reduce_sum3A_2258 = vector.broadcast %reduce_sum3A_2257 : i1 to vector<16xi1>
    %reduce_sum3A_2259 = tpu.scan <sum>, %masked_sort3A_2215 masked %reduce_sum3A_2258 : vector<16xf32>, vector<16xi1> -> vector<16xf32>
    %reduce_sum3A_2260 = vector.extract %reduce_sum3A_2259[15] : f32 from vector<16xf32>
    %add3A_2261 = arith.addf %add3A_2241, %reduce_sum3A_2260 : f32
    %ge3A_2262 = arith.constant 1.000000e-01 : f32
    %ge3A_2263 = vector.broadcast %ge3A_2262 : f32 to vector<16xf32>
    %ge3A_2264 = arith.cmpf oge, %add3A_2256, %ge3A_2263 : vector<16xf32>
    %jit3A_2265 = arith.constant 0.000000e+00 : f32
    %jit3A_2266 = arith.constant -1.000000e+30 : f32
    %broadcast_in_dim3A_2267 = vector.broadcast %jit3A_2265 : f32 to vector<16xf32>
    %broadcast_in_dim3A_2268 = vector.broadcast %jit3A_2266 : f32 to vector<16xf32>
    %select_n3A_2269 = arith.select %ge3A_2264, %broadcast_in_dim3A_2267, %broadcast_in_dim3A_2268 : vector<16xi1>, vector<16xf32>
    %broadcast_in_dim3A_2270 = arith.constant 9 : i32
    %broadcast_in_dim3A_2271 = vector.broadcast %broadcast_in_dim3A_2270 : i32 to vector<16xi32>
    tpu.vector_store_idx %arg5[%broadcast_in_dim3A_2271, %masked_sort3A_2216], %select_n3A_2269 : memref<16x64xf32, #tpu.memory_space<vmem>>[vector<16xi32>, vector<16xi32>], vector<16xf32>,
    %broadcast_in_dim3A_2272 = arith.constant true
    %broadcast_in_dim3A_2273 = vector.broadcast %broadcast_in_dim3A_2272 : i1 to vector<16xi1>
    %masked_cumsum3A_2274 = tpu.scan <sum>, %masked_sort3A_2224 masked %broadcast_in_dim3A_2273 : vector<16xf32>, vector<16xi1> -> vector<16xf32>
    %add3A_2275 = vector.broadcast %add3A_2261 : f32 to vector<16xf32>
    %add3A_2276 = arith.addf %masked_cumsum3A_2274, %add3A_2275 : vector<16xf32>
    %reduce_sum3A_2277 = arith.constant true
    %reduce_sum3A_2278 = vector.broadcast %reduce_sum3A_2277 : i1 to vector<16xi1>
    %reduce_sum3A_2279 = tpu.scan <sum>, %masked_sort3A_2224 masked %reduce_sum3A_2278 : vector<16xf32>, vector<16xi1> -> vector<16xf32>
    %reduce_sum3A_2280 = vector.extract %reduce_sum3A_2279[15] : f32 from vector<16xf32>
    %add3A_2281 = arith.addf %add3A_2261, %reduce_sum3A_2280 : f32
    %ge3A_2282 = arith.constant 1.000000e-01 : f32
    %ge3A_2283 = vector.broadcast %ge3A_2282 : f32 to vector<16xf32>
    %ge3A_2284 = arith.cmpf oge, %add3A_2276, %ge3A_2283 : vector<16xf32>
    %jit3A_2285 = arith.constant 0.000000e+00 : f32
    %jit3A_2286 = arith.constant -1.000000e+30 : f32
    %broadcast_in_dim3A_2287 = vector.broadcast %jit3A_2285 : f32 to vector<16xf32>
    %broadcast_in_dim3A_2288 = vector.broadcast %jit3A_2286 : f32 to vector<16xf32>
    %select_n3A_2289 = arith.select %ge3A_2284, %broadcast_in_dim3A_2287, %broadcast_in_dim3A_2288 : vector<16xi1>, vector<16xf32>
    %broadcast_in_dim3A_2290 = arith.constant 9 : i32
    %broadcast_in_dim3A_2291 = vector.broadcast %broadcast_in_dim3A_2290 : i32 to vector<16xi32>
    tpu.vector_store_idx %arg5[%broadcast_in_dim3A_2291, %masked_sort3A_2225], %select_n3A_2289 : memref<16x64xf32, #tpu.memory_space<vmem>>[vector<16xi32>, vector<16xi32>], vector<16xf32>,
    %broadcast_in_dim3A_2292 = arith.constant true
    %broadcast_in_dim3A_2293 = vector.broadcast %broadcast_in_dim3A_2292 : i1 to vector<16xi1>
    %masked_cumsum3A_2294 = tpu.scan <sum>, %masked_sort3A_2228 masked %broadcast_in_dim3A_2293 : vector<16xf32>, vector<16xi1> -> vector<16xf32>
    %add3A_2295 = vector.broadcast %add3A_2281 : f32 to vector<16xf32>
    %add3A_2296 = arith.addf %masked_cumsum3A_2294, %add3A_2295 : vector<16xf32>
    %reduce_sum3A_2297 = arith.constant true
    %reduce_sum3A_2298 = vector.broadcast %reduce_sum3A_2297 : i1 to vector<16xi1>
    %reduce_sum3A_2299 = tpu.scan <sum>, %masked_sort3A_2228 masked %reduce_sum3A_2298 : vector<16xf32>, vector<16xi1> -> vector<16xf32>
    %reduce_sum3A_2300 = vector.extract %reduce_sum3A_2299[15] : f32 from vector<16xf32>
    %add3A_2301 = arith.addf %add3A_2281, %reduce_sum3A_2300 : f32
    %ge3A_2302 = arith.constant 1.000000e-01 : f32
    %ge3A_2303 = vector.broadcast %ge3A_2302 : f32 to vector<16xf32>
    %ge3A_2304 = arith.cmpf oge, %add3A_2296, %ge3A_2303 : vector<16xf32>
    %jit3A_2305 = arith.constant 0.000000e+00 : f32
    %jit3A_2306 = arith.constant -1.000000e+30 : f32
    %broadcast_in_dim3A_2307 = vector.broadcast %jit3A_2305 : f32 to vector<16xf32>
    %broadcast_in_dim3A_2308 = vector.broadcast %jit3A_2306 : f32 to vector<16xf32>
    %select_n3A_2309 = arith.select %ge3A_2304, %broadcast_in_dim3A_2307, %broadcast_in_dim3A_2308 : vector<16xi1>, vector<16xf32>
    %broadcast_in_dim3A_2310 = arith.constant 9 : i32
    %broadcast_in_dim3A_2311 = vector.broadcast %broadcast_in_dim3A_2310 : i32 to vector<16xi32>
    tpu.vector_store_idx %arg5[%broadcast_in_dim3A_2311, %masked_sort3A_2229], %select_n3A_2309 : memref<16x64xf32, #tpu.memory_space<vmem>>[vector<16xi32>, vector<16xi32>], vector<16xf32>,
    %get3A_2312 = arith.constant 10 : i32
    %get3A_2313 = arith.index_cast %get3A_2312 : i32 to index
    %get3A_2314 = arith.constant 0 : index
    %get3A_2315 = tpu.vector_load %arg4[%get3A_2313, %get3A_2314] {strides = array<i32>} : memref<16x64xf32, #tpu.memory_space<vmem>>, vector<16xf32>,
    %iota3A_2316 = tpu.iota {dimensions = array<i32: 0>} : vector<16xi32>
    %add3A_2317 = arith.constant 0 : i32
    %add3A_2318 = vector.broadcast %add3A_2317 : i32 to vector<16xi32>
    %add3A_2319 = arith.addi %iota3A_2316, %add3A_2318 : vector<16xi32>
    %get3A_2320 = arith.constant 10 : i32
    %get3A_2321 = arith.index_cast %get3A_2320 : i32 to index
    %get3A_2322 = arith.constant 16 : index
    %get3A_2323 = tpu.vector_load %arg4[%get3A_2321, %get3A_2322] {strides = array<i32>} : memref<16x64xf32, #tpu.memory_space<vmem>>, vector<16xf32>,
    %iota3A_2324 = tpu.iota {dimensions = array<i32: 0>} : vector<16xi32>
    %add3A_2325 = arith.constant 16 : i32
    %add3A_2326 = vector.broadcast %add3A_2325 : i32 to vector<16xi32>
    %add3A_2327 = arith.addi %iota3A_2324, %add3A_2326 : vector<16xi32>
    %get3A_2328 = arith.constant 10 : i32
    %get3A_2329 = arith.index_cast %get3A_2328 : i32 to index
    %get3A_2330 = arith.constant 32 : index
    %get3A_2331 = tpu.vector_load %arg4[%get3A_2329, %get3A_2330] {strides = array<i32>} : memref<16x64xf32, #tpu.memory_space<vmem>>, vector<16xf32>,
    %iota3A_2332 = tpu.iota {dimensions = array<i32: 0>} : vector<16xi32>
    %add3A_2333 = arith.constant 32 : i32
    %add3A_2334 = vector.broadcast %add3A_2333 : i32 to vector<16xi32>
    %add3A_2335 = arith.addi %iota3A_2332, %add3A_2334 : vector<16xi32>
    %get3A_2336 = arith.constant 10 : i32
    %get3A_2337 = arith.index_cast %get3A_2336 : i32 to index
    %get3A_2338 = arith.constant 48 : index
    %get3A_2339 = tpu.vector_load %arg4[%get3A_2337, %get3A_2338] {strides = array<i32>} : memref<16x64xf32, #tpu.memory_space<vmem>>, vector<16xf32>,
    %iota3A_2340 = tpu.iota {dimensions = array<i32: 0>} : vector<16xi32>
    %add3A_2341 = arith.constant 48 : i32
    %add3A_2342 = vector.broadcast %add3A_2341 : i32 to vector<16xi32>
    %add3A_2343 = arith.addi %iota3A_2340, %add3A_2342 : vector<16xi32>
    %masked_sort3A_2344 = arith.constant dense<true> : vector<16xi1>
    %masked_sort3A_2345, %masked_sort3A_2346, %masked_sort3A_2347 = tpu.sort %get3A_2315, %add3A_2319 masked %masked_sort3A_2344 : (vector<16xf32>, vector<16xi32>, vector<16xi1>) -> (vector<16xi1>, vector<16xf32>, vector<16xi32>)
    %masked_sort3A_2348 = arith.constant dense<true> : vector<16xi1>
    %masked_sort3A_2349, %masked_sort3A_2350, %masked_sort3A_2351 = tpu.sort %get3A_2323, %add3A_2327 masked %masked_sort3A_2348 : (vector<16xf32>, vector<16xi32>, vector<16xi1>) -> (vector<16xi1>, vector<16xf32>, vector<16xi32>)
    %masked_sort3A_2352 = arith.constant dense<true> : vector<16xi1>
    %masked_sort3A_2353, %masked_sort3A_2354, %masked_sort3A_2355 = tpu.sort %get3A_2331, %add3A_2335 masked %masked_sort3A_2352 : (vector<16xf32>, vector<16xi32>, vector<16xi1>) -> (vector<16xi1>, vector<16xf32>, vector<16xi32>)
    %masked_sort3A_2356 = arith.constant dense<true> : vector<16xi1>
    %masked_sort3A_2357, %masked_sort3A_2358, %masked_sort3A_2359 = tpu.sort %get3A_2339, %add3A_2343 masked %masked_sort3A_2356 : (vector<16xf32>, vector<16xi32>, vector<16xi1>) -> (vector<16xi1>, vector<16xf32>, vector<16xi32>)
    %rev3A_2360 = arith.constant 15 : i32
    %rev3A_2361 = vector.broadcast %rev3A_2360 : i32 to vector<16xi32>
    %rev3A_2362 = tpu.iota {dimensions = array<i32: 0>} : vector<16xi32>
    %rev3A_2363 = arith.subi %rev3A_2361, %rev3A_2362 : vector<16xi32>
    %rev3A_2364 = tpu.dynamic_gather %masked_sort3A_2350[%rev3A_2363] in [0] : vector<16xf32>, vector<16xi32> -> vector<16xf32>
    %rev3A_2365 = arith.constant 15 : i32
    %rev3A_2366 = vector.broadcast %rev3A_2365 : i32 to vector<16xi32>
    %rev3A_2367 = tpu.iota {dimensions = array<i32: 0>} : vector<16xi32>
    %rev3A_2368 = arith.subi %rev3A_2366, %rev3A_2367 : vector<16xi32>
    %rev3A_2369 = tpu.dynamic_gather %masked_sort3A_2351[%rev3A_2368] in [0] : vector<16xi32>, vector<16xi32> -> vector<16xi32>
    %le3A_2370 = arith.cmpf ole, %masked_sort3A_2346, %rev3A_2364 : vector<16xf32>
    %select_n3A_2371 = arith.select %le3A_2370, %masked_sort3A_2346, %rev3A_2364 : vector<16xi1>, vector<16xf32>
    %select_n3A_2372 = arith.select %le3A_2370, %masked_sort3A_2347, %rev3A_2369 : vector<16xi1>, vector<16xi32>
    %select_n3A_2373 = arith.select %le3A_2370, %rev3A_2364, %masked_sort3A_2346 : vector<16xi1>, vector<16xf32>
    %select_n3A_2374 = arith.select %le3A_2370, %rev3A_2369, %masked_sort3A_2347 : vector<16xi1>, vector<16xi32>
    %rev3A_2375 = arith.constant 15 : i32
    %rev3A_2376 = vector.broadcast %rev3A_2375 : i32 to vector<16xi32>
    %rev3A_2377 = tpu.iota {dimensions = array<i32: 0>} : vector<16xi32>
    %rev3A_2378 = arith.subi %rev3A_2376, %rev3A_2377 : vector<16xi32>
    %rev3A_2379 = tpu.dynamic_gather %masked_sort3A_2358[%rev3A_2378] in [0] : vector<16xf32>, vector<16xi32> -> vector<16xf32>
    %rev3A_2380 = arith.constant 15 : i32
    %rev3A_2381 = vector.broadcast %rev3A_2380 : i32 to vector<16xi32>
    %rev3A_2382 = tpu.iota {dimensions = array<i32: 0>} : vector<16xi32>
    %rev3A_2383 = arith.subi %rev3A_2381, %rev3A_2382 : vector<16xi32>
    %rev3A_2384 = tpu.dynamic_gather %masked_sort3A_2359[%rev3A_2383] in [0] : vector<16xi32>, vector<16xi32> -> vector<16xi32>
    %le3A_2385 = arith.cmpf ole, %masked_sort3A_2354, %rev3A_2379 : vector<16xf32>
    %select_n3A_2386 = arith.select %le3A_2385, %masked_sort3A_2354, %rev3A_2379 : vector<16xi1>, vector<16xf32>
    %select_n3A_2387 = arith.select %le3A_2385, %masked_sort3A_2355, %rev3A_2384 : vector<16xi1>, vector<16xi32>
    %select_n3A_2388 = arith.select %le3A_2385, %rev3A_2379, %masked_sort3A_2354 : vector<16xi1>, vector<16xf32>
    %select_n3A_2389 = arith.select %le3A_2385, %rev3A_2384, %masked_sort3A_2355 : vector<16xi1>, vector<16xi32>
    %masked_sort3A_2390 = arith.constant dense<true> : vector<16xi1>
    %masked_sort3A_2391, %masked_sort3A_2392, %masked_sort3A_2393 = tpu.sort %select_n3A_2371, %select_n3A_2372 masked %masked_sort3A_2390 : (vector<16xf32>, vector<16xi32>, vector<16xi1>) -> (vector<16xi1>, vector<16xf32>, vector<16xi32>)
    %masked_sort3A_2394 = arith.constant dense<true> : vector<16xi1>
    %masked_sort3A_2395, %masked_sort3A_2396, %masked_sort3A_2397 = tpu.sort %select_n3A_2373, %select_n3A_2374 masked %masked_sort3A_2394 : (vector<16xf32>, vector<16xi32>, vector<16xi1>) -> (vector<16xi1>, vector<16xf32>, vector<16xi32>)
    %masked_sort3A_2398 = arith.constant dense<true> : vector<16xi1>
    %masked_sort3A_2399, %masked_sort3A_2400, %masked_sort3A_2401 = tpu.sort %select_n3A_2386, %select_n3A_2387 masked %masked_sort3A_2398 : (vector<16xf32>, vector<16xi32>, vector<16xi1>) -> (vector<16xi1>, vector<16xf32>, vector<16xi32>)
    %masked_sort3A_2402 = arith.constant dense<true> : vector<16xi1>
    %masked_sort3A_2403, %masked_sort3A_2404, %masked_sort3A_2405 = tpu.sort %select_n3A_2388, %select_n3A_2389 masked %masked_sort3A_2402 : (vector<16xf32>, vector<16xi32>, vector<16xi1>) -> (vector<16xi1>, vector<16xf32>, vector<16xi32>)
    %rev3A_2406 = arith.constant 15 : i32
    %rev3A_2407 = vector.broadcast %rev3A_2406 : i32 to vector<16xi32>
    %rev3A_2408 = tpu.iota {dimensions = array<i32: 0>} : vector<16xi32>
    %rev3A_2409 = arith.subi %rev3A_2407, %rev3A_2408 : vector<16xi32>
    %rev3A_2410 = tpu.dynamic_gather %masked_sort3A_2404[%rev3A_2409] in [0] : vector<16xf32>, vector<16xi32> -> vector<16xf32>
    %rev3A_2411 = arith.constant 15 : i32
    %rev3A_2412 = vector.broadcast %rev3A_2411 : i32 to vector<16xi32>
    %rev3A_2413 = tpu.iota {dimensions = array<i32: 0>} : vector<16xi32>
    %rev3A_2414 = arith.subi %rev3A_2412, %rev3A_2413 : vector<16xi32>
    %rev3A_2415 = tpu.dynamic_gather %masked_sort3A_2405[%rev3A_2414] in [0] : vector<16xi32>, vector<16xi32> -> vector<16xi32>
    %le3A_2416 = arith.cmpf ole, %masked_sort3A_2392, %rev3A_2410 : vector<16xf32>
    %select_n3A_2417 = arith.select %le3A_2416, %masked_sort3A_2392, %rev3A_2410 : vector<16xi1>, vector<16xf32>
    %select_n3A_2418 = arith.select %le3A_2416, %masked_sort3A_2393, %rev3A_2415 : vector<16xi1>, vector<16xi32>
    %select_n3A_2419 = arith.select %le3A_2416, %rev3A_2410, %masked_sort3A_2392 : vector<16xi1>, vector<16xf32>
    %select_n3A_2420 = arith.select %le3A_2416, %rev3A_2415, %masked_sort3A_2393 : vector<16xi1>, vector<16xi32>
    %rev3A_2421 = arith.constant 15 : i32
    %rev3A_2422 = vector.broadcast %rev3A_2421 : i32 to vector<16xi32>
    %rev3A_2423 = tpu.iota {dimensions = array<i32: 0>} : vector<16xi32>
    %rev3A_2424 = arith.subi %rev3A_2422, %rev3A_2423 : vector<16xi32>
    %rev3A_2425 = tpu.dynamic_gather %masked_sort3A_2400[%rev3A_2424] in [0] : vector<16xf32>, vector<16xi32> -> vector<16xf32>
    %rev3A_2426 = arith.constant 15 : i32
    %rev3A_2427 = vector.broadcast %rev3A_2426 : i32 to vector<16xi32>
    %rev3A_2428 = tpu.iota {dimensions = array<i32: 0>} : vector<16xi32>
    %rev3A_2429 = arith.subi %rev3A_2427, %rev3A_2428 : vector<16xi32>
    %rev3A_2430 = tpu.dynamic_gather %masked_sort3A_2401[%rev3A_2429] in [0] : vector<16xi32>, vector<16xi32> -> vector<16xi32>
    %le3A_2431 = arith.cmpf ole, %masked_sort3A_2396, %rev3A_2425 : vector<16xf32>
    %select_n3A_2432 = arith.select %le3A_2431, %masked_sort3A_2396, %rev3A_2425 : vector<16xi1>, vector<16xf32>
    %select_n3A_2433 = arith.select %le3A_2431, %masked_sort3A_2397, %rev3A_2430 : vector<16xi1>, vector<16xi32>
    %select_n3A_2434 = arith.select %le3A_2431, %rev3A_2425, %masked_sort3A_2396 : vector<16xi1>, vector<16xf32>
    %select_n3A_2435 = arith.select %le3A_2431, %rev3A_2430, %masked_sort3A_2397 : vector<16xi1>, vector<16xi32>
    %le3A_2436 = arith.cmpf ole, %select_n3A_2417, %select_n3A_2432 : vector<16xf32>
    %select_n3A_2437 = arith.select %le3A_2436, %select_n3A_2417, %select_n3A_2432 : vector<16xi1>, vector<16xf32>
    %select_n3A_2438 = arith.select %le3A_2436, %select_n3A_2418, %select_n3A_2433 : vector<16xi1>, vector<16xi32>
    %select_n3A_2439 = arith.select %le3A_2436, %select_n3A_2432, %select_n3A_2417 : vector<16xi1>, vector<16xf32>
    %select_n3A_2440 = arith.select %le3A_2436, %select_n3A_2433, %select_n3A_2418 : vector<16xi1>, vector<16xi32>
    %masked_sort3A_2441 = arith.constant dense<true> : vector<16xi1>
    %masked_sort3A_2442, %masked_sort3A_2443, %masked_sort3A_2444 = tpu.sort %select_n3A_2437, %select_n3A_2438 masked %masked_sort3A_2441 : (vector<16xf32>, vector<16xi32>, vector<16xi1>) -> (vector<16xi1>, vector<16xf32>, vector<16xi32>)
    %masked_sort3A_2445 = arith.constant dense<true> : vector<16xi1>
    %masked_sort3A_2446, %masked_sort3A_2447, %masked_sort3A_2448 = tpu.sort %select_n3A_2439, %select_n3A_2440 masked %masked_sort3A_2445 : (vector<16xf32>, vector<16xi32>, vector<16xi1>) -> (vector<16xi1>, vector<16xf32>, vector<16xi32>)
    %le3A_2449 = arith.cmpf ole, %select_n3A_2419, %select_n3A_2434 : vector<16xf32>
    %select_n3A_2450 = arith.select %le3A_2449, %select_n3A_2419, %select_n3A_2434 : vector<16xi1>, vector<16xf32>
    %select_n3A_2451 = arith.select %le3A_2449, %select_n3A_2420, %select_n3A_2435 : vector<16xi1>, vector<16xi32>
    %select_n3A_2452 = arith.select %le3A_2449, %select_n3A_2434, %select_n3A_2419 : vector<16xi1>, vector<16xf32>
    %select_n3A_2453 = arith.select %le3A_2449, %select_n3A_2435, %select_n3A_2420 : vector<16xi1>, vector<16xi32>
    %masked_sort3A_2454 = arith.constant dense<true> : vector<16xi1>
    %masked_sort3A_2455, %masked_sort3A_2456, %masked_sort3A_2457 = tpu.sort %select_n3A_2450, %select_n3A_2451 masked %masked_sort3A_2454 : (vector<16xf32>, vector<16xi32>, vector<16xi1>) -> (vector<16xi1>, vector<16xf32>, vector<16xi32>)
    %masked_sort3A_2458 = arith.constant dense<true> : vector<16xi1>
    %masked_sort3A_2459, %masked_sort3A_2460, %masked_sort3A_2461 = tpu.sort %select_n3A_2452, %select_n3A_2453 masked %masked_sort3A_2458 : (vector<16xf32>, vector<16xi32>, vector<16xi1>) -> (vector<16xi1>, vector<16xf32>, vector<16xi32>)
    %broadcast_in_dim3A_2462 = arith.constant true
    %broadcast_in_dim3A_2463 = vector.broadcast %broadcast_in_dim3A_2462 : i1 to vector<16xi1>
    %masked_cumsum3A_2464 = tpu.scan <sum>, %masked_sort3A_2443 masked %broadcast_in_dim3A_2463 : vector<16xf32>, vector<16xi1> -> vector<16xf32>
    %add3A_2465 = arith.constant 0.000000e+00 : f32
    %add3A_2466 = vector.broadcast %add3A_2465 : f32 to vector<16xf32>
    %add3A_2467 = arith.addf %masked_cumsum3A_2464, %add3A_2466 : vector<16xf32>
    %reduce_sum3A_2468 = arith.constant true
    %reduce_sum3A_2469 = vector.broadcast %reduce_sum3A_2468 : i1 to vector<16xi1>
    %reduce_sum3A_2470 = tpu.scan <sum>, %masked_sort3A_2443 masked %reduce_sum3A_2469 : vector<16xf32>, vector<16xi1> -> vector<16xf32>
    %reduce_sum3A_2471 = vector.extract %reduce_sum3A_2470[15] : f32 from vector<16xf32>
    %add3A_2472 = arith.constant 0.000000e+00 : f32
    %add3A_2473 = arith.addf %add3A_2472, %reduce_sum3A_2471 : f32
    %ge3A_2474 = arith.constant 1.000000e-01 : f32
    %ge3A_2475 = vector.broadcast %ge3A_2474 : f32 to vector<16xf32>
    %ge3A_2476 = arith.cmpf oge, %add3A_2467, %ge3A_2475 : vector<16xf32>
    %jit3A_2477 = arith.constant 0.000000e+00 : f32
    %jit3A_2478 = arith.constant -1.000000e+30 : f32
    %broadcast_in_dim3A_2479 = vector.broadcast %jit3A_2477 : f32 to vector<16xf32>
    %broadcast_in_dim3A_2480 = vector.broadcast %jit3A_2478 : f32 to vector<16xf32>
    %select_n3A_2481 = arith.select %ge3A_2476, %broadcast_in_dim3A_2479, %broadcast_in_dim3A_2480 : vector<16xi1>, vector<16xf32>
    %broadcast_in_dim3A_2482 = arith.constant 10 : i32
    %broadcast_in_dim3A_2483 = vector.broadcast %broadcast_in_dim3A_2482 : i32 to vector<16xi32>
    tpu.vector_store_idx %arg5[%broadcast_in_dim3A_2483, %masked_sort3A_2444], %select_n3A_2481 : memref<16x64xf32, #tpu.memory_space<vmem>>[vector<16xi32>, vector<16xi32>], vector<16xf32>,
    %broadcast_in_dim3A_2484 = arith.constant true
    %broadcast_in_dim3A_2485 = vector.broadcast %broadcast_in_dim3A_2484 : i1 to vector<16xi1>
    %masked_cumsum3A_2486 = tpu.scan <sum>, %masked_sort3A_2447 masked %broadcast_in_dim3A_2485 : vector<16xf32>, vector<16xi1> -> vector<16xf32>
    %add3A_2487 = vector.broadcast %add3A_2473 : f32 to vector<16xf32>
    %add3A_2488 = arith.addf %masked_cumsum3A_2486, %add3A_2487 : vector<16xf32>
    %reduce_sum3A_2489 = arith.constant true
    %reduce_sum3A_2490 = vector.broadcast %reduce_sum3A_2489 : i1 to vector<16xi1>
    %reduce_sum3A_2491 = tpu.scan <sum>, %masked_sort3A_2447 masked %reduce_sum3A_2490 : vector<16xf32>, vector<16xi1> -> vector<16xf32>
    %reduce_sum3A_2492 = vector.extract %reduce_sum3A_2491[15] : f32 from vector<16xf32>
    %add3A_2493 = arith.addf %add3A_2473, %reduce_sum3A_2492 : f32
    %ge3A_2494 = arith.constant 1.000000e-01 : f32
    %ge3A_2495 = vector.broadcast %ge3A_2494 : f32 to vector<16xf32>
    %ge3A_2496 = arith.cmpf oge, %add3A_2488, %ge3A_2495 : vector<16xf32>
    %jit3A_2497 = arith.constant 0.000000e+00 : f32
    %jit3A_2498 = arith.constant -1.000000e+30 : f32
    %broadcast_in_dim3A_2499 = vector.broadcast %jit3A_2497 : f32 to vector<16xf32>
    %broadcast_in_dim3A_2500 = vector.broadcast %jit3A_2498 : f32 to vector<16xf32>
    %select_n3A_2501 = arith.select %ge3A_2496, %broadcast_in_dim3A_2499, %broadcast_in_dim3A_2500 : vector<16xi1>, vector<16xf32>
    %broadcast_in_dim3A_2502 = arith.constant 10 : i32
    %broadcast_in_dim3A_2503 = vector.broadcast %broadcast_in_dim3A_2502 : i32 to vector<16xi32>
    tpu.vector_store_idx %arg5[%broadcast_in_dim3A_2503, %masked_sort3A_2448], %select_n3A_2501 : memref<16x64xf32, #tpu.memory_space<vmem>>[vector<16xi32>, vector<16xi32>], vector<16xf32>,
    %broadcast_in_dim3A_2504 = arith.constant true
    %broadcast_in_dim3A_2505 = vector.broadcast %broadcast_in_dim3A_2504 : i1 to vector<16xi1>
    %masked_cumsum3A_2506 = tpu.scan <sum>, %masked_sort3A_2456 masked %broadcast_in_dim3A_2505 : vector<16xf32>, vector<16xi1> -> vector<16xf32>
    %add3A_2507 = vector.broadcast %add3A_2493 : f32 to vector<16xf32>
    %add3A_2508 = arith.addf %masked_cumsum3A_2506, %add3A_2507 : vector<16xf32>
    %reduce_sum3A_2509 = arith.constant true
    %reduce_sum3A_2510 = vector.broadcast %reduce_sum3A_2509 : i1 to vector<16xi1>
    %reduce_sum3A_2511 = tpu.scan <sum>, %masked_sort3A_2456 masked %reduce_sum3A_2510 : vector<16xf32>, vector<16xi1> -> vector<16xf32>
    %reduce_sum3A_2512 = vector.extract %reduce_sum3A_2511[15] : f32 from vector<16xf32>
    %add3A_2513 = arith.addf %add3A_2493, %reduce_sum3A_2512 : f32
    %ge3A_2514 = arith.constant 1.000000e-01 : f32
    %ge3A_2515 = vector.broadcast %ge3A_2514 : f32 to vector<16xf32>
    %ge3A_2516 = arith.cmpf oge, %add3A_2508, %ge3A_2515 : vector<16xf32>
    %jit3A_2517 = arith.constant 0.000000e+00 : f32
    %jit3A_2518 = arith.constant -1.000000e+30 : f32
    %broadcast_in_dim3A_2519 = vector.broadcast %jit3A_2517 : f32 to vector<16xf32>
    %broadcast_in_dim3A_2520 = vector.broadcast %jit3A_2518 : f32 to vector<16xf32>
    %select_n3A_2521 = arith.select %ge3A_2516, %broadcast_in_dim3A_2519, %broadcast_in_dim3A_2520 : vector<16xi1>, vector<16xf32>
    %broadcast_in_dim3A_2522 = arith.constant 10 : i32
    %broadcast_in_dim3A_2523 = vector.broadcast %broadcast_in_dim3A_2522 : i32 to vector<16xi32>
    tpu.vector_store_idx %arg5[%broadcast_in_dim3A_2523, %masked_sort3A_2457], %select_n3A_2521 : memref<16x64xf32, #tpu.memory_space<vmem>>[vector<16xi32>, vector<16xi32>], vector<16xf32>,
    %broadcast_in_dim3A_2524 = arith.constant true
    %broadcast_in_dim3A_2525 = vector.broadcast %broadcast_in_dim3A_2524 : i1 to vector<16xi1>
    %masked_cumsum3A_2526 = tpu.scan <sum>, %masked_sort3A_2460 masked %broadcast_in_dim3A_2525 : vector<16xf32>, vector<16xi1> -> vector<16xf32>
    %add3A_2527 = vector.broadcast %add3A_2513 : f32 to vector<16xf32>
    %add3A_2528 = arith.addf %masked_cumsum3A_2526, %add3A_2527 : vector<16xf32>
    %reduce_sum3A_2529 = arith.constant true
    %reduce_sum3A_2530 = vector.broadcast %reduce_sum3A_2529 : i1 to vector<16xi1>
    %reduce_sum3A_2531 = tpu.scan <sum>, %masked_sort3A_2460 masked %reduce_sum3A_2530 : vector<16xf32>, vector<16xi1> -> vector<16xf32>
    %reduce_sum3A_2532 = vector.extract %reduce_sum3A_2531[15] : f32 from vector<16xf32>
    %add3A_2533 = arith.addf %add3A_2513, %reduce_sum3A_2532 : f32
    %ge3A_2534 = arith.constant 1.000000e-01 : f32
    %ge3A_2535 = vector.broadcast %ge3A_2534 : f32 to vector<16xf32>
    %ge3A_2536 = arith.cmpf oge, %add3A_2528, %ge3A_2535 : vector<16xf32>
    %jit3A_2537 = arith.constant 0.000000e+00 : f32
    %jit3A_2538 = arith.constant -1.000000e+30 : f32
    %broadcast_in_dim3A_2539 = vector.broadcast %jit3A_2537 : f32 to vector<16xf32>
    %broadcast_in_dim3A_2540 = vector.broadcast %jit3A_2538 : f32 to vector<16xf32>
    %select_n3A_2541 = arith.select %ge3A_2536, %broadcast_in_dim3A_2539, %broadcast_in_dim3A_2540 : vector<16xi1>, vector<16xf32>
    %broadcast_in_dim3A_2542 = arith.constant 10 : i32
    %broadcast_in_dim3A_2543 = vector.broadcast %broadcast_in_dim3A_2542 : i32 to vector<16xi32>
    tpu.vector_store_idx %arg5[%broadcast_in_dim3A_2543, %masked_sort3A_2461], %select_n3A_2541 : memref<16x64xf32, #tpu.memory_space<vmem>>[vector<16xi32>, vector<16xi32>], vector<16xf32>,
    %get3A_2544 = arith.constant 11 : i32
    %get3A_2545 = arith.index_cast %get3A_2544 : i32 to index
    %get3A_2546 = arith.constant 0 : index
    %get3A_2547 = tpu.vector_load %arg4[%get3A_2545, %get3A_2546] {strides = array<i32>} : memref<16x64xf32, #tpu.memory_space<vmem>>, vector<16xf32>,
    %iota3A_2548 = tpu.iota {dimensions = array<i32: 0>} : vector<16xi32>
    %add3A_2549 = arith.constant 0 : i32
    %add3A_2550 = vector.broadcast %add3A_2549 : i32 to vector<16xi32>
    %add3A_2551 = arith.addi %iota3A_2548, %add3A_2550 : vector<16xi32>
    %get3A_2552 = arith.constant 11 : i32
    %get3A_2553 = arith.index_cast %get3A_2552 : i32 to index
    %get3A_2554 = arith.constant 16 : index
    %get3A_2555 = tpu.vector_load %arg4[%get3A_2553, %get3A_2554] {strides = array<i32>} : memref<16x64xf32, #tpu.memory_space<vmem>>, vector<16xf32>,
    %iota3A_2556 = tpu.iota {dimensions = array<i32: 0>} : vector<16xi32>
    %add3A_2557 = arith.constant 16 : i32
    %add3A_2558 = vector.broadcast %add3A_2557 : i32 to vector<16xi32>
    %add3A_2559 = arith.addi %iota3A_2556, %add3A_2558 : vector<16xi32>
    %get3A_2560 = arith.constant 11 : i32
    %get3A_2561 = arith.index_cast %get3A_2560 : i32 to index
    %get3A_2562 = arith.constant 32 : index
    %get3A_2563 = tpu.vector_load %arg4[%get3A_2561, %get3A_2562] {strides = array<i32>} : memref<16x64xf32, #tpu.memory_space<vmem>>, vector<16xf32>,
    %iota3A_2564 = tpu.iota {dimensions = array<i32: 0>} : vector<16xi32>
    %add3A_2565 = arith.constant 32 : i32
    %add3A_2566 = vector.broadcast %add3A_2565 : i32 to vector<16xi32>
    %add3A_2567 = arith.addi %iota3A_2564, %add3A_2566 : vector<16xi32>
    %get3A_2568 = arith.constant 11 : i32
    %get3A_2569 = arith.index_cast %get3A_2568 : i32 to index
    %get3A_2570 = arith.constant 48 : index
    %get3A_2571 = tpu.vector_load %arg4[%get3A_2569, %get3A_2570] {strides = array<i32>} : memref<16x64xf32, #tpu.memory_space<vmem>>, vector<16xf32>,
    %iota3A_2572 = tpu.iota {dimensions = array<i32: 0>} : vector<16xi32>
    %add3A_2573 = arith.constant 48 : i32
    %add3A_2574 = vector.broadcast %add3A_2573 : i32 to vector<16xi32>
    %add3A_2575 = arith.addi %iota3A_2572, %add3A_2574 : vector<16xi32>
    %masked_sort3A_2576 = arith.constant dense<true> : vector<16xi1>
    %masked_sort3A_2577, %masked_sort3A_2578, %masked_sort3A_2579 = tpu.sort %get3A_2547, %add3A_2551 masked %masked_sort3A_2576 : (vector<16xf32>, vector<16xi32>, vector<16xi1>) -> (vector<16xi1>, vector<16xf32>, vector<16xi32>)
    %masked_sort3A_2580 = arith.constant dense<true> : vector<16xi1>
    %masked_sort3A_2581, %masked_sort3A_2582, %masked_sort3A_2583 = tpu.sort %get3A_2555, %add3A_2559 masked %masked_sort3A_2580 : (vector<16xf32>, vector<16xi32>, vector<16xi1>) -> (vector<16xi1>, vector<16xf32>, vector<16xi32>)
    %masked_sort3A_2584 = arith.constant dense<true> : vector<16xi1>
    %masked_sort3A_2585, %masked_sort3A_2586, %masked_sort3A_2587 = tpu.sort %get3A_2563, %add3A_2567 masked %masked_sort3A_2584 : (vector<16xf32>, vector<16xi32>, vector<16xi1>) -> (vector<16xi1>, vector<16xf32>, vector<16xi32>)
    %masked_sort3A_2588 = arith.constant dense<true> : vector<16xi1>
    %masked_sort3A_2589, %masked_sort3A_2590, %masked_sort3A_2591 = tpu.sort %get3A_2571, %add3A_2575 masked %masked_sort3A_2588 : (vector<16xf32>, vector<16xi32>, vector<16xi1>) -> (vector<16xi1>, vector<16xf32>, vector<16xi32>)
    %rev3A_2592 = arith.constant 15 : i32
    %rev3A_2593 = vector.broadcast %rev3A_2592 : i32 to vector<16xi32>
    %rev3A_2594 = tpu.iota {dimensions = array<i32: 0>} : vector<16xi32>
    %rev3A_2595 = arith.subi %rev3A_2593, %rev3A_2594 : vector<16xi32>
    %rev3A_2596 = tpu.dynamic_gather %masked_sort3A_2582[%rev3A_2595] in [0] : vector<16xf32>, vector<16xi32> -> vector<16xf32>
    %rev3A_2597 = arith.constant 15 : i32
    %rev3A_2598 = vector.broadcast %rev3A_2597 : i32 to vector<16xi32>
    %rev3A_2599 = tpu.iota {dimensions = array<i32: 0>} : vector<16xi32>
    %rev3A_2600 = arith.subi %rev3A_2598, %rev3A_2599 : vector<16xi32>
    %rev3A_2601 = tpu.dynamic_gather %masked_sort3A_2583[%rev3A_2600] in [0] : vector<16xi32>, vector<16xi32> -> vector<16xi32>
    %le3A_2602 = arith.cmpf ole, %masked_sort3A_2578, %rev3A_2596 : vector<16xf32>
    %select_n3A_2603 = arith.select %le3A_2602, %masked_sort3A_2578, %rev3A_2596 : vector<16xi1>, vector<16xf32>
    %select_n3A_2604 = arith.select %le3A_2602, %masked_sort3A_2579, %rev3A_2601 : vector<16xi1>, vector<16xi32>
    %select_n3A_2605 = arith.select %le3A_2602, %rev3A_2596, %masked_sort3A_2578 : vector<16xi1>, vector<16xf32>
    %select_n3A_2606 = arith.select %le3A_2602, %rev3A_2601, %masked_sort3A_2579 : vector<16xi1>, vector<16xi32>
    %rev3A_2607 = arith.constant 15 : i32
    %rev3A_2608 = vector.broadcast %rev3A_2607 : i32 to vector<16xi32>
    %rev3A_2609 = tpu.iota {dimensions = array<i32: 0>} : vector<16xi32>
    %rev3A_2610 = arith.subi %rev3A_2608, %rev3A_2609 : vector<16xi32>
    %rev3A_2611 = tpu.dynamic_gather %masked_sort3A_2590[%rev3A_2610] in [0] : vector<16xf32>, vector<16xi32> -> vector<16xf32>
    %rev3A_2612 = arith.constant 15 : i32
    %rev3A_2613 = vector.broadcast %rev3A_2612 : i32 to vector<16xi32>
    %rev3A_2614 = tpu.iota {dimensions = array<i32: 0>} : vector<16xi32>
    %rev3A_2615 = arith.subi %rev3A_2613, %rev3A_2614 : vector<16xi32>
    %rev3A_2616 = tpu.dynamic_gather %masked_sort3A_2591[%rev3A_2615] in [0] : vector<16xi32>, vector<16xi32> -> vector<16xi32>
    %le3A_2617 = arith.cmpf ole, %masked_sort3A_2586, %rev3A_2611 : vector<16xf32>
    %select_n3A_2618 = arith.select %le3A_2617, %masked_sort3A_2586, %rev3A_2611 : vector<16xi1>, vector<16xf32>
    %select_n3A_2619 = arith.select %le3A_2617, %masked_sort3A_2587, %rev3A_2616 : vector<16xi1>, vector<16xi32>
    %select_n3A_2620 = arith.select %le3A_2617, %rev3A_2611, %masked_sort3A_2586 : vector<16xi1>, vector<16xf32>
    %select_n3A_2621 = arith.select %le3A_2617, %rev3A_2616, %masked_sort3A_2587 : vector<16xi1>, vector<16xi32>
    %masked_sort3A_2622 = arith.constant dense<true> : vector<16xi1>
    %masked_sort3A_2623, %masked_sort3A_2624, %masked_sort3A_2625 = tpu.sort %select_n3A_2603, %select_n3A_2604 masked %masked_sort3A_2622 : (vector<16xf32>, vector<16xi32>, vector<16xi1>) -> (vector<16xi1>, vector<16xf32>, vector<16xi32>)
    %masked_sort3A_2626 = arith.constant dense<true> : vector<16xi1>
    %masked_sort3A_2627, %masked_sort3A_2628, %masked_sort3A_2629 = tpu.sort %select_n3A_2605, %select_n3A_2606 masked %masked_sort3A_2626 : (vector<16xf32>, vector<16xi32>, vector<16xi1>) -> (vector<16xi1>, vector<16xf32>, vector<16xi32>)
    %masked_sort3A_2630 = arith.constant dense<true> : vector<16xi1>
    %masked_sort3A_2631, %masked_sort3A_2632, %masked_sort3A_2633 = tpu.sort %select_n3A_2618, %select_n3A_2619 masked %masked_sort3A_2630 : (vector<16xf32>, vector<16xi32>, vector<16xi1>) -> (vector<16xi1>, vector<16xf32>, vector<16xi32>)
    %masked_sort3A_2634 = arith.constant dense<true> : vector<16xi1>
    %masked_sort3A_2635, %masked_sort3A_2636, %masked_sort3A_2637 = tpu.sort %select_n3A_2620, %select_n3A_2621 masked %masked_sort3A_2634 : (vector<16xf32>, vector<16xi32>, vector<16xi1>) -> (vector<16xi1>, vector<16xf32>, vector<16xi32>)
    %rev3A_2638 = arith.constant 15 : i32
    %rev3A_2639 = vector.broadcast %rev3A_2638 : i32 to vector<16xi32>
    %rev3A_2640 = tpu.iota {dimensions = array<i32: 0>} : vector<16xi32>
    %rev3A_2641 = arith.subi %rev3A_2639, %rev3A_2640 : vector<16xi32>
    %rev3A_2642 = tpu.dynamic_gather %masked_sort3A_2636[%rev3A_2641] in [0] : vector<16xf32>, vector<16xi32> -> vector<16xf32>
    %rev3A_2643 = arith.constant 15 : i32
    %rev3A_2644 = vector.broadcast %rev3A_2643 : i32 to vector<16xi32>
    %rev3A_2645 = tpu.iota {dimensions = array<i32: 0>} : vector<16xi32>
    %rev3A_2646 = arith.subi %rev3A_2644, %rev3A_2645 : vector<16xi32>
    %rev3A_2647 = tpu.dynamic_gather %masked_sort3A_2637[%rev3A_2646] in [0] : vector<16xi32>, vector<16xi32> -> vector<16xi32>
    %le3A_2648 = arith.cmpf ole, %masked_sort3A_2624, %rev3A_2642 : vector<16xf32>
    %select_n3A_2649 = arith.select %le3A_2648, %masked_sort3A_2624, %rev3A_2642 : vector<16xi1>, vector<16xf32>
    %select_n3A_2650 = arith.select %le3A_2648, %masked_sort3A_2625, %rev3A_2647 : vector<16xi1>, vector<16xi32>
    %select_n3A_2651 = arith.select %le3A_2648, %rev3A_2642, %masked_sort3A_2624 : vector<16xi1>, vector<16xf32>
    %select_n3A_2652 = arith.select %le3A_2648, %rev3A_2647, %masked_sort3A_2625 : vector<16xi1>, vector<16xi32>
    %rev3A_2653 = arith.constant 15 : i32
    %rev3A_2654 = vector.broadcast %rev3A_2653 : i32 to vector<16xi32>
    %rev3A_2655 = tpu.iota {dimensions = array<i32: 0>} : vector<16xi32>
    %rev3A_2656 = arith.subi %rev3A_2654, %rev3A_2655 : vector<16xi32>
    %rev3A_2657 = tpu.dynamic_gather %masked_sort3A_2632[%rev3A_2656] in [0] : vector<16xf32>, vector<16xi32> -> vector<16xf32>
    %rev3A_2658 = arith.constant 15 : i32
    %rev3A_2659 = vector.broadcast %rev3A_2658 : i32 to vector<16xi32>
    %rev3A_2660 = tpu.iota {dimensions = array<i32: 0>} : vector<16xi32>
    %rev3A_2661 = arith.subi %rev3A_2659, %rev3A_2660 : vector<16xi32>
    %rev3A_2662 = tpu.dynamic_gather %masked_sort3A_2633[%rev3A_2661] in [0] : vector<16xi32>, vector<16xi32> -> vector<16xi32>
    %le3A_2663 = arith.cmpf ole, %masked_sort3A_2628, %rev3A_2657 : vector<16xf32>
    %select_n3A_2664 = arith.select %le3A_2663, %masked_sort3A_2628, %rev3A_2657 : vector<16xi1>, vector<16xf32>
    %select_n3A_2665 = arith.select %le3A_2663, %masked_sort3A_2629, %rev3A_2662 : vector<16xi1>, vector<16xi32>
    %select_n3A_2666 = arith.select %le3A_2663, %rev3A_2657, %masked_sort3A_2628 : vector<16xi1>, vector<16xf32>
    %select_n3A_2667 = arith.select %le3A_2663, %rev3A_2662, %masked_sort3A_2629 : vector<16xi1>, vector<16xi32>
    %le3A_2668 = arith.cmpf ole, %select_n3A_2649, %select_n3A_2664 : vector<16xf32>
    %select_n3A_2669 = arith.select %le3A_2668, %select_n3A_2649, %select_n3A_2664 : vector<16xi1>, vector<16xf32>
    %select_n3A_2670 = arith.select %le3A_2668, %select_n3A_2650, %select_n3A_2665 : vector<16xi1>, vector<16xi32>
    %select_n3A_2671 = arith.select %le3A_2668, %select_n3A_2664, %select_n3A_2649 : vector<16xi1>, vector<16xf32>
    %select_n3A_2672 = arith.select %le3A_2668, %select_n3A_2665, %select_n3A_2650 : vector<16xi1>, vector<16xi32>
    %masked_sort3A_2673 = arith.constant dense<true> : vector<16xi1>
    %masked_sort3A_2674, %masked_sort3A_2675, %masked_sort3A_2676 = tpu.sort %select_n3A_2669, %select_n3A_2670 masked %masked_sort3A_2673 : (vector<16xf32>, vector<16xi32>, vector<16xi1>) -> (vector<16xi1>, vector<16xf32>, vector<16xi32>)
    %masked_sort3A_2677 = arith.constant dense<true> : vector<16xi1>
    %masked_sort3A_2678, %masked_sort3A_2679, %masked_sort3A_2680 = tpu.sort %select_n3A_2671, %select_n3A_2672 masked %masked_sort3A_2677 : (vector<16xf32>, vector<16xi32>, vector<16xi1>) -> (vector<16xi1>, vector<16xf32>, vector<16xi32>)
    %le3A_2681 = arith.cmpf ole, %select_n3A_2651, %select_n3A_2666 : vector<16xf32>
    %select_n3A_2682 = arith.select %le3A_2681, %select_n3A_2651, %select_n3A_2666 : vector<16xi1>, vector<16xf32>
    %select_n3A_2683 = arith.select %le3A_2681, %select_n3A_2652, %select_n3A_2667 : vector<16xi1>, vector<16xi32>
    %select_n3A_2684 = arith.select %le3A_2681, %select_n3A_2666, %select_n3A_2651 : vector<16xi1>, vector<16xf32>
    %select_n3A_2685 = arith.select %le3A_2681, %select_n3A_2667, %select_n3A_2652 : vector<16xi1>, vector<16xi32>
    %masked_sort3A_2686 = arith.constant dense<true> : vector<16xi1>
    %masked_sort3A_2687, %masked_sort3A_2688, %masked_sort3A_2689 = tpu.sort %select_n3A_2682, %select_n3A_2683 masked %masked_sort3A_2686 : (vector<16xf32>, vector<16xi32>, vector<16xi1>) -> (vector<16xi1>, vector<16xf32>, vector<16xi32>)
    %masked_sort3A_2690 = arith.constant dense<true> : vector<16xi1>
    %masked_sort3A_2691, %masked_sort3A_2692, %masked_sort3A_2693 = tpu.sort %select_n3A_2684, %select_n3A_2685 masked %masked_sort3A_2690 : (vector<16xf32>, vector<16xi32>, vector<16xi1>) -> (vector<16xi1>, vector<16xf32>, vector<16xi32>)
    %broadcast_in_dim3A_2694 = arith.constant true
    %broadcast_in_dim3A_2695 = vector.broadcast %broadcast_in_dim3A_2694 : i1 to vector<16xi1>
    %masked_cumsum3A_2696 = tpu.scan <sum>, %masked_sort3A_2675 masked %broadcast_in_dim3A_2695 : vector<16xf32>, vector<16xi1> -> vector<16xf32>
    %add3A_2697 = arith.constant 0.000000e+00 : f32
    %add3A_2698 = vector.broadcast %add3A_2697 : f32 to vector<16xf32>
    %add3A_2699 = arith.addf %masked_cumsum3A_2696, %add3A_2698 : vector<16xf32>
    %reduce_sum3A_2700 = arith.constant true
    %reduce_sum3A_2701 = vector.broadcast %reduce_sum3A_2700 : i1 to vector<16xi1>
    %reduce_sum3A_2702 = tpu.scan <sum>, %masked_sort3A_2675 masked %reduce_sum3A_2701 : vector<16xf32>, vector<16xi1> -> vector<16xf32>
    %reduce_sum3A_2703 = vector.extract %reduce_sum3A_2702[15] : f32 from vector<16xf32>
    %add3A_2704 = arith.constant 0.000000e+00 : f32
    %add3A_2705 = arith.addf %add3A_2704, %reduce_sum3A_2703 : f32
    %ge3A_2706 = arith.constant 1.000000e-01 : f32
    %ge3A_2707 = vector.broadcast %ge3A_2706 : f32 to vector<16xf32>
    %ge3A_2708 = arith.cmpf oge, %add3A_2699, %ge3A_2707 : vector<16xf32>
    %jit3A_2709 = arith.constant 0.000000e+00 : f32
    %jit3A_2710 = arith.constant -1.000000e+30 : f32
    %broadcast_in_dim3A_2711 = vector.broadcast %jit3A_2709 : f32 to vector<16xf32>
    %broadcast_in_dim3A_2712 = vector.broadcast %jit3A_2710 : f32 to vector<16xf32>
    %select_n3A_2713 = arith.select %ge3A_2708, %broadcast_in_dim3A_2711, %broadcast_in_dim3A_2712 : vector<16xi1>, vector<16xf32>
    %broadcast_in_dim3A_2714 = arith.constant 11 : i32
    %broadcast_in_dim3A_2715 = vector.broadcast %broadcast_in_dim3A_2714 : i32 to vector<16xi32>
    tpu.vector_store_idx %arg5[%broadcast_in_dim3A_2715, %masked_sort3A_2676], %select_n3A_2713 : memref<16x64xf32, #tpu.memory_space<vmem>>[vector<16xi32>, vector<16xi32>], vector<16xf32>,
    %broadcast_in_dim3A_2716 = arith.constant true
    %broadcast_in_dim3A_2717 = vector.broadcast %broadcast_in_dim3A_2716 : i1 to vector<16xi1>
    %masked_cumsum3A_2718 = tpu.scan <sum>, %masked_sort3A_2679 masked %broadcast_in_dim3A_2717 : vector<16xf32>, vector<16xi1> -> vector<16xf32>
    %add3A_2719 = vector.broadcast %add3A_2705 : f32 to vector<16xf32>
    %add3A_2720 = arith.addf %masked_cumsum3A_2718, %add3A_2719 : vector<16xf32>
    %reduce_sum3A_2721 = arith.constant true
    %reduce_sum3A_2722 = vector.broadcast %reduce_sum3A_2721 : i1 to vector<16xi1>
    %reduce_sum3A_2723 = tpu.scan <sum>, %masked_sort3A_2679 masked %reduce_sum3A_2722 : vector<16xf32>, vector<16xi1> -> vector<16xf32>
    %reduce_sum3A_2724 = vector.extract %reduce_sum3A_2723[15] : f32 from vector<16xf32>
    %add3A_2725 = arith.addf %add3A_2705, %reduce_sum3A_2724 : f32
    %ge3A_2726 = arith.constant 1.000000e-01 : f32
    %ge3A_2727 = vector.broadcast %ge3A_2726 : f32 to vector<16xf32>
    %ge3A_2728 = arith.cmpf oge, %add3A_2720, %ge3A_2727 : vector<16xf32>
    %jit3A_2729 = arith.constant 0.000000e+00 : f32
    %jit3A_2730 = arith.constant -1.000000e+30 : f32
    %broadcast_in_dim3A_2731 = vector.broadcast %jit3A_2729 : f32 to vector<16xf32>
    %broadcast_in_dim3A_2732 = vector.broadcast %jit3A_2730 : f32 to vector<16xf32>
    %select_n3A_2733 = arith.select %ge3A_2728, %broadcast_in_dim3A_2731, %broadcast_in_dim3A_2732 : vector<16xi1>, vector<16xf32>
    %broadcast_in_dim3A_2734 = arith.constant 11 : i32
    %broadcast_in_dim3A_2735 = vector.broadcast %broadcast_in_dim3A_2734 : i32 to vector<16xi32>
    tpu.vector_store_idx %arg5[%broadcast_in_dim3A_2735, %masked_sort3A_2680], %select_n3A_2733 : memref<16x64xf32, #tpu.memory_space<vmem>>[vector<16xi32>, vector<16xi32>], vector<16xf32>,
    %broadcast_in_dim3A_2736 = arith.constant true
    %broadcast_in_dim3A_2737 = vector.broadcast %broadcast_in_dim3A_2736 : i1 to vector<16xi1>
    %masked_cumsum3A_2738 = tpu.scan <sum>, %masked_sort3A_2688 masked %broadcast_in_dim3A_2737 : vector<16xf32>, vector<16xi1> -> vector<16xf32>
    %add3A_2739 = vector.broadcast %add3A_2725 : f32 to vector<16xf32>
    %add3A_2740 = arith.addf %masked_cumsum3A_2738, %add3A_2739 : vector<16xf32>
    %reduce_sum3A_2741 = arith.constant true
    %reduce_sum3A_2742 = vector.broadcast %reduce_sum3A_2741 : i1 to vector<16xi1>
    %reduce_sum3A_2743 = tpu.scan <sum>, %masked_sort3A_2688 masked %reduce_sum3A_2742 : vector<16xf32>, vector<16xi1> -> vector<16xf32>
    %reduce_sum3A_2744 = vector.extract %reduce_sum3A_2743[15] : f32 from vector<16xf32>
    %add3A_2745 = arith.addf %add3A_2725, %reduce_sum3A_2744 : f32
    %ge3A_2746 = arith.constant 1.000000e-01 : f32
    %ge3A_2747 = vector.broadcast %ge3A_2746 : f32 to vector<16xf32>
    %ge3A_2748 = arith.cmpf oge, %add3A_2740, %ge3A_2747 : vector<16xf32>
    %jit3A_2749 = arith.constant 0.000000e+00 : f32
    %jit3A_2750 = arith.constant -1.000000e+30 : f32
    %broadcast_in_dim3A_2751 = vector.broadcast %jit3A_2749 : f32 to vector<16xf32>
    %broadcast_in_dim3A_2752 = vector.broadcast %jit3A_2750 : f32 to vector<16xf32>
    %select_n3A_2753 = arith.select %ge3A_2748, %broadcast_in_dim3A_2751, %broadcast_in_dim3A_2752 : vector<16xi1>, vector<16xf32>
    %broadcast_in_dim3A_2754 = arith.constant 11 : i32
    %broadcast_in_dim3A_2755 = vector.broadcast %broadcast_in_dim3A_2754 : i32 to vector<16xi32>
    tpu.vector_store_idx %arg5[%broadcast_in_dim3A_2755, %masked_sort3A_2689], %select_n3A_2753 : memref<16x64xf32, #tpu.memory_space<vmem>>[vector<16xi32>, vector<16xi32>], vector<16xf32>,
    %broadcast_in_dim3A_2756 = arith.constant true
    %broadcast_in_dim3A_2757 = vector.broadcast %broadcast_in_dim3A_2756 : i1 to vector<16xi1>
    %masked_cumsum3A_2758 = tpu.scan <sum>, %masked_sort3A_2692 masked %broadcast_in_dim3A_2757 : vector<16xf32>, vector<16xi1> -> vector<16xf32>
    %add3A_2759 = vector.broadcast %add3A_2745 : f32 to vector<16xf32>
    %add3A_2760 = arith.addf %masked_cumsum3A_2758, %add3A_2759 : vector<16xf32>
    %reduce_sum3A_2761 = arith.constant true
    %reduce_sum3A_2762 = vector.broadcast %reduce_sum3A_2761 : i1 to vector<16xi1>
    %reduce_sum3A_2763 = tpu.scan <sum>, %masked_sort3A_2692 masked %reduce_sum3A_2762 : vector<16xf32>, vector<16xi1> -> vector<16xf32>
    %reduce_sum3A_2764 = vector.extract %reduce_sum3A_2763[15] : f32 from vector<16xf32>
    %add3A_2765 = arith.addf %add3A_2745, %reduce_sum3A_2764 : f32
    %ge3A_2766 = arith.constant 1.000000e-01 : f32
    %ge3A_2767 = vector.broadcast %ge3A_2766 : f32 to vector<16xf32>
    %ge3A_2768 = arith.cmpf oge, %add3A_2760, %ge3A_2767 : vector<16xf32>
    %jit3A_2769 = arith.constant 0.000000e+00 : f32
    %jit3A_2770 = arith.constant -1.000000e+30 : f32
    %broadcast_in_dim3A_2771 = vector.broadcast %jit3A_2769 : f32 to vector<16xf32>
    %broadcast_in_dim3A_2772 = vector.broadcast %jit3A_2770 : f32 to vector<16xf32>
    %select_n3A_2773 = arith.select %ge3A_2768, %broadcast_in_dim3A_2771, %broadcast_in_dim3A_2772 : vector<16xi1>, vector<16xf32>
    %broadcast_in_dim3A_2774 = arith.constant 11 : i32
    %broadcast_in_dim3A_2775 = vector.broadcast %broadcast_in_dim3A_2774 : i32 to vector<16xi32>
    tpu.vector_store_idx %arg5[%broadcast_in_dim3A_2775, %masked_sort3A_2693], %select_n3A_2773 : memref<16x64xf32, #tpu.memory_space<vmem>>[vector<16xi32>, vector<16xi32>], vector<16xf32>,
    %get3A_2776 = arith.constant 12 : i32
    %get3A_2777 = arith.index_cast %get3A_2776 : i32 to index
    %get3A_2778 = arith.constant 0 : index
    %get3A_2779 = tpu.vector_load %arg4[%get3A_2777, %get3A_2778] {strides = array<i32>} : memref<16x64xf32, #tpu.memory_space<vmem>>, vector<16xf32>,
    %iota3A_2780 = tpu.iota {dimensions = array<i32: 0>} : vector<16xi32>
    %add3A_2781 = arith.constant 0 : i32
    %add3A_2782 = vector.broadcast %add3A_2781 : i32 to vector<16xi32>
    %add3A_2783 = arith.addi %iota3A_2780, %add3A_2782 : vector<16xi32>
    %get3A_2784 = arith.constant 12 : i32
    %get3A_2785 = arith.index_cast %get3A_2784 : i32 to index
    %get3A_2786 = arith.constant 16 : index
    %get3A_2787 = tpu.vector_load %arg4[%get3A_2785, %get3A_2786] {strides = array<i32>} : memref<16x64xf32, #tpu.memory_space<vmem>>, vector<16xf32>,
    %iota3A_2788 = tpu.iota {dimensions = array<i32: 0>} : vector<16xi32>
    %add3A_2789 = arith.constant 16 : i32
    %add3A_2790 = vector.broadcast %add3A_2789 : i32 to vector<16xi32>
    %add3A_2791 = arith.addi %iota3A_2788, %add3A_2790 : vector<16xi32>
    %get3A_2792 = arith.constant 12 : i32
    %get3A_2793 = arith.index_cast %get3A_2792 : i32 to index
    %get3A_2794 = arith.constant 32 : index
    %get3A_2795 = tpu.vector_load %arg4[%get3A_2793, %get3A_2794] {strides = array<i32>} : memref<16x64xf32, #tpu.memory_space<vmem>>, vector<16xf32>,
    %iota3A_2796 = tpu.iota {dimensions = array<i32: 0>} : vector<16xi32>
    %add3A_2797 = arith.constant 32 : i32
    %add3A_2798 = vector.broadcast %add3A_2797 : i32 to vector<16xi32>
    %add3A_2799 = arith.addi %iota3A_2796, %add3A_2798 : vector<16xi32>
    %get3A_2800 = arith.constant 12 : i32
    %get3A_2801 = arith.index_cast %get3A_2800 : i32 to index
    %get3A_2802 = arith.constant 48 : index
    %get3A_2803 = tpu.vector_load %arg4[%get3A_2801, %get3A_2802] {strides = array<i32>} : memref<16x64xf32, #tpu.memory_space<vmem>>, vector<16xf32>,
    %iota3A_2804 = tpu.iota {dimensions = array<i32: 0>} : vector<16xi32>
    %add3A_2805 = arith.constant 48 : i32
    %add3A_2806 = vector.broadcast %add3A_2805 : i32 to vector<16xi32>
    %add3A_2807 = arith.addi %iota3A_2804, %add3A_2806 : vector<16xi32>
    %masked_sort3A_2808 = arith.constant dense<true> : vector<16xi1>
    %masked_sort3A_2809, %masked_sort3A_2810, %masked_sort3A_2811 = tpu.sort %get3A_2779, %add3A_2783 masked %masked_sort3A_2808 : (vector<16xf32>, vector<16xi32>, vector<16xi1>) -> (vector<16xi1>, vector<16xf32>, vector<16xi32>)
    %masked_sort3A_2812 = arith.constant dense<true> : vector<16xi1>
    %masked_sort3A_2813, %masked_sort3A_2814, %masked_sort3A_2815 = tpu.sort %get3A_2787, %add3A_2791 masked %masked_sort3A_2812 : (vector<16xf32>, vector<16xi32>, vector<16xi1>) -> (vector<16xi1>, vector<16xf32>, vector<16xi32>)
    %masked_sort3A_2816 = arith.constant dense<true> : vector<16xi1>
    %masked_sort3A_2817, %masked_sort3A_2818, %masked_sort3A_2819 = tpu.sort %get3A_2795, %add3A_2799 masked %masked_sort3A_2816 : (vector<16xf32>, vector<16xi32>, vector<16xi1>) -> (vector<16xi1>, vector<16xf32>, vector<16xi32>)
    %masked_sort3A_2820 = arith.constant dense<true> : vector<16xi1>
    %masked_sort3A_2821, %masked_sort3A_2822, %masked_sort3A_2823 = tpu.sort %get3A_2803, %add3A_2807 masked %masked_sort3A_2820 : (vector<16xf32>, vector<16xi32>, vector<16xi1>) -> (vector<16xi1>, vector<16xf32>, vector<16xi32>)
    %rev3A_2824 = arith.constant 15 : i32
    %rev3A_2825 = vector.broadcast %rev3A_2824 : i32 to vector<16xi32>
    %rev3A_2826 = tpu.iota {dimensions = array<i32: 0>} : vector<16xi32>
    %rev3A_2827 = arith.subi %rev3A_2825, %rev3A_2826 : vector<16xi32>
    %rev3A_2828 = tpu.dynamic_gather %masked_sort3A_2814[%rev3A_2827] in [0] : vector<16xf32>, vector<16xi32> -> vector<16xf32>
    %rev3A_2829 = arith.constant 15 : i32
    %rev3A_2830 = vector.broadcast %rev3A_2829 : i32 to vector<16xi32>
    %rev3A_2831 = tpu.iota {dimensions = array<i32: 0>} : vector<16xi32>
    %rev3A_2832 = arith.subi %rev3A_2830, %rev3A_2831 : vector<16xi32>
    %rev3A_2833 = tpu.dynamic_gather %masked_sort3A_2815[%rev3A_2832] in [0] : vector<16xi32>, vector<16xi32> -> vector<16xi32>
    %le3A_2834 = arith.cmpf ole, %masked_sort3A_2810, %rev3A_2828 : vector<16xf32>
    %select_n3A_2835 = arith.select %le3A_2834, %masked_sort3A_2810, %rev3A_2828 : vector<16xi1>, vector<16xf32>
    %select_n3A_2836 = arith.select %le3A_2834, %masked_sort3A_2811, %rev3A_2833 : vector<16xi1>, vector<16xi32>
    %select_n3A_2837 = arith.select %le3A_2834, %rev3A_2828, %masked_sort3A_2810 : vector<16xi1>, vector<16xf32>
    %select_n3A_2838 = arith.select %le3A_2834, %rev3A_2833, %masked_sort3A_2811 : vector<16xi1>, vector<16xi32>
    %rev3A_2839 = arith.constant 15 : i32
    %rev3A_2840 = vector.broadcast %rev3A_2839 : i32 to vector<16xi32>
    %rev3A_2841 = tpu.iota {dimensions = array<i32: 0>} : vector<16xi32>
    %rev3A_2842 = arith.subi %rev3A_2840, %rev3A_2841 : vector<16xi32>
    %rev3A_2843 = tpu.dynamic_gather %masked_sort3A_2822[%rev3A_2842] in [0] : vector<16xf32>, vector<16xi32> -> vector<16xf32>
    %rev3A_2844 = arith.constant 15 : i32
    %rev3A_2845 = vector.broadcast %rev3A_2844 : i32 to vector<16xi32>
    %rev3A_2846 = tpu.iota {dimensions = array<i32: 0>} : vector<16xi32>
    %rev3A_2847 = arith.subi %rev3A_2845, %rev3A_2846 : vector<16xi32>
    %rev3A_2848 = tpu.dynamic_gather %masked_sort3A_2823[%rev3A_2847] in [0] : vector<16xi32>, vector<16xi32> -> vector<16xi32>
    %le3A_2849 = arith.cmpf ole, %masked_sort3A_2818, %rev3A_2843 : vector<16xf32>
    %select_n3A_2850 = arith.select %le3A_2849, %masked_sort3A_2818, %rev3A_2843 : vector<16xi1>, vector<16xf32>
    %select_n3A_2851 = arith.select %le3A_2849, %masked_sort3A_2819, %rev3A_2848 : vector<16xi1>, vector<16xi32>
    %select_n3A_2852 = arith.select %le3A_2849, %rev3A_2843, %masked_sort3A_2818 : vector<16xi1>, vector<16xf32>
    %select_n3A_2853 = arith.select %le3A_2849, %rev3A_2848, %masked_sort3A_2819 : vector<16xi1>, vector<16xi32>
    %masked_sort3A_2854 = arith.constant dense<true> : vector<16xi1>
    %masked_sort3A_2855, %masked_sort3A_2856, %masked_sort3A_2857 = tpu.sort %select_n3A_2835, %select_n3A_2836 masked %masked_sort3A_2854 : (vector<16xf32>, vector<16xi32>, vector<16xi1>) -> (vector<16xi1>, vector<16xf32>, vector<16xi32>)
    %masked_sort3A_2858 = arith.constant dense<true> : vector<16xi1>
    %masked_sort3A_2859, %masked_sort3A_2860, %masked_sort3A_2861 = tpu.sort %select_n3A_2837, %select_n3A_2838 masked %masked_sort3A_2858 : (vector<16xf32>, vector<16xi32>, vector<16xi1>) -> (vector<16xi1>, vector<16xf32>, vector<16xi32>)
    %masked_sort3A_2862 = arith.constant dense<true> : vector<16xi1>
    %masked_sort3A_2863, %masked_sort3A_2864, %masked_sort3A_2865 = tpu.sort %select_n3A_2850, %select_n3A_2851 masked %masked_sort3A_2862 : (vector<16xf32>, vector<16xi32>, vector<16xi1>) -> (vector<16xi1>, vector<16xf32>, vector<16xi32>)
    %masked_sort3A_2866 = arith.constant dense<true> : vector<16xi1>
    %masked_sort3A_2867, %masked_sort3A_2868, %masked_sort3A_2869 = tpu.sort %select_n3A_2852, %select_n3A_2853 masked %masked_sort3A_2866 : (vector<16xf32>, vector<16xi32>, vector<16xi1>) -> (vector<16xi1>, vector<16xf32>, vector<16xi32>)
    %rev3A_2870 = arith.constant 15 : i32
    %rev3A_2871 = vector.broadcast %rev3A_2870 : i32 to vector<16xi32>
    %rev3A_2872 = tpu.iota {dimensions = array<i32: 0>} : vector<16xi32>
    %rev3A_2873 = arith.subi %rev3A_2871, %rev3A_2872 : vector<16xi32>
    %rev3A_2874 = tpu.dynamic_gather %masked_sort3A_2868[%rev3A_2873] in [0] : vector<16xf32>, vector<16xi32> -> vector<16xf32>
    %rev3A_2875 = arith.constant 15 : i32
    %rev3A_2876 = vector.broadcast %rev3A_2875 : i32 to vector<16xi32>
    %rev3A_2877 = tpu.iota {dimensions = array<i32: 0>} : vector<16xi32>
    %rev3A_2878 = arith.subi %rev3A_2876, %rev3A_2877 : vector<16xi32>
    %rev3A_2879 = tpu.dynamic_gather %masked_sort3A_2869[%rev3A_2878] in [0] : vector<16xi32>, vector<16xi32> -> vector<16xi32>
    %le3A_2880 = arith.cmpf ole, %masked_sort3A_2856, %rev3A_2874 : vector<16xf32>
    %select_n3A_2881 = arith.select %le3A_2880, %masked_sort3A_2856, %rev3A_2874 : vector<16xi1>, vector<16xf32>
    %select_n3A_2882 = arith.select %le3A_2880, %masked_sort3A_2857, %rev3A_2879 : vector<16xi1>, vector<16xi32>
    %select_n3A_2883 = arith.select %le3A_2880, %rev3A_2874, %masked_sort3A_2856 : vector<16xi1>, vector<16xf32>
    %select_n3A_2884 = arith.select %le3A_2880, %rev3A_2879, %masked_sort3A_2857 : vector<16xi1>, vector<16xi32>
    %rev3A_2885 = arith.constant 15 : i32
    %rev3A_2886 = vector.broadcast %rev3A_2885 : i32 to vector<16xi32>
    %rev3A_2887 = tpu.iota {dimensions = array<i32: 0>} : vector<16xi32>
    %rev3A_2888 = arith.subi %rev3A_2886, %rev3A_2887 : vector<16xi32>
    %rev3A_2889 = tpu.dynamic_gather %masked_sort3A_2864[%rev3A_2888] in [0] : vector<16xf32>, vector<16xi32> -> vector<16xf32>
    %rev3A_2890 = arith.constant 15 : i32
    %rev3A_2891 = vector.broadcast %rev3A_2890 : i32 to vector<16xi32>
    %rev3A_2892 = tpu.iota {dimensions = array<i32: 0>} : vector<16xi32>
    %rev3A_2893 = arith.subi %rev3A_2891, %rev3A_2892 : vector<16xi32>
    %rev3A_2894 = tpu.dynamic_gather %masked_sort3A_2865[%rev3A_2893] in [0] : vector<16xi32>, vector<16xi32> -> vector<16xi32>
    %le3A_2895 = arith.cmpf ole, %masked_sort3A_2860, %rev3A_2889 : vector<16xf32>
    %select_n3A_2896 = arith.select %le3A_2895, %masked_sort3A_2860, %rev3A_2889 : vector<16xi1>, vector<16xf32>
    %select_n3A_2897 = arith.select %le3A_2895, %masked_sort3A_2861, %rev3A_2894 : vector<16xi1>, vector<16xi32>
    %select_n3A_2898 = arith.select %le3A_2895, %rev3A_2889, %masked_sort3A_2860 : vector<16xi1>, vector<16xf32>
    %select_n3A_2899 = arith.select %le3A_2895, %rev3A_2894, %masked_sort3A_2861 : vector<16xi1>, vector<16xi32>
    %le3A_2900 = arith.cmpf ole, %select_n3A_2881, %select_n3A_2896 : vector<16xf32>
    %select_n3A_2901 = arith.select %le3A_2900, %select_n3A_2881, %select_n3A_2896 : vector<16xi1>, vector<16xf32>
    %select_n3A_2902 = arith.select %le3A_2900, %select_n3A_2882, %select_n3A_2897 : vector<16xi1>, vector<16xi32>
    %select_n3A_2903 = arith.select %le3A_2900, %select_n3A_2896, %select_n3A_2881 : vector<16xi1>, vector<16xf32>
    %select_n3A_2904 = arith.select %le3A_2900, %select_n3A_2897, %select_n3A_2882 : vector<16xi1>, vector<16xi32>
    %masked_sort3A_2905 = arith.constant dense<true> : vector<16xi1>
    %masked_sort3A_2906, %masked_sort3A_2907, %masked_sort3A_2908 = tpu.sort %select_n3A_2901, %select_n3A_2902 masked %masked_sort3A_2905 : (vector<16xf32>, vector<16xi32>, vector<16xi1>) -> (vector<16xi1>, vector<16xf32>, vector<16xi32>)
    %masked_sort3A_2909 = arith.constant dense<true> : vector<16xi1>
    %masked_sort3A_2910, %masked_sort3A_2911, %masked_sort3A_2912 = tpu.sort %select_n3A_2903, %select_n3A_2904 masked %masked_sort3A_2909 : (vector<16xf32>, vector<16xi32>, vector<16xi1>) -> (vector<16xi1>, vector<16xf32>, vector<16xi32>)
    %le3A_2913 = arith.cmpf ole, %select_n3A_2883, %select_n3A_2898 : vector<16xf32>
    %select_n3A_2914 = arith.select %le3A_2913, %select_n3A_2883, %select_n3A_2898 : vector<16xi1>, vector<16xf32>
    %select_n3A_2915 = arith.select %le3A_2913, %select_n3A_2884, %select_n3A_2899 : vector<16xi1>, vector<16xi32>
    %select_n3A_2916 = arith.select %le3A_2913, %select_n3A_2898, %select_n3A_2883 : vector<16xi1>, vector<16xf32>
    %select_n3A_2917 = arith.select %le3A_2913, %select_n3A_2899, %select_n3A_2884 : vector<16xi1>, vector<16xi32>
    %masked_sort3A_2918 = arith.constant dense<true> : vector<16xi1>
    %masked_sort3A_2919, %masked_sort3A_2920, %masked_sort3A_2921 = tpu.sort %select_n3A_2914, %select_n3A_2915 masked %masked_sort3A_2918 : (vector<16xf32>, vector<16xi32>, vector<16xi1>) -> (vector<16xi1>, vector<16xf32>, vector<16xi32>)
    %masked_sort3A_2922 = arith.constant dense<true> : vector<16xi1>
    %masked_sort3A_2923, %masked_sort3A_2924, %masked_sort3A_2925 = tpu.sort %select_n3A_2916, %select_n3A_2917 masked %masked_sort3A_2922 : (vector<16xf32>, vector<16xi32>, vector<16xi1>) -> (vector<16xi1>, vector<16xf32>, vector<16xi32>)
    %broadcast_in_dim3A_2926 = arith.constant true
    %broadcast_in_dim3A_2927 = vector.broadcast %broadcast_in_dim3A_2926 : i1 to vector<16xi1>
    %masked_cumsum3A_2928 = tpu.scan <sum>, %masked_sort3A_2907 masked %broadcast_in_dim3A_2927 : vector<16xf32>, vector<16xi1> -> vector<16xf32>
    %add3A_2929 = arith.constant 0.000000e+00 : f32
    %add3A_2930 = vector.broadcast %add3A_2929 : f32 to vector<16xf32>
    %add3A_2931 = arith.addf %masked_cumsum3A_2928, %add3A_2930 : vector<16xf32>
    %reduce_sum3A_2932 = arith.constant true
    %reduce_sum3A_2933 = vector.broadcast %reduce_sum3A_2932 : i1 to vector<16xi1>
    %reduce_sum3A_2934 = tpu.scan <sum>, %masked_sort3A_2907 masked %reduce_sum3A_2933 : vector<16xf32>, vector<16xi1> -> vector<16xf32>
    %reduce_sum3A_2935 = vector.extract %reduce_sum3A_2934[15] : f32 from vector<16xf32>
    %add3A_2936 = arith.constant 0.000000e+00 : f32
    %add3A_2937 = arith.addf %add3A_2936, %reduce_sum3A_2935 : f32
    %ge3A_2938 = arith.constant 1.000000e-01 : f32
    %ge3A_2939 = vector.broadcast %ge3A_2938 : f32 to vector<16xf32>
    %ge3A_2940 = arith.cmpf oge, %add3A_2931, %ge3A_2939 : vector<16xf32>
    %jit3A_2941 = arith.constant 0.000000e+00 : f32
    %jit3A_2942 = arith.constant -1.000000e+30 : f32
    %broadcast_in_dim3A_2943 = vector.broadcast %jit3A_2941 : f32 to vector<16xf32>
    %broadcast_in_dim3A_2944 = vector.broadcast %jit3A_2942 : f32 to vector<16xf32>
    %select_n3A_2945 = arith.select %ge3A_2940, %broadcast_in_dim3A_2943, %broadcast_in_dim3A_2944 : vector<16xi1>, vector<16xf32>
    %broadcast_in_dim3A_2946 = arith.constant 12 : i32
    %broadcast_in_dim3A_2947 = vector.broadcast %broadcast_in_dim3A_2946 : i32 to vector<16xi32>
    tpu.vector_store_idx %arg5[%broadcast_in_dim3A_2947, %masked_sort3A_2908], %select_n3A_2945 : memref<16x64xf32, #tpu.memory_space<vmem>>[vector<16xi32>, vector<16xi32>], vector<16xf32>,
    %broadcast_in_dim3A_2948 = arith.constant true
    %broadcast_in_dim3A_2949 = vector.broadcast %broadcast_in_dim3A_2948 : i1 to vector<16xi1>
    %masked_cumsum3A_2950 = tpu.scan <sum>, %masked_sort3A_2911 masked %broadcast_in_dim3A_2949 : vector<16xf32>, vector<16xi1> -> vector<16xf32>
    %add3A_2951 = vector.broadcast %add3A_2937 : f32 to vector<16xf32>
    %add3A_2952 = arith.addf %masked_cumsum3A_2950, %add3A_2951 : vector<16xf32>
    %reduce_sum3A_2953 = arith.constant true
    %reduce_sum3A_2954 = vector.broadcast %reduce_sum3A_2953 : i1 to vector<16xi1>
    %reduce_sum3A_2955 = tpu.scan <sum>, %masked_sort3A_2911 masked %reduce_sum3A_2954 : vector<16xf32>, vector<16xi1> -> vector<16xf32>
    %reduce_sum3A_2956 = vector.extract %reduce_sum3A_2955[15] : f32 from vector<16xf32>
    %add3A_2957 = arith.addf %add3A_2937, %reduce_sum3A_2956 : f32
    %ge3A_2958 = arith.constant 1.000000e-01 : f32
    %ge3A_2959 = vector.broadcast %ge3A_2958 : f32 to vector<16xf32>
    %ge3A_2960 = arith.cmpf oge, %add3A_2952, %ge3A_2959 : vector<16xf32>
    %jit3A_2961 = arith.constant 0.000000e+00 : f32
    %jit3A_2962 = arith.constant -1.000000e+30 : f32
    %broadcast_in_dim3A_2963 = vector.broadcast %jit3A_2961 : f32 to vector<16xf32>
    %broadcast_in_dim3A_2964 = vector.broadcast %jit3A_2962 : f32 to vector<16xf32>
    %select_n3A_2965 = arith.select %ge3A_2960, %broadcast_in_dim3A_2963, %broadcast_in_dim3A_2964 : vector<16xi1>, vector<16xf32>
    %broadcast_in_dim3A_2966 = arith.constant 12 : i32
    %broadcast_in_dim3A_2967 = vector.broadcast %broadcast_in_dim3A_2966 : i32 to vector<16xi32>
    tpu.vector_store_idx %arg5[%broadcast_in_dim3A_2967, %masked_sort3A_2912], %select_n3A_2965 : memref<16x64xf32, #tpu.memory_space<vmem>>[vector<16xi32>, vector<16xi32>], vector<16xf32>,
    %broadcast_in_dim3A_2968 = arith.constant true
    %broadcast_in_dim3A_2969 = vector.broadcast %broadcast_in_dim3A_2968 : i1 to vector<16xi1>
    %masked_cumsum3A_2970 = tpu.scan <sum>, %masked_sort3A_2920 masked %broadcast_in_dim3A_2969 : vector<16xf32>, vector<16xi1> -> vector<16xf32>
    %add3A_2971 = vector.broadcast %add3A_2957 : f32 to vector<16xf32>
    %add3A_2972 = arith.addf %masked_cumsum3A_2970, %add3A_2971 : vector<16xf32>
    %reduce_sum3A_2973 = arith.constant true
    %reduce_sum3A_2974 = vector.broadcast %reduce_sum3A_2973 : i1 to vector<16xi1>
    %reduce_sum3A_2975 = tpu.scan <sum>, %masked_sort3A_2920 masked %reduce_sum3A_2974 : vector<16xf32>, vector<16xi1> -> vector<16xf32>
    %reduce_sum3A_2976 = vector.extract %reduce_sum3A_2975[15] : f32 from vector<16xf32>
    %add3A_2977 = arith.addf %add3A_2957, %reduce_sum3A_2976 : f32
    %ge3A_2978 = arith.constant 1.000000e-01 : f32
    %ge3A_2979 = vector.broadcast %ge3A_2978 : f32 to vector<16xf32>
    %ge3A_2980 = arith.cmpf oge, %add3A_2972, %ge3A_2979 : vector<16xf32>
    %jit3A_2981 = arith.constant 0.000000e+00 : f32
    %jit3A_2982 = arith.constant -1.000000e+30 : f32
    %broadcast_in_dim3A_2983 = vector.broadcast %jit3A_2981 : f32 to vector<16xf32>
    %broadcast_in_dim3A_2984 = vector.broadcast %jit3A_2982 : f32 to vector<16xf32>
    %select_n3A_2985 = arith.select %ge3A_2980, %broadcast_in_dim3A_2983, %broadcast_in_dim3A_2984 : vector<16xi1>, vector<16xf32>
    %broadcast_in_dim3A_2986 = arith.constant 12 : i32
    %broadcast_in_dim3A_2987 = vector.broadcast %broadcast_in_dim3A_2986 : i32 to vector<16xi32>
    tpu.vector_store_idx %arg5[%broadcast_in_dim3A_2987, %masked_sort3A_2921], %select_n3A_2985 : memref<16x64xf32, #tpu.memory_space<vmem>>[vector<16xi32>, vector<16xi32>], vector<16xf32>,
    %broadcast_in_dim3A_2988 = arith.constant true
    %broadcast_in_dim3A_2989 = vector.broadcast %broadcast_in_dim3A_2988 : i1 to vector<16xi1>
    %masked_cumsum3A_2990 = tpu.scan <sum>, %masked_sort3A_2924 masked %broadcast_in_dim3A_2989 : vector<16xf32>, vector<16xi1> -> vector<16xf32>
    %add3A_2991 = vector.broadcast %add3A_2977 : f32 to vector<16xf32>
    %add3A_2992 = arith.addf %masked_cumsum3A_2990, %add3A_2991 : vector<16xf32>
    %reduce_sum3A_2993 = arith.constant true
    %reduce_sum3A_2994 = vector.broadcast %reduce_sum3A_2993 : i1 to vector<16xi1>
    %reduce_sum3A_2995 = tpu.scan <sum>, %masked_sort3A_2924 masked %reduce_sum3A_2994 : vector<16xf32>, vector<16xi1> -> vector<16xf32>
    %reduce_sum3A_2996 = vector.extract %reduce_sum3A_2995[15] : f32 from vector<16xf32>
    %add3A_2997 = arith.addf %add3A_2977, %reduce_sum3A_2996 : f32
    %ge3A_2998 = arith.constant 1.000000e-01 : f32
    %ge3A_2999 = vector.broadcast %ge3A_2998 : f32 to vector<16xf32>
    %ge3A_3000 = arith.cmpf oge, %add3A_2992, %ge3A_2999 : vector<16xf32>
    %jit3A_3001 = arith.constant 0.000000e+00 : f32
    %jit3A_3002 = arith.constant -1.000000e+30 : f32
    %broadcast_in_dim3A_3003 = vector.broadcast %jit3A_3001 : f32 to vector<16xf32>
    %broadcast_in_dim3A_3004 = vector.broadcast %jit3A_3002 : f32 to vector<16xf32>
    %select_n3A_3005 = arith.select %ge3A_3000, %broadcast_in_dim3A_3003, %broadcast_in_dim3A_3004 : vector<16xi1>, vector<16xf32>
    %broadcast_in_dim3A_3006 = arith.constant 12 : i32
    %broadcast_in_dim3A_3007 = vector.broadcast %broadcast_in_dim3A_3006 : i32 to vector<16xi32>
    tpu.vector_store_idx %arg5[%broadcast_in_dim3A_3007, %masked_sort3A_2925], %select_n3A_3005 : memref<16x64xf32, #tpu.memory_space<vmem>>[vector<16xi32>, vector<16xi32>], vector<16xf32>,
    %get3A_3008 = arith.constant 13 : i32
    %get3A_3009 = arith.index_cast %get3A_3008 : i32 to index
    %get3A_3010 = arith.constant 0 : index
    %get3A_3011 = tpu.vector_load %arg4[%get3A_3009, %get3A_3010] {strides = array<i32>} : memref<16x64xf32, #tpu.memory_space<vmem>>, vector<16xf32>,
    %iota3A_3012 = tpu.iota {dimensions = array<i32: 0>} : vector<16xi32>
    %add3A_3013 = arith.constant 0 : i32
    %add3A_3014 = vector.broadcast %add3A_3013 : i32 to vector<16xi32>
    %add3A_3015 = arith.addi %iota3A_3012, %add3A_3014 : vector<16xi32>
    %get3A_3016 = arith.constant 13 : i32
    %get3A_3017 = arith.index_cast %get3A_3016 : i32 to index
    %get3A_3018 = arith.constant 16 : index
    %get3A_3019 = tpu.vector_load %arg4[%get3A_3017, %get3A_3018] {strides = array<i32>} : memref<16x64xf32, #tpu.memory_space<vmem>>, vector<16xf32>,
    %iota3A_3020 = tpu.iota {dimensions = array<i32: 0>} : vector<16xi32>
    %add3A_3021 = arith.constant 16 : i32
    %add3A_3022 = vector.broadcast %add3A_3021 : i32 to vector<16xi32>
    %add3A_3023 = arith.addi %iota3A_3020, %add3A_3022 : vector<16xi32>
    %get3A_3024 = arith.constant 13 : i32
    %get3A_3025 = arith.index_cast %get3A_3024 : i32 to index
    %get3A_3026 = arith.constant 32 : index
    %get3A_3027 = tpu.vector_load %arg4[%get3A_3025, %get3A_3026] {strides = array<i32>} : memref<16x64xf32, #tpu.memory_space<vmem>>, vector<16xf32>,
    %iota3A_3028 = tpu.iota {dimensions = array<i32: 0>} : vector<16xi32>
    %add3A_3029 = arith.constant 32 : i32
    %add3A_3030 = vector.broadcast %add3A_3029 : i32 to vector<16xi32>
    %add3A_3031 = arith.addi %iota3A_3028, %add3A_3030 : vector<16xi32>
    %get3A_3032 = arith.constant 13 : i32
    %get3A_3033 = arith.index_cast %get3A_3032 : i32 to index
    %get3A_3034 = arith.constant 48 : index
    %get3A_3035 = tpu.vector_load %arg4[%get3A_3033, %get3A_3034] {strides = array<i32>} : memref<16x64xf32, #tpu.memory_space<vmem>>, vector<16xf32>,
    %iota3A_3036 = tpu.iota {dimensions = array<i32: 0>} : vector<16xi32>
    %add3A_3037 = arith.constant 48 : i32
    %add3A_3038 = vector.broadcast %add3A_3037 : i32 to vector<16xi32>
    %add3A_3039 = arith.addi %iota3A_3036, %add3A_3038 : vector<16xi32>
    %masked_sort3A_3040 = arith.constant dense<true> : vector<16xi1>
    %masked_sort3A_3041, %masked_sort3A_3042, %masked_sort3A_3043 = tpu.sort %get3A_3011, %add3A_3015 masked %masked_sort3A_3040 : (vector<16xf32>, vector<16xi32>, vector<16xi1>) -> (vector<16xi1>, vector<16xf32>, vector<16xi32>)
    %masked_sort3A_3044 = arith.constant dense<true> : vector<16xi1>
    %masked_sort3A_3045, %masked_sort3A_3046, %masked_sort3A_3047 = tpu.sort %get3A_3019, %add3A_3023 masked %masked_sort3A_3044 : (vector<16xf32>, vector<16xi32>, vector<16xi1>) -> (vector<16xi1>, vector<16xf32>, vector<16xi32>)
    %masked_sort3A_3048 = arith.constant dense<true> : vector<16xi1>
    %masked_sort3A_3049, %masked_sort3A_3050, %masked_sort3A_3051 = tpu.sort %get3A_3027, %add3A_3031 masked %masked_sort3A_3048 : (vector<16xf32>, vector<16xi32>, vector<16xi1>) -> (vector<16xi1>, vector<16xf32>, vector<16xi32>)
    %masked_sort3A_3052 = arith.constant dense<true> : vector<16xi1>
    %masked_sort3A_3053, %masked_sort3A_3054, %masked_sort3A_3055 = tpu.sort %get3A_3035, %add3A_3039 masked %masked_sort3A_3052 : (vector<16xf32>, vector<16xi32>, vector<16xi1>) -> (vector<16xi1>, vector<16xf32>, vector<16xi32>)
    %rev3A_3056 = arith.constant 15 : i32
    %rev3A_3057 = vector.broadcast %rev3A_3056 : i32 to vector<16xi32>
    %rev3A_3058 = tpu.iota {dimensions = array<i32: 0>} : vector<16xi32>
    %rev3A_3059 = arith.subi %rev3A_3057, %rev3A_3058 : vector<16xi32>
    %rev3A_3060 = tpu.dynamic_gather %masked_sort3A_3046[%rev3A_3059] in [0] : vector<16xf32>, vector<16xi32> -> vector<16xf32>
    %rev3A_3061 = arith.constant 15 : i32
    %rev3A_3062 = vector.broadcast %rev3A_3061 : i32 to vector<16xi32>
    %rev3A_3063 = tpu.iota {dimensions = array<i32: 0>} : vector<16xi32>
    %rev3A_3064 = arith.subi %rev3A_3062, %rev3A_3063 : vector<16xi32>
    %rev3A_3065 = tpu.dynamic_gather %masked_sort3A_3047[%rev3A_3064] in [0] : vector<16xi32>, vector<16xi32> -> vector<16xi32>
    %le3A_3066 = arith.cmpf ole, %masked_sort3A_3042, %rev3A_3060 : vector<16xf32>
    %select_n3A_3067 = arith.select %le3A_3066, %masked_sort3A_3042, %rev3A_3060 : vector<16xi1>, vector<16xf32>
    %select_n3A_3068 = arith.select %le3A_3066, %masked_sort3A_3043, %rev3A_3065 : vector<16xi1>, vector<16xi32>
    %select_n3A_3069 = arith.select %le3A_3066, %rev3A_3060, %masked_sort3A_3042 : vector<16xi1>, vector<16xf32>
    %select_n3A_3070 = arith.select %le3A_3066, %rev3A_3065, %masked_sort3A_3043 : vector<16xi1>, vector<16xi32>
    %rev3A_3071 = arith.constant 15 : i32
    %rev3A_3072 = vector.broadcast %rev3A_3071 : i32 to vector<16xi32>
    %rev3A_3073 = tpu.iota {dimensions = array<i32: 0>} : vector<16xi32>
    %rev3A_3074 = arith.subi %rev3A_3072, %rev3A_3073 : vector<16xi32>
    %rev3A_3075 = tpu.dynamic_gather %masked_sort3A_3054[%rev3A_3074] in [0] : vector<16xf32>, vector<16xi32> -> vector<16xf32>
    %rev3A_3076 = arith.constant 15 : i32
    %rev3A_3077 = vector.broadcast %rev3A_3076 : i32 to vector<16xi32>
    %rev3A_3078 = tpu.iota {dimensions = array<i32: 0>} : vector<16xi32>
    %rev3A_3079 = arith.subi %rev3A_3077, %rev3A_3078 : vector<16xi32>
    %rev3A_3080 = tpu.dynamic_gather %masked_sort3A_3055[%rev3A_3079] in [0] : vector<16xi32>, vector<16xi32> -> vector<16xi32>
    %le3A_3081 = arith.cmpf ole, %masked_sort3A_3050, %rev3A_3075 : vector<16xf32>
    %select_n3A_3082 = arith.select %le3A_3081, %masked_sort3A_3050, %rev3A_3075 : vector<16xi1>, vector<16xf32>
    %select_n3A_3083 = arith.select %le3A_3081, %masked_sort3A_3051, %rev3A_3080 : vector<16xi1>, vector<16xi32>
    %select_n3A_3084 = arith.select %le3A_3081, %rev3A_3075, %masked_sort3A_3050 : vector<16xi1>, vector<16xf32>
    %select_n3A_3085 = arith.select %le3A_3081, %rev3A_3080, %masked_sort3A_3051 : vector<16xi1>, vector<16xi32>
    %masked_sort3A_3086 = arith.constant dense<true> : vector<16xi1>
    %masked_sort3A_3087, %masked_sort3A_3088, %masked_sort3A_3089 = tpu.sort %select_n3A_3067, %select_n3A_3068 masked %masked_sort3A_3086 : (vector<16xf32>, vector<16xi32>, vector<16xi1>) -> (vector<16xi1>, vector<16xf32>, vector<16xi32>)
    %masked_sort3A_3090 = arith.constant dense<true> : vector<16xi1>
    %masked_sort3A_3091, %masked_sort3A_3092, %masked_sort3A_3093 = tpu.sort %select_n3A_3069, %select_n3A_3070 masked %masked_sort3A_3090 : (vector<16xf32>, vector<16xi32>, vector<16xi1>) -> (vector<16xi1>, vector<16xf32>, vector<16xi32>)
    %masked_sort3A_3094 = arith.constant dense<true> : vector<16xi1>
    %masked_sort3A_3095, %masked_sort3A_3096, %masked_sort3A_3097 = tpu.sort %select_n3A_3082, %select_n3A_3083 masked %masked_sort3A_3094 : (vector<16xf32>, vector<16xi32>, vector<16xi1>) -> (vector<16xi1>, vector<16xf32>, vector<16xi32>)
    %masked_sort3A_3098 = arith.constant dense<true> : vector<16xi1>
    %masked_sort3A_3099, %masked_sort3A_3100, %masked_sort3A_3101 = tpu.sort %select_n3A_3084, %select_n3A_3085 masked %masked_sort3A_3098 : (vector<16xf32>, vector<16xi32>, vector<16xi1>) -> (vector<16xi1>, vector<16xf32>, vector<16xi32>)
    %rev3A_3102 = arith.constant 15 : i32
    %rev3A_3103 = vector.broadcast %rev3A_3102 : i32 to vector<16xi32>
    %rev3A_3104 = tpu.iota {dimensions = array<i32: 0>} : vector<16xi32>
    %rev3A_3105 = arith.subi %rev3A_3103, %rev3A_3104 : vector<16xi32>
    %rev3A_3106 = tpu.dynamic_gather %masked_sort3A_3100[%rev3A_3105] in [0] : vector<16xf32>, vector<16xi32> -> vector<16xf32>
    %rev3A_3107 = arith.constant 15 : i32
    %rev3A_3108 = vector.broadcast %rev3A_3107 : i32 to vector<16xi32>
    %rev3A_3109 = tpu.iota {dimensions = array<i32: 0>} : vector<16xi32>
    %rev3A_3110 = arith.subi %rev3A_3108, %rev3A_3109 : vector<16xi32>
    %rev3A_3111 = tpu.dynamic_gather %masked_sort3A_3101[%rev3A_3110] in [0] : vector<16xi32>, vector<16xi32> -> vector<16xi32>
    %le3A_3112 = arith.cmpf ole, %masked_sort3A_3088, %rev3A_3106 : vector<16xf32>
    %select_n3A_3113 = arith.select %le3A_3112, %masked_sort3A_3088, %rev3A_3106 : vector<16xi1>, vector<16xf32>
    %select_n3A_3114 = arith.select %le3A_3112, %masked_sort3A_3089, %rev3A_3111 : vector<16xi1>, vector<16xi32>
    %select_n3A_3115 = arith.select %le3A_3112, %rev3A_3106, %masked_sort3A_3088 : vector<16xi1>, vector<16xf32>
    %select_n3A_3116 = arith.select %le3A_3112, %rev3A_3111, %masked_sort3A_3089 : vector<16xi1>, vector<16xi32>
    %rev3A_3117 = arith.constant 15 : i32
    %rev3A_3118 = vector.broadcast %rev3A_3117 : i32 to vector<16xi32>
    %rev3A_3119 = tpu.iota {dimensions = array<i32: 0>} : vector<16xi32>
    %rev3A_3120 = arith.subi %rev3A_3118, %rev3A_3119 : vector<16xi32>
    %rev3A_3121 = tpu.dynamic_gather %masked_sort3A_3096[%rev3A_3120] in [0] : vector<16xf32>, vector<16xi32> -> vector<16xf32>
    %rev3A_3122 = arith.constant 15 : i32
    %rev3A_3123 = vector.broadcast %rev3A_3122 : i32 to vector<16xi32>
    %rev3A_3124 = tpu.iota {dimensions = array<i32: 0>} : vector<16xi32>
    %rev3A_3125 = arith.subi %rev3A_3123, %rev3A_3124 : vector<16xi32>
    %rev3A_3126 = tpu.dynamic_gather %masked_sort3A_3097[%rev3A_3125] in [0] : vector<16xi32>, vector<16xi32> -> vector<16xi32>
    %le3A_3127 = arith.cmpf ole, %masked_sort3A_3092, %rev3A_3121 : vector<16xf32>
    %select_n3A_3128 = arith.select %le3A_3127, %masked_sort3A_3092, %rev3A_3121 : vector<16xi1>, vector<16xf32>
    %select_n3A_3129 = arith.select %le3A_3127, %masked_sort3A_3093, %rev3A_3126 : vector<16xi1>, vector<16xi32>
    %select_n3A_3130 = arith.select %le3A_3127, %rev3A_3121, %masked_sort3A_3092 : vector<16xi1>, vector<16xf32>
    %select_n3A_3131 = arith.select %le3A_3127, %rev3A_3126, %masked_sort3A_3093 : vector<16xi1>, vector<16xi32>
    %le3A_3132 = arith.cmpf ole, %select_n3A_3113, %select_n3A_3128 : vector<16xf32>
    %select_n3A_3133 = arith.select %le3A_3132, %select_n3A_3113, %select_n3A_3128 : vector<16xi1>, vector<16xf32>
    %select_n3A_3134 = arith.select %le3A_3132, %select_n3A_3114, %select_n3A_3129 : vector<16xi1>, vector<16xi32>
    %select_n3A_3135 = arith.select %le3A_3132, %select_n3A_3128, %select_n3A_3113 : vector<16xi1>, vector<16xf32>
    %select_n3A_3136 = arith.select %le3A_3132, %select_n3A_3129, %select_n3A_3114 : vector<16xi1>, vector<16xi32>
    %masked_sort3A_3137 = arith.constant dense<true> : vector<16xi1>
    %masked_sort3A_3138, %masked_sort3A_3139, %masked_sort3A_3140 = tpu.sort %select_n3A_3133, %select_n3A_3134 masked %masked_sort3A_3137 : (vector<16xf32>, vector<16xi32>, vector<16xi1>) -> (vector<16xi1>, vector<16xf32>, vector<16xi32>)
    %masked_sort3A_3141 = arith.constant dense<true> : vector<16xi1>
    %masked_sort3A_3142, %masked_sort3A_3143, %masked_sort3A_3144 = tpu.sort %select_n3A_3135, %select_n3A_3136 masked %masked_sort3A_3141 : (vector<16xf32>, vector<16xi32>, vector<16xi1>) -> (vector<16xi1>, vector<16xf32>, vector<16xi32>)
    %le3A_3145 = arith.cmpf ole, %select_n3A_3115, %select_n3A_3130 : vector<16xf32>
    %select_n3A_3146 = arith.select %le3A_3145, %select_n3A_3115, %select_n3A_3130 : vector<16xi1>, vector<16xf32>
    %select_n3A_3147 = arith.select %le3A_3145, %select_n3A_3116, %select_n3A_3131 : vector<16xi1>, vector<16xi32>
    %select_n3A_3148 = arith.select %le3A_3145, %select_n3A_3130, %select_n3A_3115 : vector<16xi1>, vector<16xf32>
    %select_n3A_3149 = arith.select %le3A_3145, %select_n3A_3131, %select_n3A_3116 : vector<16xi1>, vector<16xi32>
    %masked_sort3A_3150 = arith.constant dense<true> : vector<16xi1>
    %masked_sort3A_3151, %masked_sort3A_3152, %masked_sort3A_3153 = tpu.sort %select_n3A_3146, %select_n3A_3147 masked %masked_sort3A_3150 : (vector<16xf32>, vector<16xi32>, vector<16xi1>) -> (vector<16xi1>, vector<16xf32>, vector<16xi32>)
    %masked_sort3A_3154 = arith.constant dense<true> : vector<16xi1>
    %masked_sort3A_3155, %masked_sort3A_3156, %masked_sort3A_3157 = tpu.sort %select_n3A_3148, %select_n3A_3149 masked %masked_sort3A_3154 : (vector<16xf32>, vector<16xi32>, vector<16xi1>) -> (vector<16xi1>, vector<16xf32>, vector<16xi32>)
    %broadcast_in_dim3A_3158 = arith.constant true
    %broadcast_in_dim3A_3159 = vector.broadcast %broadcast_in_dim3A_3158 : i1 to vector<16xi1>
    %masked_cumsum3A_3160 = tpu.scan <sum>, %masked_sort3A_3139 masked %broadcast_in_dim3A_3159 : vector<16xf32>, vector<16xi1> -> vector<16xf32>
    %add3A_3161 = arith.constant 0.000000e+00 : f32
    %add3A_3162 = vector.broadcast %add3A_3161 : f32 to vector<16xf32>
    %add3A_3163 = arith.addf %masked_cumsum3A_3160, %add3A_3162 : vector<16xf32>
    %reduce_sum3A_3164 = arith.constant true
    %reduce_sum3A_3165 = vector.broadcast %reduce_sum3A_3164 : i1 to vector<16xi1>
    %reduce_sum3A_3166 = tpu.scan <sum>, %masked_sort3A_3139 masked %reduce_sum3A_3165 : vector<16xf32>, vector<16xi1> -> vector<16xf32>
    %reduce_sum3A_3167 = vector.extract %reduce_sum3A_3166[15] : f32 from vector<16xf32>
    %add3A_3168 = arith.constant 0.000000e+00 : f32
    %add3A_3169 = arith.addf %add3A_3168, %reduce_sum3A_3167 : f32
    %ge3A_3170 = arith.constant 1.000000e-01 : f32
    %ge3A_3171 = vector.broadcast %ge3A_3170 : f32 to vector<16xf32>
    %ge3A_3172 = arith.cmpf oge, %add3A_3163, %ge3A_3171 : vector<16xf32>
    %jit3A_3173 = arith.constant 0.000000e+00 : f32
    %jit3A_3174 = arith.constant -1.000000e+30 : f32
    %broadcast_in_dim3A_3175 = vector.broadcast %jit3A_3173 : f32 to vector<16xf32>
    %broadcast_in_dim3A_3176 = vector.broadcast %jit3A_3174 : f32 to vector<16xf32>
    %select_n3A_3177 = arith.select %ge3A_3172, %broadcast_in_dim3A_3175, %broadcast_in_dim3A_3176 : vector<16xi1>, vector<16xf32>
    %broadcast_in_dim3A_3178 = arith.constant 13 : i32
    %broadcast_in_dim3A_3179 = vector.broadcast %broadcast_in_dim3A_3178 : i32 to vector<16xi32>
    tpu.vector_store_idx %arg5[%broadcast_in_dim3A_3179, %masked_sort3A_3140], %select_n3A_3177 : memref<16x64xf32, #tpu.memory_space<vmem>>[vector<16xi32>, vector<16xi32>], vector<16xf32>,
    %broadcast_in_dim3A_3180 = arith.constant true
    %broadcast_in_dim3A_3181 = vector.broadcast %broadcast_in_dim3A_3180 : i1 to vector<16xi1>
    %masked_cumsum3A_3182 = tpu.scan <sum>, %masked_sort3A_3143 masked %broadcast_in_dim3A_3181 : vector<16xf32>, vector<16xi1> -> vector<16xf32>
    %add3A_3183 = vector.broadcast %add3A_3169 : f32 to vector<16xf32>
    %add3A_3184 = arith.addf %masked_cumsum3A_3182, %add3A_3183 : vector<16xf32>
    %reduce_sum3A_3185 = arith.constant true
    %reduce_sum3A_3186 = vector.broadcast %reduce_sum3A_3185 : i1 to vector<16xi1>
    %reduce_sum3A_3187 = tpu.scan <sum>, %masked_sort3A_3143 masked %reduce_sum3A_3186 : vector<16xf32>, vector<16xi1> -> vector<16xf32>
    %reduce_sum3A_3188 = vector.extract %reduce_sum3A_3187[15] : f32 from vector<16xf32>
    %add3A_3189 = arith.addf %add3A_3169, %reduce_sum3A_3188 : f32
    %ge3A_3190 = arith.constant 1.000000e-01 : f32
    %ge3A_3191 = vector.broadcast %ge3A_3190 : f32 to vector<16xf32>
    %ge3A_3192 = arith.cmpf oge, %add3A_3184, %ge3A_3191 : vector<16xf32>
    %jit3A_3193 = arith.constant 0.000000e+00 : f32
    %jit3A_3194 = arith.constant -1.000000e+30 : f32
    %broadcast_in_dim3A_3195 = vector.broadcast %jit3A_3193 : f32 to vector<16xf32>
    %broadcast_in_dim3A_3196 = vector.broadcast %jit3A_3194 : f32 to vector<16xf32>
    %select_n3A_3197 = arith.select %ge3A_3192, %broadcast_in_dim3A_3195, %broadcast_in_dim3A_3196 : vector<16xi1>, vector<16xf32>
    %broadcast_in_dim3A_3198 = arith.constant 13 : i32
    %broadcast_in_dim3A_3199 = vector.broadcast %broadcast_in_dim3A_3198 : i32 to vector<16xi32>
    tpu.vector_store_idx %arg5[%broadcast_in_dim3A_3199, %masked_sort3A_3144], %select_n3A_3197 : memref<16x64xf32, #tpu.memory_space<vmem>>[vector<16xi32>, vector<16xi32>], vector<16xf32>,
    %broadcast_in_dim3A_3200 = arith.constant true
    %broadcast_in_dim3A_3201 = vector.broadcast %broadcast_in_dim3A_3200 : i1 to vector<16xi1>
    %masked_cumsum3A_3202 = tpu.scan <sum>, %masked_sort3A_3152 masked %broadcast_in_dim3A_3201 : vector<16xf32>, vector<16xi1> -> vector<16xf32>
    %add3A_3203 = vector.broadcast %add3A_3189 : f32 to vector<16xf32>
    %add3A_3204 = arith.addf %masked_cumsum3A_3202, %add3A_3203 : vector<16xf32>
    %reduce_sum3A_3205 = arith.constant true
    %reduce_sum3A_3206 = vector.broadcast %reduce_sum3A_3205 : i1 to vector<16xi1>
    %reduce_sum3A_3207 = tpu.scan <sum>, %masked_sort3A_3152 masked %reduce_sum3A_3206 : vector<16xf32>, vector<16xi1> -> vector<16xf32>
    %reduce_sum3A_3208 = vector.extract %reduce_sum3A_3207[15] : f32 from vector<16xf32>
    %add3A_3209 = arith.addf %add3A_3189, %reduce_sum3A_3208 : f32
    %ge3A_3210 = arith.constant 1.000000e-01 : f32
    %ge3A_3211 = vector.broadcast %ge3A_3210 : f32 to vector<16xf32>
    %ge3A_3212 = arith.cmpf oge, %add3A_3204, %ge3A_3211 : vector<16xf32>
    %jit3A_3213 = arith.constant 0.000000e+00 : f32
    %jit3A_3214 = arith.constant -1.000000e+30 : f32
    %broadcast_in_dim3A_3215 = vector.broadcast %jit3A_3213 : f32 to vector<16xf32>
    %broadcast_in_dim3A_3216 = vector.broadcast %jit3A_3214 : f32 to vector<16xf32>
    %select_n3A_3217 = arith.select %ge3A_3212, %broadcast_in_dim3A_3215, %broadcast_in_dim3A_3216 : vector<16xi1>, vector<16xf32>
    %broadcast_in_dim3A_3218 = arith.constant 13 : i32
    %broadcast_in_dim3A_3219 = vector.broadcast %broadcast_in_dim3A_3218 : i32 to vector<16xi32>
    tpu.vector_store_idx %arg5[%broadcast_in_dim3A_3219, %masked_sort3A_3153], %select_n3A_3217 : memref<16x64xf32, #tpu.memory_space<vmem>>[vector<16xi32>, vector<16xi32>], vector<16xf32>,
    %broadcast_in_dim3A_3220 = arith.constant true
    %broadcast_in_dim3A_3221 = vector.broadcast %broadcast_in_dim3A_3220 : i1 to vector<16xi1>
    %masked_cumsum3A_3222 = tpu.scan <sum>, %masked_sort3A_3156 masked %broadcast_in_dim3A_3221 : vector<16xf32>, vector<16xi1> -> vector<16xf32>
    %add3A_3223 = vector.broadcast %add3A_3209 : f32 to vector<16xf32>
    %add3A_3224 = arith.addf %masked_cumsum3A_3222, %add3A_3223 : vector<16xf32>
    %reduce_sum3A_3225 = arith.constant true
    %reduce_sum3A_3226 = vector.broadcast %reduce_sum3A_3225 : i1 to vector<16xi1>
    %reduce_sum3A_3227 = tpu.scan <sum>, %masked_sort3A_3156 masked %reduce_sum3A_3226 : vector<16xf32>, vector<16xi1> -> vector<16xf32>
    %reduce_sum3A_3228 = vector.extract %reduce_sum3A_3227[15] : f32 from vector<16xf32>
    %add3A_3229 = arith.addf %add3A_3209, %reduce_sum3A_3228 : f32
    %ge3A_3230 = arith.constant 1.000000e-01 : f32
    %ge3A_3231 = vector.broadcast %ge3A_3230 : f32 to vector<16xf32>
    %ge3A_3232 = arith.cmpf oge, %add3A_3224, %ge3A_3231 : vector<16xf32>
    %jit3A_3233 = arith.constant 0.000000e+00 : f32
    %jit3A_3234 = arith.constant -1.000000e+30 : f32
    %broadcast_in_dim3A_3235 = vector.broadcast %jit3A_3233 : f32 to vector<16xf32>
    %broadcast_in_dim3A_3236 = vector.broadcast %jit3A_3234 : f32 to vector<16xf32>
    %select_n3A_3237 = arith.select %ge3A_3232, %broadcast_in_dim3A_3235, %broadcast_in_dim3A_3236 : vector<16xi1>, vector<16xf32>
    %broadcast_in_dim3A_3238 = arith.constant 13 : i32
    %broadcast_in_dim3A_3239 = vector.broadcast %broadcast_in_dim3A_3238 : i32 to vector<16xi32>
    tpu.vector_store_idx %arg5[%broadcast_in_dim3A_3239, %masked_sort3A_3157], %select_n3A_3237 : memref<16x64xf32, #tpu.memory_space<vmem>>[vector<16xi32>, vector<16xi32>], vector<16xf32>,
    %get3A_3240 = arith.constant 14 : i32
    %get3A_3241 = arith.index_cast %get3A_3240 : i32 to index
    %get3A_3242 = arith.constant 0 : index
    %get3A_3243 = tpu.vector_load %arg4[%get3A_3241, %get3A_3242] {strides = array<i32>} : memref<16x64xf32, #tpu.memory_space<vmem>>, vector<16xf32>,
    %iota3A_3244 = tpu.iota {dimensions = array<i32: 0>} : vector<16xi32>
    %add3A_3245 = arith.constant 0 : i32
    %add3A_3246 = vector.broadcast %add3A_3245 : i32 to vector<16xi32>
    %add3A_3247 = arith.addi %iota3A_3244, %add3A_3246 : vector<16xi32>
    %get3A_3248 = arith.constant 14 : i32
    %get3A_3249 = arith.index_cast %get3A_3248 : i32 to index
    %get3A_3250 = arith.constant 16 : index
    %get3A_3251 = tpu.vector_load %arg4[%get3A_3249, %get3A_3250] {strides = array<i32>} : memref<16x64xf32, #tpu.memory_space<vmem>>, vector<16xf32>,
    %iota3A_3252 = tpu.iota {dimensions = array<i32: 0>} : vector<16xi32>
    %add3A_3253 = arith.constant 16 : i32
    %add3A_3254 = vector.broadcast %add3A_3253 : i32 to vector<16xi32>
    %add3A_3255 = arith.addi %iota3A_3252, %add3A_3254 : vector<16xi32>
    %get3A_3256 = arith.constant 14 : i32
    %get3A_3257 = arith.index_cast %get3A_3256 : i32 to index
    %get3A_3258 = arith.constant 32 : index
    %get3A_3259 = tpu.vector_load %arg4[%get3A_3257, %get3A_3258] {strides = array<i32>} : memref<16x64xf32, #tpu.memory_space<vmem>>, vector<16xf32>,
    %iota3A_3260 = tpu.iota {dimensions = array<i32: 0>} : vector<16xi32>
    %add3A_3261 = arith.constant 32 : i32
    %add3A_3262 = vector.broadcast %add3A_3261 : i32 to vector<16xi32>
    %add3A_3263 = arith.addi %iota3A_3260, %add3A_3262 : vector<16xi32>
    %get3A_3264 = arith.constant 14 : i32
    %get3A_3265 = arith.index_cast %get3A_3264 : i32 to index
    %get3A_3266 = arith.constant 48 : index
    %get3A_3267 = tpu.vector_load %arg4[%get3A_3265, %get3A_3266] {strides = array<i32>} : memref<16x64xf32, #tpu.memory_space<vmem>>, vector<16xf32>,
    %iota3A_3268 = tpu.iota {dimensions = array<i32: 0>} : vector<16xi32>
    %add3A_3269 = arith.constant 48 : i32
    %add3A_3270 = vector.broadcast %add3A_3269 : i32 to vector<16xi32>
    %add3A_3271 = arith.addi %iota3A_3268, %add3A_3270 : vector<16xi32>
    %masked_sort3A_3272 = arith.constant dense<true> : vector<16xi1>
    %masked_sort3A_3273, %masked_sort3A_3274, %masked_sort3A_3275 = tpu.sort %get3A_3243, %add3A_3247 masked %masked_sort3A_3272 : (vector<16xf32>, vector<16xi32>, vector<16xi1>) -> (vector<16xi1>, vector<16xf32>, vector<16xi32>)
    %masked_sort3A_3276 = arith.constant dense<true> : vector<16xi1>
    %masked_sort3A_3277, %masked_sort3A_3278, %masked_sort3A_3279 = tpu.sort %get3A_3251, %add3A_3255 masked %masked_sort3A_3276 : (vector<16xf32>, vector<16xi32>, vector<16xi1>) -> (vector<16xi1>, vector<16xf32>, vector<16xi32>)
    %masked_sort3A_3280 = arith.constant dense<true> : vector<16xi1>
    %masked_sort3A_3281, %masked_sort3A_3282, %masked_sort3A_3283 = tpu.sort %get3A_3259, %add3A_3263 masked %masked_sort3A_3280 : (vector<16xf32>, vector<16xi32>, vector<16xi1>) -> (vector<16xi1>, vector<16xf32>, vector<16xi32>)
    %masked_sort3A_3284 = arith.constant dense<true> : vector<16xi1>
    %masked_sort3A_3285, %masked_sort3A_3286, %masked_sort3A_3287 = tpu.sort %get3A_3267, %add3A_3271 masked %masked_sort3A_3284 : (vector<16xf32>, vector<16xi32>, vector<16xi1>) -> (vector<16xi1>, vector<16xf32>, vector<16xi32>)
    %rev3A_3288 = arith.constant 15 : i32
    %rev3A_3289 = vector.broadcast %rev3A_3288 : i32 to vector<16xi32>
    %rev3A_3290 = tpu.iota {dimensions = array<i32: 0>} : vector<16xi32>
    %rev3A_3291 = arith.subi %rev3A_3289, %rev3A_3290 : vector<16xi32>
    %rev3A_3292 = tpu.dynamic_gather %masked_sort3A_3278[%rev3A_3291] in [0] : vector<16xf32>, vector<16xi32> -> vector<16xf32>
    %rev3A_3293 = arith.constant 15 : i32
    %rev3A_3294 = vector.broadcast %rev3A_3293 : i32 to vector<16xi32>
    %rev3A_3295 = tpu.iota {dimensions = array<i32: 0>} : vector<16xi32>
    %rev3A_3296 = arith.subi %rev3A_3294, %rev3A_3295 : vector<16xi32>
    %rev3A_3297 = tpu.dynamic_gather %masked_sort3A_3279[%rev3A_3296] in [0] : vector<16xi32>, vector<16xi32> -> vector<16xi32>
    %le3A_3298 = arith.cmpf ole, %masked_sort3A_3274, %rev3A_3292 : vector<16xf32>
    %select_n3A_3299 = arith.select %le3A_3298, %masked_sort3A_3274, %rev3A_3292 : vector<16xi1>, vector<16xf32>
    %select_n3A_3300 = arith.select %le3A_3298, %masked_sort3A_3275, %rev3A_3297 : vector<16xi1>, vector<16xi32>
    %select_n3A_3301 = arith.select %le3A_3298, %rev3A_3292, %masked_sort3A_3274 : vector<16xi1>, vector<16xf32>
    %select_n3A_3302 = arith.select %le3A_3298, %rev3A_3297, %masked_sort3A_3275 : vector<16xi1>, vector<16xi32>
    %rev3A_3303 = arith.constant 15 : i32
    %rev3A_3304 = vector.broadcast %rev3A_3303 : i32 to vector<16xi32>
    %rev3A_3305 = tpu.iota {dimensions = array<i32: 0>} : vector<16xi32>
    %rev3A_3306 = arith.subi %rev3A_3304, %rev3A_3305 : vector<16xi32>
    %rev3A_3307 = tpu.dynamic_gather %masked_sort3A_3286[%rev3A_3306] in [0] : vector<16xf32>, vector<16xi32> -> vector<16xf32>
    %rev3A_3308 = arith.constant 15 : i32
    %rev3A_3309 = vector.broadcast %rev3A_3308 : i32 to vector<16xi32>
    %rev3A_3310 = tpu.iota {dimensions = array<i32: 0>} : vector<16xi32>
    %rev3A_3311 = arith.subi %rev3A_3309, %rev3A_3310 : vector<16xi32>
    %rev3A_3312 = tpu.dynamic_gather %masked_sort3A_3287[%rev3A_3311] in [0] : vector<16xi32>, vector<16xi32> -> vector<16xi32>
    %le3A_3313 = arith.cmpf ole, %masked_sort3A_3282, %rev3A_3307 : vector<16xf32>
    %select_n3A_3314 = arith.select %le3A_3313, %masked_sort3A_3282, %rev3A_3307 : vector<16xi1>, vector<16xf32>
    %select_n3A_3315 = arith.select %le3A_3313, %masked_sort3A_3283, %rev3A_3312 : vector<16xi1>, vector<16xi32>
    %select_n3A_3316 = arith.select %le3A_3313, %rev3A_3307, %masked_sort3A_3282 : vector<16xi1>, vector<16xf32>
    %select_n3A_3317 = arith.select %le3A_3313, %rev3A_3312, %masked_sort3A_3283 : vector<16xi1>, vector<16xi32>
    %masked_sort3A_3318 = arith.constant dense<true> : vector<16xi1>
    %masked_sort3A_3319, %masked_sort3A_3320, %masked_sort3A_3321 = tpu.sort %select_n3A_3299, %select_n3A_3300 masked %masked_sort3A_3318 : (vector<16xf32>, vector<16xi32>, vector<16xi1>) -> (vector<16xi1>, vector<16xf32>, vector<16xi32>)
    %masked_sort3A_3322 = arith.constant dense<true> : vector<16xi1>
    %masked_sort3A_3323, %masked_sort3A_3324, %masked_sort3A_3325 = tpu.sort %select_n3A_3301, %select_n3A_3302 masked %masked_sort3A_3322 : (vector<16xf32>, vector<16xi32>, vector<16xi1>) -> (vector<16xi1>, vector<16xf32>, vector<16xi32>)
    %masked_sort3A_3326 = arith.constant dense<true> : vector<16xi1>
    %masked_sort3A_3327, %masked_sort3A_3328, %masked_sort3A_3329 = tpu.sort %select_n3A_3314, %select_n3A_3315 masked %masked_sort3A_3326 : (vector<16xf32>, vector<16xi32>, vector<16xi1>) -> (vector<16xi1>, vector<16xf32>, vector<16xi32>)
    %masked_sort3A_3330 = arith.constant dense<true> : vector<16xi1>
    %masked_sort3A_3331, %masked_sort3A_3332, %masked_sort3A_3333 = tpu.sort %select_n3A_3316, %select_n3A_3317 masked %masked_sort3A_3330 : (vector<16xf32>, vector<16xi32>, vector<16xi1>) -> (vector<16xi1>, vector<16xf32>, vector<16xi32>)
    %rev3A_3334 = arith.constant 15 : i32
    %rev3A_3335 = vector.broadcast %rev3A_3334 : i32 to vector<16xi32>
    %rev3A_3336 = tpu.iota {dimensions = array<i32: 0>} : vector<16xi32>
    %rev3A_3337 = arith.subi %rev3A_3335, %rev3A_3336 : vector<16xi32>
    %rev3A_3338 = tpu.dynamic_gather %masked_sort3A_3332[%rev3A_3337] in [0] : vector<16xf32>, vector<16xi32> -> vector<16xf32>
    %rev3A_3339 = arith.constant 15 : i32
    %rev3A_3340 = vector.broadcast %rev3A_3339 : i32 to vector<16xi32>
    %rev3A_3341 = tpu.iota {dimensions = array<i32: 0>} : vector<16xi32>
    %rev3A_3342 = arith.subi %rev3A_3340, %rev3A_3341 : vector<16xi32>
    %rev3A_3343 = tpu.dynamic_gather %masked_sort3A_3333[%rev3A_3342] in [0] : vector<16xi32>, vector<16xi32> -> vector<16xi32>
    %le3A_3344 = arith.cmpf ole, %masked_sort3A_3320, %rev3A_3338 : vector<16xf32>
    %select_n3A_3345 = arith.select %le3A_3344, %masked_sort3A_3320, %rev3A_3338 : vector<16xi1>, vector<16xf32>
    %select_n3A_3346 = arith.select %le3A_3344, %masked_sort3A_3321, %rev3A_3343 : vector<16xi1>, vector<16xi32>
    %select_n3A_3347 = arith.select %le3A_3344, %rev3A_3338, %masked_sort3A_3320 : vector<16xi1>, vector<16xf32>
    %select_n3A_3348 = arith.select %le3A_3344, %rev3A_3343, %masked_sort3A_3321 : vector<16xi1>, vector<16xi32>
    %rev3A_3349 = arith.constant 15 : i32
    %rev3A_3350 = vector.broadcast %rev3A_3349 : i32 to vector<16xi32>
    %rev3A_3351 = tpu.iota {dimensions = array<i32: 0>} : vector<16xi32>
    %rev3A_3352 = arith.subi %rev3A_3350, %rev3A_3351 : vector<16xi32>
    %rev3A_3353 = tpu.dynamic_gather %masked_sort3A_3328[%rev3A_3352] in [0] : vector<16xf32>, vector<16xi32> -> vector<16xf32>
    %rev3A_3354 = arith.constant 15 : i32
    %rev3A_3355 = vector.broadcast %rev3A_3354 : i32 to vector<16xi32>
    %rev3A_3356 = tpu.iota {dimensions = array<i32: 0>} : vector<16xi32>
    %rev3A_3357 = arith.subi %rev3A_3355, %rev3A_3356 : vector<16xi32>
    %rev3A_3358 = tpu.dynamic_gather %masked_sort3A_3329[%rev3A_3357] in [0] : vector<16xi32>, vector<16xi32> -> vector<16xi32>
    %le3A_3359 = arith.cmpf ole, %masked_sort3A_3324, %rev3A_3353 : vector<16xf32>
    %select_n3A_3360 = arith.select %le3A_3359, %masked_sort3A_3324, %rev3A_3353 : vector<16xi1>, vector<16xf32>
    %select_n3A_3361 = arith.select %le3A_3359, %masked_sort3A_3325, %rev3A_3358 : vector<16xi1>, vector<16xi32>
    %select_n3A_3362 = arith.select %le3A_3359, %rev3A_3353, %masked_sort3A_3324 : vector<16xi1>, vector<16xf32>
    %select_n3A_3363 = arith.select %le3A_3359, %rev3A_3358, %masked_sort3A_3325 : vector<16xi1>, vector<16xi32>
    %le3A_3364 = arith.cmpf ole, %select_n3A_3345, %select_n3A_3360 : vector<16xf32>
    %select_n3A_3365 = arith.select %le3A_3364, %select_n3A_3345, %select_n3A_3360 : vector<16xi1>, vector<16xf32>
    %select_n3A_3366 = arith.select %le3A_3364, %select_n3A_3346, %select_n3A_3361 : vector<16xi1>, vector<16xi32>
    %select_n3A_3367 = arith.select %le3A_3364, %select_n3A_3360, %select_n3A_3345 : vector<16xi1>, vector<16xf32>
    %select_n3A_3368 = arith.select %le3A_3364, %select_n3A_3361, %select_n3A_3346 : vector<16xi1>, vector<16xi32>
    %masked_sort3A_3369 = arith.constant dense<true> : vector<16xi1>
    %masked_sort3A_3370, %masked_sort3A_3371, %masked_sort3A_3372 = tpu.sort %select_n3A_3365, %select_n3A_3366 masked %masked_sort3A_3369 : (vector<16xf32>, vector<16xi32>, vector<16xi1>) -> (vector<16xi1>, vector<16xf32>, vector<16xi32>)
    %masked_sort3A_3373 = arith.constant dense<true> : vector<16xi1>
    %masked_sort3A_3374, %masked_sort3A_3375, %masked_sort3A_3376 = tpu.sort %select_n3A_3367, %select_n3A_3368 masked %masked_sort3A_3373 : (vector<16xf32>, vector<16xi32>, vector<16xi1>) -> (vector<16xi1>, vector<16xf32>, vector<16xi32>)
    %le3A_3377 = arith.cmpf ole, %select_n3A_3347, %select_n3A_3362 : vector<16xf32>
    %select_n3A_3378 = arith.select %le3A_3377, %select_n3A_3347, %select_n3A_3362 : vector<16xi1>, vector<16xf32>
    %select_n3A_3379 = arith.select %le3A_3377, %select_n3A_3348, %select_n3A_3363 : vector<16xi1>, vector<16xi32>
    %select_n3A_3380 = arith.select %le3A_3377, %select_n3A_3362, %select_n3A_3347 : vector<16xi1>, vector<16xf32>
    %select_n3A_3381 = arith.select %le3A_3377, %select_n3A_3363, %select_n3A_3348 : vector<16xi1>, vector<16xi32>
    %masked_sort3A_3382 = arith.constant dense<true> : vector<16xi1>
    %masked_sort3A_3383, %masked_sort3A_3384, %masked_sort3A_3385 = tpu.sort %select_n3A_3378, %select_n3A_3379 masked %masked_sort3A_3382 : (vector<16xf32>, vector<16xi32>, vector<16xi1>) -> (vector<16xi1>, vector<16xf32>, vector<16xi32>)
    %masked_sort3A_3386 = arith.constant dense<true> : vector<16xi1>
    %masked_sort3A_3387, %masked_sort3A_3388, %masked_sort3A_3389 = tpu.sort %select_n3A_3380, %select_n3A_3381 masked %masked_sort3A_3386 : (vector<16xf32>, vector<16xi32>, vector<16xi1>) -> (vector<16xi1>, vector<16xf32>, vector<16xi32>)
    %broadcast_in_dim3A_3390 = arith.constant true
    %broadcast_in_dim3A_3391 = vector.broadcast %broadcast_in_dim3A_3390 : i1 to vector<16xi1>
    %masked_cumsum3A_3392 = tpu.scan <sum>, %masked_sort3A_3371 masked %broadcast_in_dim3A_3391 : vector<16xf32>, vector<16xi1> -> vector<16xf32>
    %add3A_3393 = arith.constant 0.000000e+00 : f32
    %add3A_3394 = vector.broadcast %add3A_3393 : f32 to vector<16xf32>
    %add3A_3395 = arith.addf %masked_cumsum3A_3392, %add3A_3394 : vector<16xf32>
    %reduce_sum3A_3396 = arith.constant true
    %reduce_sum3A_3397 = vector.broadcast %reduce_sum3A_3396 : i1 to vector<16xi1>
    %reduce_sum3A_3398 = tpu.scan <sum>, %masked_sort3A_3371 masked %reduce_sum3A_3397 : vector<16xf32>, vector<16xi1> -> vector<16xf32>
    %reduce_sum3A_3399 = vector.extract %reduce_sum3A_3398[15] : f32 from vector<16xf32>
    %add3A_3400 = arith.constant 0.000000e+00 : f32
    %add3A_3401 = arith.addf %add3A_3400, %reduce_sum3A_3399 : f32
    %ge3A_3402 = arith.constant 1.000000e-01 : f32
    %ge3A_3403 = vector.broadcast %ge3A_3402 : f32 to vector<16xf32>
    %ge3A_3404 = arith.cmpf oge, %add3A_3395, %ge3A_3403 : vector<16xf32>
    %jit3A_3405 = arith.constant 0.000000e+00 : f32
    %jit3A_3406 = arith.constant -1.000000e+30 : f32
    %broadcast_in_dim3A_3407 = vector.broadcast %jit3A_3405 : f32 to vector<16xf32>
    %broadcast_in_dim3A_3408 = vector.broadcast %jit3A_3406 : f32 to vector<16xf32>
    %select_n3A_3409 = arith.select %ge3A_3404, %broadcast_in_dim3A_3407, %broadcast_in_dim3A_3408 : vector<16xi1>, vector<16xf32>
    %broadcast_in_dim3A_3410 = arith.constant 14 : i32
    %broadcast_in_dim3A_3411 = vector.broadcast %broadcast_in_dim3A_3410 : i32 to vector<16xi32>
    tpu.vector_store_idx %arg5[%broadcast_in_dim3A_3411, %masked_sort3A_3372], %select_n3A_3409 : memref<16x64xf32, #tpu.memory_space<vmem>>[vector<16xi32>, vector<16xi32>], vector<16xf32>,
    %broadcast_in_dim3A_3412 = arith.constant true
    %broadcast_in_dim3A_3413 = vector.broadcast %broadcast_in_dim3A_3412 : i1 to vector<16xi1>
    %masked_cumsum3A_3414 = tpu.scan <sum>, %masked_sort3A_3375 masked %broadcast_in_dim3A_3413 : vector<16xf32>, vector<16xi1> -> vector<16xf32>
    %add3A_3415 = vector.broadcast %add3A_3401 : f32 to vector<16xf32>
    %add3A_3416 = arith.addf %masked_cumsum3A_3414, %add3A_3415 : vector<16xf32>
    %reduce_sum3A_3417 = arith.constant true
    %reduce_sum3A_3418 = vector.broadcast %reduce_sum3A_3417 : i1 to vector<16xi1>
    %reduce_sum3A_3419 = tpu.scan <sum>, %masked_sort3A_3375 masked %reduce_sum3A_3418 : vector<16xf32>, vector<16xi1> -> vector<16xf32>
    %reduce_sum3A_3420 = vector.extract %reduce_sum3A_3419[15] : f32 from vector<16xf32>
    %add3A_3421 = arith.addf %add3A_3401, %reduce_sum3A_3420 : f32
    %ge3A_3422 = arith.constant 1.000000e-01 : f32
    %ge3A_3423 = vector.broadcast %ge3A_3422 : f32 to vector<16xf32>
    %ge3A_3424 = arith.cmpf oge, %add3A_3416, %ge3A_3423 : vector<16xf32>
    %jit3A_3425 = arith.constant 0.000000e+00 : f32
    %jit3A_3426 = arith.constant -1.000000e+30 : f32
    %broadcast_in_dim3A_3427 = vector.broadcast %jit3A_3425 : f32 to vector<16xf32>
    %broadcast_in_dim3A_3428 = vector.broadcast %jit3A_3426 : f32 to vector<16xf32>
    %select_n3A_3429 = arith.select %ge3A_3424, %broadcast_in_dim3A_3427, %broadcast_in_dim3A_3428 : vector<16xi1>, vector<16xf32>
    %broadcast_in_dim3A_3430 = arith.constant 14 : i32
    %broadcast_in_dim3A_3431 = vector.broadcast %broadcast_in_dim3A_3430 : i32 to vector<16xi32>
    tpu.vector_store_idx %arg5[%broadcast_in_dim3A_3431, %masked_sort3A_3376], %select_n3A_3429 : memref<16x64xf32, #tpu.memory_space<vmem>>[vector<16xi32>, vector<16xi32>], vector<16xf32>,
    %broadcast_in_dim3A_3432 = arith.constant true
    %broadcast_in_dim3A_3433 = vector.broadcast %broadcast_in_dim3A_3432 : i1 to vector<16xi1>
    %masked_cumsum3A_3434 = tpu.scan <sum>, %masked_sort3A_3384 masked %broadcast_in_dim3A_3433 : vector<16xf32>, vector<16xi1> -> vector<16xf32>
    %add3A_3435 = vector.broadcast %add3A_3421 : f32 to vector<16xf32>
    %add3A_3436 = arith.addf %masked_cumsum3A_3434, %add3A_3435 : vector<16xf32>
    %reduce_sum3A_3437 = arith.constant true
    %reduce_sum3A_3438 = vector.broadcast %reduce_sum3A_3437 : i1 to vector<16xi1>
    %reduce_sum3A_3439 = tpu.scan <sum>, %masked_sort3A_3384 masked %reduce_sum3A_3438 : vector<16xf32>, vector<16xi1> -> vector<16xf32>
    %reduce_sum3A_3440 = vector.extract %reduce_sum3A_3439[15] : f32 from vector<16xf32>
    %add3A_3441 = arith.addf %add3A_3421, %reduce_sum3A_3440 : f32
    %ge3A_3442 = arith.constant 1.000000e-01 : f32
    %ge3A_3443 = vector.broadcast %ge3A_3442 : f32 to vector<16xf32>
    %ge3A_3444 = arith.cmpf oge, %add3A_3436, %ge3A_3443 : vector<16xf32>
    %jit3A_3445 = arith.constant 0.000000e+00 : f32
    %jit3A_3446 = arith.constant -1.000000e+30 : f32
    %broadcast_in_dim3A_3447 = vector.broadcast %jit3A_3445 : f32 to vector<16xf32>
    %broadcast_in_dim3A_3448 = vector.broadcast %jit3A_3446 : f32 to vector<16xf32>
    %select_n3A_3449 = arith.select %ge3A_3444, %broadcast_in_dim3A_3447, %broadcast_in_dim3A_3448 : vector<16xi1>, vector<16xf32>
    %broadcast_in_dim3A_3450 = arith.constant 14 : i32
    %broadcast_in_dim3A_3451 = vector.broadcast %broadcast_in_dim3A_3450 : i32 to vector<16xi32>
    tpu.vector_store_idx %arg5[%broadcast_in_dim3A_3451, %masked_sort3A_3385], %select_n3A_3449 : memref<16x64xf32, #tpu.memory_space<vmem>>[vector<16xi32>, vector<16xi32>], vector<16xf32>,
    %broadcast_in_dim3A_3452 = arith.constant true
    %broadcast_in_dim3A_3453 = vector.broadcast %broadcast_in_dim3A_3452 : i1 to vector<16xi1>
    %masked_cumsum3A_3454 = tpu.scan <sum>, %masked_sort3A_3388 masked %broadcast_in_dim3A_3453 : vector<16xf32>, vector<16xi1> -> vector<16xf32>
    %add3A_3455 = vector.broadcast %add3A_3441 : f32 to vector<16xf32>
    %add3A_3456 = arith.addf %masked_cumsum3A_3454, %add3A_3455 : vector<16xf32>
    %reduce_sum3A_3457 = arith.constant true
    %reduce_sum3A_3458 = vector.broadcast %reduce_sum3A_3457 : i1 to vector<16xi1>
    %reduce_sum3A_3459 = tpu.scan <sum>, %masked_sort3A_3388 masked %reduce_sum3A_3458 : vector<16xf32>, vector<16xi1> -> vector<16xf32>
    %reduce_sum3A_3460 = vector.extract %reduce_sum3A_3459[15] : f32 from vector<16xf32>
    %add3A_3461 = arith.addf %add3A_3441, %reduce_sum3A_3460 : f32
    %ge3A_3462 = arith.constant 1.000000e-01 : f32
    %ge3A_3463 = vector.broadcast %ge3A_3462 : f32 to vector<16xf32>
    %ge3A_3464 = arith.cmpf oge, %add3A_3456, %ge3A_3463 : vector<16xf32>
    %jit3A_3465 = arith.constant 0.000000e+00 : f32
    %jit3A_3466 = arith.constant -1.000000e+30 : f32
    %broadcast_in_dim3A_3467 = vector.broadcast %jit3A_3465 : f32 to vector<16xf32>
    %broadcast_in_dim3A_3468 = vector.broadcast %jit3A_3466 : f32 to vector<16xf32>
    %select_n3A_3469 = arith.select %ge3A_3464, %broadcast_in_dim3A_3467, %broadcast_in_dim3A_3468 : vector<16xi1>, vector<16xf32>
    %broadcast_in_dim3A_3470 = arith.constant 14 : i32
    %broadcast_in_dim3A_3471 = vector.broadcast %broadcast_in_dim3A_3470 : i32 to vector<16xi32>
    tpu.vector_store_idx %arg5[%broadcast_in_dim3A_3471, %masked_sort3A_3389], %select_n3A_3469 : memref<16x64xf32, #tpu.memory_space<vmem>>[vector<16xi32>, vector<16xi32>], vector<16xf32>,
    %get3A_3472 = arith.constant 15 : i32
    %get3A_3473 = arith.index_cast %get3A_3472 : i32 to index
    %get3A_3474 = arith.constant 0 : index
    %get3A_3475 = tpu.vector_load %arg4[%get3A_3473, %get3A_3474] {strides = array<i32>} : memref<16x64xf32, #tpu.memory_space<vmem>>, vector<16xf32>,
    %iota3A_3476 = tpu.iota {dimensions = array<i32: 0>} : vector<16xi32>
    %add3A_3477 = arith.constant 0 : i32
    %add3A_3478 = vector.broadcast %add3A_3477 : i32 to vector<16xi32>
    %add3A_3479 = arith.addi %iota3A_3476, %add3A_3478 : vector<16xi32>
    %get3A_3480 = arith.constant 15 : i32
    %get3A_3481 = arith.index_cast %get3A_3480 : i32 to index
    %get3A_3482 = arith.constant 16 : index
    %get3A_3483 = tpu.vector_load %arg4[%get3A_3481, %get3A_3482] {strides = array<i32>} : memref<16x64xf32, #tpu.memory_space<vmem>>, vector<16xf32>,
    %iota3A_3484 = tpu.iota {dimensions = array<i32: 0>} : vector<16xi32>
    %add3A_3485 = arith.constant 16 : i32
    %add3A_3486 = vector.broadcast %add3A_3485 : i32 to vector<16xi32>
    %add3A_3487 = arith.addi %iota3A_3484, %add3A_3486 : vector<16xi32>
    %get3A_3488 = arith.constant 15 : i32
    %get3A_3489 = arith.index_cast %get3A_3488 : i32 to index
    %get3A_3490 = arith.constant 32 : index
    %get3A_3491 = tpu.vector_load %arg4[%get3A_3489, %get3A_3490] {strides = array<i32>} : memref<16x64xf32, #tpu.memory_space<vmem>>, vector<16xf32>,
    %iota3A_3492 = tpu.iota {dimensions = array<i32: 0>} : vector<16xi32>
    %add3A_3493 = arith.constant 32 : i32
    %add3A_3494 = vector.broadcast %add3A_3493 : i32 to vector<16xi32>
    %add3A_3495 = arith.addi %iota3A_3492, %add3A_3494 : vector<16xi32>
    %get3A_3496 = arith.constant 15 : i32
    %get3A_3497 = arith.index_cast %get3A_3496 : i32 to index
    %get3A_3498 = arith.constant 48 : index
    %get3A_3499 = tpu.vector_load %arg4[%get3A_3497, %get3A_3498] {strides = array<i32>} : memref<16x64xf32, #tpu.memory_space<vmem>>, vector<16xf32>,
    %iota3A_3500 = tpu.iota {dimensions = array<i32: 0>} : vector<16xi32>
    %add3A_3501 = arith.constant 48 : i32
    %add3A_3502 = vector.broadcast %add3A_3501 : i32 to vector<16xi32>
    %add3A_3503 = arith.addi %iota3A_3500, %add3A_3502 : vector<16xi32>
    %masked_sort3A_3504 = arith.constant dense<true> : vector<16xi1>
    %masked_sort3A_3505, %masked_sort3A_3506, %masked_sort3A_3507 = tpu.sort %get3A_3475, %add3A_3479 masked %masked_sort3A_3504 : (vector<16xf32>, vector<16xi32>, vector<16xi1>) -> (vector<16xi1>, vector<16xf32>, vector<16xi32>)
    %masked_sort3A_3508 = arith.constant dense<true> : vector<16xi1>
    %masked_sort3A_3509, %masked_sort3A_3510, %masked_sort3A_3511 = tpu.sort %get3A_3483, %add3A_3487 masked %masked_sort3A_3508 : (vector<16xf32>, vector<16xi32>, vector<16xi1>) -> (vector<16xi1>, vector<16xf32>, vector<16xi32>)
    %masked_sort3A_3512 = arith.constant dense<true> : vector<16xi1>
    %masked_sort3A_3513, %masked_sort3A_3514, %masked_sort3A_3515 = tpu.sort %get3A_3491, %add3A_3495 masked %masked_sort3A_3512 : (vector<16xf32>, vector<16xi32>, vector<16xi1>) -> (vector<16xi1>, vector<16xf32>, vector<16xi32>)
    %masked_sort3A_3516 = arith.constant dense<true> : vector<16xi1>
    %masked_sort3A_3517, %masked_sort3A_3518, %masked_sort3A_3519 = tpu.sort %get3A_3499, %add3A_3503 masked %masked_sort3A_3516 : (vector<16xf32>, vector<16xi32>, vector<16xi1>) -> (vector<16xi1>, vector<16xf32>, vector<16xi32>)
    %rev3A_3520 = arith.constant 15 : i32
    %rev3A_3521 = vector.broadcast %rev3A_3520 : i32 to vector<16xi32>
    %rev3A_3522 = tpu.iota {dimensions = array<i32: 0>} : vector<16xi32>
    %rev3A_3523 = arith.subi %rev3A_3521, %rev3A_3522 : vector<16xi32>
    %rev3A_3524 = tpu.dynamic_gather %masked_sort3A_3510[%rev3A_3523] in [0] : vector<16xf32>, vector<16xi32> -> vector<16xf32>
    %rev3A_3525 = arith.constant 15 : i32
    %rev3A_3526 = vector.broadcast %rev3A_3525 : i32 to vector<16xi32>
    %rev3A_3527 = tpu.iota {dimensions = array<i32: 0>} : vector<16xi32>
    %rev3A_3528 = arith.subi %rev3A_3526, %rev3A_3527 : vector<16xi32>
    %rev3A_3529 = tpu.dynamic_gather %masked_sort3A_3511[%rev3A_3528] in [0] : vector<16xi32>, vector<16xi32> -> vector<16xi32>
    %le3A_3530 = arith.cmpf ole, %masked_sort3A_3506, %rev3A_3524 : vector<16xf32>
    %select_n3A_3531 = arith.select %le3A_3530, %masked_sort3A_3506, %rev3A_3524 : vector<16xi1>, vector<16xf32>
    %select_n3A_3532 = arith.select %le3A_3530, %masked_sort3A_3507, %rev3A_3529 : vector<16xi1>, vector<16xi32>
    %select_n3A_3533 = arith.select %le3A_3530, %rev3A_3524, %masked_sort3A_3506 : vector<16xi1>, vector<16xf32>
    %select_n3A_3534 = arith.select %le3A_3530, %rev3A_3529, %masked_sort3A_3507 : vector<16xi1>, vector<16xi32>
    %rev3A_3535 = arith.constant 15 : i32
    %rev3A_3536 = vector.broadcast %rev3A_3535 : i32 to vector<16xi32>
    %rev3A_3537 = tpu.iota {dimensions = array<i32: 0>} : vector<16xi32>
    %rev3A_3538 = arith.subi %rev3A_3536, %rev3A_3537 : vector<16xi32>
    %rev3A_3539 = tpu.dynamic_gather %masked_sort3A_3518[%rev3A_3538] in [0] : vector<16xf32>, vector<16xi32> -> vector<16xf32>
    %rev3A_3540 = arith.constant 15 : i32
    %rev3A_3541 = vector.broadcast %rev3A_3540 : i32 to vector<16xi32>
    %rev3A_3542 = tpu.iota {dimensions = array<i32: 0>} : vector<16xi32>
    %rev3A_3543 = arith.subi %rev3A_3541, %rev3A_3542 : vector<16xi32>
    %rev3A_3544 = tpu.dynamic_gather %masked_sort3A_3519[%rev3A_3543] in [0] : vector<16xi32>, vector<16xi32> -> vector<16xi32>
    %le3A_3545 = arith.cmpf ole, %masked_sort3A_3514, %rev3A_3539 : vector<16xf32>
    %select_n3A_3546 = arith.select %le3A_3545, %masked_sort3A_3514, %rev3A_3539 : vector<16xi1>, vector<16xf32>
    %select_n3A_3547 = arith.select %le3A_3545, %masked_sort3A_3515, %rev3A_3544 : vector<16xi1>, vector<16xi32>
    %select_n3A_3548 = arith.select %le3A_3545, %rev3A_3539, %masked_sort3A_3514 : vector<16xi1>, vector<16xf32>
    %select_n3A_3549 = arith.select %le3A_3545, %rev3A_3544, %masked_sort3A_3515 : vector<16xi1>, vector<16xi32>
    %masked_sort3A_3550 = arith.constant dense<true> : vector<16xi1>
    %masked_sort3A_3551, %masked_sort3A_3552, %masked_sort3A_3553 = tpu.sort %select_n3A_3531, %select_n3A_3532 masked %masked_sort3A_3550 : (vector<16xf32>, vector<16xi32>, vector<16xi1>) -> (vector<16xi1>, vector<16xf32>, vector<16xi32>)
    %masked_sort3A_3554 = arith.constant dense<true> : vector<16xi1>
    %masked_sort3A_3555, %masked_sort3A_3556, %masked_sort3A_3557 = tpu.sort %select_n3A_3533, %select_n3A_3534 masked %masked_sort3A_3554 : (vector<16xf32>, vector<16xi32>, vector<16xi1>) -> (vector<16xi1>, vector<16xf32>, vector<16xi32>)
    %masked_sort3A_3558 = arith.constant dense<true> : vector<16xi1>
    %masked_sort3A_3559, %masked_sort3A_3560, %masked_sort3A_3561 = tpu.sort %select_n3A_3546, %select_n3A_3547 masked %masked_sort3A_3558 : (vector<16xf32>, vector<16xi32>, vector<16xi1>) -> (vector<16xi1>, vector<16xf32>, vector<16xi32>)
    %masked_sort3A_3562 = arith.constant dense<true> : vector<16xi1>
    %masked_sort3A_3563, %masked_sort3A_3564, %masked_sort3A_3565 = tpu.sort %select_n3A_3548, %select_n3A_3549 masked %masked_sort3A_3562 : (vector<16xf32>, vector<16xi32>, vector<16xi1>) -> (vector<16xi1>, vector<16xf32>, vector<16xi32>)
    %rev3A_3566 = arith.constant 15 : i32
    %rev3A_3567 = vector.broadcast %rev3A_3566 : i32 to vector<16xi32>
    %rev3A_3568 = tpu.iota {dimensions = array<i32: 0>} : vector<16xi32>
    %rev3A_3569 = arith.subi %rev3A_3567, %rev3A_3568 : vector<16xi32>
    %rev3A_3570 = tpu.dynamic_gather %masked_sort3A_3564[%rev3A_3569] in [0] : vector<16xf32>, vector<16xi32> -> vector<16xf32>
    %rev3A_3571 = arith.constant 15 : i32
    %rev3A_3572 = vector.broadcast %rev3A_3571 : i32 to vector<16xi32>
    %rev3A_3573 = tpu.iota {dimensions = array<i32: 0>} : vector<16xi32>
    %rev3A_3574 = arith.subi %rev3A_3572, %rev3A_3573 : vector<16xi32>
    %rev3A_3575 = tpu.dynamic_gather %masked_sort3A_3565[%rev3A_3574] in [0] : vector<16xi32>, vector<16xi32> -> vector<16xi32>
    %le3A_3576 = arith.cmpf ole, %masked_sort3A_3552, %rev3A_3570 : vector<16xf32>
    %select_n3A_3577 = arith.select %le3A_3576, %masked_sort3A_3552, %rev3A_3570 : vector<16xi1>, vector<16xf32>
    %select_n3A_3578 = arith.select %le3A_3576, %masked_sort3A_3553, %rev3A_3575 : vector<16xi1>, vector<16xi32>
    %select_n3A_3579 = arith.select %le3A_3576, %rev3A_3570, %masked_sort3A_3552 : vector<16xi1>, vector<16xf32>
    %select_n3A_3580 = arith.select %le3A_3576, %rev3A_3575, %masked_sort3A_3553 : vector<16xi1>, vector<16xi32>
    %rev3A_3581 = arith.constant 15 : i32
    %rev3A_3582 = vector.broadcast %rev3A_3581 : i32 to vector<16xi32>
    %rev3A_3583 = tpu.iota {dimensions = array<i32: 0>} : vector<16xi32>
    %rev3A_3584 = arith.subi %rev3A_3582, %rev3A_3583 : vector<16xi32>
    %rev3A_3585 = tpu.dynamic_gather %masked_sort3A_3560[%rev3A_3584] in [0] : vector<16xf32>, vector<16xi32> -> vector<16xf32>
    %rev3A_3586 = arith.constant 15 : i32
    %rev3A_3587 = vector.broadcast %rev3A_3586 : i32 to vector<16xi32>
    %rev3A_3588 = tpu.iota {dimensions = array<i32: 0>} : vector<16xi32>
    %rev3A_3589 = arith.subi %rev3A_3587, %rev3A_3588 : vector<16xi32>
    %rev3A_3590 = tpu.dynamic_gather %masked_sort3A_3561[%rev3A_3589] in [0] : vector<16xi32>, vector<16xi32> -> vector<16xi32>
    %le3A_3591 = arith.cmpf ole, %masked_sort3A_3556, %rev3A_3585 : vector<16xf32>
    %select_n3A_3592 = arith.select %le3A_3591, %masked_sort3A_3556, %rev3A_3585 : vector<16xi1>, vector<16xf32>
    %select_n3A_3593 = arith.select %le3A_3591, %masked_sort3A_3557, %rev3A_3590 : vector<16xi1>, vector<16xi32>
    %select_n3A_3594 = arith.select %le3A_3591, %rev3A_3585, %masked_sort3A_3556 : vector<16xi1>, vector<16xf32>
    %select_n3A_3595 = arith.select %le3A_3591, %rev3A_3590, %masked_sort3A_3557 : vector<16xi1>, vector<16xi32>
    %le3A_3596 = arith.cmpf ole, %select_n3A_3577, %select_n3A_3592 : vector<16xf32>
    %select_n3A_3597 = arith.select %le3A_3596, %select_n3A_3577, %select_n3A_3592 : vector<16xi1>, vector<16xf32>
    %select_n3A_3598 = arith.select %le3A_3596, %select_n3A_3578, %select_n3A_3593 : vector<16xi1>, vector<16xi32>
    %select_n3A_3599 = arith.select %le3A_3596, %select_n3A_3592, %select_n3A_3577 : vector<16xi1>, vector<16xf32>
    %select_n3A_3600 = arith.select %le3A_3596, %select_n3A_3593, %select_n3A_3578 : vector<16xi1>, vector<16xi32>
    %masked_sort3A_3601 = arith.constant dense<true> : vector<16xi1>
    %masked_sort3A_3602, %masked_sort3A_3603, %masked_sort3A_3604 = tpu.sort %select_n3A_3597, %select_n3A_3598 masked %masked_sort3A_3601 : (vector<16xf32>, vector<16xi32>, vector<16xi1>) -> (vector<16xi1>, vector<16xf32>, vector<16xi32>)
    %masked_sort3A_3605 = arith.constant dense<true> : vector<16xi1>
    %masked_sort3A_3606, %masked_sort3A_3607, %masked_sort3A_3608 = tpu.sort %select_n3A_3599, %select_n3A_3600 masked %masked_sort3A_3605 : (vector<16xf32>, vector<16xi32>, vector<16xi1>) -> (vector<16xi1>, vector<16xf32>, vector<16xi32>)
    %le3A_3609 = arith.cmpf ole, %select_n3A_3579, %select_n3A_3594 : vector<16xf32>
    %select_n3A_3610 = arith.select %le3A_3609, %select_n3A_3579, %select_n3A_3594 : vector<16xi1>, vector<16xf32>
    %select_n3A_3611 = arith.select %le3A_3609, %select_n3A_3580, %select_n3A_3595 : vector<16xi1>, vector<16xi32>
    %select_n3A_3612 = arith.select %le3A_3609, %select_n3A_3594, %select_n3A_3579 : vector<16xi1>, vector<16xf32>
    %select_n3A_3613 = arith.select %le3A_3609, %select_n3A_3595, %select_n3A_3580 : vector<16xi1>, vector<16xi32>
    %masked_sort3A_3614 = arith.constant dense<true> : vector<16xi1>
    %masked_sort3A_3615, %masked_sort3A_3616, %masked_sort3A_3617 = tpu.sort %select_n3A_3610, %select_n3A_3611 masked %masked_sort3A_3614 : (vector<16xf32>, vector<16xi32>, vector<16xi1>) -> (vector<16xi1>, vector<16xf32>, vector<16xi32>)
    %masked_sort3A_3618 = arith.constant dense<true> : vector<16xi1>
    %masked_sort3A_3619, %masked_sort3A_3620, %masked_sort3A_3621 = tpu.sort %select_n3A_3612, %select_n3A_3613 masked %masked_sort3A_3618 : (vector<16xf32>, vector<16xi32>, vector<16xi1>) -> (vector<16xi1>, vector<16xf32>, vector<16xi32>)
    %broadcast_in_dim3A_3622 = arith.constant true
    %broadcast_in_dim3A_3623 = vector.broadcast %broadcast_in_dim3A_3622 : i1 to vector<16xi1>
    %masked_cumsum3A_3624 = tpu.scan <sum>, %masked_sort3A_3603 masked %broadcast_in_dim3A_3623 : vector<16xf32>, vector<16xi1> -> vector<16xf32>
    %add3A_3625 = arith.constant 0.000000e+00 : f32
    %add3A_3626 = vector.broadcast %add3A_3625 : f32 to vector<16xf32>
    %add3A_3627 = arith.addf %masked_cumsum3A_3624, %add3A_3626 : vector<16xf32>
    %reduce_sum3A_3628 = arith.constant true
    %reduce_sum3A_3629 = vector.broadcast %reduce_sum3A_3628 : i1 to vector<16xi1>
    %reduce_sum3A_3630 = tpu.scan <sum>, %masked_sort3A_3603 masked %reduce_sum3A_3629 : vector<16xf32>, vector<16xi1> -> vector<16xf32>
    %reduce_sum3A_3631 = vector.extract %reduce_sum3A_3630[15] : f32 from vector<16xf32>
    %add3A_3632 = arith.constant 0.000000e+00 : f32
    %add3A_3633 = arith.addf %add3A_3632, %reduce_sum3A_3631 : f32
    %ge3A_3634 = arith.constant 1.000000e-01 : f32
    %ge3A_3635 = vector.broadcast %ge3A_3634 : f32 to vector<16xf32>
    %ge3A_3636 = arith.cmpf oge, %add3A_3627, %ge3A_3635 : vector<16xf32>
    %jit3A_3637 = arith.constant 0.000000e+00 : f32
    %jit3A_3638 = arith.constant -1.000000e+30 : f32
    %broadcast_in_dim3A_3639 = vector.broadcast %jit3A_3637 : f32 to vector<16xf32>
    %broadcast_in_dim3A_3640 = vector.broadcast %jit3A_3638 : f32 to vector<16xf32>
    %select_n3A_3641 = arith.select %ge3A_3636, %broadcast_in_dim3A_3639, %broadcast_in_dim3A_3640 : vector<16xi1>, vector<16xf32>
    %broadcast_in_dim3A_3642 = arith.constant 15 : i32
    %broadcast_in_dim3A_3643 = vector.broadcast %broadcast_in_dim3A_3642 : i32 to vector<16xi32>
    tpu.vector_store_idx %arg5[%broadcast_in_dim3A_3643, %masked_sort3A_3604], %select_n3A_3641 : memref<16x64xf32, #tpu.memory_space<vmem>>[vector<16xi32>, vector<16xi32>], vector<16xf32>,
    %broadcast_in_dim3A_3644 = arith.constant true
    %broadcast_in_dim3A_3645 = vector.broadcast %broadcast_in_dim3A_3644 : i1 to vector<16xi1>
    %masked_cumsum3A_3646 = tpu.scan <sum>, %masked_sort3A_3607 masked %broadcast_in_dim3A_3645 : vector<16xf32>, vector<16xi1> -> vector<16xf32>
    %add3A_3647 = vector.broadcast %add3A_3633 : f32 to vector<16xf32>
    %add3A_3648 = arith.addf %masked_cumsum3A_3646, %add3A_3647 : vector<16xf32>
    %reduce_sum3A_3649 = arith.constant true
    %reduce_sum3A_3650 = vector.broadcast %reduce_sum3A_3649 : i1 to vector<16xi1>
    %reduce_sum3A_3651 = tpu.scan <sum>, %masked_sort3A_3607 masked %reduce_sum3A_3650 : vector<16xf32>, vector<16xi1> -> vector<16xf32>
    %reduce_sum3A_3652 = vector.extract %reduce_sum3A_3651[15] : f32 from vector<16xf32>
    %add3A_3653 = arith.addf %add3A_3633, %reduce_sum3A_3652 : f32
    %ge3A_3654 = arith.constant 1.000000e-01 : f32
    %ge3A_3655 = vector.broadcast %ge3A_3654 : f32 to vector<16xf32>
    %ge3A_3656 = arith.cmpf oge, %add3A_3648, %ge3A_3655 : vector<16xf32>
    %jit3A_3657 = arith.constant 0.000000e+00 : f32
    %jit3A_3658 = arith.constant -1.000000e+30 : f32
    %broadcast_in_dim3A_3659 = vector.broadcast %jit3A_3657 : f32 to vector<16xf32>
    %broadcast_in_dim3A_3660 = vector.broadcast %jit3A_3658 : f32 to vector<16xf32>
    %select_n3A_3661 = arith.select %ge3A_3656, %broadcast_in_dim3A_3659, %broadcast_in_dim3A_3660 : vector<16xi1>, vector<16xf32>
    %broadcast_in_dim3A_3662 = arith.constant 15 : i32
    %broadcast_in_dim3A_3663 = vector.broadcast %broadcast_in_dim3A_3662 : i32 to vector<16xi32>
    tpu.vector_store_idx %arg5[%broadcast_in_dim3A_3663, %masked_sort3A_3608], %select_n3A_3661 : memref<16x64xf32, #tpu.memory_space<vmem>>[vector<16xi32>, vector<16xi32>], vector<16xf32>,
    %broadcast_in_dim3A_3664 = arith.constant true
    %broadcast_in_dim3A_3665 = vector.broadcast %broadcast_in_dim3A_3664 : i1 to vector<16xi1>
    %masked_cumsum3A_3666 = tpu.scan <sum>, %masked_sort3A_3616 masked %broadcast_in_dim3A_3665 : vector<16xf32>, vector<16xi1> -> vector<16xf32>
    %add3A_3667 = vector.broadcast %add3A_3653 : f32 to vector<16xf32>
    %add3A_3668 = arith.addf %masked_cumsum3A_3666, %add3A_3667 : vector<16xf32>
    %reduce_sum3A_3669 = arith.constant true
    %reduce_sum3A_3670 = vector.broadcast %reduce_sum3A_3669 : i1 to vector<16xi1>
    %reduce_sum3A_3671 = tpu.scan <sum>, %masked_sort3A_3616 masked %reduce_sum3A_3670 : vector<16xf32>, vector<16xi1> -> vector<16xf32>
    %reduce_sum3A_3672 = vector.extract %reduce_sum3A_3671[15] : f32 from vector<16xf32>
    %add3A_3673 = arith.addf %add3A_3653, %reduce_sum3A_3672 : f32
    %ge3A_3674 = arith.constant 1.000000e-01 : f32
    %ge3A_3675 = vector.broadcast %ge3A_3674 : f32 to vector<16xf32>
    %ge3A_3676 = arith.cmpf oge, %add3A_3668, %ge3A_3675 : vector<16xf32>
    %jit3A_3677 = arith.constant 0.000000e+00 : f32
    %jit3A_3678 = arith.constant -1.000000e+30 : f32
    %broadcast_in_dim3A_3679 = vector.broadcast %jit3A_3677 : f32 to vector<16xf32>
    %broadcast_in_dim3A_3680 = vector.broadcast %jit3A_3678 : f32 to vector<16xf32>
    %select_n3A_3681 = arith.select %ge3A_3676, %broadcast_in_dim3A_3679, %broadcast_in_dim3A_3680 : vector<16xi1>, vector<16xf32>
    %broadcast_in_dim3A_3682 = arith.constant 15 : i32
    %broadcast_in_dim3A_3683 = vector.broadcast %broadcast_in_dim3A_3682 : i32 to vector<16xi32>
    tpu.vector_store_idx %arg5[%broadcast_in_dim3A_3683, %masked_sort3A_3617], %select_n3A_3681 : memref<16x64xf32, #tpu.memory_space<vmem>>[vector<16xi32>, vector<16xi32>], vector<16xf32>,
    %broadcast_in_dim3A_3684 = arith.constant true
    %broadcast_in_dim3A_3685 = vector.broadcast %broadcast_in_dim3A_3684 : i1 to vector<16xi1>
    %masked_cumsum3A_3686 = tpu.scan <sum>, %masked_sort3A_3620 masked %broadcast_in_dim3A_3685 : vector<16xf32>, vector<16xi1> -> vector<16xf32>
    %add3A_3687 = vector.broadcast %add3A_3673 : f32 to vector<16xf32>
    %add3A_3688 = arith.addf %masked_cumsum3A_3686, %add3A_3687 : vector<16xf32>
    %reduce_sum3A_3689 = arith.constant true
    %reduce_sum3A_3690 = vector.broadcast %reduce_sum3A_3689 : i1 to vector<16xi1>
    %reduce_sum3A_3691 = tpu.scan <sum>, %masked_sort3A_3620 masked %reduce_sum3A_3690 : vector<16xf32>, vector<16xi1> -> vector<16xf32>
    %reduce_sum3A_3692 = vector.extract %reduce_sum3A_3691[15] : f32 from vector<16xf32>
    %add3A_3693 = arith.addf %add3A_3673, %reduce_sum3A_3692 : f32
    %ge3A_3694 = arith.constant 1.000000e-01 : f32
    %ge3A_3695 = vector.broadcast %ge3A_3694 : f32 to vector<16xf32>
    %ge3A_3696 = arith.cmpf oge, %add3A_3688, %ge3A_3695 : vector<16xf32>
    %jit3A_3697 = arith.constant 0.000000e+00 : f32
    %jit3A_3698 = arith.constant -1.000000e+30 : f32
    %broadcast_in_dim3A_3699 = vector.broadcast %jit3A_3697 : f32 to vector<16xf32>
    %broadcast_in_dim3A_3700 = vector.broadcast %jit3A_3698 : f32 to vector<16xf32>
    %select_n3A_3701 = arith.select %ge3A_3696, %broadcast_in_dim3A_3699, %broadcast_in_dim3A_3700 : vector<16xi1>, vector<16xf32>
    %broadcast_in_dim3A_3702 = arith.constant 15 : i32
    %broadcast_in_dim3A_3703 = vector.broadcast %broadcast_in_dim3A_3702 : i32 to vector<16xi32>
    tpu.vector_store_idx %arg5[%broadcast_in_dim3A_3703, %masked_sort3A_3621], %select_n3A_3701 : memref<16x64xf32, #tpu.memory_space<vmem>>[vector<16xi32>, vector<16xi32>], vector<16xf32>,
    "tpu.region"() ({
      %run_scoped3A = tpu.sem_alloc : memref<!tpu.dma_semaphore, #tpu.memory_space<semaphore_mem>>
      %dma_start3A = arith.constant 0 : i32
      %dma_start3A_3704 = tpu.memref_slice %arg3[%mul3A_2, %dma_start3A] : memref<512x64xf32, #tpu.memory_space<hbm>> -> memref<16x64xf32, #tpu.memory_space<hbm>>
      %dma_start3A_3705 = arith.constant 0 : i32
      %dma_start3A_3706 = tpu.memref_slice %arg3[%mul3A_2, %dma_start3A_3705] : memref<512x64xf32, #tpu.memory_space<hbm>> -> memref<16x64xf32, #tpu.memory_space<hbm>>
      tpu.enqueue_dma source(%arg5 : memref<16x64xf32, #tpu.memory_space<vmem>>) target(%dma_start3A_3706 : memref<16x64xf32, #tpu.memory_space<hbm>>) target_semaphore(%run_scoped3A : memref<!tpu.dma_semaphore, #tpu.memory_space<semaphore_mem>>)
      %dma_wait3A = arith.constant 0 : i32
      %dma_wait3A_3707 = tpu.memref_slice %arg3[%mul3A_2, %dma_wait3A] : memref<512x64xf32, #tpu.memory_space<hbm>> -> memref<16x64xf32, #tpu.memory_space<hbm>>
      %dma_wait3A_3708 = arith.constant 0 : i32
      %dma_wait3A_3709 = tpu.memref_slice %arg3[%mul3A_2, %dma_wait3A_3708] : memref<512x64xf32, #tpu.memory_space<hbm>> -> memref<16x64xf32, #tpu.memory_space<hbm>>
      tpu.wait_dma2 semaphore(%run_scoped3A : memref<!tpu.dma_semaphore, #tpu.memory_space<semaphore_mem>>) src(%arg5 : memref<16x64xf32, #tpu.memory_space<vmem>>) dst(%dma_wait3A_3709 : memref<16x64xf32, #tpu.memory_space<hbm>>)
      tpu.yield
    }) : () -> ()
    return
  }
}

module attributes {stable_mosaic.version = 14 : i64} {
  func.func @_qkv_body(%arg0: i32, %arg1: memref<512x768xf32, #tpu.memory_space<vmem>>, %arg2: memref<768x768xbf16, #tpu.memory_space<vmem>>, %arg3: memref<1x768xf32, #tpu.memory_space<vmem>>, %arg4: memref<768x768xbf16, #tpu.memory_space<vmem>>, %arg5: memref<1x768xf32, #tpu.memory_space<vmem>>, %arg6: memref<768x768xbf16, #tpu.memory_space<vmem>>, %arg7: memref<1x768xf32, #tpu.memory_space<vmem>>, %arg8: memref<1x128xf32, #tpu.memory_space<vmem>>, %arg9: memref<1x128xf32, #tpu.memory_space<vmem>>, %arg10: memref<512x64xf32, #tpu.memory_space<vmem>>, %arg11: memref<512x64xf32, #tpu.memory_space<vmem>>, %arg12: memref<512x64xf32, #tpu.memory_space<vmem>>, %arg13: memref<512x64xf32, #tpu.memory_space<vmem>>, %arg14: memref<512x768xbf16, #tpu.memory_space<vmem>>, %arg15: memref<512x768xbf16, #tpu.memory_space<vmem>>, %arg16: memref<512x768xbf16, #tpu.memory_space<vmem>>, %arg17: memref<8x768xf32, #tpu.memory_space<vmem>>, %arg18: memref<8x768xf32, #tpu.memory_space<vmem>>) attributes {dimension_semantics = [#tpu.dimension_semantics<arbitrary>], iteration_bounds = array<i64: 8>, scalar_prefetch = 0 : i64, scratch_operands = 0 : i64, tpu.core_type = #tpu.core_type<tc>, window_params = [{transform_indices = @transform_0, window_bounds = array<i64: 512, 768>}, {pipeline_mode = #tpu.pipeline_mode<synchronous>, transform_indices = @transform_1, window_bounds = array<i64: 768, 768>}, {pipeline_mode = #tpu.pipeline_mode<synchronous>, transform_indices = @transform_2, window_bounds = array<i64: 1, 768>}, {pipeline_mode = #tpu.pipeline_mode<synchronous>, transform_indices = @transform_3, window_bounds = array<i64: 768, 768>}, {pipeline_mode = #tpu.pipeline_mode<synchronous>, transform_indices = @transform_4, window_bounds = array<i64: 1, 768>}, {pipeline_mode = #tpu.pipeline_mode<synchronous>, transform_indices = @transform_5, window_bounds = array<i64: 768, 768>}, {pipeline_mode = #tpu.pipeline_mode<synchronous>, transform_indices = @transform_6, window_bounds = array<i64: 1, 768>}, {pipeline_mode = #tpu.pipeline_mode<synchronous>, transform_indices = @transform_7, window_bounds = array<i64: 1, 128>}, {pipeline_mode = #tpu.pipeline_mode<synchronous>, transform_indices = @transform_8, window_bounds = array<i64: 1, 128>}, {transform_indices = @transform_9, window_bounds = array<i64: 512, 64>}, {transform_indices = @transform_10, window_bounds = array<i64: 512, 64>}, {transform_indices = @transform_11, window_bounds = array<i64: 512, 64>}, {transform_indices = @transform_12, window_bounds = array<i64: 512, 64>}, {transform_indices = @transform_13, window_bounds = array<i64: 512, 768>}, {transform_indices = @transform_14, window_bounds = array<i64: 512, 768>}, {transform_indices = @transform_15, window_bounds = array<i64: 512, 768>}, {transform_indices = @transform_16, window_bounds = array<i64: 8, 768>}, {transform_indices = @transform_17, window_bounds = array<i64: 8, 768>}]} {
    %get3A = arith.constant 0 : index
    %get3A_0 = arith.constant 0 : index
    %get3A_1 = vector.load %arg1[%get3A, %get3A_0] : memref<512x768xf32, #tpu.memory_space<vmem>>, vector<512x768xf32>
    %convert_element_type3A = arith.truncf %get3A_1 : vector<512x768xf32> to vector<512x768xbf16>
    %get3A_2 = arith.constant 0 : index
    %get3A_3 = arith.constant 0 : index
    %get3A_4 = vector.load %arg2[%get3A_2, %get3A_3] : memref<768x768xbf16, #tpu.memory_space<vmem>>, vector<768x768xbf16>
    %dot_general3A = arith.constant dense<0.000000e+00> : vector<512x768xf32>
    %dot_general3A_5 = tpu.matmul %convert_element_type3A, %get3A_4, %dot_general3A {dimension_numbers = #tpu.dot_dimension_numbers<[1], [0], [0], [1], [0, 0, 1, 1], [], []>, transpose_lhs_hint = false} : vector<512x768xbf16>, vector<768x768xbf16>, vector<512x768xf32> -> vector<512x768xf32>
    %get3A_6 = arith.constant 0 : index
    %get3A_7 = arith.constant 0 : index
    %get3A_8 = vector.load %arg3[%get3A_6, %get3A_7] : memref<1x768xf32, #tpu.memory_space<vmem>>, vector<1x768xf32>
    %add3A = vector.broadcast %get3A_8 : vector<1x768xf32> to vector<512x768xf32>
    %add3A_9 = arith.addf %dot_general3A_5, %add3A : vector<512x768xf32>
    %get3A_10 = arith.constant 0 : index
    %get3A_11 = arith.constant 0 : index
    %get3A_12 = vector.load %arg4[%get3A_10, %get3A_11] : memref<768x768xbf16, #tpu.memory_space<vmem>>, vector<768x768xbf16>
    %dot_general3A_13 = arith.constant dense<0.000000e+00> : vector<512x768xf32>
    %dot_general3A_14 = tpu.matmul %convert_element_type3A, %get3A_12, %dot_general3A_13 {dimension_numbers = #tpu.dot_dimension_numbers<[1], [0], [0], [1], [0, 0, 1, 1], [], []>, transpose_lhs_hint = false} : vector<512x768xbf16>, vector<768x768xbf16>, vector<512x768xf32> -> vector<512x768xf32>
    %get3A_15 = arith.constant 0 : index
    %get3A_16 = arith.constant 0 : index
    %get3A_17 = vector.load %arg5[%get3A_15, %get3A_16] : memref<1x768xf32, #tpu.memory_space<vmem>>, vector<1x768xf32>
    %add3A_18 = vector.broadcast %get3A_17 : vector<1x768xf32> to vector<512x768xf32>
    %add3A_19 = arith.addf %dot_general3A_14, %add3A_18 : vector<512x768xf32>
    %get3A_20 = arith.constant 0 : index
    %get3A_21 = arith.constant 0 : index
    %get3A_22 = vector.load %arg6[%get3A_20, %get3A_21] : memref<768x768xbf16, #tpu.memory_space<vmem>>, vector<768x768xbf16>
    %dot_general3A_23 = arith.constant dense<0.000000e+00> : vector<512x768xf32>
    %dot_general3A_24 = tpu.matmul %convert_element_type3A, %get3A_22, %dot_general3A_23 {dimension_numbers = #tpu.dot_dimension_numbers<[1], [0], [0], [1], [0, 0, 1, 1], [], []>, transpose_lhs_hint = false} : vector<512x768xbf16>, vector<768x768xbf16>, vector<512x768xf32> -> vector<512x768xf32>
    %get3A_25 = arith.constant 0 : index
    %get3A_26 = arith.constant 0 : index
    %get3A_27 = vector.load %arg7[%get3A_25, %get3A_26] : memref<1x768xf32, #tpu.memory_space<vmem>>, vector<1x768xf32>
    %add3A_28 = vector.broadcast %get3A_27 : vector<1x768xf32> to vector<512x768xf32>
    %add3A_29 = arith.addf %dot_general3A_24, %add3A_28 : vector<512x768xf32>
    %reshape3A = vector.shape_cast %add3A_9 : vector<512x768xf32> to vector<512x6x128xf32>
    %mul3A = arith.mulf %reshape3A, %reshape3A : vector<512x6x128xf32>
    %reduce_sum3A = arith.constant dense<0.000000e+00> : vector<512x6xf32>
    %reduce_sum3A_30 = vector.multi_reduction <add>, %mul3A, %reduce_sum3A [2] : vector<512x6x128xf32> to vector<512x6xf32>
    %broadcast_in_dim3A = vector.shape_cast %reduce_sum3A_30 : vector<512x6xf32> to vector<512x6x1xf32>
    %div3A = arith.constant 1.280000e+02 : f32
    %div3A_31 = vector.broadcast %div3A : f32 to vector<512x6x1xf32>
    %div3A_32 = arith.divf %broadcast_in_dim3A, %div3A_31 : vector<512x6x1xf32>
    %add3A_33 = arith.constant 1.1920929E-7 : f32
    %add3A_34 = vector.broadcast %add3A_33 : f32 to vector<512x6x1xf32>
    %add3A_35 = arith.addf %div3A_32, %add3A_34 : vector<512x6x1xf32>
    %rsqrt3A = math.rsqrt %add3A_35 : vector<512x6x1xf32>
    %mul3A_36 = vector.broadcast %rsqrt3A : vector<512x6x1xf32> to vector<512x6x128xf32>
    %mul3A_37 = arith.mulf %reshape3A, %mul3A_36 : vector<512x6x128xf32>
    %get3A_38 = arith.constant 0 : index
    %get3A_39 = arith.constant 0 : index
    %get3A_40 = vector.load %arg8[%get3A_38, %get3A_39] : memref<1x128xf32, #tpu.memory_space<vmem>>, vector<1x128xf32>
    %reshape3A_41 = vector.shape_cast %get3A_40 : vector<1x128xf32> to vector<1x1x128xf32>
    %mul3A_42 = vector.broadcast %reshape3A_41 : vector<1x1x128xf32> to vector<512x6x128xf32>
    %mul3A_43 = arith.mulf %mul3A_37, %mul3A_42 : vector<512x6x128xf32>
    %slice3A = vector.extract_strided_slice %mul3A_43 {offsets = [0, 0, 0], sizes = [512, 6, 64], strides = [1, 1, 1]} : vector<512x6x128xf32> to vector<512x6x64xf32>
    %slice3A_44 = vector.extract_strided_slice %mul3A_43 {offsets = [0, 0, 64], sizes = [512, 6, 64], strides = [1, 1, 1]} : vector<512x6x128xf32> to vector<512x6x64xf32>
    %get3A_45 = arith.constant 0 : index
    %get3A_46 = arith.constant 0 : index
    %get3A_47 = vector.load %arg10[%get3A_45, %get3A_46] : memref<512x64xf32, #tpu.memory_space<vmem>>, vector<512x64xf32>
    %broadcast_in_dim3A_48 = vector.shape_cast %get3A_47 : vector<512x64xf32> to vector<512x1x64xf32>
    %get3A_49 = arith.constant 0 : index
    %get3A_50 = arith.constant 0 : index
    %get3A_51 = vector.load %arg11[%get3A_49, %get3A_50] : memref<512x64xf32, #tpu.memory_space<vmem>>, vector<512x64xf32>
    %broadcast_in_dim3A_52 = vector.shape_cast %get3A_51 : vector<512x64xf32> to vector<512x1x64xf32>
    %get3A_53 = arith.constant 0 : index
    %get3A_54 = arith.constant 0 : index
    %get3A_55 = vector.load %arg12[%get3A_53, %get3A_54] : memref<512x64xf32, #tpu.memory_space<vmem>>, vector<512x64xf32>
    %broadcast_in_dim3A_56 = vector.shape_cast %get3A_55 : vector<512x64xf32> to vector<512x1x64xf32>
    %get3A_57 = arith.constant 0 : index
    %get3A_58 = arith.constant 0 : index
    %get3A_59 = vector.load %arg13[%get3A_57, %get3A_58] : memref<512x64xf32, #tpu.memory_space<vmem>>, vector<512x64xf32>
    %broadcast_in_dim3A_60 = vector.shape_cast %get3A_59 : vector<512x64xf32> to vector<512x1x64xf32>
    %mul3A_61 = vector.broadcast %broadcast_in_dim3A_48 : vector<512x1x64xf32> to vector<512x6x64xf32>
    %mul3A_62 = arith.mulf %mul3A_61, %slice3A : vector<512x6x64xf32>
    %mul3A_63 = vector.broadcast %broadcast_in_dim3A_52 : vector<512x1x64xf32> to vector<512x6x64xf32>
    %mul3A_64 = arith.mulf %mul3A_63, %slice3A_44 : vector<512x6x64xf32>
    %add3A_65 = arith.addf %mul3A_62, %mul3A_64 : vector<512x6x64xf32>
    %mul3A_66 = vector.broadcast %broadcast_in_dim3A_56 : vector<512x1x64xf32> to vector<512x6x64xf32>
    %mul3A_67 = arith.mulf %mul3A_66, %slice3A : vector<512x6x64xf32>
    %mul3A_68 = vector.broadcast %broadcast_in_dim3A_60 : vector<512x1x64xf32> to vector<512x6x64xf32>
    %mul3A_69 = arith.mulf %mul3A_68, %slice3A_44 : vector<512x6x64xf32>
    %add3A_70 = arith.addf %mul3A_67, %mul3A_69 : vector<512x6x64xf32>
    %concatenate3A = tpu.concatenate %add3A_65, %add3A_70 in 2 : vector<512x6x64xf32>, vector<512x6x64xf32> -> vector<512x6x128xf32>
    %reshape3A_71 = vector.shape_cast %concatenate3A : vector<512x6x128xf32> to vector<512x768xf32>
    %reshape3A_72 = vector.shape_cast %add3A_19 : vector<512x768xf32> to vector<512x6x128xf32>
    %mul3A_73 = arith.mulf %reshape3A_72, %reshape3A_72 : vector<512x6x128xf32>
    %reduce_sum3A_74 = arith.constant dense<0.000000e+00> : vector<512x6xf32>
    %reduce_sum3A_75 = vector.multi_reduction <add>, %mul3A_73, %reduce_sum3A_74 [2] : vector<512x6x128xf32> to vector<512x6xf32>
    %broadcast_in_dim3A_76 = vector.shape_cast %reduce_sum3A_75 : vector<512x6xf32> to vector<512x6x1xf32>
    %div3A_77 = arith.constant 1.280000e+02 : f32
    %div3A_78 = vector.broadcast %div3A_77 : f32 to vector<512x6x1xf32>
    %div3A_79 = arith.divf %broadcast_in_dim3A_76, %div3A_78 : vector<512x6x1xf32>
    %add3A_80 = arith.constant 1.1920929E-7 : f32
    %add3A_81 = vector.broadcast %add3A_80 : f32 to vector<512x6x1xf32>
    %add3A_82 = arith.addf %div3A_79, %add3A_81 : vector<512x6x1xf32>
    %rsqrt3A_83 = math.rsqrt %add3A_82 : vector<512x6x1xf32>
    %mul3A_84 = vector.broadcast %rsqrt3A_83 : vector<512x6x1xf32> to vector<512x6x128xf32>
    %mul3A_85 = arith.mulf %reshape3A_72, %mul3A_84 : vector<512x6x128xf32>
    %get3A_86 = arith.constant 0 : index
    %get3A_87 = arith.constant 0 : index
    %get3A_88 = vector.load %arg9[%get3A_86, %get3A_87] : memref<1x128xf32, #tpu.memory_space<vmem>>, vector<1x128xf32>
    %reshape3A_89 = vector.shape_cast %get3A_88 : vector<1x128xf32> to vector<1x1x128xf32>
    %mul3A_90 = vector.broadcast %reshape3A_89 : vector<1x1x128xf32> to vector<512x6x128xf32>
    %mul3A_91 = arith.mulf %mul3A_85, %mul3A_90 : vector<512x6x128xf32>
    %slice3A_92 = vector.extract_strided_slice %mul3A_91 {offsets = [0, 0, 0], sizes = [512, 6, 64], strides = [1, 1, 1]} : vector<512x6x128xf32> to vector<512x6x64xf32>
    %slice3A_93 = vector.extract_strided_slice %mul3A_91 {offsets = [0, 0, 64], sizes = [512, 6, 64], strides = [1, 1, 1]} : vector<512x6x128xf32> to vector<512x6x64xf32>
    %get3A_94 = arith.constant 0 : index
    %get3A_95 = arith.constant 0 : index
    %get3A_96 = vector.load %arg10[%get3A_94, %get3A_95] : memref<512x64xf32, #tpu.memory_space<vmem>>, vector<512x64xf32>
    %broadcast_in_dim3A_97 = vector.shape_cast %get3A_96 : vector<512x64xf32> to vector<512x1x64xf32>
    %get3A_98 = arith.constant 0 : index
    %get3A_99 = arith.constant 0 : index
    %get3A_100 = vector.load %arg11[%get3A_98, %get3A_99] : memref<512x64xf32, #tpu.memory_space<vmem>>, vector<512x64xf32>
    %broadcast_in_dim3A_101 = vector.shape_cast %get3A_100 : vector<512x64xf32> to vector<512x1x64xf32>
    %get3A_102 = arith.constant 0 : index
    %get3A_103 = arith.constant 0 : index
    %get3A_104 = vector.load %arg12[%get3A_102, %get3A_103] : memref<512x64xf32, #tpu.memory_space<vmem>>, vector<512x64xf32>
    %broadcast_in_dim3A_105 = vector.shape_cast %get3A_104 : vector<512x64xf32> to vector<512x1x64xf32>
    %get3A_106 = arith.constant 0 : index
    %get3A_107 = arith.constant 0 : index
    %get3A_108 = vector.load %arg13[%get3A_106, %get3A_107] : memref<512x64xf32, #tpu.memory_space<vmem>>, vector<512x64xf32>
    %broadcast_in_dim3A_109 = vector.shape_cast %get3A_108 : vector<512x64xf32> to vector<512x1x64xf32>
    %mul3A_110 = vector.broadcast %broadcast_in_dim3A_97 : vector<512x1x64xf32> to vector<512x6x64xf32>
    %mul3A_111 = arith.mulf %mul3A_110, %slice3A_92 : vector<512x6x64xf32>
    %mul3A_112 = vector.broadcast %broadcast_in_dim3A_101 : vector<512x1x64xf32> to vector<512x6x64xf32>
    %mul3A_113 = arith.mulf %mul3A_112, %slice3A_93 : vector<512x6x64xf32>
    %add3A_114 = arith.addf %mul3A_111, %mul3A_113 : vector<512x6x64xf32>
    %mul3A_115 = vector.broadcast %broadcast_in_dim3A_105 : vector<512x1x64xf32> to vector<512x6x64xf32>
    %mul3A_116 = arith.mulf %mul3A_115, %slice3A_92 : vector<512x6x64xf32>
    %mul3A_117 = vector.broadcast %broadcast_in_dim3A_109 : vector<512x1x64xf32> to vector<512x6x64xf32>
    %mul3A_118 = arith.mulf %mul3A_117, %slice3A_93 : vector<512x6x64xf32>
    %add3A_119 = arith.addf %mul3A_116, %mul3A_118 : vector<512x6x64xf32>
    %concatenate3A_120 = tpu.concatenate %add3A_114, %add3A_119 in 2 : vector<512x6x64xf32>, vector<512x6x64xf32> -> vector<512x6x128xf32>
    %reshape3A_121 = vector.shape_cast %concatenate3A_120 : vector<512x6x128xf32> to vector<512x768xf32>
    %convert_element_type3A_122 = arith.truncf %reshape3A_71 : vector<512x768xf32> to vector<512x768xbf16>
    %swap3A = arith.constant 0 : index
    %swap3A_123 = arith.constant 0 : index
    %swap3A_124 = vector.load %arg14[%swap3A, %swap3A_123] : memref<512x768xbf16, #tpu.memory_space<vmem>>, vector<512x768xbf16>
    tpu.vector_store %arg14[%swap3A, %swap3A_123], %convert_element_type3A_122 {strides = array<i32>} : memref<512x768xbf16, #tpu.memory_space<vmem>>, vector<512x768xbf16>,
    %convert_element_type3A_125 = arith.truncf %reshape3A_121 : vector<512x768xf32> to vector<512x768xbf16>
    %swap3A_126 = arith.constant 0 : index
    %swap3A_127 = arith.constant 0 : index
    %swap3A_128 = vector.load %arg15[%swap3A_126, %swap3A_127] : memref<512x768xbf16, #tpu.memory_space<vmem>>, vector<512x768xbf16>
    tpu.vector_store %arg15[%swap3A_126, %swap3A_127], %convert_element_type3A_125 {strides = array<i32>} : memref<512x768xbf16, #tpu.memory_space<vmem>>, vector<512x768xbf16>,
    %convert_element_type3A_129 = arith.truncf %add3A_29 : vector<512x768xf32> to vector<512x768xbf16>
    %swap3A_130 = arith.constant 0 : index
    %swap3A_131 = arith.constant 0 : index
    %swap3A_132 = vector.load %arg16[%swap3A_130, %swap3A_131] : memref<512x768xbf16, #tpu.memory_space<vmem>>, vector<512x768xbf16>
    tpu.vector_store %arg16[%swap3A_130, %swap3A_131], %convert_element_type3A_129 {strides = array<i32>} : memref<512x768xbf16, #tpu.memory_space<vmem>>, vector<512x768xbf16>,
    %reshape3A_133 = vector.shape_cast %reshape3A_71 : vector<512x768xf32> to vector<8x64x768xf32>
    %reduce_sum3A_134 = arith.constant dense<0.000000e+00> : vector<8x768xf32>
    %reduce_sum3A_135 = vector.multi_reduction <add>, %reshape3A_133, %reduce_sum3A_134 [1] : vector<8x64x768xf32> to vector<8x768xf32>
    %div3A_136 = arith.constant 6.400000e+01 : f32
    %div3A_137 = vector.broadcast %div3A_136 : f32 to vector<8x768xf32>
    %div3A_138 = arith.divf %reduce_sum3A_135, %div3A_137 : vector<8x768xf32>
    %swap3A_139 = arith.constant 0 : index
    %swap3A_140 = arith.constant 0 : index
    %swap3A_141 = vector.load %arg17[%swap3A_139, %swap3A_140] : memref<8x768xf32, #tpu.memory_space<vmem>>, vector<8x768xf32>
    tpu.vector_store %arg17[%swap3A_139, %swap3A_140], %div3A_138 {strides = array<i32>} : memref<8x768xf32, #tpu.memory_space<vmem>>, vector<8x768xf32>,
    %reshape3A_142 = vector.shape_cast %reshape3A_121 : vector<512x768xf32> to vector<8x64x768xf32>
    %reduce_sum3A_143 = arith.constant dense<0.000000e+00> : vector<8x768xf32>
    %reduce_sum3A_144 = vector.multi_reduction <add>, %reshape3A_142, %reduce_sum3A_143 [1] : vector<8x64x768xf32> to vector<8x768xf32>
    %div3A_145 = arith.constant 6.400000e+01 : f32
    %div3A_146 = vector.broadcast %div3A_145 : f32 to vector<8x768xf32>
    %div3A_147 = arith.divf %reduce_sum3A_144, %div3A_146 : vector<8x768xf32>
    %swap3A_148 = arith.constant 0 : index
    %swap3A_149 = arith.constant 0 : index
    %swap3A_150 = vector.load %arg18[%swap3A_148, %swap3A_149] : memref<8x768xf32, #tpu.memory_space<vmem>>, vector<8x768xf32>
    tpu.vector_store %arg18[%swap3A_148, %swap3A_149], %div3A_147 {strides = array<i32>} : memref<8x768xf32, #tpu.memory_space<vmem>>, vector<8x768xf32>,
    return
  }
  func.func @transform_0(%arg0: i32) -> (i32, i32) {
    %c0_i32 = arith.constant 0 : i32
    %c0_i32_0 = arith.constant 0 : i32
    return %arg0, %c0_i32 : i32, i32
  }
  func.func @transform_1(%arg0: i32) -> (i32, i32) {
    %c0_i32 = arith.constant 0 : i32
    %c0_i32_0 = arith.constant 0 : i32
    %c0_i32_1 = arith.constant 0 : i32
    return %c0_i32, %c0_i32_0 : i32, i32
  }
  func.func @transform_2(%arg0: i32) -> (i32, i32) {
    %c0_i32 = arith.constant 0 : i32
    %c0_i32_0 = arith.constant 0 : i32
    %c0_i32_1 = arith.constant 0 : i32
    return %c0_i32, %c0_i32_0 : i32, i32
  }
  func.func @transform_3(%arg0: i32) -> (i32, i32) {
    %c0_i32 = arith.constant 0 : i32
    %c0_i32_0 = arith.constant 0 : i32
    %c0_i32_1 = arith.constant 0 : i32
    return %c0_i32, %c0_i32_0 : i32, i32
  }
  func.func @transform_4(%arg0: i32) -> (i32, i32) {
    %c0_i32 = arith.constant 0 : i32
    %c0_i32_0 = arith.constant 0 : i32
    %c0_i32_1 = arith.constant 0 : i32
    return %c0_i32, %c0_i32_0 : i32, i32
  }
  func.func @transform_5(%arg0: i32) -> (i32, i32) {
    %c0_i32 = arith.constant 0 : i32
    %c0_i32_0 = arith.constant 0 : i32
    %c0_i32_1 = arith.constant 0 : i32
    return %c0_i32, %c0_i32_0 : i32, i32
  }
  func.func @transform_6(%arg0: i32) -> (i32, i32) {
    %c0_i32 = arith.constant 0 : i32
    %c0_i32_0 = arith.constant 0 : i32
    %c0_i32_1 = arith.constant 0 : i32
    return %c0_i32, %c0_i32_0 : i32, i32
  }
  func.func @transform_7(%arg0: i32) -> (i32, i32) {
    %c0_i32 = arith.constant 0 : i32
    %c0_i32_0 = arith.constant 0 : i32
    %c0_i32_1 = arith.constant 0 : i32
    return %c0_i32, %c0_i32_0 : i32, i32
  }
  func.func @transform_8(%arg0: i32) -> (i32, i32) {
    %c0_i32 = arith.constant 0 : i32
    %c0_i32_0 = arith.constant 0 : i32
    %c0_i32_1 = arith.constant 0 : i32
    return %c0_i32, %c0_i32_0 : i32, i32
  }
  func.func @transform_9(%arg0: i32) -> (i32, i32) {
    %c0_i32 = arith.constant 0 : i32
    %c0_i32_0 = arith.constant 0 : i32
    return %arg0, %c0_i32 : i32, i32
  }
  func.func @transform_10(%arg0: i32) -> (i32, i32) {
    %c0_i32 = arith.constant 0 : i32
    %c0_i32_0 = arith.constant 0 : i32
    return %arg0, %c0_i32 : i32, i32
  }
  func.func @transform_11(%arg0: i32) -> (i32, i32) {
    %c0_i32 = arith.constant 0 : i32
    %c0_i32_0 = arith.constant 0 : i32
    return %arg0, %c0_i32 : i32, i32
  }
  func.func @transform_12(%arg0: i32) -> (i32, i32) {
    %c0_i32 = arith.constant 0 : i32
    %c0_i32_0 = arith.constant 0 : i32
    return %arg0, %c0_i32 : i32, i32
  }
  func.func @transform_13(%arg0: i32) -> (i32, i32) {
    %c0_i32 = arith.constant 0 : i32
    %c0_i32_0 = arith.constant 0 : i32
    return %arg0, %c0_i32 : i32, i32
  }
  func.func @transform_14(%arg0: i32) -> (i32, i32) {
    %c0_i32 = arith.constant 0 : i32
    %c0_i32_0 = arith.constant 0 : i32
    return %arg0, %c0_i32 : i32, i32
  }
  func.func @transform_15(%arg0: i32) -> (i32, i32) {
    %c0_i32 = arith.constant 0 : i32
    %c0_i32_0 = arith.constant 0 : i32
    return %arg0, %c0_i32 : i32, i32
  }
  func.func @transform_16(%arg0: i32) -> (i32, i32) {
    %c0_i32 = arith.constant 0 : i32
    %c0_i32_0 = arith.constant 0 : i32
    return %arg0, %c0_i32 : i32, i32
  }
  func.func @transform_17(%arg0: i32) -> (i32, i32) {
    %c0_i32 = arith.constant 0 : i32
    %c0_i32_0 = arith.constant 0 : i32
    return %arg0, %c0_i32 : i32, i32
  }
}

module attributes {stable_mosaic.version = 14 : i64} {
  func.func @_amap_body(%arg0: i32, %arg1: memref<64x128xf32, #tpu.memory_space<vmem>>, %arg2: memref<64x128xf32, #tpu.memory_space<vmem>>, %arg3: memref<1x64x64xf32, #tpu.memory_space<vmem>>) attributes {dimension_semantics = [#tpu.dimension_semantics<arbitrary>], iteration_bounds = array<i64: 6>, scalar_prefetch = 0 : i64, scratch_operands = 0 : i64, tpu.core_type = #tpu.core_type<tc>, window_params = [{transform_indices = @transform_0, window_bounds = array<i64: 64, 128>}, {transform_indices = @transform_1, window_bounds = array<i64: 64, 128>}, {transform_indices = @transform_2, window_bounds = array<i64: 1, 64, 64>}]} {
    %get3A = arith.constant 0 : index
    %get3A_0 = arith.constant 0 : index
    %get3A_1 = vector.load %arg1[%get3A, %get3A_0] : memref<64x128xf32, #tpu.memory_space<vmem>>, vector<64x128xf32>
    %get3A_2 = arith.constant 0 : index
    %get3A_3 = arith.constant 0 : index
    %get3A_4 = vector.load %arg2[%get3A_2, %get3A_3] : memref<64x128xf32, #tpu.memory_space<vmem>>, vector<64x128xf32>
    %dot_general3A = arith.constant dense<0.000000e+00> : vector<64x64xf32>
    %dot_general3A_5 = tpu.matmul %get3A_1, %get3A_4, %dot_general3A {dimension_numbers = #tpu.dot_dimension_numbers<[1], [1], [0], [0], [0, 0, 1, 0], [], []>, transpose_lhs_hint = false} : vector<64x128xf32>, vector<64x128xf32>, vector<64x64xf32> -> vector<64x64xf32>
    %mul3A = arith.constant 0.0883883461 : f32
    %mul3A_6 = vector.broadcast %mul3A : f32 to vector<64x64xf32>
    %mul3A_7 = arith.mulf %dot_general3A_5, %mul3A_6 : vector<64x64xf32>
    %reduce_max3A = arith.constant dense<0xFF800000> : vector<64xf32>
    %reduce_max3A_8 = vector.multi_reduction <maximumf>, %mul3A_7, %reduce_max3A [1] : vector<64x64xf32> to vector<64xf32>
    %max3A = arith.constant 0xFF800000 : f32
    %max3A_9 = vector.broadcast %max3A : f32 to vector<64xf32>
    %max3A_10 = arith.maximumf %max3A_9, %reduce_max3A_8 : vector<64xf32>
    %broadcast_in_dim3A = vector.shape_cast %max3A_10 : vector<64xf32> to vector<64x1xf32>
    %sub3A = vector.broadcast %broadcast_in_dim3A : vector<64x1xf32> to vector<64x64xf32>
    %sub3A_11 = arith.subf %mul3A_7, %sub3A : vector<64x64xf32>
    %exp3A = math.exp %sub3A_11 : vector<64x64xf32>
    %reduce_sum3A = arith.constant dense<0.000000e+00> : vector<64xf32>
    %reduce_sum3A_12 = vector.multi_reduction <add>, %exp3A, %reduce_sum3A [1] : vector<64x64xf32> to vector<64xf32>
    %broadcast_in_dim3A_13 = vector.shape_cast %reduce_sum3A_12 : vector<64xf32> to vector<64x1xf32>
    %div3A = vector.broadcast %broadcast_in_dim3A_13 : vector<64x1xf32> to vector<64x64xf32>
    %div3A_14 = arith.divf %exp3A, %div3A : vector<64x64xf32>
    %swap3A = arith.constant 0 : index
    %swap3A_15 = arith.constant 0 : index
    %swap3A_16 = arith.constant 0 : index
    %swap3A_17 = vector.load %arg3[%swap3A, %swap3A_15, %swap3A_16] : memref<1x64x64xf32, #tpu.memory_space<vmem>>, vector<1x64x64xf32>
    %swap3A_18 = vector.shape_cast %swap3A_17 : vector<1x64x64xf32> to vector<64x64xf32>
    %swap3A_19 = vector.shape_cast %div3A_14 : vector<64x64xf32> to vector<1x64x64xf32>
    tpu.vector_store %arg3[%swap3A, %swap3A_15, %swap3A_16], %swap3A_19 {strides = array<i32>} : memref<1x64x64xf32, #tpu.memory_space<vmem>>, vector<1x64x64xf32>,
    return
  }
  func.func @transform_0(%arg0: i32) -> (i32, i32) {
    %c0_i32 = arith.constant 0 : i32
    %c0_i32_0 = arith.constant 0 : i32
    return %c0_i32, %arg0 : i32, i32
  }
  func.func @transform_1(%arg0: i32) -> (i32, i32) {
    %c0_i32 = arith.constant 0 : i32
    %c0_i32_0 = arith.constant 0 : i32
    return %c0_i32, %arg0 : i32, i32
  }
  func.func @transform_2(%arg0: i32) -> (i32, i32, i32) {
    %c0_i32 = arith.constant 0 : i32
    %c0_i32_0 = arith.constant 0 : i32
    %c0_i32_1 = arith.constant 0 : i32
    return %arg0, %c0_i32, %c0_i32_0 : i32, i32, i32
  }
}

module attributes {stable_mosaic.version = 14 : i64} {
  func.func @_expand_body(%arg0: i32, %arg1: memref<1x64x64xf32, #tpu.memory_space<vmem>>, %arg2: memref<1x64x64xf32, #tpu.memory_space<vmem>>, %arg3: memref<1x4096x64xbf16, #tpu.memory_space<vmem>>) attributes {dimension_semantics = [#tpu.dimension_semantics<arbitrary>], iteration_bounds = array<i64: 6>, scalar_prefetch = 0 : i64, scratch_operands = 0 : i64, tpu.core_type = #tpu.core_type<tc>, window_params = [{transform_indices = @transform_0, window_bounds = array<i64: 1, 64, 64>}, {transform_indices = @transform_1, window_bounds = array<i64: 1, 64, 64>}, {transform_indices = @transform_2, window_bounds = array<i64: 1, 4096, 64>}]} {
    %get3A = arith.constant 0 : index
    %get3A_0 = arith.constant 0 : index
    %get3A_1 = arith.constant 0 : index
    %get3A_2 = vector.load %arg2[%get3A, %get3A_0, %get3A_1] : memref<1x64x64xf32, #tpu.memory_space<vmem>>, vector<1x64x64xf32>
    %get3A_3 = vector.shape_cast %get3A_2 : vector<1x64x64xf32> to vector<64x64xf32>
    %gt3A = arith.constant 0.000000e+00 : f32
    %gt3A_4 = vector.broadcast %gt3A : f32 to vector<64x64xf32>
    %gt3A_5 = arith.cmpf ogt, %get3A_3, %gt3A_4 : vector<64x64xf32>
    %get3A_6 = arith.constant 0 : index
    %get3A_7 = arith.constant 0 : index
    %get3A_8 = arith.constant 0 : index
    %get3A_9 = vector.load %arg1[%get3A_6, %get3A_7, %get3A_8] : memref<1x64x64xf32, #tpu.memory_space<vmem>>, vector<1x64x64xf32>
    %get3A_10 = vector.shape_cast %get3A_9 : vector<1x64x64xf32> to vector<64x64xf32>
    %jit3A = arith.constant 0.000000e+00 : f32
    %broadcast_in_dim3A = vector.broadcast %jit3A : f32 to vector<64x64xf32>
    %select_n3A = arith.select %gt3A_5, %broadcast_in_dim3A, %get3A_10 : vector<64x64xi1>, vector<64x64xf32>
    %convert_element_type3A = arith.truncf %select_n3A : vector<64x64xf32> to vector<64x64xbf16>
    %transpose3A = tpu.transpose %convert_element_type3A, [1, 0] : vector<64x64xbf16> -> vector<64x64xbf16>
    %broadcast_in_dim3A_11 = vector.shape_cast %transpose3A : vector<64x64xbf16> to vector<64x1x64xbf16>
    %broadcast_in_dim3A_12 = vector.shape_cast %broadcast_in_dim3A_11 : vector<64x1x64xbf16> to vector<64x1x64xbf16>
    %broadcast_in_dim3A_13 = vector.broadcast %broadcast_in_dim3A_12 : vector<64x1x64xbf16> to vector<64x64x64xbf16>
    %reshape3A = vector.shape_cast %broadcast_in_dim3A_13 : vector<64x64x64xbf16> to vector<4096x64xbf16>
    %swap3A = arith.constant 0 : index
    %swap3A_14 = arith.constant 0 : index
    %swap3A_15 = arith.constant 0 : index
    %swap3A_16 = vector.load %arg3[%swap3A, %swap3A_14, %swap3A_15] : memref<1x4096x64xbf16, #tpu.memory_space<vmem>>, vector<1x4096x64xbf16>
    %swap3A_17 = vector.shape_cast %swap3A_16 : vector<1x4096x64xbf16> to vector<4096x64xbf16>
    %swap3A_18 = vector.shape_cast %reshape3A : vector<4096x64xbf16> to vector<1x4096x64xbf16>
    tpu.vector_store %arg3[%swap3A, %swap3A_14, %swap3A_15], %swap3A_18 {strides = array<i32>} : memref<1x4096x64xbf16, #tpu.memory_space<vmem>>, vector<1x4096x64xbf16>,
    return
  }
  func.func @transform_0(%arg0: i32) -> (i32, i32, i32) {
    %c0_i32 = arith.constant 0 : i32
    %c0_i32_0 = arith.constant 0 : i32
    %c0_i32_1 = arith.constant 0 : i32
    return %arg0, %c0_i32, %c0_i32_0 : i32, i32, i32
  }
  func.func @transform_1(%arg0: i32) -> (i32, i32, i32) {
    %c0_i32 = arith.constant 0 : i32
    %c0_i32_0 = arith.constant 0 : i32
    %c0_i32_1 = arith.constant 0 : i32
    return %arg0, %c0_i32, %c0_i32_0 : i32, i32, i32
  }
  func.func @transform_2(%arg0: i32) -> (i32, i32, i32) {
    %c0_i32 = arith.constant 0 : i32
    %c0_i32_0 = arith.constant 0 : i32
    %c0_i32_1 = arith.constant 0 : i32
    return %arg0, %c0_i32, %c0_i32_0 : i32, i32, i32
  }
}

module attributes {stable_mosaic.version = 14 : i64} {
  func.func @_proj_body(%arg0: i32, %arg1: memref<512x768xbf16, #tpu.memory_space<vmem>>, %arg2: memref<768x768xbf16, #tpu.memory_space<vmem>>, %arg3: memref<1x768xf32, #tpu.memory_space<vmem>>, %arg4: memref<512x768xf32, #tpu.memory_space<vmem>>) attributes {dimension_semantics = [#tpu.dimension_semantics<arbitrary>], iteration_bounds = array<i64: 8>, scalar_prefetch = 0 : i64, scratch_operands = 0 : i64, tpu.core_type = #tpu.core_type<tc>, window_params = [{transform_indices = @transform_0, window_bounds = array<i64: 512, 768>}, {pipeline_mode = #tpu.pipeline_mode<synchronous>, transform_indices = @transform_1, window_bounds = array<i64: 768, 768>}, {pipeline_mode = #tpu.pipeline_mode<synchronous>, transform_indices = @transform_2, window_bounds = array<i64: 1, 768>}, {transform_indices = @transform_3, window_bounds = array<i64: 512, 768>}]} {
    %get3A = arith.constant 0 : index
    %get3A_0 = arith.constant 0 : index
    %get3A_1 = vector.load %arg1[%get3A, %get3A_0] : memref<512x768xbf16, #tpu.memory_space<vmem>>, vector<512x768xbf16>
    %get3A_2 = arith.constant 0 : index
    %get3A_3 = arith.constant 0 : index
    %get3A_4 = vector.load %arg2[%get3A_2, %get3A_3] : memref<768x768xbf16, #tpu.memory_space<vmem>>, vector<768x768xbf16>
    %dot_general3A = arith.constant dense<0.000000e+00> : vector<512x768xf32>
    %dot_general3A_5 = tpu.matmul %get3A_1, %get3A_4, %dot_general3A {dimension_numbers = #tpu.dot_dimension_numbers<[1], [0], [0], [1], [0, 0, 1, 1], [], []>, transpose_lhs_hint = false} : vector<512x768xbf16>, vector<768x768xbf16>, vector<512x768xf32> -> vector<512x768xf32>
    %get3A_6 = arith.constant 0 : index
    %get3A_7 = arith.constant 0 : index
    %get3A_8 = vector.load %arg3[%get3A_6, %get3A_7] : memref<1x768xf32, #tpu.memory_space<vmem>>, vector<1x768xf32>
    %add3A = vector.broadcast %get3A_8 : vector<1x768xf32> to vector<512x768xf32>
    %add3A_9 = arith.addf %dot_general3A_5, %add3A : vector<512x768xf32>
    %swap3A = arith.constant 0 : index
    %swap3A_10 = arith.constant 0 : index
    %swap3A_11 = vector.load %arg4[%swap3A, %swap3A_10] : memref<512x768xf32, #tpu.memory_space<vmem>>, vector<512x768xf32>
    tpu.vector_store %arg4[%swap3A, %swap3A_10], %add3A_9 {strides = array<i32>} : memref<512x768xf32, #tpu.memory_space<vmem>>, vector<512x768xf32>,
    return
  }
  func.func @transform_0(%arg0: i32) -> (i32, i32) {
    %c0_i32 = arith.constant 0 : i32
    %c0_i32_0 = arith.constant 0 : i32
    return %arg0, %c0_i32 : i32, i32
  }
  func.func @transform_1(%arg0: i32) -> (i32, i32) {
    %c0_i32 = arith.constant 0 : i32
    %c0_i32_0 = arith.constant 0 : i32
    %c0_i32_1 = arith.constant 0 : i32
    return %c0_i32, %c0_i32_0 : i32, i32
  }
  func.func @transform_2(%arg0: i32) -> (i32, i32) {
    %c0_i32 = arith.constant 0 : i32
    %c0_i32_0 = arith.constant 0 : i32
    %c0_i32_1 = arith.constant 0 : i32
    return %c0_i32, %c0_i32_0 : i32, i32
  }
  func.func @transform_3(%arg0: i32) -> (i32, i32) {
    %c0_i32 = arith.constant 0 : i32
    %c0_i32_0 = arith.constant 0 : i32
    return %arg0, %c0_i32 : i32, i32
  }
}

module attributes {stable_mosaic.version = 14 : i64} {
  func.func @_attn_body(%arg0: i32, %arg1: i32, %arg2: memref<1024x128xbf16, #tpu.memory_space<vmem>>, %arg3: memref<4096x128xbf16, #tpu.memory_space<vmem>>, %arg4: memref<4096x128xbf16, #tpu.memory_space<vmem>>, %arg5: memref<1x4096x64xbf16, #tpu.memory_space<vmem>>, %arg6: memref<1024x128xbf16, #tpu.memory_space<vmem>>) attributes {dimension_semantics = [#tpu.dimension_semantics<arbitrary>, #tpu.dimension_semantics<arbitrary>], iteration_bounds = array<i64: 6, 4>, scalar_prefetch = 0 : i64, scratch_operands = 0 : i64, tpu.core_type = #tpu.core_type<tc>, window_params = [{transform_indices = @transform_0, window_bounds = array<i64: 1024, 128>}, {transform_indices = @transform_1, window_bounds = array<i64: 4096, 128>}, {transform_indices = @transform_2, window_bounds = array<i64: 4096, 128>}, {transform_indices = @transform_3, window_bounds = array<i64: 1, 4096, 64>}, {transform_indices = @transform_4, window_bounds = array<i64: 1024, 128>}]} {
    %get3A = arith.constant 0 : index
    %get3A_0 = arith.constant 0 : index
    %get3A_1 = vector.load %arg3[%get3A, %get3A_0] : memref<4096x128xbf16, #tpu.memory_space<vmem>>, vector<4096x128xbf16>
    %get3A_2 = arith.constant 0 : index
    %get3A_3 = arith.constant 0 : index
    %get3A_4 = vector.load %arg4[%get3A_2, %get3A_3] : memref<4096x128xbf16, #tpu.memory_space<vmem>>, vector<4096x128xbf16>
    %get3A_5 = arith.constant 0 : index
    %get3A_6 = arith.constant 0 : index
    %get3A_7 = arith.constant 0 : index
    %get3A_8 = vector.load %arg5[%get3A_5, %get3A_6, %get3A_7] : memref<1x4096x64xbf16, #tpu.memory_space<vmem>>, vector<1x4096x64xbf16>
    %get3A_9 = vector.shape_cast %get3A_8 : vector<1x4096x64xbf16> to vector<4096x64xbf16>
    %concatenate3A = tpu.concatenate %get3A_1, %get3A_9 in 1 : vector<4096x128xbf16>, vector<4096x64xbf16> -> vector<4096x192xbf16>
    %get3A_10 = arith.constant 0 : index
    %get3A_11 = arith.constant 0 : index
    %get3A_12 = vector.load %arg2[%get3A_10, %get3A_11] : memref<1024x128xbf16, #tpu.memory_space<vmem>>, vector<256x128xbf16>
    %mul3A = arith.constant 16 : i32
    %mul3A_13 = arith.muli %arg1, %mul3A : i32
    %add3A = arith.constant 0 : i32
    %add3A_14 = arith.addi %mul3A_13, %add3A : i32
    %iota3A = tpu.iota {dimensions = array<i32: 0>} : vector<256x64xi32>
    %jit3A = arith.constant 64 : i32
    %div3A = vector.broadcast %jit3A : i32 to vector<256x64xi32>
    %div3A_15 = arith.divsi %iota3A, %div3A : vector<256x64xi32>
    %sign3A = arith.constant 0 : i32
    %sign3A_16 = vector.broadcast %sign3A : i32 to vector<256x64xi32>
    %sign3A_17 = arith.cmpi sgt, %iota3A, %sign3A_16 : vector<256x64xi32>
    %sign3A_18 = arith.extui %sign3A_17 : vector<256x64xi1> to vector<256x64xi32>
    %sign3A_19 = arith.constant 0 : i32
    %sign3A_20 = vector.broadcast %sign3A_19 : i32 to vector<256x64xi32>
    %sign3A_21 = arith.cmpi slt, %iota3A, %sign3A_20 : vector<256x64xi32>
    %sign3A_22 = arith.extui %sign3A_21 : vector<256x64xi1> to vector<256x64xi32>
    %sign3A_23 = arith.subi %sign3A_18, %sign3A_22 : vector<256x64xi32>
    %sign3A_24 = arith.constant 0 : i32
    %sign3A_25 = arith.cmpi sgt, %jit3A, %sign3A_24 : i32
    %sign3A_26 = arith.extui %sign3A_25 : i1 to i32
    %sign3A_27 = arith.constant 0 : i32
    %sign3A_28 = arith.cmpi slt, %jit3A, %sign3A_27 : i32
    %sign3A_29 = arith.extui %sign3A_28 : i1 to i32
    %sign3A_30 = arith.subi %sign3A_26, %sign3A_29 : i32
    %ne3A = vector.broadcast %sign3A_30 : i32 to vector<256x64xi32>
    %ne3A_31 = arith.cmpi ne, %sign3A_23, %ne3A : vector<256x64xi32>
    %rem3A = vector.broadcast %jit3A : i32 to vector<256x64xi32>
    %rem3A_32 = arith.remsi %iota3A, %rem3A : vector<256x64xi32>
    %ne3A_33 = arith.constant 0 : i32
    %ne3A_34 = vector.broadcast %ne3A_33 : i32 to vector<256x64xi32>
    %ne3A_35 = arith.cmpi ne, %rem3A_32, %ne3A_34 : vector<256x64xi32>
    %and3A = arith.andi %ne3A_31, %ne3A_35 : vector<256x64xi1>
    %sub3A = arith.constant 1 : i32
    %sub3A_36 = vector.broadcast %sub3A : i32 to vector<256x64xi32>
    %sub3A_37 = arith.subi %div3A_15, %sub3A_36 : vector<256x64xi32>
    %select_n3A = arith.select %and3A, %sub3A_37, %div3A_15 : vector<256x64xi1>, vector<256x64xi32>
    %add3A_38 = vector.broadcast %add3A_14 : i32 to vector<256x64xi32>
    %add3A_39 = arith.addi %select_n3A, %add3A_38 : vector<256x64xi32>
    %iota3A_40 = tpu.iota {dimensions = array<i32: 1>} : vector<256x64xi32>
    %eq3A = arith.cmpi eq, %iota3A_40, %add3A_39 : vector<256x64xi32>
    %convert_element_type3A = arith.extui %eq3A : vector<256x64xi1> to vector<256x64xi32>
    %convert_element_type3A_41 = arith.sitofp %convert_element_type3A : vector<256x64xi32> to vector<256x64xf32>
    %convert_element_type3A_42 = arith.truncf %convert_element_type3A_41 : vector<256x64xf32> to vector<256x64xbf16>
    %concatenate3A_43 = tpu.concatenate %get3A_12, %convert_element_type3A_42 in 1 : vector<256x128xbf16>, vector<256x64xbf16> -> vector<256x192xbf16>
    %dot_general3A = arith.constant dense<0.000000e+00> : vector<256x4096xf32>
    %dot_general3A_44 = tpu.matmul %concatenate3A_43, %concatenate3A, %dot_general3A {dimension_numbers = #tpu.dot_dimension_numbers<[1], [1], [0], [0], [0, 0, 1, 0], [], []>, transpose_lhs_hint = false} : vector<256x192xbf16>, vector<4096x192xbf16>, vector<256x4096xf32> -> vector<256x4096xf32>
    %reduce_max3A = arith.constant dense<0xFF800000> : vector<256xf32>
    %reduce_max3A_45 = vector.multi_reduction <maximumf>, %dot_general3A_44, %reduce_max3A [1] : vector<256x4096xf32> to vector<256xf32>
    %broadcast_in_dim3A = vector.shape_cast %reduce_max3A_45 : vector<256xf32> to vector<256x1xf32>
    %sub3A_46 = vector.broadcast %broadcast_in_dim3A : vector<256x1xf32> to vector<256x4096xf32>
    %sub3A_47 = arith.subf %dot_general3A_44, %sub3A_46 : vector<256x4096xf32>
    %mul3A_48 = arith.constant 0.0883883461 : f32
    %mul3A_49 = vector.broadcast %mul3A_48 : f32 to vector<256x4096xf32>
    %mul3A_50 = arith.mulf %sub3A_47, %mul3A_49 : vector<256x4096xf32>
    %exp3A = math.exp %mul3A_50 : vector<256x4096xf32>
    %reduce_sum3A = arith.constant dense<0.000000e+00> : vector<256xf32>
    %reduce_sum3A_51 = vector.multi_reduction <add>, %exp3A, %reduce_sum3A [1] : vector<256x4096xf32> to vector<256xf32>
    %broadcast_in_dim3A_52 = vector.shape_cast %reduce_sum3A_51 : vector<256xf32> to vector<256x1xf32>
    %convert_element_type3A_53 = arith.truncf %exp3A : vector<256x4096xf32> to vector<256x4096xbf16>
    %dot_general3A_54 = arith.constant dense<0.000000e+00> : vector<256x128xf32>
    %dot_general3A_55 = tpu.matmul %convert_element_type3A_53, %get3A_4, %dot_general3A_54 {dimension_numbers = #tpu.dot_dimension_numbers<[1], [0], [0], [1], [0, 0, 1, 1], [], []>, transpose_lhs_hint = false} : vector<256x4096xbf16>, vector<4096x128xbf16>, vector<256x128xf32> -> vector<256x128xf32>
    %div3A_56 = vector.broadcast %broadcast_in_dim3A_52 : vector<256x1xf32> to vector<256x128xf32>
    %div3A_57 = arith.divf %dot_general3A_55, %div3A_56 : vector<256x128xf32>
    %convert_element_type3A_58 = arith.truncf %div3A_57 : vector<256x128xf32> to vector<256x128xbf16>
    %swap3A = arith.constant 0 : index
    %swap3A_59 = arith.constant 0 : index
    %swap3A_60 = vector.load %arg6[%swap3A, %swap3A_59] : memref<1024x128xbf16, #tpu.memory_space<vmem>>, vector<256x128xbf16>
    tpu.vector_store %arg6[%swap3A, %swap3A_59], %convert_element_type3A_58 {strides = array<i32>} : memref<1024x128xbf16, #tpu.memory_space<vmem>>, vector<256x128xbf16>,
    %get3A_61 = arith.constant 256 : index
    %get3A_62 = arith.constant 0 : index
    %get3A_63 = vector.load %arg2[%get3A_61, %get3A_62] : memref<1024x128xbf16, #tpu.memory_space<vmem>>, vector<256x128xbf16>
    %mul3A_64 = arith.constant 16 : i32
    %mul3A_65 = arith.muli %arg1, %mul3A_64 : i32
    %add3A_66 = arith.constant 4 : i32
    %add3A_67 = arith.addi %mul3A_65, %add3A_66 : i32
    %iota3A_68 = tpu.iota {dimensions = array<i32: 0>} : vector<256x64xi32>
    %jit3A_69 = arith.constant 64 : i32
    %div3A_70 = vector.broadcast %jit3A_69 : i32 to vector<256x64xi32>
    %div3A_71 = arith.divsi %iota3A_68, %div3A_70 : vector<256x64xi32>
    %sign3A_72 = arith.constant 0 : i32
    %sign3A_73 = vector.broadcast %sign3A_72 : i32 to vector<256x64xi32>
    %sign3A_74 = arith.cmpi sgt, %iota3A_68, %sign3A_73 : vector<256x64xi32>
    %sign3A_75 = arith.extui %sign3A_74 : vector<256x64xi1> to vector<256x64xi32>
    %sign3A_76 = arith.constant 0 : i32
    %sign3A_77 = vector.broadcast %sign3A_76 : i32 to vector<256x64xi32>
    %sign3A_78 = arith.cmpi slt, %iota3A_68, %sign3A_77 : vector<256x64xi32>
    %sign3A_79 = arith.extui %sign3A_78 : vector<256x64xi1> to vector<256x64xi32>
    %sign3A_80 = arith.subi %sign3A_75, %sign3A_79 : vector<256x64xi32>
    %sign3A_81 = arith.constant 0 : i32
    %sign3A_82 = arith.cmpi sgt, %jit3A_69, %sign3A_81 : i32
    %sign3A_83 = arith.extui %sign3A_82 : i1 to i32
    %sign3A_84 = arith.constant 0 : i32
    %sign3A_85 = arith.cmpi slt, %jit3A_69, %sign3A_84 : i32
    %sign3A_86 = arith.extui %sign3A_85 : i1 to i32
    %sign3A_87 = arith.subi %sign3A_83, %sign3A_86 : i32
    %ne3A_88 = vector.broadcast %sign3A_87 : i32 to vector<256x64xi32>
    %ne3A_89 = arith.cmpi ne, %sign3A_80, %ne3A_88 : vector<256x64xi32>
    %rem3A_90 = vector.broadcast %jit3A_69 : i32 to vector<256x64xi32>
    %rem3A_91 = arith.remsi %iota3A_68, %rem3A_90 : vector<256x64xi32>
    %ne3A_92 = arith.constant 0 : i32
    %ne3A_93 = vector.broadcast %ne3A_92 : i32 to vector<256x64xi32>
    %ne3A_94 = arith.cmpi ne, %rem3A_91, %ne3A_93 : vector<256x64xi32>
    %and3A_95 = arith.andi %ne3A_89, %ne3A_94 : vector<256x64xi1>
    %sub3A_96 = arith.constant 1 : i32
    %sub3A_97 = vector.broadcast %sub3A_96 : i32 to vector<256x64xi32>
    %sub3A_98 = arith.subi %div3A_71, %sub3A_97 : vector<256x64xi32>
    %select_n3A_99 = arith.select %and3A_95, %sub3A_98, %div3A_71 : vector<256x64xi1>, vector<256x64xi32>
    %add3A_100 = vector.broadcast %add3A_67 : i32 to vector<256x64xi32>
    %add3A_101 = arith.addi %select_n3A_99, %add3A_100 : vector<256x64xi32>
    %iota3A_102 = tpu.iota {dimensions = array<i32: 1>} : vector<256x64xi32>
    %eq3A_103 = arith.cmpi eq, %iota3A_102, %add3A_101 : vector<256x64xi32>
    %convert_element_type3A_104 = arith.extui %eq3A_103 : vector<256x64xi1> to vector<256x64xi32>
    %convert_element_type3A_105 = arith.sitofp %convert_element_type3A_104 : vector<256x64xi32> to vector<256x64xf32>
    %convert_element_type3A_106 = arith.truncf %convert_element_type3A_105 : vector<256x64xf32> to vector<256x64xbf16>
    %concatenate3A_107 = tpu.concatenate %get3A_63, %convert_element_type3A_106 in 1 : vector<256x128xbf16>, vector<256x64xbf16> -> vector<256x192xbf16>
    %dot_general3A_108 = arith.constant dense<0.000000e+00> : vector<256x4096xf32>
    %dot_general3A_109 = tpu.matmul %concatenate3A_107, %concatenate3A, %dot_general3A_108 {dimension_numbers = #tpu.dot_dimension_numbers<[1], [1], [0], [0], [0, 0, 1, 0], [], []>, transpose_lhs_hint = false} : vector<256x192xbf16>, vector<4096x192xbf16>, vector<256x4096xf32> -> vector<256x4096xf32>
    %reduce_max3A_110 = arith.constant dense<0xFF800000> : vector<256xf32>
    %reduce_max3A_111 = vector.multi_reduction <maximumf>, %dot_general3A_109, %reduce_max3A_110 [1] : vector<256x4096xf32> to vector<256xf32>
    %broadcast_in_dim3A_112 = vector.shape_cast %reduce_max3A_111 : vector<256xf32> to vector<256x1xf32>
    %sub3A_113 = vector.broadcast %broadcast_in_dim3A_112 : vector<256x1xf32> to vector<256x4096xf32>
    %sub3A_114 = arith.subf %dot_general3A_109, %sub3A_113 : vector<256x4096xf32>
    %mul3A_115 = arith.constant 0.0883883461 : f32
    %mul3A_116 = vector.broadcast %mul3A_115 : f32 to vector<256x4096xf32>
    %mul3A_117 = arith.mulf %sub3A_114, %mul3A_116 : vector<256x4096xf32>
    %exp3A_118 = math.exp %mul3A_117 : vector<256x4096xf32>
    %reduce_sum3A_119 = arith.constant dense<0.000000e+00> : vector<256xf32>
    %reduce_sum3A_120 = vector.multi_reduction <add>, %exp3A_118, %reduce_sum3A_119 [1] : vector<256x4096xf32> to vector<256xf32>
    %broadcast_in_dim3A_121 = vector.shape_cast %reduce_sum3A_120 : vector<256xf32> to vector<256x1xf32>
    %convert_element_type3A_122 = arith.truncf %exp3A_118 : vector<256x4096xf32> to vector<256x4096xbf16>
    %dot_general3A_123 = arith.constant dense<0.000000e+00> : vector<256x128xf32>
    %dot_general3A_124 = tpu.matmul %convert_element_type3A_122, %get3A_4, %dot_general3A_123 {dimension_numbers = #tpu.dot_dimension_numbers<[1], [0], [0], [1], [0, 0, 1, 1], [], []>, transpose_lhs_hint = false} : vector<256x4096xbf16>, vector<4096x128xbf16>, vector<256x128xf32> -> vector<256x128xf32>
    %div3A_125 = vector.broadcast %broadcast_in_dim3A_121 : vector<256x1xf32> to vector<256x128xf32>
    %div3A_126 = arith.divf %dot_general3A_124, %div3A_125 : vector<256x128xf32>
    %convert_element_type3A_127 = arith.truncf %div3A_126 : vector<256x128xf32> to vector<256x128xbf16>
    %swap3A_128 = arith.constant 256 : index
    %swap3A_129 = arith.constant 0 : index
    %swap3A_130 = vector.load %arg6[%swap3A_128, %swap3A_129] : memref<1024x128xbf16, #tpu.memory_space<vmem>>, vector<256x128xbf16>
    tpu.vector_store %arg6[%swap3A_128, %swap3A_129], %convert_element_type3A_127 {strides = array<i32>} : memref<1024x128xbf16, #tpu.memory_space<vmem>>, vector<256x128xbf16>,
    %get3A_131 = arith.constant 512 : index
    %get3A_132 = arith.constant 0 : index
    %get3A_133 = vector.load %arg2[%get3A_131, %get3A_132] : memref<1024x128xbf16, #tpu.memory_space<vmem>>, vector<256x128xbf16>
    %mul3A_134 = arith.constant 16 : i32
    %mul3A_135 = arith.muli %arg1, %mul3A_134 : i32
    %add3A_136 = arith.constant 8 : i32
    %add3A_137 = arith.addi %mul3A_135, %add3A_136 : i32
    %iota3A_138 = tpu.iota {dimensions = array<i32: 0>} : vector<256x64xi32>
    %jit3A_139 = arith.constant 64 : i32
    %div3A_140 = vector.broadcast %jit3A_139 : i32 to vector<256x64xi32>
    %div3A_141 = arith.divsi %iota3A_138, %div3A_140 : vector<256x64xi32>
    %sign3A_142 = arith.constant 0 : i32
    %sign3A_143 = vector.broadcast %sign3A_142 : i32 to vector<256x64xi32>
    %sign3A_144 = arith.cmpi sgt, %iota3A_138, %sign3A_143 : vector<256x64xi32>
    %sign3A_145 = arith.extui %sign3A_144 : vector<256x64xi1> to vector<256x64xi32>
    %sign3A_146 = arith.constant 0 : i32
    %sign3A_147 = vector.broadcast %sign3A_146 : i32 to vector<256x64xi32>
    %sign3A_148 = arith.cmpi slt, %iota3A_138, %sign3A_147 : vector<256x64xi32>
    %sign3A_149 = arith.extui %sign3A_148 : vector<256x64xi1> to vector<256x64xi32>
    %sign3A_150 = arith.subi %sign3A_145, %sign3A_149 : vector<256x64xi32>
    %sign3A_151 = arith.constant 0 : i32
    %sign3A_152 = arith.cmpi sgt, %jit3A_139, %sign3A_151 : i32
    %sign3A_153 = arith.extui %sign3A_152 : i1 to i32
    %sign3A_154 = arith.constant 0 : i32
    %sign3A_155 = arith.cmpi slt, %jit3A_139, %sign3A_154 : i32
    %sign3A_156 = arith.extui %sign3A_155 : i1 to i32
    %sign3A_157 = arith.subi %sign3A_153, %sign3A_156 : i32
    %ne3A_158 = vector.broadcast %sign3A_157 : i32 to vector<256x64xi32>
    %ne3A_159 = arith.cmpi ne, %sign3A_150, %ne3A_158 : vector<256x64xi32>
    %rem3A_160 = vector.broadcast %jit3A_139 : i32 to vector<256x64xi32>
    %rem3A_161 = arith.remsi %iota3A_138, %rem3A_160 : vector<256x64xi32>
    %ne3A_162 = arith.constant 0 : i32
    %ne3A_163 = vector.broadcast %ne3A_162 : i32 to vector<256x64xi32>
    %ne3A_164 = arith.cmpi ne, %rem3A_161, %ne3A_163 : vector<256x64xi32>
    %and3A_165 = arith.andi %ne3A_159, %ne3A_164 : vector<256x64xi1>
    %sub3A_166 = arith.constant 1 : i32
    %sub3A_167 = vector.broadcast %sub3A_166 : i32 to vector<256x64xi32>
    %sub3A_168 = arith.subi %div3A_141, %sub3A_167 : vector<256x64xi32>
    %select_n3A_169 = arith.select %and3A_165, %sub3A_168, %div3A_141 : vector<256x64xi1>, vector<256x64xi32>
    %add3A_170 = vector.broadcast %add3A_137 : i32 to vector<256x64xi32>
    %add3A_171 = arith.addi %select_n3A_169, %add3A_170 : vector<256x64xi32>
    %iota3A_172 = tpu.iota {dimensions = array<i32: 1>} : vector<256x64xi32>
    %eq3A_173 = arith.cmpi eq, %iota3A_172, %add3A_171 : vector<256x64xi32>
    %convert_element_type3A_174 = arith.extui %eq3A_173 : vector<256x64xi1> to vector<256x64xi32>
    %convert_element_type3A_175 = arith.sitofp %convert_element_type3A_174 : vector<256x64xi32> to vector<256x64xf32>
    %convert_element_type3A_176 = arith.truncf %convert_element_type3A_175 : vector<256x64xf32> to vector<256x64xbf16>
    %concatenate3A_177 = tpu.concatenate %get3A_133, %convert_element_type3A_176 in 1 : vector<256x128xbf16>, vector<256x64xbf16> -> vector<256x192xbf16>
    %dot_general3A_178 = arith.constant dense<0.000000e+00> : vector<256x4096xf32>
    %dot_general3A_179 = tpu.matmul %concatenate3A_177, %concatenate3A, %dot_general3A_178 {dimension_numbers = #tpu.dot_dimension_numbers<[1], [1], [0], [0], [0, 0, 1, 0], [], []>, transpose_lhs_hint = false} : vector<256x192xbf16>, vector<4096x192xbf16>, vector<256x4096xf32> -> vector<256x4096xf32>
    %reduce_max3A_180 = arith.constant dense<0xFF800000> : vector<256xf32>
    %reduce_max3A_181 = vector.multi_reduction <maximumf>, %dot_general3A_179, %reduce_max3A_180 [1] : vector<256x4096xf32> to vector<256xf32>
    %broadcast_in_dim3A_182 = vector.shape_cast %reduce_max3A_181 : vector<256xf32> to vector<256x1xf32>
    %sub3A_183 = vector.broadcast %broadcast_in_dim3A_182 : vector<256x1xf32> to vector<256x4096xf32>
    %sub3A_184 = arith.subf %dot_general3A_179, %sub3A_183 : vector<256x4096xf32>
    %mul3A_185 = arith.constant 0.0883883461 : f32
    %mul3A_186 = vector.broadcast %mul3A_185 : f32 to vector<256x4096xf32>
    %mul3A_187 = arith.mulf %sub3A_184, %mul3A_186 : vector<256x4096xf32>
    %exp3A_188 = math.exp %mul3A_187 : vector<256x4096xf32>
    %reduce_sum3A_189 = arith.constant dense<0.000000e+00> : vector<256xf32>
    %reduce_sum3A_190 = vector.multi_reduction <add>, %exp3A_188, %reduce_sum3A_189 [1] : vector<256x4096xf32> to vector<256xf32>
    %broadcast_in_dim3A_191 = vector.shape_cast %reduce_sum3A_190 : vector<256xf32> to vector<256x1xf32>
    %convert_element_type3A_192 = arith.truncf %exp3A_188 : vector<256x4096xf32> to vector<256x4096xbf16>
    %dot_general3A_193 = arith.constant dense<0.000000e+00> : vector<256x128xf32>
    %dot_general3A_194 = tpu.matmul %convert_element_type3A_192, %get3A_4, %dot_general3A_193 {dimension_numbers = #tpu.dot_dimension_numbers<[1], [0], [0], [1], [0, 0, 1, 1], [], []>, transpose_lhs_hint = false} : vector<256x4096xbf16>, vector<4096x128xbf16>, vector<256x128xf32> -> vector<256x128xf32>
    %div3A_195 = vector.broadcast %broadcast_in_dim3A_191 : vector<256x1xf32> to vector<256x128xf32>
    %div3A_196 = arith.divf %dot_general3A_194, %div3A_195 : vector<256x128xf32>
    %convert_element_type3A_197 = arith.truncf %div3A_196 : vector<256x128xf32> to vector<256x128xbf16>
    %swap3A_198 = arith.constant 512 : index
    %swap3A_199 = arith.constant 0 : index
    %swap3A_200 = vector.load %arg6[%swap3A_198, %swap3A_199] : memref<1024x128xbf16, #tpu.memory_space<vmem>>, vector<256x128xbf16>
    tpu.vector_store %arg6[%swap3A_198, %swap3A_199], %convert_element_type3A_197 {strides = array<i32>} : memref<1024x128xbf16, #tpu.memory_space<vmem>>, vector<256x128xbf16>,
    %get3A_201 = arith.constant 768 : index
    %get3A_202 = arith.constant 0 : index
    %get3A_203 = vector.load %arg2[%get3A_201, %get3A_202] : memref<1024x128xbf16, #tpu.memory_space<vmem>>, vector<256x128xbf16>
    %mul3A_204 = arith.constant 16 : i32
    %mul3A_205 = arith.muli %arg1, %mul3A_204 : i32
    %add3A_206 = arith.constant 12 : i32
    %add3A_207 = arith.addi %mul3A_205, %add3A_206 : i32
    %iota3A_208 = tpu.iota {dimensions = array<i32: 0>} : vector<256x64xi32>
    %jit3A_209 = arith.constant 64 : i32
    %div3A_210 = vector.broadcast %jit3A_209 : i32 to vector<256x64xi32>
    %div3A_211 = arith.divsi %iota3A_208, %div3A_210 : vector<256x64xi32>
    %sign3A_212 = arith.constant 0 : i32
    %sign3A_213 = vector.broadcast %sign3A_212 : i32 to vector<256x64xi32>
    %sign3A_214 = arith.cmpi sgt, %iota3A_208, %sign3A_213 : vector<256x64xi32>
    %sign3A_215 = arith.extui %sign3A_214 : vector<256x64xi1> to vector<256x64xi32>
    %sign3A_216 = arith.constant 0 : i32
    %sign3A_217 = vector.broadcast %sign3A_216 : i32 to vector<256x64xi32>
    %sign3A_218 = arith.cmpi slt, %iota3A_208, %sign3A_217 : vector<256x64xi32>
    %sign3A_219 = arith.extui %sign3A_218 : vector<256x64xi1> to vector<256x64xi32>
    %sign3A_220 = arith.subi %sign3A_215, %sign3A_219 : vector<256x64xi32>
    %sign3A_221 = arith.constant 0 : i32
    %sign3A_222 = arith.cmpi sgt, %jit3A_209, %sign3A_221 : i32
    %sign3A_223 = arith.extui %sign3A_222 : i1 to i32
    %sign3A_224 = arith.constant 0 : i32
    %sign3A_225 = arith.cmpi slt, %jit3A_209, %sign3A_224 : i32
    %sign3A_226 = arith.extui %sign3A_225 : i1 to i32
    %sign3A_227 = arith.subi %sign3A_223, %sign3A_226 : i32
    %ne3A_228 = vector.broadcast %sign3A_227 : i32 to vector<256x64xi32>
    %ne3A_229 = arith.cmpi ne, %sign3A_220, %ne3A_228 : vector<256x64xi32>
    %rem3A_230 = vector.broadcast %jit3A_209 : i32 to vector<256x64xi32>
    %rem3A_231 = arith.remsi %iota3A_208, %rem3A_230 : vector<256x64xi32>
    %ne3A_232 = arith.constant 0 : i32
    %ne3A_233 = vector.broadcast %ne3A_232 : i32 to vector<256x64xi32>
    %ne3A_234 = arith.cmpi ne, %rem3A_231, %ne3A_233 : vector<256x64xi32>
    %and3A_235 = arith.andi %ne3A_229, %ne3A_234 : vector<256x64xi1>
    %sub3A_236 = arith.constant 1 : i32
    %sub3A_237 = vector.broadcast %sub3A_236 : i32 to vector<256x64xi32>
    %sub3A_238 = arith.subi %div3A_211, %sub3A_237 : vector<256x64xi32>
    %select_n3A_239 = arith.select %and3A_235, %sub3A_238, %div3A_211 : vector<256x64xi1>, vector<256x64xi32>
    %add3A_240 = vector.broadcast %add3A_207 : i32 to vector<256x64xi32>
    %add3A_241 = arith.addi %select_n3A_239, %add3A_240 : vector<256x64xi32>
    %iota3A_242 = tpu.iota {dimensions = array<i32: 1>} : vector<256x64xi32>
    %eq3A_243 = arith.cmpi eq, %iota3A_242, %add3A_241 : vector<256x64xi32>
    %convert_element_type3A_244 = arith.extui %eq3A_243 : vector<256x64xi1> to vector<256x64xi32>
    %convert_element_type3A_245 = arith.sitofp %convert_element_type3A_244 : vector<256x64xi32> to vector<256x64xf32>
    %convert_element_type3A_246 = arith.truncf %convert_element_type3A_245 : vector<256x64xf32> to vector<256x64xbf16>
    %concatenate3A_247 = tpu.concatenate %get3A_203, %convert_element_type3A_246 in 1 : vector<256x128xbf16>, vector<256x64xbf16> -> vector<256x192xbf16>
    %dot_general3A_248 = arith.constant dense<0.000000e+00> : vector<256x4096xf32>
    %dot_general3A_249 = tpu.matmul %concatenate3A_247, %concatenate3A, %dot_general3A_248 {dimension_numbers = #tpu.dot_dimension_numbers<[1], [1], [0], [0], [0, 0, 1, 0], [], []>, transpose_lhs_hint = false} : vector<256x192xbf16>, vector<4096x192xbf16>, vector<256x4096xf32> -> vector<256x4096xf32>
    %reduce_max3A_250 = arith.constant dense<0xFF800000> : vector<256xf32>
    %reduce_max3A_251 = vector.multi_reduction <maximumf>, %dot_general3A_249, %reduce_max3A_250 [1] : vector<256x4096xf32> to vector<256xf32>
    %broadcast_in_dim3A_252 = vector.shape_cast %reduce_max3A_251 : vector<256xf32> to vector<256x1xf32>
    %sub3A_253 = vector.broadcast %broadcast_in_dim3A_252 : vector<256x1xf32> to vector<256x4096xf32>
    %sub3A_254 = arith.subf %dot_general3A_249, %sub3A_253 : vector<256x4096xf32>
    %mul3A_255 = arith.constant 0.0883883461 : f32
    %mul3A_256 = vector.broadcast %mul3A_255 : f32 to vector<256x4096xf32>
    %mul3A_257 = arith.mulf %sub3A_254, %mul3A_256 : vector<256x4096xf32>
    %exp3A_258 = math.exp %mul3A_257 : vector<256x4096xf32>
    %reduce_sum3A_259 = arith.constant dense<0.000000e+00> : vector<256xf32>
    %reduce_sum3A_260 = vector.multi_reduction <add>, %exp3A_258, %reduce_sum3A_259 [1] : vector<256x4096xf32> to vector<256xf32>
    %broadcast_in_dim3A_261 = vector.shape_cast %reduce_sum3A_260 : vector<256xf32> to vector<256x1xf32>
    %convert_element_type3A_262 = arith.truncf %exp3A_258 : vector<256x4096xf32> to vector<256x4096xbf16>
    %dot_general3A_263 = arith.constant dense<0.000000e+00> : vector<256x128xf32>
    %dot_general3A_264 = tpu.matmul %convert_element_type3A_262, %get3A_4, %dot_general3A_263 {dimension_numbers = #tpu.dot_dimension_numbers<[1], [0], [0], [1], [0, 0, 1, 1], [], []>, transpose_lhs_hint = false} : vector<256x4096xbf16>, vector<4096x128xbf16>, vector<256x128xf32> -> vector<256x128xf32>
    %div3A_265 = vector.broadcast %broadcast_in_dim3A_261 : vector<256x1xf32> to vector<256x128xf32>
    %div3A_266 = arith.divf %dot_general3A_264, %div3A_265 : vector<256x128xf32>
    %convert_element_type3A_267 = arith.truncf %div3A_266 : vector<256x128xf32> to vector<256x128xbf16>
    %swap3A_268 = arith.constant 768 : index
    %swap3A_269 = arith.constant 0 : index
    %swap3A_270 = vector.load %arg6[%swap3A_268, %swap3A_269] : memref<1024x128xbf16, #tpu.memory_space<vmem>>, vector<256x128xbf16>
    tpu.vector_store %arg6[%swap3A_268, %swap3A_269], %convert_element_type3A_267 {strides = array<i32>} : memref<1024x128xbf16, #tpu.memory_space<vmem>>, vector<256x128xbf16>,
    return
  }
  func.func @transform_0(%arg0: i32, %arg1: i32) -> (i32, i32) {
    %c0_i32 = arith.constant 0 : i32
    return %arg1, %arg0 : i32, i32
  }
  func.func @transform_1(%arg0: i32, %arg1: i32) -> (i32, i32) {
    %c0_i32 = arith.constant 0 : i32
    %c0_i32_0 = arith.constant 0 : i32
    return %c0_i32, %arg0 : i32, i32
  }
  func.func @transform_2(%arg0: i32, %arg1: i32) -> (i32, i32) {
    %c0_i32 = arith.constant 0 : i32
    %c0_i32_0 = arith.constant 0 : i32
    return %c0_i32, %arg0 : i32, i32
  }
  func.func @transform_3(%arg0: i32, %arg1: i32) -> (i32, i32, i32) {
    %c0_i32 = arith.constant 0 : i32
    %c0_i32_0 = arith.constant 0 : i32
    %c0_i32_1 = arith.constant 0 : i32
    return %arg0, %c0_i32, %c0_i32_0 : i32, i32, i32
  }
  func.func @transform_4(%arg0: i32, %arg1: i32) -> (i32, i32) {
    %c0_i32 = arith.constant 0 : i32
    return %arg1, %arg0 : i32, i32
  }
}

</mosaic_0001>

<sc_bundles>
// kernel: kernel.8.cloned.1.call-start
scs
__scs_entry_jumppad:
0x0: {  	(pc) =	sbr.rel $0x88, $3  }
0x1: {  	(tag) =	ssettag $0x0;
	lr =	simm.s32 $0x1  }
0x2: {  	[smem:$0x3F94] =	sst lr;
	_ =	strace $0xD0000000  }
0x3: {  	_ = 	snop  }
0x4: {  	_ = 	snop  }
0x5: {  	_ = 	snop  }
0x6: {  	_ = 	snop  }
0x7: {  	_ = 	snop  }
__scs_overlays_trampoline_lowered:
0x8: {  	[smem:$0x3FA3] =	sst s0  }
0x9: {  	[smem:$0x3FA4] =	sst s1  }
0xa: {  	[smem:$0x3FA5] =	sst s2  }
0xb: {  	[smem:$0x3FA6] =	sst s3  }
0xc: {  	[smem:$0x3FA7] =	sst s4  }
0xd: {  	[smem:$0x3FA8] =	sst s5  }
0xe: {  	[smem:$0x3FA9] =	sst s6  }
0xf: {  	[smem:$0x3FAA] =	sst s7  }
0x10: {  	[smem:$0x3FAB] =	sst s8  }
0x11: {  	[smem:$0x3FAC] =	sst s9;
	s0 =	simm.s32 @!p0 $0x0  }
0x12: {  	s1 =	sld [smem:$0x3F92];
	s0 =	simm.s32 @p0 $0x1  }
0x13: {  	[smem:$0x3FAD] =	sst s0;
	s0 =	simm.s32 @!p1 $0x0  }
0x14: {  	s2 =	sld [smem:$0x3F91];
	s0 =	simm.s32 @p1 $0x1  }
0x15: {  	[smem:$0x3FAE] =	sst s0;
	s0 =	simm.s32 @!p2 $0x0  }
0x16: {  	s3 =	sld [smem:$0x3FDB];
	s0 =	simm.s32 @p2 $0x1  }
0x17: {  	s4 =	simm.s32 $0x1BF5;
	[smem:$0x3FB0] =	sst s0  }
0x18: {  	s0 =	sld [smem:$0x3F93];
	_ =	swait.ge [sflag:s4], $0x0  }
0x19: {  	s7 =	sld [smem:$0x3F94]  }
0x1a: {  	s8 =	sadd.s32 $0xFFFFE003, lr  }
0x1b: {  	s9 =	sadd.s32 $0xFFFFFEF7, lr;
	s5 =	simm.s32 $0xFFFFFFFF;
	p2 =	slt.u32 s8, $0xFFFFF086  }
0x1c: {  	p1 =	slt.u32 s9, $0xF7A;
	s5 =	simm.s32 @!p2 $0x0  }
0x1d: {  	s5 =	simm.s32 @p1 $0x1;
	p0 =	seq.s32 s7, s2  }
0x1e: {  	s7 =	smul.u32 @!p0 $0xF7A, s2;
	p2 =	seq.s32 @!p0 s5, $0x0  }
0x1f: {  	s9 =	smul.u32 $0xF7A, s1;
	s8 =	simm.s32 @!p0 $0x1BF5;
	p2 =	por !p2, p0  }
0x20: {  	[sflag:s8] =	ssyncset.s32 @!p0 $0xFFFFF086;
	s6 =	sadd.s32 @!p0 s3, s7;
	s7 =	simm.s32 @!p0 $0x108  }
0x21: {  	s3 =	sadd.s32 s3, s9;
	s6 =	sadd.s32 @!p0 $0x88, s6;
	s7 =	simm.s32 @p2 $0x1082  }
0x22: {  	[simem:s7], [sflag:s8] =	dma.local @!p0 [hbm:s6], $0xF7A  }
0x23: {  	s9 =	sor.u32 $0xD0000000, s2;
	s6 =	simm.s32 $0x108;
	_ =	swait.ge @!p0 [sflag:s8], $0x0  }
0x24: {  	s3 =	sadd.s32 $0x88, s3;
	s6 =	simm.s32 @!p1 $0x1082;
	[sflag:s4] =	ssyncset.s32 $0xFFFFF086  }
0x25: {  	[simem:s6], [sflag:s4] =	dma.local [hbm:s3], $0xF7A  }
0x26: {  	[smem:$0x3F94] =	sst s1;
	(tag) =	ssettag s2;
	_ =	strace s9  }
0x27: {  	s1 =	sld [smem:$0x3FA4]  }
0x28: {  	s2 =	sld [smem:$0x3FA5]  }
0x29: {  	s4 =	sld [smem:$0x3FA7]  }
0x2a: {  	p0 =	seq.s32 s5, $0x0;
	s5 =	sld [smem:$0x3FA8]  }
0x2b: {  	s6 =	sld [smem:$0x3FA9]  }
0x2c: {  	s7 =	sld [smem:$0x3FAA]  }
0x2d: {  	s3 =	simm.s32 $0x108;
	s8 =	sld [smem:$0x3FAB]  }
0x2e: {  	s3 =	simm.s32 @!p0 $0x1082;
	s9 =	sld [smem:$0x3FAC]  }
0x2f: {  	lr =	sadd.s32 s0, s3;
	s0 =	sld [smem:$0x3FA3]  }
0x30: {  	s3 =	sld [smem:$0x3FA6]  }
0x31: {  	[smem:$0x3FAF] =	sst s10  }
0x32: {  	s10 =	sld [smem:$0x3FAD];
	_ =	sdelay $0x3  }
0x33: {  	p0 =	seq.s32 s10, $0x1;
	s10 =	sld [smem:$0x3FAF];
	_ =	sdelay $0x3  }
0x34: {  	[smem:$0x3FAF] =	sst s10  }
0x35: {  	s10 =	sld [smem:$0x3FAE];
	_ =	sdelay $0x3  }
0x36: {  	p1 =	seq.s32 s10, $0x1;
	s10 =	sld [smem:$0x3FAF];
	_ =	sdelay $0x3  }
0x37: {  	[smem:$0x3FAF] =	sst s10  }
0x38: {  	s10 =	sld [smem:$0x3FB0]  }
0x39: {  	_ = 	snop;
	(pc) =	sbr.ind lr, $3  }
0x3a: {  	_ = 	snop  }
0x3b: {  	_ = 	snop  }
0x3c: {  	p2 =	seq.s32 s10, $0x1;
	s10 =	sld [smem:$0x3FAF]  }
0x3d: {  	_ =	shalt  }
0x3e: {  	_ =	shalt  }
0x3f: {  	_ =	shalt  }
0x40: {  	_ =	shalt  }
0x41: {  	_ =	shalt  }
0x42: {  	_ =	shalt  }
0x43: {  	_ =	shalt  }
0x44: {  	_ =	shalt  }
0x45: {  	_ =	shalt  }
0x46: {  	_ =	shalt  }
0x47: {  	_ =	shalt  }
0x48: {  	_ =	shalt  }
0x49: {  	_ =	shalt  }
0x4a: {  	_ =	shalt  }
0x4b: {  	_ =	shalt  }
0x4c: {  	_ =	shalt  }
0x4d: {  	_ =	shalt  }
0x4e: {  	_ =	shalt  }
0x4f: {  	_ =	shalt  }
0x50: {  	_ =	shalt  }
0x51: {  	_ =	shalt  }
0x52: {  	_ =	shalt  }
0x53: {  	_ =	shalt  }
0x54: {  	_ =	shalt  }
0x55: {  	_ =	shalt  }
0x56: {  	_ =	shalt  }
0x57: {  	_ =	shalt  }
0x58: {  	_ =	shalt  }
0x59: {  	_ =	shalt  }
0x5a: {  	_ =	shalt  }
0x5b: {  	_ =	shalt  }
0x5c: {  	_ =	shalt  }
0x5d: {  	_ =	shalt  }
0x5e: {  	_ =	shalt  }
0x5f: {  	_ =	shalt  }
0x60: {  	_ =	shalt  }
0x61: {  	_ =	shalt  }
0x62: {  	_ =	shalt  }
0x63: {  	_ =	shalt  }
0x64: {  	_ =	shalt  }
0x65: {  	_ =	shalt  }
0x66: {  	_ =	shalt  }
0x67: {  	_ =	shalt  }
0x68: {  	_ =	shalt  }
0x69: {  	_ =	shalt  }
0x6a: {  	_ =	shalt  }
0x6b: {  	_ =	shalt  }
0x6c: {  	_ =	shalt  }
0x6d: {  	_ =	shalt  }
0x6e: {  	_ =	shalt  }
0x6f: {  	_ =	shalt  }
0x70: {  	_ =	shalt  }
0x71: {  	_ =	shalt  }
0x72: {  	_ =	shalt  }
0x73: {  	_ =	shalt  }
0x74: {  	_ =	shalt  }
0x75: {  	_ =	shalt  }
0x76: {  	_ =	shalt  }
0x77: {  	_ =	shalt  }
0x78: {  	_ =	shalt  }
0x79: {  	_ =	shalt  }
0x7a: {  	_ =	shalt  }
0x7b: {  	_ =	shalt  }
0x7c: {  	_ =	shalt  }
0x7d: {  	_ =	shalt  }
0x7e: {  	_ =	shalt  }
0x7f: {  	_ =	shalt  }
0x80: {  	_ =	shalt  }
0x81: {  	_ =	shalt  }
0x82: {  	_ =	shalt  }
0x83: {  	_ =	shalt  }
0x84: {  	_ =	shalt  }
0x85: {  	_ =	shalt  }
0x86: {  	_ =	shalt  }
0x87: {  	_ =	shalt  }
.Lfunc_end0:
.L_simem_size_0:
called_computation_lowered:
.L_overlay_start_0:
0x88: {  	s2 =	sld [smem:$0x3FD9]  }
0x89: {  	s3 =	sld [smem:$0x3FFE];
	_ =	sdelay $0x1  }
0x8a: {  	s1 =	srdreg.scid  }
0x8b: {  	s0 =	sand.u32 $0x1, s1  }
0x8c: {  	s16 =	sshll.u32 s0, $0xA;
	s2 =	sadd.s32 s3, s2  }
0x8d: {  	s2 =	sadd.s32 s2, s16  }
0x8e: {  	[smem:$0x3FBB] =	sst s2  }
0x8f: {  	_ = 	snop  }
0x90: {  	(tm) =	ssettm $0x1  }
0x91: {  	s17 =	sld [smem:$0x3FFB];
	_ =	sdelay $0x3  }
0x92: {  	_ =	strace s17  }
0x93: {  	s2 =	sld [smem:$0x3FFC];
	_ =	sdelay $0x3  }
0x94: {  	_ =	strace s2  }
0x95: {  	s2 =	sld [smem:$0x3FFD];
	_ =	sdelay $0x3  }
0x96: {  	_ =	strace s2  }
0x97: {  	_ =	strace $0x8FFFFFFF  }
0x98: {  	s18 =	sld [smem:$0x3FDB];
	_ =	sdelay $0x1  }
0x99: {  	s19 =	simm.s32 $_scs_section_size  }
0x9a: {  	s4 =	simm.s32 $_size__tile_overlayer_lowered;
	s5 =	simm.s32 $_tile_overlayer_lowered  }
0x9b: {  	s22 =	simm.s32 $0x1BFF;
	s21 =	sshll.u32 s5, $0x1;
	s2 =	sadd.s32 s19, s18  }
0x9c: {  	s6 =	simm.s32 $0x0;
	s20 =	sshll.u32 s4, $0x1;
	s4 =	sadd.s32 s21, s2  }
0x9d: {  	[timem:s6], [sflag:s22] =	dma.local [hbm:s4], s20  }
0x9e: {  	_ =	swait.ge [sflag:s22], s20  }
0x9f: {  	s3 =	ssub.s32 $0x0, s20;
	[sflag:s22] =	ssyncset.done $0x0  }
0xa0: {  	[sflag:s22] =	ssyncadd.s32 s3;
	_ =	sdelay $0x1  }
0xa1: {  	s23 =	simm.s32 $0x1B8B  }
0xa2: {  	_ =	swait.ge [sflag:s23], $0x1  }
0xa3: {  	[sflag:s23] =	ssyncset.done $0x0  }
0xa4: {  	s25 =	simm.s32 $0x1B8E;
	s24 =	sld [smem:$0x3FFE];
	[sflag:s23] =	ssyncadd.s32 $0xFFFFFFFF  }
0xa5: {  	s26 =	simm.s32 $execute0_lowered;
	[smem:$0x3FD2] =	sst s25  }
0xa6: {  	s4 =	sshll.u32 s26, $0x1;
	_ =	strace $0x80000046;
	[dreg:$0x1] =	wrdreg $0xFFFFFFFF  }
0xa7: {  	s28 =	simm.s32 $_size_execute0_lowered;
	s2 =	sadd.s32 s2, s4;
	[dreg:$0x0] =	wrdreg $0x0  }
0xa8: {  	s4 =	sshll.u32 s28, $0x1;
	[dreg:$0x2] =	wrdreg s2  }
0xa9: {  	[dreg:$0x3] =	wrdreg s4  }
0xaa: {  	[dreg:$0x4] =	wrdreg $0xC0  }
0xab: {  	_ =	task [dreg:s6], $0x5FFFF  }
0xac: {  	[dreg:$0x1] =	wrdreg $0xFFFFFFFF  }
0xad: {  	[dreg:$0x0] =	wrdreg $0x60  }
0xae: {  	[dreg:$0x2] =	wrdreg s24  }
0xaf: {  	[dreg:$0x3] =	wrdreg $0x9  }
0xb0: {  	_ =	task.clear_ibuf [dreg:s6], $0x4FFFF;
	_ =	strace $0x90000046  }
0xb1: {  	s29 =	simm.s32 $0x9;
	_ =	strace $0x80000048  }
0xb2: {  	_ =	swait.ge [sflag:s29], $0x1  }
0xb3: {  	[sflag:s29] =	ssyncadd.s32 $0xFFFFFFFF  }
0xb4: {  	_ =	strace $0x90000048  }
0xb5: {  	_ =	sfence  }
0xb6: {  	s30 =	sld [smem:$0x0];
	_ =	sdelay $0x2  }
0xb7: {  	s31 =	sshll.u32 s1, $0xD;
	s1 =	sshrl.u32 s1, $0x2  }
0xb8: {  	s3 =	sand.u32 $0x4000, s31;
	s1 =	sadd.s32 s1, s30  }
0xb9: {  	s0 =	sor.u32 s3, s0;
	s1 =	sshll.u32 s1, $0x11  }
0xba: {  	s0 =	sor.u32 s1, s0  }
0xbb: {  	s0 =	sadd.s32 $0x8F2B, s0  }
0xbc: {  	[sflag:s0] =	ssyncadd.remote.s32 $0x1  }
0xbd: {  	_ =	sfence.sel $0xFFFF  }
0xbe: {  	[dreg:$0x0] =	wrdreg $0xFFFFFFFF;
	(pc) =	sbr.abs _section_cstart, $3  }
0xbf: {  	[dreg:$0x1] =	wrdreg $0xFFFFFFFF  }
0xc0: {  	_ =	task.clear_ibuf [dreg:s6], $0x2FFFF;
	_ =	strace $0x9FFFFFFF  }
0xc1: {  	(tm) =	ssettm $0x7FFFFFFF  }
tec
execute0_lowered:
.L_overlay_start_1:
0x0: {  	(tag) =	ssettag $0x1  }
0x1: {  	s1 =	srdreg.scid  }
0x2: {  	s0 =	stileid.u32;
	s4 =	rddreg [dreg:$0x0];
	s3 =	sand.u32 $0x1, s1  }
0x3: {  	s2 =	simm.s32 $0x0;
	s5 =	sshll.u32 s0, $0x9;
	s6 =	sshll.u32 s3, $0x8  }
0x4: {  	s1 =	rddreg [dreg:$0x1];
	s3 =	ssub.s32 $0x2, s3;
	s5 =	sor.u32 s6, s5  }
0x5: {  	v0 =	vlaneseq.u32;
	[smem:$0x7FF] =	sst s2;
	s31 =	sshrl.u32 s3, $0x1;
	s4 =	sadd.s32 s5, s4  }
0x6: {  	v4 =	vmul.u32 $0xFFFFFFFF, v0;
	_ =	strace $0x80000047;
	s3 =	ssub.s32 s3, s31;
	s5 =	sadd.s32 $0x32800, s4  }
0x7: {  	v5 =	vimm.f32 $-1.000000020e+30;
	v1 =	vor.u32 $0x10, v0;
	s4 =	sadd.s32 $0x34800, s4;
	s3 =	smax.u32 s3, $0x1;
	[dreg:$0x2] =	wrdreg s5  }
0x8: {  	v2 =	vor.u32 $0x20, v0;
	v3 =	vor.u32 $0x30, v0;
	v4 =	vadd.s32 $0xF, v4;
	[dreg:$0x3] =	wrdreg s4;
	s4 =	simm.s32 $0x1;
	s5 =	simm.s32 $0x800  }
.LBB2_1:
0x9: {  	s6 =	rddreg [dreg:$0x2]  }
0xa: {  	[tilespmem:s2], [sflag:$0x1] =	stream.linear.gather [hbm4b:s6+s2], $0x800, $0x38;
	[tilespmem:$0x1000] =	vst v63  }
0xb: {  	_ =	swait.ge [sflag:s4], $0x800  }
0xc: {  	[sflag:s4] =	ssyncset.done $0x0  }
0xd: {  	[sflag:s4] =	ssyncadd.s32 $0xFFFFF800  }
0xe: {  	v6 =	vld [tilespmem:$0x0]  }
0xf: {  	v7 =	vld [tilespmem:$0x10]  }
0x10: {  	v8 =	vld [tilespmem:$0x20]  }
0x11: {  	v9 =	vld [tilespmem:$0x30];
	_ =	sdelay $0x1  }
0x12: {  	(xrf1) =	vsort.ascd.msk.f32 $0xffff, v6, v0  }
0x13: {  	(xrf1) =	vsort.ascd.msk.f32 $0xffff, v7, v1  }
0x14: {  	(xrf1) =	vsort.ascd.msk.f32 $0xffff, v8, v2  }
0x15: {  	(xrf1) =	vsort.ascd.msk.f32 $0xffff, v9, v3;
	_ =	sdelay $0xa  }
0x16: {  	v6, v7, _ =	vpop (xrf1)  }
0x17: {  	v37, v38, _ =	vpop (xrf1)  }
0x18: {  	v8 =	vperm.xlane v37, v4;
	v10, v11, _ =	vpop (xrf1)  }
0x19: {  	v9 =	vperm.xlane v38, v4;
	v12, v13, _ =	vpop (xrf1)  }
0x1a: {  	vm0 =	vle.f32 v6, v8;
	v12 =	vperm.xlane v12, v4;
	v39 =	vperm.xlane v13, v4  }
0x1b: {  	v14 =	vsel vm0, v6, v8;
	v15 =	vsel vm0, v7, v9;
	v6 =	vsel vm0, v8, v6  }
0x1c: {  	v7 =	vsel vm0, v9, v7;
	vm15 =	vle.f32 v10, v12;
	(xrf1) =	vsort.ascd.msk.f32 $0xffff, v14, v15  }
0x1d: {  	v40 =	vsel vm15, v10, v12;
	v13 =	vsel vm15, v11, v39;
	(xrf1) =	vsort.ascd.msk.f32 $0xffff, v6, v7  }
0x1e: {  	v6 =	vsel vm15, v12, v10;
	v7 =	vsel vm15, v39, v11;
	(xrf1) =	vsort.ascd.msk.f32 $0xffff, v40, v13  }
0x1f: {  	(xrf1) =	vsort.ascd.msk.f32 $0xffff, v6, v7;
	_ =	sdelay $0xa  }
0x20: {  	v6, v7, _ =	vpop (xrf1)  }
0x21: {  	v41, v42, _ =	vpop (xrf1)  }
0x22: {  	v43, v44, _ =	vpop (xrf1)  }
0x23: {  	v45, v46, _ =	vpop (xrf1)  }
0x24: {  	v10 =	vperm.xlane v43, v4;
	v12 =	vperm.xlane v45, v4  }
0x25: {  	v11 =	vperm.xlane v44, v4  }
0x26: {  	v13 =	vperm.xlane v46, v4;
	vm1 =	vle.f32 v41, v10;
	vm4 =	vle.f32 v6, v12  }
0x27: {  	v48 =	vsel vm1, v41, v10;
	v47 =	vsel vm4, v6, v12  }
0x28: {  	v17 =	vsel vm1, v42, v11;
	v16 =	vsel vm4, v7, v13;
	vm2 =	vle.f32 v47, v48  }
0x29: {  	v18 =	vsel vm2, v47, v48;
	v19 =	vsel vm2, v16, v17  }
0x2a: {  	v8 =	vsel vm1, v10, v41;
	v9 =	vsel vm1, v11, v42;
	(xrf1) =	vsort.ascd.msk.f32 $0xffff, v18, v19  }
0x2b: {  	v6 =	vsel vm4, v12, v6;
	v49 =	vsel vm2, v48, v47;
	v50 =	vsel vm2, v17, v16  }
0x2c: {  	v7 =	vsel vm4, v13, v7;
	vm5 =	vle.f32 v6, v8;
	(xrf1) =	vsort.ascd.msk.f32 $0xffff, v49, v50  }
0x2d: {  	v51 =	vsel vm5, v6, v8;
	v11 =	vsel vm5, v7, v9  }
0x2e: {  	(xrf1) =	vsort.ascd.msk.f32 $0xffff, v51, v11;
	_ =	sdelay $0x9  }
0x2f: {  	v10, v11, _ =	vpop (xrf1)  }
0x30: {  	(xrf2) =	vadd.scan.msk.f32 $0xffff, v10  }
0x31: {  	v52, v12, _ =	vpop (xrf1)  }
0x32: {  	(xrf2) =	vadd.scan.msk.f32 $0xffff, v52  }
0x33: {  	v54, v53, _ =	vpop (xrf1)  }
0x34: {  	(xrf2) =	vadd.scan.msk.f32 $0xffff, v54;
	_ =	sdelay $0x1  }
0x35: {  	v6 =	vsel vm5, v8, v6;
	v7 =	vsel vm5, v9, v7  }
0x36: {  	(xrf1) =	vsort.ascd.msk.f32 $0xffff, v6, v7;
	_ =	sdelay $0x2  }
0x37: {  	v6, _, _ =	vpop (xrf2)  }
0x38: {  	(v2sf) =	vpush v6, $0xF  }
0x39: {  	v7, _, _ =	vpop (xrf2)  }
0x3a: {  	(v2sf) =	vpush v7, $0xF  }
0x3b: {  	v55, _, _ =	vpop (xrf2)  }
0x3c: {  	(v2sf) =	vpush v55, $0xF;
	_ =	sdelay $0x5  }
0x3d: {  	v57, v56, _ =	vpop (xrf1)  }
0x3e: {  	(xrf2) =	vadd.scan.msk.f32 $0xffff, v57;
	_ =	sdelay $0x3  }
0x3f: {  	s13 =	spop (v2sf)  }
0x40: {  	s6 =	sadd.f32 $0.0e+00, s13  }
0x41: {  	s7 =	spop (v2sf)  }
0x42: {  	s7 =	sadd.f32 s6, s7  }
0x43: {  	s8 =	spop (v2sf)  }
0x44: {  	v7 =	vadd.f32 s6, v7;
	s14 =	sadd.f32 s7, s8  }
0x45: {  	vm6 =	vge.f32 v6, $1.000000010e-01;
	v58, _, _ =	vpop (xrf2);
	v6 =	vadd.f32 s7, v55  }
0x46: {  	v59 =	vsel vm6, $0x0, v5;
	vm7 =	vge.f32 v7, $1.000000010e-01;
	v7 =	vadd.f32 s14, v58  }
0x47: {  	[tilespmem:v11+s5+$0x0] =	vst.idx.msk $0xffff, v59;
	v60 =	vsel vm7, $0x0, v5;
	vm8 =	vge.f32 v6, $1.000000010e-01  }
0x48: {  	[tilespmem:v12+s5+$0x0] =	vst.idx.msk $0xffff, v60;
	v6 =	vsel vm8, $0x0, v5;
	vm9 =	vge.f32 v7, $1.000000010e-01  }
0x49: {  	[tilespmem:v53+s5+$0x0] =	vst.idx.msk $0xffff, v6;
	v6 =	vsel vm9, $0x0, v5  }
0x4a: {  	[tilespmem:v56+s5+$0x0] =	vst.idx.msk $0xffff, v6  }
0x4b: {  	v6 =	vld [tilespmem:$0x80]  }
0x4c: {  	v7 =	vld [tilespmem:$0x90]  }
0x4d: {  	v8 =	vld [tilespmem:$0xA0]  }
0x4e: {  	v9 =	vld [tilespmem:$0xB0];
	_ =	sdelay $0x1  }
0x4f: {  	(xrf1) =	vsort.ascd.msk.f32 $0xffff, v6, v0  }
0x50: {  	(xrf1) =	vsort.ascd.msk.f32 $0xffff, v7, v1  }
0x51: {  	(xrf1) =	vsort.ascd.msk.f32 $0xffff, v8, v2  }
0x52: {  	(xrf1) =	vsort.ascd.msk.f32 $0xffff, v9, v3;
	_ =	sdelay $0xa  }
0x53: {  	v6, v7, _ =	vpop (xrf1)  }
0x54: {  	v61, v62, _ =	vpop (xrf1)  }
0x55: {  	v8 =	vperm.xlane v61, v4;
	v18, v63, _ =	vpop (xrf1)  }
0x56: {  	v9 =	vperm.xlane v62, v4;
	v19, v20, _ =	vpop (xrf1)  }
0x57: {  	vm10 =	vle.f32 v6, v8;
	v12 =	vperm.xlane v19, v4;
	v23 =	vperm.xlane v20, v4  }
0x58: {  	v21 =	vsel vm10, v6, v8;
	v22 =	vsel vm10, v7, v9;
	v6 =	vsel vm10, v8, v6  }
0x59: {  	v7 =	vsel vm10, v9, v7;
	vm11 =	vle.f32 v18, v12;
	(xrf1) =	vsort.ascd.msk.f32 $0xffff, v21, v22  }
0x5a: {  	v24 =	vsel vm11, v18, v12;
	v13 =	vsel vm11, v63, v23;
	(xrf1) =	vsort.ascd.msk.f32 $0xffff, v6, v7  }
0x5b: {  	v6 =	vsel vm11, v12, v18;
	v7 =	vsel vm11, v23, v63;
	(xrf1) =	vsort.ascd.msk.f32 $0xffff, v24, v13  }
0x5c: {  	(xrf1) =	vsort.ascd.msk.f32 $0xffff, v6, v7;
	_ =	sdelay $0xa  }
0x5d: {  	v6, v7, _ =	vpop (xrf1)  }
0x5e: {  	v25, v26, _ =	vpop (xrf1)  }
0x5f: {  	v27, v28, _ =	vpop (xrf1)  }
0x60: {  	v29, v30, _ =	vpop (xrf1)  }
0x61: {  	v10 =	vperm.xlane v27, v4;
	v12 =	vperm.xlane v29, v4  }
0x62: {  	v11 =	vperm.xlane v28, v4  }
0x63: {  	v13 =	vperm.xlane v30, v4;
	vm13 =	vle.f32 v25, v10;
	vm12 =	vle.f32 v6, v12  }
0x64: {  	v32 =	vsel vm13, v25, v10;
	v31 =	vsel vm12, v6, v12  }
0x65: {  	v34 =	vsel vm13, v26, v11;
	v33 =	vsel vm12, v7, v13;
	vm14 =	vle.f32 v31, v32  }
0x66: {  	v35 =	vsel vm14, v31, v32;
	v36 =	vsel vm14, v33, v34  }
0x67: {  	v8 =	vsel vm13, v10, v25;
	v9 =	vsel vm13, v11, v26;
	(xrf1) =	vsort.ascd.msk.f32 $0xffff, v35, v36  }
0x68: {  	v6 =	vsel vm12, v12, v6;
	v37 =	vsel vm14, v32, v31;
	v38 =	vsel vm14, v34, v33  }
0x69: {  	v7 =	vsel vm12, v13, v7;
	vm15 =	vle.f32 v6, v8;
	(xrf1) =	vsort.ascd.msk.f32 $0xffff, v37, v38  }
0x6a: {  	v39 =	vsel vm15, v6, v8;
	v11 =	vsel vm15, v7, v9  }
0x6b: {  	(xrf1) =	vsort.ascd.msk.f32 $0xffff, v39, v11;
	_ =	sdelay $0x9  }
0x6c: {  	v10, v11, _ =	vpop (xrf1)  }
0x6d: {  	(xrf2) =	vadd.scan.msk.f32 $0xffff, v10  }
0x6e: {  	v40, v12, _ =	vpop (xrf1)  }
0x6f: {  	(xrf2) =	vadd.scan.msk.f32 $0xffff, v40  }
0x70: {  	v42, v41, _ =	vpop (xrf1)  }
0x71: {  	(xrf2) =	vadd.scan.msk.f32 $0xffff, v42;
	_ =	sdelay $0x1  }
0x72: {  	v6 =	vsel vm15, v8, v6;
	v7 =	vsel vm15, v9, v7  }
0x73: {  	(xrf1) =	vsort.ascd.msk.f32 $0xffff, v6, v7;
	_ =	sdelay $0x2  }
0x74: {  	v6, _, _ =	vpop (xrf2)  }
0x75: {  	(v2sf) =	vpush v6, $0xF  }
0x76: {  	v7, _, _ =	vpop (xrf2)  }
0x77: {  	(v2sf) =	vpush v7, $0xF  }
0x78: {  	v43, _, _ =	vpop (xrf2)  }
0x79: {  	(v2sf) =	vpush v43, $0xF;
	_ =	sdelay $0x5  }
0x7a: {  	v45, v44, _ =	vpop (xrf1)  }
0x7b: {  	(xrf2) =	vadd.scan.msk.f32 $0xffff, v45;
	_ =	sdelay $0x3  }
0x7c: {  	s15 =	spop (v2sf)  }
0x7d: {  	s6 =	sadd.f32 $0.0e+00, s15  }
0x7e: {  	s16 =	spop (v2sf)  }
0x7f: {  	v46 =	vadd.s32 $0x80, v11;
	s7 =	sadd.f32 s6, s16  }
0x80: {  	v47 =	vadd.s32 $0x80, v12;
	s17 =	spop (v2sf)  }
0x81: {  	v48 =	vadd.s32 $0x80, v41;
	v7 =	vadd.f32 s6, v7;
	s18 =	sadd.f32 s7, s17  }
0x82: {  	vm4 =	vge.f32 v6, $1.000000010e-01;
	v10 =	vadd.s32 $0x80, v44;
	v49, _, _ =	vpop (xrf2);
	v6 =	vadd.f32 s7, v43  }
0x83: {  	v50 =	vsel vm4, $0x0, v5;
	vm5 =	vge.f32 v7, $1.000000010e-01;
	v7 =	vadd.f32 s18, v49  }
0x84: {  	[tilespmem:v46+s5+$0x0] =	vst.idx.msk $0xffff, v50;
	v51 =	vsel vm5, $0x0, v5;
	vm6 =	vge.f32 v6, $1.000000010e-01  }
0x85: {  	[tilespmem:v47+s5+$0x0] =	vst.idx.msk $0xffff, v51;
	v6 =	vsel vm6, $0x0, v5;
	vm7 =	vge.f32 v7, $1.000000010e-01  }
0x86: {  	[tilespmem:v48+s5+$0x0] =	vst.idx.msk $0xffff, v6;
	v6 =	vsel vm7, $0x0, v5  }
0x87: {  	[tilespmem:v10+s5+$0x0] =	vst.idx.msk $0xffff, v6  }
0x88: {  	v6 =	vld [tilespmem:$0x100]  }
0x89: {  	v7 =	vld [tilespmem:$0x110]  }
0x8a: {  	v8 =	vld [tilespmem:$0x120]  }
0x8b: {  	v9 =	vld [tilespmem:$0x130];
	_ =	sdelay $0x1  }
0x8c: {  	(xrf1) =	vsort.ascd.msk.f32 $0xffff, v6, v0  }
0x8d: {  	(xrf1) =	vsort.ascd.msk.f32 $0xffff, v7, v1  }
0x8e: {  	(xrf1) =	vsort.ascd.msk.f32 $0xffff, v8, v2  }
0x8f: {  	(xrf1) =	vsort.ascd.msk.f32 $0xffff, v9, v3;
	_ =	sdelay $0xa  }
0x90: {  	v6, v7, _ =	vpop (xrf1)  }
0x91: {  	v52, v53, _ =	vpop (xrf1)  }
0x92: {  	v8 =	vperm.xlane v52, v4;
	v55, v54, _ =	vpop (xrf1)  }
0x93: {  	v9 =	vperm.xlane v53, v4;
	v57, v56, _ =	vpop (xrf1)  }
0x94: {  	vm8 =	vle.f32 v6, v8;
	v12 =	vperm.xlane v57, v4;
	v60 =	vperm.xlane v56, v4  }
0x95: {  	v58 =	vsel vm8, v6, v8;
	v59 =	vsel vm8, v7, v9;
	v6 =	vsel vm8, v8, v6  }
0x96: {  	v7 =	vsel vm8, v9, v7;
	vm9 =	vle.f32 v55, v12;
	(xrf1) =	vsort.ascd.msk.f32 $0xffff, v58, v59  }
0x97: {  	v61 =	vsel vm9, v55, v12;
	v13 =	vsel vm9, v54, v60;
	(xrf1) =	vsort.ascd.msk.f32 $0xffff, v6, v7  }
0x98: {  	v6 =	vsel vm9, v12, v55;
	v7 =	vsel vm9, v60, v54;
	(xrf1) =	vsort.ascd.msk.f32 $0xffff, v61, v13  }
0x99: {  	(xrf1) =	vsort.ascd.msk.f32 $0xffff, v6, v7;
	_ =	sdelay $0xa  }
0x9a: {  	v6, v7, _ =	vpop (xrf1)  }
0x9b: {  	v62, v63, _ =	vpop (xrf1)  }
0x9c: {  	v18, v19, _ =	vpop (xrf1)  }
0x9d: {  	v20, v21, _ =	vpop (xrf1)  }
0x9e: {  	v10 =	vperm.xlane v18, v4;
	v12 =	vperm.xlane v20, v4  }
0x9f: {  	v11 =	vperm.xlane v19, v4  }
0xa0: {  	v13 =	vperm.xlane v21, v4;
	vm11 =	vle.f32 v62, v10;
	vm10 =	vle.f32 v6, v12  }
0xa1: {  	v23 =	vsel vm11, v62, v10;
	v22 =	vsel vm10, v6, v12  }
0xa2: {  	v25 =	vsel vm11, v63, v11;
	v24 =	vsel vm10, v7, v13;
	vm12 =	vle.f32 v22, v23  }
0xa3: {  	v26 =	vsel vm12, v22, v23;
	v27 =	vsel vm12, v24, v25  }
0xa4: {  	v8 =	vsel vm11, v10, v62;
	v9 =	vsel vm11, v11, v63;
	(xrf1) =	vsort.ascd.msk.f32 $0xffff, v26, v27  }
0xa5: {  	v6 =	vsel vm10, v12, v6;
	v28 =	vsel vm12, v23, v22;
	v29 =	vsel vm12, v25, v24  }
0xa6: {  	v7 =	vsel vm10, v13, v7;
	vm13 =	vle.f32 v6, v8;
	(xrf1) =	vsort.ascd.msk.f32 $0xffff, v28, v29  }
0xa7: {  	v30 =	vsel vm13, v6, v8;
	v11 =	vsel vm13, v7, v9  }
0xa8: {  	(xrf1) =	vsort.ascd.msk.f32 $0xffff, v30, v11;
	_ =	sdelay $0x9  }
0xa9: {  	v10, v11, _ =	vpop (xrf1)  }
0xaa: {  	(xrf2) =	vadd.scan.msk.f32 $0xffff, v10  }
0xab: {  	v31, v12, _ =	vpop (xrf1)  }
0xac: {  	(xrf2) =	vadd.scan.msk.f32 $0xffff, v31  }
0xad: {  	v33, v32, _ =	vpop (xrf1)  }
0xae: {  	(xrf2) =	vadd.scan.msk.f32 $0xffff, v33;
	_ =	sdelay $0x1  }
0xaf: {  	v6 =	vsel vm13, v8, v6;
	v7 =	vsel vm13, v9, v7  }
0xb0: {  	(xrf1) =	vsort.ascd.msk.f32 $0xffff, v6, v7;
	_ =	sdelay $0x2  }
0xb1: {  	v6, _, _ =	vpop (xrf2)  }
0xb2: {  	(v2sf) =	vpush v6, $0xF  }
0xb3: {  	v7, _, _ =	vpop (xrf2)  }
0xb4: {  	(v2sf) =	vpush v7, $0xF  }
0xb5: {  	v34, _, _ =	vpop (xrf2)  }
0xb6: {  	(v2sf) =	vpush v34, $0xF;
	_ =	sdelay $0x5  }
0xb7: {  	v36, v35, _ =	vpop (xrf1)  }
0xb8: {  	(xrf2) =	vadd.scan.msk.f32 $0xffff, v36;
	_ =	sdelay $0x3  }
0xb9: {  	s19 =	spop (v2sf)  }
0xba: {  	s6 =	sadd.f32 $0.0e+00, s19  }
0xbb: {  	s20 =	spop (v2sf)  }
0xbc: {  	v37 =	vadd.s32 $0x100, v11;
	s7 =	sadd.f32 s6, s20  }
0xbd: {  	v38 =	vadd.s32 $0x100, v12;
	s21 =	spop (v2sf)  }
0xbe: {  	v39 =	vadd.s32 $0x100, v32;
	v7 =	vadd.f32 s6, v7;
	s22 =	sadd.f32 s7, s21  }
0xbf: {  	vm14 =	vge.f32 v6, $1.000000010e-01;
	v10 =	vadd.s32 $0x100, v35;
	v40, _, _ =	vpop (xrf2);
	v6 =	vadd.f32 s7, v34  }
0xc0: {  	v41 =	vsel vm14, $0x0, v5;
	vm15 =	vge.f32 v7, $1.000000010e-01;
	v7 =	vadd.f32 s22, v40  }
0xc1: {  	[tilespmem:v37+s5+$0x0] =	vst.idx.msk $0xffff, v41;
	v42 =	vsel vm15, $0x0, v5;
	vm4 =	vge.f32 v6, $1.000000010e-01  }
0xc2: {  	[tilespmem:v38+s5+$0x0] =	vst.idx.msk $0xffff, v42;
	v6 =	vsel vm4, $0x0, v5;
	vm5 =	vge.f32 v7, $1.000000010e-01  }
0xc3: {  	[tilespmem:v39+s5+$0x0] =	vst.idx.msk $0xffff, v6;
	v6 =	vsel vm5, $0x0, v5  }
0xc4: {  	[tilespmem:v10+s5+$0x0] =	vst.idx.msk $0xffff, v6  }
0xc5: {  	v6 =	vld [tilespmem:$0x180]  }
0xc6: {  	v7 =	vld [tilespmem:$0x190]  }
0xc7: {  	v8 =	vld [tilespmem:$0x1A0]  }
0xc8: {  	v9 =	vld [tilespmem:$0x1B0];
	_ =	sdelay $0x1  }
0xc9: {  	(xrf1) =	vsort.ascd.msk.f32 $0xffff, v6, v0  }
0xca: {  	(xrf1) =	vsort.ascd.msk.f32 $0xffff, v7, v1  }
0xcb: {  	(xrf1) =	vsort.ascd.msk.f32 $0xffff, v8, v2  }
0xcc: {  	(xrf1) =	vsort.ascd.msk.f32 $0xffff, v9, v3;
	_ =	sdelay $0xa  }
0xcd: {  	v6, v7, _ =	vpop (xrf1)  }
0xce: {  	v43, v44, _ =	vpop (xrf1)  }
0xcf: {  	v8 =	vperm.xlane v43, v4;
	v46, v45, _ =	vpop (xrf1)  }
0xd0: {  	v9 =	vperm.xlane v44, v4;
	v48, v47, _ =	vpop (xrf1)  }
0xd1: {  	vm6 =	vle.f32 v6, v8;
	v12 =	vperm.xlane v48, v4;
	v51 =	vperm.xlane v47, v4  }
0xd2: {  	v49 =	vsel vm6, v6, v8;
	v50 =	vsel vm6, v7, v9;
	v6 =	vsel vm6, v8, v6  }
0xd3: {  	v7 =	vsel vm6, v9, v7;
	vm7 =	vle.f32 v46, v12;
	(xrf1) =	vsort.ascd.msk.f32 $0xffff, v49, v50  }
0xd4: {  	v52 =	vsel vm7, v46, v12;
	v13 =	vsel vm7, v45, v51;
	(xrf1) =	vsort.ascd.msk.f32 $0xffff, v6, v7  }
0xd5: {  	v6 =	vsel vm7, v12, v46;
	v7 =	vsel vm7, v51, v45;
	(xrf1) =	vsort.ascd.msk.f32 $0xffff, v52, v13  }
0xd6: {  	(xrf1) =	vsort.ascd.msk.f32 $0xffff, v6, v7;
	_ =	sdelay $0xa  }
0xd7: {  	v6, v7, _ =	vpop (xrf1)  }
0xd8: {  	v53, v54, _ =	vpop (xrf1)  }
0xd9: {  	v55, v56, _ =	vpop (xrf1)  }
0xda: {  	v57, v58, _ =	vpop (xrf1)  }
0xdb: {  	v10 =	vperm.xlane v55, v4;
	v12 =	vperm.xlane v57, v4  }
0xdc: {  	v11 =	vperm.xlane v56, v4  }
0xdd: {  	v13 =	vperm.xlane v58, v4;
	vm9 =	vle.f32 v53, v10;
	vm8 =	vle.f32 v6, v12  }
0xde: {  	v60 =	vsel vm9, v53, v10;
	v59 =	vsel vm8, v6, v12  }
0xdf: {  	v62 =	vsel vm9, v54, v11;
	v61 =	vsel vm8, v7, v13;
	vm10 =	vle.f32 v59, v60  }
0xe0: {  	v63 =	vsel vm10, v59, v60;
	v21 =	vsel vm10, v61, v62  }
0xe1: {  	v8 =	vsel vm9, v10, v53;
	v9 =	vsel vm9, v11, v54;
	(xrf1) =	vsort.ascd.msk.f32 $0xffff, v63, v21  }
0xe2: {  	v6 =	vsel vm8, v12, v6;
	v22 =	vsel vm10, v60, v59;
	v23 =	vsel vm10, v62, v61  }
0xe3: {  	v7 =	vsel vm8, v13, v7;
	vm11 =	vle.f32 v6, v8;
	(xrf1) =	vsort.ascd.msk.f32 $0xffff, v22, v23  }
0xe4: {  	v24 =	vsel vm11, v6, v8;
	v11 =	vsel vm11, v7, v9  }
0xe5: {  	(xrf1) =	vsort.ascd.msk.f32 $0xffff, v24, v11;
	_ =	sdelay $0x9  }
0xe6: {  	v10, v11, _ =	vpop (xrf1)  }
0xe7: {  	(xrf2) =	vadd.scan.msk.f32 $0xffff, v10  }
0xe8: {  	v25, v12, _ =	vpop (xrf1)  }
0xe9: {  	(xrf2) =	vadd.scan.msk.f32 $0xffff, v25  }
0xea: {  	v27, v26, _ =	vpop (xrf1)  }
0xeb: {  	(xrf2) =	vadd.scan.msk.f32 $0xffff, v27;
	_ =	sdelay $0x1  }
0xec: {  	v6 =	vsel vm11, v8, v6;
	v7 =	vsel vm11, v9, v7  }
0xed: {  	(xrf1) =	vsort.ascd.msk.f32 $0xffff, v6, v7;
	_ =	sdelay $0x2  }
0xee: {  	v6, _, _ =	vpop (xrf2)  }
0xef: {  	(v2sf) =	vpush v6, $0xF  }
0xf0: {  	v7, _, _ =	vpop (xrf2)  }
0xf1: {  	(v2sf) =	vpush v7, $0xF  }
0xf2: {  	v28, _, _ =	vpop (xrf2)  }
0xf3: {  	(v2sf) =	vpush v28, $0xF;
	_ =	sdelay $0x5  }
0xf4: {  	v30, v29, _ =	vpop (xrf1)  }
0xf5: {  	(xrf2) =	vadd.scan.msk.f32 $0xffff, v30;
	_ =	sdelay $0x3  }
0xf6: {  	s23 =	spop (v2sf)  }
0xf7: {  	s6 =	sadd.f32 $0.0e+00, s23  }
0xf8: {  	s24 =	spop (v2sf)  }
0xf9: {  	v31 =	vadd.s32 $0x180, v11;
	s7 =	sadd.f32 s6, s24  }
0xfa: {  	v32 =	vadd.s32 $0x180, v12;
	s25 =	spop (v2sf)  }
0xfb: {  	v33 =	vadd.s32 $0x180, v26;
	v7 =	vadd.f32 s6, v7;
	s26 =	sadd.f32 s7, s25  }
0xfc: {  	vm12 =	vge.f32 v6, $1.000000010e-01;
	v10 =	vadd.s32 $0x180, v29;
	v34, _, _ =	vpop (xrf2);
	v6 =	vadd.f32 s7, v28  }
0xfd: {  	v35 =	vsel vm12, $0x0, v5;
	vm13 =	vge.f32 v7, $1.000000010e-01;
	v7 =	vadd.f32 s26, v34  }
0xfe: {  	[tilespmem:v31+s5+$0x0] =	vst.idx.msk $0xffff, v35;
	v36 =	vsel vm13, $0x0, v5;
	vm14 =	vge.f32 v6, $1.000000010e-01  }
0xff: {  	[tilespmem:v32+s5+$0x0] =	vst.idx.msk $0xffff, v36;
	v6 =	vsel vm14, $0x0, v5;
	vm15 =	vge.f32 v7, $1.000000010e-01  }
0x100: {  	[tilespmem:v33+s5+$0x0] =	vst.idx.msk $0xffff, v6;
	v6 =	vsel vm15, $0x0, v5  }
0x101: {  	[tilespmem:v10+s5+$0x0] =	vst.idx.msk $0xffff, v6  }
0x102: {  	v6 =	vld [tilespmem:$0x200]  }
0x103: {  	v7 =	vld [tilespmem:$0x210]  }
0x104: {  	v8 =	vld [tilespmem:$0x220]  }
0x105: {  	v9 =	vld [tilespmem:$0x230];
	_ =	sdelay $0x1  }
0x106: {  	(xrf1) =	vsort.ascd.msk.f32 $0xffff, v6, v0  }
0x107: {  	(xrf1) =	vsort.ascd.msk.f32 $0xffff, v7, v1  }
0x108: {  	(xrf1) =	vsort.ascd.msk.f32 $0xffff, v8, v2  }
0x109: {  	(xrf1) =	vsort.ascd.msk.f32 $0xffff, v9, v3;
	_ =	sdelay $0xa  }
0x10a: {  	v6, v7, _ =	vpop (xrf1)  }
0x10b: {  	v37, v38, _ =	vpop (xrf1)  }
0x10c: {  	v8 =	vperm.xlane v37, v4;
	v40, v39, _ =	vpop (xrf1)  }
0x10d: {  	v9 =	vperm.xlane v38, v4;
	v42, v41, _ =	vpop (xrf1)  }
0x10e: {  	vm4 =	vle.f32 v6, v8;
	v12 =	vperm.xlane v42, v4;
	v45 =	vperm.xlane v41, v4  }
0x10f: {  	v43 =	vsel vm4, v6, v8;
	v44 =	vsel vm4, v7, v9;
	v6 =	vsel vm4, v8, v6  }
0x110: {  	v7 =	vsel vm4, v9, v7;
	vm5 =	vle.f32 v40, v12;
	(xrf1) =	vsort.ascd.msk.f32 $0xffff, v43, v44  }
0x111: {  	v46 =	vsel vm5, v40, v12;
	v13 =	vsel vm5, v39, v45;
	(xrf1) =	vsort.ascd.msk.f32 $0xffff, v6, v7  }
0x112: {  	v6 =	vsel vm5, v12, v40;
	v7 =	vsel vm5, v45, v39;
	(xrf1) =	vsort.ascd.msk.f32 $0xffff, v46, v13  }
0x113: {  	(xrf1) =	vsort.ascd.msk.f32 $0xffff, v6, v7;
	_ =	sdelay $0xa  }
0x114: {  	v6, v7, _ =	vpop (xrf1)  }
0x115: {  	v47, v48, _ =	vpop (xrf1)  }
0x116: {  	v49, v50, _ =	vpop (xrf1)  }
0x117: {  	v51, v52, _ =	vpop (xrf1)  }
0x118: {  	v10 =	vperm.xlane v49, v4;
	v12 =	vperm.xlane v51, v4  }
0x119: {  	v11 =	vperm.xlane v50, v4  }
0x11a: {  	v13 =	vperm.xlane v52, v4;
	vm7 =	vle.f32 v47, v10;
	vm6 =	vle.f32 v6, v12  }
0x11b: {  	v54 =	vsel vm7, v47, v10;
	v53 =	vsel vm6, v6, v12  }
0x11c: {  	v56 =	vsel vm7, v48, v11;
	v55 =	vsel vm6, v7, v13;
	vm8 =	vle.f32 v53, v54  }
0x11d: {  	v57 =	vsel vm8, v53, v54;
	v58 =	vsel vm8, v55, v56  }
0x11e: {  	v8 =	vsel vm7, v10, v47;
	v9 =	vsel vm7, v11, v48;
	(xrf1) =	vsort.ascd.msk.f32 $0xffff, v57, v58  }
0x11f: {  	v6 =	vsel vm6, v12, v6;
	v59 =	vsel vm8, v54, v53;
	v60 =	vsel vm8, v56, v55  }
0x120: {  	v7 =	vsel vm6, v13, v7;
	vm9 =	vle.f32 v6, v8;
	(xrf1) =	vsort.ascd.msk.f32 $0xffff, v59, v60  }
0x121: {  	v61 =	vsel vm9, v6, v8;
	v11 =	vsel vm9, v7, v9  }
0x122: {  	(xrf1) =	vsort.ascd.msk.f32 $0xffff, v61, v11;
	_ =	sdelay $0x9  }
0x123: {  	v10, v11, _ =	vpop (xrf1)  }
0x124: {  	(xrf2) =	vadd.scan.msk.f32 $0xffff, v10  }
0x125: {  	v62, v12, _ =	vpop (xrf1)  }
0x126: {  	(xrf2) =	vadd.scan.msk.f32 $0xffff, v62  }
0x127: {  	v16, v63, _ =	vpop (xrf1)  }
0x128: {  	(xrf2) =	vadd.scan.msk.f32 $0xffff, v16;
	_ =	sdelay $0x1  }
0x129: {  	v6 =	vsel vm9, v8, v6;
	v7 =	vsel vm9, v9, v7  }
0x12a: {  	(xrf1) =	vsort.ascd.msk.f32 $0xffff, v6, v7;
	_ =	sdelay $0x2  }
0x12b: {  	v6, _, _ =	vpop (xrf2)  }
0x12c: {  	(v2sf) =	vpush v6, $0xF  }
0x12d: {  	v7, _, _ =	vpop (xrf2)  }
0x12e: {  	(v2sf) =	vpush v7, $0xF  }
0x12f: {  	v17, _, _ =	vpop (xrf2)  }
0x130: {  	(v2sf) =	vpush v17, $0xF;
	_ =	sdelay $0x5  }
0x131: {  	v19, v18, _ =	vpop (xrf1)  }
0x132: {  	(xrf2) =	vadd.scan.msk.f32 $0xffff, v19;
	_ =	sdelay $0x3  }
0x133: {  	s28 =	spop (v2sf)  }
0x134: {  	s6 =	sadd.f32 $0.0e+00, s28  }
0x135: {  	s29 =	spop (v2sf)  }
0x136: {  	v20 =	vadd.s32 $0x200, v11;
	s7 =	sadd.f32 s6, s29  }
0x137: {  	v21 =	vadd.s32 $0x200, v12;
	s30 =	spop (v2sf)  }
0x138: {  	v22 =	vadd.s32 $0x200, v63;
	v7 =	vadd.f32 s6, v7;
	s31 =	sadd.f32 s7, s30  }
0x139: {  	vm10 =	vge.f32 v6, $1.000000010e-01;
	v10 =	vadd.s32 $0x200, v18;
	v23, _, _ =	vpop (xrf2);
	v6 =	vadd.f32 s7, v17  }
0x13a: {  	v24 =	vsel vm10, $0x0, v5;
	vm11 =	vge.f32 v7, $1.000000010e-01;
	v7 =	vadd.f32 s31, v23  }
0x13b: {  	[tilespmem:v20+s5+$0x0] =	vst.idx.msk $0xffff, v24;
	v25 =	vsel vm11, $0x0, v5;
	vm12 =	vge.f32 v6, $1.000000010e-01  }
0x13c: {  	[tilespmem:v21+s5+$0x0] =	vst.idx.msk $0xffff, v25;
	v6 =	vsel vm12, $0x0, v5;
	vm13 =	vge.f32 v7, $1.000000010e-01  }
0x13d: {  	[tilespmem:v22+s5+$0x0] =	vst.idx.msk $0xffff, v6;
	v6 =	vsel vm13, $0x0, v5  }
0x13e: {  	[tilespmem:v10+s5+$0x0] =	vst.idx.msk $0xffff, v6  }
0x13f: {  	v6 =	vld [tilespmem:$0x280]  }
0x140: {  	v7 =	vld [tilespmem:$0x290]  }
0x141: {  	v8 =	vld [tilespmem:$0x2A0];
	_ =	sdelay $0x2  }
0x142: {  	(xrf1) =	vsort.ascd.msk.f32 $0xffff, v6, v0  }
0x143: {  	(xrf1) =	vsort.ascd.msk.f32 $0xffff, v7, v1  }
0x144: {  	(xrf1) =	vsort.ascd.msk.f32 $0xffff, v8, v2;
	_ =	sdelay $0x9  }
0x145: {  	v6 =	vld [tilespmem:$0x2B0];
	_ =	sdelay $0x1  }
0x146: {  	v7, v26, _ =	vpop (xrf1)  }
0x147: {  	v27, v28, _ =	vpop (xrf1)  }
0x148: {  	v29, v30, _ =	vpop (xrf1)  }
0x149: {  	(xrf1) =	vsort.ascd.msk.f32 $0xffff, v6, v3;
	_ =	sdelay $0xb  }
0x14a: {  	v6 =	vperm.xlane v27, v4;
	_ =	sdelay $0x1  }
0x14b: {  	v10 =	vperm.xlane v28, v4;
	vm14 =	vle.f32 v7, v6;
	v32, v31, _ =	vpop (xrf1)  }
0x14c: {  	v33 =	vsel vm14, v7, v6;
	v9 =	vperm.xlane v32, v4  }
0x14d: {  	v34 =	vsel vm14, v26, v10;
	v6 =	vsel vm14, v6, v7;
	v7 =	vperm.xlane v31, v4  }
0x14e: {  	v8 =	vsel vm14, v10, v26;
	(xrf1) =	vsort.ascd.msk.f32 $0xffff, v33, v34;
	vm15 =	vle.f32 v29, v9  }
0x14f: {  	(xrf1) =	vsort.ascd.msk.f32 $0xffff, v6, v8;
	v35 =	vsel vm15, v29, v9;
	v13 =	vsel vm15, v30, v7  }
0x150: {  	v6 =	vsel vm15, v9, v29;
	v7 =	vsel vm15, v7, v30;
	(xrf1) =	vsort.ascd.msk.f32 $0xffff, v35, v13  }
0x151: {  	(xrf1) =	vsort.ascd.msk.f32 $0xffff, v6, v7;
	_ =	sdelay $0xa  }
0x152: {  	v6, v7, _ =	vpop (xrf1)  }
0x153: {  	v8, v36, _ =	vpop (xrf1)  }
0x154: {  	v10, v37, _ =	vpop (xrf1)  }
0x155: {  	v38, v39, _ =	vpop (xrf1)  }
0x156: {  	v10 =	vperm.xlane v10, v4;
	v12 =	vperm.xlane v38, v4  }
0x157: {  	v11 =	vperm.xlane v37, v4  }
0x158: {  	v13 =	vperm.xlane v39, v4;
	vm5 =	vle.f32 v8, v10;
	vm4 =	vle.f32 v6, v12  }
0x159: {  	v41 =	vsel vm5, v8, v10;
	v40 =	vsel vm4, v6, v12  }
0x15a: {  	v43 =	vsel vm5, v36, v11;
	v42 =	vsel vm4, v7, v13;
	vm6 =	vle.f32 v40, v41  }
0x15b: {  	v44 =	vsel vm6, v40, v41;
	v45 =	vsel vm6, v42, v43  }
0x15c: {  	v8 =	vsel vm5, v10, v8;
	v9 =	vsel vm5, v11, v36;
	(xrf1) =	vsort.ascd.msk.f32 $0xffff, v44, v45  }
0x15d: {  	v6 =	vsel vm4, v12, v6;
	v46 =	vsel vm6, v41, v40;
	v47 =	vsel vm6, v43, v42  }
0x15e: {  	v7 =	vsel vm4, v13, v7;
	vm7 =	vle.f32 v6, v8;
	(xrf1) =	vsort.ascd.msk.f32 $0xffff, v46, v47  }
0x15f: {  	v48 =	vsel vm7, v6, v8;
	v11 =	vsel vm7, v7, v9  }
0x160: {  	(xrf1) =	vsort.ascd.msk.f32 $0xffff, v48, v11;
	_ =	sdelay $0x9  }
0x161: {  	v10, v11, _ =	vpop (xrf1)  }
0x162: {  	(xrf2) =	vadd.scan.msk.f32 $0xffff, v10  }
0x163: {  	v49, v12, _ =	vpop (xrf1)  }
0x164: {  	(xrf2) =	vadd.scan.msk.f32 $0xffff, v49  }
0x165: {  	v51, v50, _ =	vpop (xrf1)  }
0x166: {  	(xrf2) =	vadd.scan.msk.f32 $0xffff, v51;
	_ =	sdelay $0x1  }
0x167: {  	v6 =	vsel vm7, v8, v6;
	v7 =	vsel vm7, v9, v7  }
0x168: {  	(xrf1) =	vsort.ascd.msk.f32 $0xffff, v6, v7;
	_ =	sdelay $0x2  }
0x169: {  	v6, _, _ =	vpop (xrf2)  }
0x16a: {  	(v2sf) =	vpush v6, $0xF  }
0x16b: {  	v7, _, _ =	vpop (xrf2)  }
0x16c: {  	(v2sf) =	vpush v7, $0xF  }
0x16d: {  	v52, _, _ =	vpop (xrf2)  }
0x16e: {  	(v2sf) =	vpush v52, $0xF;
	_ =	sdelay $0x5  }
0x16f: {  	v54, v53, _ =	vpop (xrf1)  }
0x170: {  	(xrf2) =	vadd.scan.msk.f32 $0xffff, v54;
	_ =	sdelay $0x3  }
0x171: {  	s8 =	spop (v2sf)  }
0x172: {  	s6 =	sadd.f32 $0.0e+00, s8  }
0x173: {  	s9 =	spop (v2sf)  }
0x174: {  	v55 =	vadd.s32 $0x280, v11;
	s7 =	sadd.f32 s6, s9  }
0x175: {  	v56 =	vadd.s32 $0x280, v12;
	s10 =	spop (v2sf)  }
0x176: {  	v57 =	vadd.s32 $0x280, v50;
	v7 =	vadd.f32 s6, v7;
	s11 =	sadd.f32 s7, s10  }
0x177: {  	vm8 =	vge.f32 v6, $1.000000010e-01;
	v10 =	vadd.s32 $0x280, v53;
	v58, _, _ =	vpop (xrf2);
	v6 =	vadd.f32 s7, v52  }
0x178: {  	v59 =	vsel vm8, $0x0, v5;
	vm9 =	vge.f32 v7, $1.000000010e-01;
	v7 =	vadd.f32 s11, v58  }
0x179: {  	[tilespmem:v55+s5+$0x0] =	vst.idx.msk $0xffff, v59;
	v60 =	vsel vm9, $0x0, v5;
	vm10 =	vge.f32 v6, $1.000000010e-01  }
0x17a: {  	[tilespmem:v56+s5+$0x0] =	vst.idx.msk $0xffff, v60;
	v6 =	vsel vm10, $0x0, v5;
	vm11 =	vge.f32 v7, $1.000000010e-01  }
0x17b: {  	[tilespmem:v57+s5+$0x0] =	vst.idx.msk $0xffff, v6;
	v6 =	vsel vm11, $0x0, v5  }
0x17c: {  	[tilespmem:v10+s5+$0x0] =	vst.idx.msk $0xffff, v6  }
0x17d: {  	v6 =	vld [tilespmem:$0x300]  }
0x17e: {  	v7 =	vld [tilespmem:$0x310]  }
0x17f: {  	v8 =	vld [tilespmem:$0x320]  }
0x180: {  	v9 =	vld [tilespmem:$0x330];
	_ =	sdelay $0x1  }
0x181: {  	(xrf1) =	vsort.ascd.msk.f32 $0xffff, v6, v0  }
0x182: {  	(xrf1) =	vsort.ascd.msk.f32 $0xffff, v7, v1  }
0x183: {  	(xrf1) =	vsort.ascd.msk.f32 $0xffff, v8, v2  }
0x184: {  	(xrf1) =	vsort.ascd.msk.f32 $0xffff, v9, v3;
	_ =	sdelay $0xa  }
0x185: {  	v6, v7, _ =	vpop (xrf1)  }
0x186: {  	v61, v62, _ =	vpop (xrf1)  }
0x187: {  	v8 =	vperm.xlane v61, v4;
	v18, v63, _ =	vpop (xrf1)  }
0x188: {  	v9 =	vperm.xlane v62, v4;
	v20, v19, _ =	vpop (xrf1)  }
0x189: {  	vm12 =	vle.f32 v6, v8;
	v12 =	vperm.xlane v20, v4;
	v23 =	vperm.xlane v19, v4  }
0x18a: {  	v21 =	vsel vm12, v6, v8;
	v22 =	vsel vm12, v7, v9;
	v6 =	vsel vm12, v8, v6  }
0x18b: {  	v7 =	vsel vm12, v9, v7;
	vm13 =	vle.f32 v18, v12;
	(xrf1) =	vsort.ascd.msk.f32 $0xffff, v21, v22  }
0x18c: {  	v24 =	vsel vm13, v18, v12;
	v13 =	vsel vm13, v63, v23;
	(xrf1) =	vsort.ascd.msk.f32 $0xffff, v6, v7  }
0x18d: {  	v6 =	vsel vm13, v12, v18;
	v7 =	vsel vm13, v23, v63;
	(xrf1) =	vsort.ascd.msk.f32 $0xffff, v24, v13  }
0x18e: {  	(xrf1) =	vsort.ascd.msk.f32 $0xffff, v6, v7;
	_ =	sdelay $0xa  }
0x18f: {  	v6, v7, _ =	vpop (xrf1)  }
0x190: {  	v25, v26, _ =	vpop (xrf1)  }
0x191: {  	v27, v28, _ =	vpop (xrf1)  }
0x192: {  	v29, v30, _ =	vpop (xrf1)  }
0x193: {  	v10 =	vperm.xlane v27, v4;
	v12 =	vperm.xlane v29, v4  }
0x194: {  	v11 =	vperm.xlane v28, v4  }
0x195: {  	v13 =	vperm.xlane v30, v4;
	vm15 =	vle.f32 v25, v10;
	vm14 =	vle.f32 v6, v12  }
0x196: {  	v32 =	vsel vm15, v25, v10;
	v31 =	vsel vm14, v6, v12  }
0x197: {  	v34 =	vsel vm15, v26, v11;
	v33 =	vsel vm14, v7, v13;
	vm4 =	vle.f32 v31, v32  }
0x198: {  	v35 =	vsel vm4, v31, v32;
	v36 =	vsel vm4, v33, v34  }
0x199: {  	v8 =	vsel vm15, v10, v25;
	v9 =	vsel vm15, v11, v26;
	(xrf1) =	vsort.ascd.msk.f32 $0xffff, v35, v36  }
0x19a: {  	v6 =	vsel vm14, v12, v6;
	v37 =	vsel vm4, v32, v31;
	v38 =	vsel vm4, v34, v33  }
0x19b: {  	v7 =	vsel vm14, v13, v7;
	vm5 =	vle.f32 v6, v8;
	(xrf1) =	vsort.ascd.msk.f32 $0xffff, v37, v38  }
0x19c: {  	v39 =	vsel vm5, v6, v8;
	v11 =	vsel vm5, v7, v9  }
0x19d: {  	(xrf1) =	vsort.ascd.msk.f32 $0xffff, v39, v11;
	_ =	sdelay $0x9  }
0x19e: {  	v10, v11, _ =	vpop (xrf1)  }
0x19f: {  	(xrf2) =	vadd.scan.msk.f32 $0xffff, v10  }
0x1a0: {  	v40, v12, _ =	vpop (xrf1)  }
0x1a1: {  	(xrf2) =	vadd.scan.msk.f32 $0xffff, v40  }
0x1a2: {  	v42, v41, _ =	vpop (xrf1)  }
0x1a3: {  	(xrf2) =	vadd.scan.msk.f32 $0xffff, v42;
	_ =	sdelay $0x1  }
0x1a4: {  	v6 =	vsel vm5, v8, v6;
	v7 =	vsel vm5, v9, v7  }
0x1a5: {  	(xrf1) =	vsort.ascd.msk.f32 $0xffff, v6, v7;
	_ =	sdelay $0x2  }
0x1a6: {  	v6, _, _ =	vpop (xrf2)  }
0x1a7: {  	(v2sf) =	vpush v6, $0xF  }
0x1a8: {  	v7, _, _ =	vpop (xrf2)  }
0x1a9: {  	(v2sf) =	vpush v7, $0xF  }
0x1aa: {  	v43, _, _ =	vpop (xrf2)  }
0x1ab: {  	(v2sf) =	vpush v43, $0xF;
	_ =	sdelay $0x5  }
0x1ac: {  	v45, v44, _ =	vpop (xrf1)  }
0x1ad: {  	(xrf2) =	vadd.scan.msk.f32 $0xffff, v45;
	_ =	sdelay $0x3  }
0x1ae: {  	s12 =	spop (v2sf)  }
0x1af: {  	s6 =	sadd.f32 $0.0e+00, s12  }
0x1b0: {  	s13 =	spop (v2sf)  }
0x1b1: {  	v46 =	vadd.s32 $0x300, v11;
	s7 =	sadd.f32 s6, s13  }
0x1b2: {  	v47 =	vadd.s32 $0x300, v12;
	s14 =	spop (v2sf)  }
0x1b3: {  	v48 =	vadd.s32 $0x300, v41;
	v7 =	vadd.f32 s6, v7;
	s15 =	sadd.f32 s7, s14  }
0x1b4: {  	vm6 =	vge.f32 v6, $1.000000010e-01;
	v10 =	vadd.s32 $0x300, v44;
	v49, _, _ =	vpop (xrf2);
	v6 =	vadd.f32 s7, v43  }
0x1b5: {  	v50 =	vsel vm6, $0x0, v5;
	vm7 =	vge.f32 v7, $1.000000010e-01;
	v7 =	vadd.f32 s15, v49  }
0x1b6: {  	[tilespmem:v46+s5+$0x0] =	vst.idx.msk $0xffff, v50;
	v51 =	vsel vm7, $0x0, v5;
	vm8 =	vge.f32 v6, $1.000000010e-01  }
0x1b7: {  	[tilespmem:v47+s5+$0x0] =	vst.idx.msk $0xffff, v51;
	v6 =	vsel vm8, $0x0, v5;
	vm9 =	vge.f32 v7, $1.000000010e-01  }
0x1b8: {  	[tilespmem:v48+s5+$0x0] =	vst.idx.msk $0xffff, v6;
	v6 =	vsel vm9, $0x0, v5  }
0x1b9: {  	[tilespmem:v10+s5+$0x0] =	vst.idx.msk $0xffff, v6  }
0x1ba: {  	v6 =	vld [tilespmem:$0x380]  }
0x1bb: {  	v7 =	vld [tilespmem:$0x390]  }
0x1bc: {  	v8 =	vld [tilespmem:$0x3A0]  }
0x1bd: {  	v9 =	vld [tilespmem:$0x3B0];
	_ =	sdelay $0x1  }
0x1be: {  	(xrf1) =	vsort.ascd.msk.f32 $0xffff, v6, v0  }
0x1bf: {  	(xrf1) =	vsort.ascd.msk.f32 $0xffff, v7, v1  }
0x1c0: {  	(xrf1) =	vsort.ascd.msk.f32 $0xffff, v8, v2  }
0x1c1: {  	(xrf1) =	vsort.ascd.msk.f32 $0xffff, v9, v3;
	_ =	sdelay $0xa  }
0x1c2: {  	v6, v7, _ =	vpop (xrf1)  }
0x1c3: {  	v52, v53, _ =	vpop (xrf1)  }
0x1c4: {  	v8 =	vperm.xlane v52, v4;
	v55, v54, _ =	vpop (xrf1)  }
0x1c5: {  	v9 =	vperm.xlane v53, v4;
	v57, v56, _ =	vpop (xrf1)  }
0x1c6: {  	vm10 =	vle.f32 v6, v8;
	v12 =	vperm.xlane v57, v4;
	v60 =	vperm.xlane v56, v4  }
0x1c7: {  	v58 =	vsel vm10, v6, v8;
	v59 =	vsel vm10, v7, v9;
	v6 =	vsel vm10, v8, v6  }
0x1c8: {  	v7 =	vsel vm10, v9, v7;
	vm11 =	vle.f32 v55, v12;
	(xrf1) =	vsort.ascd.msk.f32 $0xffff, v58, v59  }
0x1c9: {  	v61 =	vsel vm11, v55, v12;
	v13 =	vsel vm11, v54, v60;
	(xrf1) =	vsort.ascd.msk.f32 $0xffff, v6, v7  }
0x1ca: {  	v6 =	vsel vm11, v12, v55;
	v7 =	vsel vm11, v60, v54;
	(xrf1) =	vsort.ascd.msk.f32 $0xffff, v61, v13  }
0x1cb: {  	(xrf1) =	vsort.ascd.msk.f32 $0xffff, v6, v7;
	_ =	sdelay $0xa  }
0x1cc: {  	v6, v7, _ =	vpop (xrf1)  }
0x1cd: {  	v62, v63, _ =	vpop (xrf1)  }
0x1ce: {  	v17, v18, _ =	vpop (xrf1)  }
0x1cf: {  	v19, v20, _ =	vpop (xrf1)  }
0x1d0: {  	v10 =	vperm.xlane v17, v4;
	v12 =	vperm.xlane v19, v4  }
0x1d1: {  	v11 =	vperm.xlane v18, v4  }
0x1d2: {  	v13 =	vperm.xlane v20, v4;
	vm13 =	vle.f32 v62, v10;
	vm12 =	vle.f32 v6, v12  }
0x1d3: {  	v22 =	vsel vm13, v62, v10;
	v21 =	vsel vm12, v6, v12  }
0x1d4: {  	v24 =	vsel vm13, v63, v11;
	v23 =	vsel vm12, v7, v13;
	vm14 =	vle.f32 v21, v22  }
0x1d5: {  	v25 =	vsel vm14, v21, v22;
	v26 =	vsel vm14, v23, v24  }
0x1d6: {  	v8 =	vsel vm13, v10, v62;
	v9 =	vsel vm13, v11, v63;
	(xrf1) =	vsort.ascd.msk.f32 $0xffff, v25, v26  }
0x1d7: {  	v6 =	vsel vm12, v12, v6;
	v27 =	vsel vm14, v22, v21;
	v28 =	vsel vm14, v24, v23  }
0x1d8: {  	v7 =	vsel vm12, v13, v7;
	vm15 =	vle.f32 v6, v8;
	(xrf1) =	vsort.ascd.msk.f32 $0xffff, v27, v28  }
0x1d9: {  	v29 =	vsel vm15, v6, v8;
	v11 =	vsel vm15, v7, v9  }
0x1da: {  	(xrf1) =	vsort.ascd.msk.f32 $0xffff, v29, v11;
	_ =	sdelay $0x9  }
0x1db: {  	v10, v11, _ =	vpop (xrf1)  }
0x1dc: {  	(xrf2) =	vadd.scan.msk.f32 $0xffff, v10  }
0x1dd: {  	v30, v12, _ =	vpop (xrf1)  }
0x1de: {  	(xrf2) =	vadd.scan.msk.f32 $0xffff, v30  }
0x1df: {  	v32, v31, _ =	vpop (xrf1)  }
0x1e0: {  	(xrf2) =	vadd.scan.msk.f32 $0xffff, v32;
	_ =	sdelay $0x1  }
0x1e1: {  	v6 =	vsel vm15, v8, v6;
	v7 =	vsel vm15, v9, v7  }
0x1e2: {  	(xrf1) =	vsort.ascd.msk.f32 $0xffff, v6, v7;
	_ =	sdelay $0x2  }
0x1e3: {  	v6, _, _ =	vpop (xrf2)  }
0x1e4: {  	(v2sf) =	vpush v6, $0xF  }
0x1e5: {  	v7, _, _ =	vpop (xrf2)  }
0x1e6: {  	(v2sf) =	vpush v7, $0xF  }
0x1e7: {  	v33, _, _ =	vpop (xrf2)  }
0x1e8: {  	(v2sf) =	vpush v33, $0xF;
	_ =	sdelay $0x5  }
0x1e9: {  	v35, v34, _ =	vpop (xrf1)  }
0x1ea: {  	(xrf2) =	vadd.scan.msk.f32 $0xffff, v35;
	_ =	sdelay $0x3  }
0x1eb: {  	s16 =	spop (v2sf)  }
0x1ec: {  	s6 =	sadd.f32 $0.0e+00, s16  }
0x1ed: {  	s17 =	spop (v2sf)  }
0x1ee: {  	v36 =	vadd.s32 $0x380, v11;
	s7 =	sadd.f32 s6, s17  }
0x1ef: {  	v37 =	vadd.s32 $0x380, v12;
	s18 =	spop (v2sf)  }
0x1f0: {  	v38 =	vadd.s32 $0x380, v31;
	v7 =	vadd.f32 s6, v7;
	s19 =	sadd.f32 s7, s18  }
0x1f1: {  	vm4 =	vge.f32 v6, $1.000000010e-01;
	v10 =	vadd.s32 $0x380, v34;
	v39, _, _ =	vpop (xrf2);
	v6 =	vadd.f32 s7, v33  }
0x1f2: {  	v40 =	vsel vm4, $0x0, v5;
	vm5 =	vge.f32 v7, $1.000000010e-01;
	v7 =	vadd.f32 s19, v39  }
0x1f3: {  	[tilespmem:v36+s5+$0x0] =	vst.idx.msk $0xffff, v40;
	v41 =	vsel vm5, $0x0, v5;
	vm6 =	vge.f32 v6, $1.000000010e-01  }
0x1f4: {  	[tilespmem:v37+s5+$0x0] =	vst.idx.msk $0xffff, v41;
	v6 =	vsel vm6, $0x0, v5;
	vm7 =	vge.f32 v7, $1.000000010e-01  }
0x1f5: {  	[tilespmem:v38+s5+$0x0] =	vst.idx.msk $0xffff, v6;
	v6 =	vsel vm7, $0x0, v5  }
0x1f6: {  	[tilespmem:v10+s5+$0x0] =	vst.idx.msk $0xffff, v6  }
0x1f7: {  	v6 =	vld [tilespmem:$0x400]  }
0x1f8: {  	v7 =	vld [tilespmem:$0x410]  }
0x1f9: {  	v8 =	vld [tilespmem:$0x420]  }
0x1fa: {  	v9 =	vld [tilespmem:$0x430];
	_ =	sdelay $0x1  }
0x1fb: {  	(xrf1) =	vsort.ascd.msk.f32 $0xffff, v6, v0  }
0x1fc: {  	(xrf1) =	vsort.ascd.msk.f32 $0xffff, v7, v1  }
0x1fd: {  	(xrf1) =	vsort.ascd.msk.f32 $0xffff, v8, v2  }
0x1fe: {  	(xrf1) =	vsort.ascd.msk.f32 $0xffff, v9, v3;
	_ =	sdelay $0xa  }
0x1ff: {  	v6, v7, _ =	vpop (xrf1)  }
0x200: {  	v42, v43, _ =	vpop (xrf1)  }
0x201: {  	v8 =	vperm.xlane v42, v4;
	v45, v44, _ =	vpop (xrf1)  }
0x202: {  	v9 =	vperm.xlane v43, v4;
	v47, v46, _ =	vpop (xrf1)  }
0x203: {  	vm8 =	vle.f32 v6, v8;
	v12 =	vperm.xlane v47, v4;
	v50 =	vperm.xlane v46, v4  }
0x204: {  	v48 =	vsel vm8, v6, v8;
	v49 =	vsel vm8, v7, v9;
	v6 =	vsel vm8, v8, v6  }
0x205: {  	v7 =	vsel vm8, v9, v7;
	vm9 =	vle.f32 v45, v12;
	(xrf1) =	vsort.ascd.msk.f32 $0xffff, v48, v49  }
0x206: {  	v51 =	vsel vm9, v45, v12;
	v13 =	vsel vm9, v44, v50;
	(xrf1) =	vsort.ascd.msk.f32 $0xffff, v6, v7  }
0x207: {  	v6 =	vsel vm9, v12, v45;
	v7 =	vsel vm9, v50, v44;
	(xrf1) =	vsort.ascd.msk.f32 $0xffff, v51, v13  }
0x208: {  	(xrf1) =	vsort.ascd.msk.f32 $0xffff, v6, v7;
	_ =	sdelay $0xa  }
0x209: {  	v6, v7, _ =	vpop (xrf1)  }
0x20a: {  	v52, v53, _ =	vpop (xrf1)  }
0x20b: {  	v54, v55, _ =	vpop (xrf1)  }
0x20c: {  	v56, v57, _ =	vpop (xrf1)  }
0x20d: {  	v10 =	vperm.xlane v54, v4;
	v12 =	vperm.xlane v56, v4  }
0x20e: {  	v11 =	vperm.xlane v55, v4  }
0x20f: {  	v13 =	vperm.xlane v57, v4;
	vm11 =	vle.f32 v52, v10;
	vm10 =	vle.f32 v6, v12  }
0x210: {  	v59 =	vsel vm11, v52, v10;
	v58 =	vsel vm10, v6, v12  }
0x211: {  	v61 =	vsel vm11, v53, v11;
	v60 =	vsel vm10, v7, v13;
	vm12 =	vle.f32 v58, v59  }
0x212: {  	v62 =	vsel vm12, v58, v59;
	v63 =	vsel vm12, v60, v61  }
0x213: {  	v8 =	vsel vm11, v10, v52;
	v9 =	vsel vm11, v11, v53;
	(xrf1) =	vsort.ascd.msk.f32 $0xffff, v62, v63  }
0x214: {  	v6 =	vsel vm10, v12, v6;
	v20 =	vsel vm12, v59, v58;
	v21 =	vsel vm12, v61, v60  }
0x215: {  	v7 =	vsel vm10, v13, v7;
	vm13 =	vle.f32 v6, v8;
	(xrf1) =	vsort.ascd.msk.f32 $0xffff, v20, v21  }
0x216: {  	v22 =	vsel vm13, v6, v8;
	v11 =	vsel vm13, v7, v9  }
0x217: {  	(xrf1) =	vsort.ascd.msk.f32 $0xffff, v22, v11;
	_ =	sdelay $0x9  }
0x218: {  	v10, v11, _ =	vpop (xrf1)  }
0x219: {  	(xrf2) =	vadd.scan.msk.f32 $0xffff, v10  }
0x21a: {  	v23, v12, _ =	vpop (xrf1)  }
0x21b: {  	(xrf2) =	vadd.scan.msk.f32 $0xffff, v23  }
0x21c: {  	v25, v24, _ =	vpop (xrf1)  }
0x21d: {  	(xrf2) =	vadd.scan.msk.f32 $0xffff, v25;
	_ =	sdelay $0x1  }
0x21e: {  	v6 =	vsel vm13, v8, v6;
	v7 =	vsel vm13, v9, v7  }
0x21f: {  	(xrf1) =	vsort.ascd.msk.f32 $0xffff, v6, v7;
	_ =	sdelay $0x2  }
0x220: {  	v6, _, _ =	vpop (xrf2)  }
0x221: {  	(v2sf) =	vpush v6, $0xF  }
0x222: {  	v7, _, _ =	vpop (xrf2)  }
0x223: {  	(v2sf) =	vpush v7, $0xF  }
0x224: {  	v26, _, _ =	vpop (xrf2)  }
0x225: {  	(v2sf) =	vpush v26, $0xF;
	_ =	sdelay $0x5  }
0x226: {  	v28, v27, _ =	vpop (xrf1)  }
0x227: {  	(xrf2) =	vadd.scan.msk.f32 $0xffff, v28;
	_ =	sdelay $0x3  }
0x228: {  	s20 =	spop (v2sf)  }
0x229: {  	s6 =	sadd.f32 $0.0e+00, s20  }
0x22a: {  	s21 =	spop (v2sf)  }
0x22b: {  	v29 =	vadd.s32 $0x400, v11;
	s7 =	sadd.f32 s6, s21  }
0x22c: {  	v30 =	vadd.s32 $0x400, v12;
	s22 =	spop (v2sf)  }
0x22d: {  	v31 =	vadd.s32 $0x400, v24;
	v7 =	vadd.f32 s6, v7;
	s23 =	sadd.f32 s7, s22  }
0x22e: {  	vm14 =	vge.f32 v6, $1.000000010e-01;
	v10 =	vadd.s32 $0x400, v27;
	v32, _, _ =	vpop (xrf2);
	v6 =	vadd.f32 s7, v26  }
0x22f: {  	v33 =	vsel vm14, $0x0, v5;
	vm15 =	vge.f32 v7, $1.000000010e-01;
	v7 =	vadd.f32 s23, v32  }
0x230: {  	[tilespmem:v29+s5+$0x0] =	vst.idx.msk $0xffff, v33;
	v34 =	vsel vm15, $0x0, v5;
	vm4 =	vge.f32 v6, $1.000000010e-01  }
0x231: {  	[tilespmem:v30+s5+$0x0] =	vst.idx.msk $0xffff, v34;
	v6 =	vsel vm4, $0x0, v5;
	vm5 =	vge.f32 v7, $1.000000010e-01  }
0x232: {  	[tilespmem:v31+s5+$0x0] =	vst.idx.msk $0xffff, v6;
	v6 =	vsel vm5, $0x0, v5  }
0x233: {  	[tilespmem:v10+s5+$0x0] =	vst.idx.msk $0xffff, v6  }
0x234: {  	v6 =	vld [tilespmem:$0x480]  }
0x235: {  	v7 =	vld [tilespmem:$0x490]  }
0x236: {  	v8 =	vld [tilespmem:$0x4A0]  }
0x237: {  	v9 =	vld [tilespmem:$0x4B0];
	_ =	sdelay $0x1  }
0x238: {  	(xrf1) =	vsort.ascd.msk.f32 $0xffff, v6, v0  }
0x239: {  	(xrf1) =	vsort.ascd.msk.f32 $0xffff, v7, v1  }
0x23a: {  	(xrf1) =	vsort.ascd.msk.f32 $0xffff, v8, v2  }
0x23b: {  	(xrf1) =	vsort.ascd.msk.f32 $0xffff, v9, v3;
	_ =	sdelay $0xa  }
0x23c: {  	v6, v7, _ =	vpop (xrf1)  }
0x23d: {  	v35, v36, _ =	vpop (xrf1)  }
0x23e: {  	v8 =	vperm.xlane v35, v4;
	v38, v37, _ =	vpop (xrf1)  }
0x23f: {  	v9 =	vperm.xlane v36, v4;
	v40, v39, _ =	vpop (xrf1)  }
0x240: {  	vm6 =	vle.f32 v6, v8;
	v12 =	vperm.xlane v40, v4;
	v43 =	vperm.xlane v39, v4  }
0x241: {  	v41 =	vsel vm6, v6, v8;
	v42 =	vsel vm6, v7, v9;
	v6 =	vsel vm6, v8, v6  }
0x242: {  	v7 =	vsel vm6, v9, v7;
	vm7 =	vle.f32 v38, v12;
	(xrf1) =	vsort.ascd.msk.f32 $0xffff, v41, v42  }
0x243: {  	v44 =	vsel vm7, v38, v12;
	v13 =	vsel vm7, v37, v43;
	(xrf1) =	vsort.ascd.msk.f32 $0xffff, v6, v7  }
0x244: {  	v6 =	vsel vm7, v12, v38;
	v7 =	vsel vm7, v43, v37;
	(xrf1) =	vsort.ascd.msk.f32 $0xffff, v44, v13  }
0x245: {  	(xrf1) =	vsort.ascd.msk.f32 $0xffff, v6, v7;
	_ =	sdelay $0xa  }
0x246: {  	v6, v7, _ =	vpop (xrf1)  }
0x247: {  	v45, v46, _ =	vpop (xrf1)  }
0x248: {  	v47, v48, _ =	vpop (xrf1)  }
0x249: {  	v49, v50, _ =	vpop (xrf1)  }
0x24a: {  	v10 =	vperm.xlane v47, v4;
	v12 =	vperm.xlane v49, v4  }
0x24b: {  	v11 =	vperm.xlane v48, v4  }
0x24c: {  	v13 =	vperm.xlane v50, v4;
	vm9 =	vle.f32 v45, v10;
	vm8 =	vle.f32 v6, v12  }
0x24d: {  	v52 =	vsel vm9, v45, v10;
	v51 =	vsel vm8, v6, v12  }
0x24e: {  	v54 =	vsel vm9, v46, v11;
	v53 =	vsel vm8, v7, v13;
	vm10 =	vle.f32 v51, v52  }
0x24f: {  	v55 =	vsel vm10, v51, v52;
	v56 =	vsel vm10, v53, v54  }
0x250: {  	v8 =	vsel vm9, v10, v45;
	v9 =	vsel vm9, v11, v46;
	(xrf1) =	vsort.ascd.msk.f32 $0xffff, v55, v56  }
0x251: {  	v6 =	vsel vm8, v12, v6;
	v57 =	vsel vm10, v52, v51;
	v58 =	vsel vm10, v54, v53  }
0x252: {  	v7 =	vsel vm8, v13, v7;
	vm11 =	vle.f32 v6, v8;
	(xrf1) =	vsort.ascd.msk.f32 $0xffff, v57, v58  }
0x253: {  	v59 =	vsel vm11, v6, v8;
	v11 =	vsel vm11, v7, v9  }
0x254: {  	(xrf1) =	vsort.ascd.msk.f32 $0xffff, v59, v11;
	_ =	sdelay $0x9  }
0x255: {  	v10, v11, _ =	vpop (xrf1)  }
0x256: {  	(xrf2) =	vadd.scan.msk.f32 $0xffff, v10  }
0x257: {  	v60, v12, _ =	vpop (xrf1)  }
0x258: {  	(xrf2) =	vadd.scan.msk.f32 $0xffff, v60  }
0x259: {  	v62, v61, _ =	vpop (xrf1)  }
0x25a: {  	(xrf2) =	vadd.scan.msk.f32 $0xffff, v62;
	_ =	sdelay $0x1  }
0x25b: {  	v6 =	vsel vm11, v8, v6;
	v7 =	vsel vm11, v9, v7  }
0x25c: {  	(xrf1) =	vsort.ascd.msk.f32 $0xffff, v6, v7;
	_ =	sdelay $0x2  }
0x25d: {  	v6, _, _ =	vpop (xrf2)  }
0x25e: {  	(v2sf) =	vpush v6, $0xF  }
0x25f: {  	v7, _, _ =	vpop (xrf2)  }
0x260: {  	(v2sf) =	vpush v7, $0xF  }
0x261: {  	v63, _, _ =	vpop (xrf2)  }
0x262: {  	(v2sf) =	vpush v63, $0xF;
	_ =	sdelay $0x5  }
0x263: {  	v17, v16, _ =	vpop (xrf1)  }
0x264: {  	(xrf2) =	vadd.scan.msk.f32 $0xffff, v17;
	_ =	sdelay $0x3  }
0x265: {  	s24 =	spop (v2sf)  }
0x266: {  	s6 =	sadd.f32 $0.0e+00, s24  }
0x267: {  	s25 =	spop (v2sf)  }
0x268: {  	v18 =	vadd.s32 $0x480, v11;
	s7 =	sadd.f32 s6, s25  }
0x269: {  	v19 =	vadd.s32 $0x480, v12;
	s26 =	spop (v2sf)  }
0x26a: {  	v20 =	vadd.s32 $0x480, v61;
	v7 =	vadd.f32 s6, v7;
	s28 =	sadd.f32 s7, s26  }
0x26b: {  	vm12 =	vge.f32 v6, $1.000000010e-01;
	v10 =	vadd.s32 $0x480, v16;
	v21, _, _ =	vpop (xrf2);
	v6 =	vadd.f32 s7, v63  }
0x26c: {  	v22 =	vsel vm12, $0x0, v5;
	vm13 =	vge.f32 v7, $1.000000010e-01;
	v7 =	vadd.f32 s28, v21  }
0x26d: {  	[tilespmem:v18+s5+$0x0] =	vst.idx.msk $0xffff, v22;
	v23 =	vsel vm13, $0x0, v5;
	vm14 =	vge.f32 v6, $1.000000010e-01  }
0x26e: {  	[tilespmem:v19+s5+$0x0] =	vst.idx.msk $0xffff, v23;
	v6 =	vsel vm14, $0x0, v5;
	vm15 =	vge.f32 v7, $1.000000010e-01  }
0x26f: {  	[tilespmem:v20+s5+$0x0] =	vst.idx.msk $0xffff, v6;
	v6 =	vsel vm15, $0x0, v5  }
0x270: {  	[tilespmem:v10+s5+$0x0] =	vst.idx.msk $0xffff, v6  }
0x271: {  	v6 =	vld [tilespmem:$0x500]  }
0x272: {  	v7 =	vld [tilespmem:$0x510]  }
0x273: {  	v8 =	vld [tilespmem:$0x520]  }
0x274: {  	v9 =	vld [tilespmem:$0x530];
	_ =	sdelay $0x1  }
0x275: {  	(xrf1) =	vsort.ascd.msk.f32 $0xffff, v6, v0  }
0x276: {  	(xrf1) =	vsort.ascd.msk.f32 $0xffff, v7, v1  }
0x277: {  	(xrf1) =	vsort.ascd.msk.f32 $0xffff, v8, v2  }
0x278: {  	(xrf1) =	vsort.ascd.msk.f32 $0xffff, v9, v3;
	_ =	sdelay $0xa  }
0x279: {  	v6, v7, _ =	vpop (xrf1)  }
0x27a: {  	v24, v25, _ =	vpop (xrf1)  }
0x27b: {  	v8 =	vperm.xlane v24, v4;
	v27, v26, _ =	vpop (xrf1)  }
0x27c: {  	v9 =	vperm.xlane v25, v4;
	v29, v28, _ =	vpop (xrf1)  }
0x27d: {  	vm4 =	vle.f32 v6, v8;
	v12 =	vperm.xlane v29, v4;
	v32 =	vperm.xlane v28, v4  }
0x27e: {  	v30 =	vsel vm4, v6, v8;
	v31 =	vsel vm4, v7, v9;
	v6 =	vsel vm4, v8, v6  }
0x27f: {  	v7 =	vsel vm4, v9, v7;
	vm5 =	vle.f32 v27, v12;
	(xrf1) =	vsort.ascd.msk.f32 $0xffff, v30, v31  }
0x280: {  	v33 =	vsel vm5, v27, v12;
	v13 =	vsel vm5, v26, v32;
	(xrf1) =	vsort.ascd.msk.f32 $0xffff, v6, v7  }
0x281: {  	v6 =	vsel vm5, v12, v27;
	v7 =	vsel vm5, v32, v26;
	(xrf1) =	vsort.ascd.msk.f32 $0xffff, v33, v13  }
0x282: {  	(xrf1) =	vsort.ascd.msk.f32 $0xffff, v6, v7;
	_ =	sdelay $0xa  }
0x283: {  	v6, v7, _ =	vpop (xrf1)  }
0x284: {  	v34, v35, _ =	vpop (xrf1)  }
0x285: {  	v36, v37, _ =	vpop (xrf1)  }
0x286: {  	v38, v39, _ =	vpop (xrf1)  }
0x287: {  	v10 =	vperm.xlane v36, v4;
	v12 =	vperm.xlane v38, v4  }
0x288: {  	v11 =	vperm.xlane v37, v4  }
0x289: {  	v13 =	vperm.xlane v39, v4;
	vm7 =	vle.f32 v34, v10;
	vm6 =	vle.f32 v6, v12  }
0x28a: {  	v41 =	vsel vm7, v34, v10;
	v40 =	vsel vm6, v6, v12  }
0x28b: {  	v43 =	vsel vm7, v35, v11;
	v42 =	vsel vm6, v7, v13;
	vm8 =	vle.f32 v40, v41  }
0x28c: {  	v44 =	vsel vm8, v40, v41;
	v45 =	vsel vm8, v42, v43  }
0x28d: {  	v8 =	vsel vm7, v10, v34;
	v9 =	vsel vm7, v11, v35;
	(xrf1) =	vsort.ascd.msk.f32 $0xffff, v44, v45  }
0x28e: {  	v6 =	vsel vm6, v12, v6;
	v46 =	vsel vm8, v41, v40;
	v47 =	vsel vm8, v43, v42  }
0x28f: {  	v7 =	vsel vm6, v13, v7;
	vm9 =	vle.f32 v6, v8;
	(xrf1) =	vsort.ascd.msk.f32 $0xffff, v46, v47  }
0x290: {  	v48 =	vsel vm9, v6, v8;
	v11 =	vsel vm9, v7, v9  }
0x291: {  	(xrf1) =	vsort.ascd.msk.f32 $0xffff, v48, v11;
	_ =	sdelay $0x9  }
0x292: {  	v10, v11, _ =	vpop (xrf1)  }
0x293: {  	(xrf2) =	vadd.scan.msk.f32 $0xffff, v10  }
0x294: {  	v49, v12, _ =	vpop (xrf1)  }
0x295: {  	(xrf2) =	vadd.scan.msk.f32 $0xffff, v49  }
0x296: {  	v51, v50, _ =	vpop (xrf1)  }
0x297: {  	(xrf2) =	vadd.scan.msk.f32 $0xffff, v51;
	_ =	sdelay $0x1  }
0x298: {  	v6 =	vsel vm9, v8, v6;
	v7 =	vsel vm9, v9, v7  }
0x299: {  	(xrf1) =	vsort.ascd.msk.f32 $0xffff, v6, v7;
	_ =	sdelay $0x2  }
0x29a: {  	v6, _, _ =	vpop (xrf2)  }
0x29b: {  	(v2sf) =	vpush v6, $0xF  }
0x29c: {  	v7, _, _ =	vpop (xrf2)  }
0x29d: {  	(v2sf) =	vpush v7, $0xF  }
0x29e: {  	v52, _, _ =	vpop (xrf2)  }
0x29f: {  	(v2sf) =	vpush v52, $0xF;
	_ =	sdelay $0x5  }
0x2a0: {  	v54, v53, _ =	vpop (xrf1)  }
0x2a1: {  	(xrf2) =	vadd.scan.msk.f32 $0xffff, v54;
	_ =	sdelay $0x3  }
0x2a2: {  	s29 =	spop (v2sf)  }
0x2a3: {  	s6 =	sadd.f32 $0.0e+00, s29  }
0x2a4: {  	s30 =	spop (v2sf)  }
0x2a5: {  	v55 =	vadd.s32 $0x500, v11;
	s7 =	sadd.f32 s6, s30  }
0x2a6: {  	v56 =	vadd.s32 $0x500, v12;
	s31 =	spop (v2sf)  }
0x2a7: {  	v57 =	vadd.s32 $0x500, v50;
	v7 =	vadd.f32 s6, v7;
	s9 =	sadd.f32 s7, s31  }
0x2a8: {  	vm10 =	vge.f32 v6, $1.000000010e-01;
	v10 =	vadd.s32 $0x500, v53;
	v58, _, _ =	vpop (xrf2);
	v6 =	vadd.f32 s7, v52  }
0x2a9: {  	v59 =	vsel vm10, $0x0, v5;
	vm11 =	vge.f32 v7, $1.000000010e-01;
	v7 =	vadd.f32 s9, v58  }
0x2aa: {  	[tilespmem:v55+s5+$0x0] =	vst.idx.msk $0xffff, v59;
	v60 =	vsel vm11, $0x0, v5;
	vm12 =	vge.f32 v6, $1.000000010e-01  }
0x2ab: {  	[tilespmem:v56+s5+$0x0] =	vst.idx.msk $0xffff, v60;
	v6 =	vsel vm12, $0x0, v5;
	vm13 =	vge.f32 v7, $1.000000010e-01  }
0x2ac: {  	[tilespmem:v57+s5+$0x0] =	vst.idx.msk $0xffff, v6;
	v6 =	vsel vm13, $0x0, v5  }
0x2ad: {  	[tilespmem:v10+s5+$0x0] =	vst.idx.msk $0xffff, v6  }
0x2ae: {  	v6 =	vld [tilespmem:$0x580]  }
0x2af: {  	v7 =	vld [tilespmem:$0x590]  }
0x2b0: {  	v8 =	vld [tilespmem:$0x5A0]  }
0x2b1: {  	v9 =	vld [tilespmem:$0x5B0];
	_ =	sdelay $0x1  }
0x2b2: {  	(xrf1) =	vsort.ascd.msk.f32 $0xffff, v6, v0  }
0x2b3: {  	(xrf1) =	vsort.ascd.msk.f32 $0xffff, v7, v1  }
0x2b4: {  	(xrf1) =	vsort.ascd.msk.f32 $0xffff, v8, v2  }
0x2b5: {  	(xrf1) =	vsort.ascd.msk.f32 $0xffff, v9, v3;
	_ =	sdelay $0xa  }
0x2b6: {  	v6, v7, _ =	vpop (xrf1)  }
0x2b7: {  	v61, v62, _ =	vpop (xrf1)  }
0x2b8: {  	v8 =	vperm.xlane v61, v4;
	v18, v63, _ =	vpop (xrf1)  }
0x2b9: {  	v9 =	vperm.xlane v62, v4;
	v20, v19, _ =	vpop (xrf1)  }
0x2ba: {  	vm14 =	vle.f32 v6, v8;
	v12 =	vperm.xlane v20, v4;
	v23 =	vperm.xlane v19, v4  }
0x2bb: {  	v21 =	vsel vm14, v6, v8;
	v22 =	vsel vm14, v7, v9;
	v6 =	vsel vm14, v8, v6  }
0x2bc: {  	v7 =	vsel vm14, v9, v7;
	vm15 =	vle.f32 v18, v12;
	(xrf1) =	vsort.ascd.msk.f32 $0xffff, v21, v22  }
0x2bd: {  	v24 =	vsel vm15, v18, v12;
	v13 =	vsel vm15, v63, v23;
	(xrf1) =	vsort.ascd.msk.f32 $0xffff, v6, v7  }
0x2be: {  	v6 =	vsel vm15, v12, v18;
	v7 =	vsel vm15, v23, v63;
	(xrf1) =	vsort.ascd.msk.f32 $0xffff, v24, v13  }
0x2bf: {  	(xrf1) =	vsort.ascd.msk.f32 $0xffff, v6, v7;
	_ =	sdelay $0xa  }
0x2c0: {  	v6, v7, _ =	vpop (xrf1)  }
0x2c1: {  	v25, v26, _ =	vpop (xrf1)  }
0x2c2: {  	v27, v28, _ =	vpop (xrf1)  }
0x2c3: {  	v29, v30, _ =	vpop (xrf1)  }
0x2c4: {  	v10 =	vperm.xlane v27, v4;
	v12 =	vperm.xlane v29, v4  }
0x2c5: {  	v11 =	vperm.xlane v28, v4  }
0x2c6: {  	v13 =	vperm.xlane v30, v4;
	vm5 =	vle.f32 v25, v10;
	vm4 =	vle.f32 v6, v12  }
0x2c7: {  	v32 =	vsel vm5, v25, v10;
	v31 =	vsel vm4, v6, v12  }
0x2c8: {  	v34 =	vsel vm5, v26, v11;
	v33 =	vsel vm4, v7, v13;
	vm6 =	vle.f32 v31, v32  }
0x2c9: {  	v35 =	vsel vm6, v31, v32;
	v36 =	vsel vm6, v33, v34  }
0x2ca: {  	v8 =	vsel vm5, v10, v25;
	v9 =	vsel vm5, v11, v26;
	(xrf1) =	vsort.ascd.msk.f32 $0xffff, v35, v36  }
0x2cb: {  	v6 =	vsel vm4, v12, v6;
	v37 =	vsel vm6, v32, v31;
	v38 =	vsel vm6, v34, v33  }
0x2cc: {  	v7 =	vsel vm4, v13, v7;
	vm7 =	vle.f32 v6, v8;
	(xrf1) =	vsort.ascd.msk.f32 $0xffff, v37, v38  }
0x2cd: {  	v39 =	vsel vm7, v6, v8;
	v11 =	vsel vm7, v7, v9  }
0x2ce: {  	(xrf1) =	vsort.ascd.msk.f32 $0xffff, v39, v11;
	_ =	sdelay $0x9  }
0x2cf: {  	v10, v11, _ =	vpop (xrf1)  }
0x2d0: {  	(xrf2) =	vadd.scan.msk.f32 $0xffff, v10  }
0x2d1: {  	v40, v12, _ =	vpop (xrf1)  }
0x2d2: {  	(xrf2) =	vadd.scan.msk.f32 $0xffff, v40  }
0x2d3: {  	v42, v41, _ =	vpop (xrf1)  }
0x2d4: {  	(xrf2) =	vadd.scan.msk.f32 $0xffff, v42;
	_ =	sdelay $0x1  }
0x2d5: {  	v6 =	vsel vm7, v8, v6;
	v7 =	vsel vm7, v9, v7  }
0x2d6: {  	(xrf1) =	vsort.ascd.msk.f32 $0xffff, v6, v7;
	_ =	sdelay $0x2  }
0x2d7: {  	v6, _, _ =	vpop (xrf2)  }
0x2d8: {  	(v2sf) =	vpush v6, $0xF  }
0x2d9: {  	v7, _, _ =	vpop (xrf2)  }
0x2da: {  	(v2sf) =	vpush v7, $0xF  }
0x2db: {  	v43, _, _ =	vpop (xrf2)  }
0x2dc: {  	(v2sf) =	vpush v43, $0xF;
	_ =	sdelay $0x5  }
0x2dd: {  	v45, v44, _ =	vpop (xrf1)  }
0x2de: {  	(xrf2) =	vadd.scan.msk.f32 $0xffff, v45;
	_ =	sdelay $0x3  }
0x2df: {  	s10 =	spop (v2sf)  }
0x2e0: {  	s6 =	sadd.f32 $0.0e+00, s10  }
0x2e1: {  	s11 =	spop (v2sf)  }
0x2e2: {  	v46 =	vadd.s32 $0x580, v11;
	s7 =	sadd.f32 s6, s11  }
0x2e3: {  	v47 =	vadd.s32 $0x580, v12;
	s12 =	spop (v2sf)  }
0x2e4: {  	v48 =	vadd.s32 $0x580, v41;
	v7 =	vadd.f32 s6, v7;
	s13 =	sadd.f32 s7, s12  }
0x2e5: {  	vm8 =	vge.f32 v6, $1.000000010e-01;
	v10 =	vadd.s32 $0x580, v44;
	v49, _, _ =	vpop (xrf2);
	v6 =	vadd.f32 s7, v43  }
0x2e6: {  	v50 =	vsel vm8, $0x0, v5;
	vm9 =	vge.f32 v7, $1.000000010e-01;
	v7 =	vadd.f32 s13, v49  }
0x2e7: {  	[tilespmem:v46+s5+$0x0] =	vst.idx.msk $0xffff, v50;
	v51 =	vsel vm9, $0x0, v5;
	vm10 =	vge.f32 v6, $1.000000010e-01  }
0x2e8: {  	[tilespmem:v47+s5+$0x0] =	vst.idx.msk $0xffff, v51;
	v6 =	vsel vm10, $0x0, v5;
	vm11 =	vge.f32 v7, $1.000000010e-01  }
0x2e9: {  	[tilespmem:v48+s5+$0x0] =	vst.idx.msk $0xffff, v6;
	v6 =	vsel vm11, $0x0, v5  }
0x2ea: {  	[tilespmem:v10+s5+$0x0] =	vst.idx.msk $0xffff, v6  }
0x2eb: {  	v6 =	vld [tilespmem:$0x600]  }
0x2ec: {  	v7 =	vld [tilespmem:$0x610]  }
0x2ed: {  	v8 =	vld [tilespmem:$0x620]  }
0x2ee: {  	v9 =	vld [tilespmem:$0x630];
	_ =	sdelay $0x1  }
0x2ef: {  	(xrf1) =	vsort.ascd.msk.f32 $0xffff, v6, v0  }
0x2f0: {  	(xrf1) =	vsort.ascd.msk.f32 $0xffff, v7, v1  }
0x2f1: {  	(xrf1) =	vsort.ascd.msk.f32 $0xffff, v8, v2  }
0x2f2: {  	(xrf1) =	vsort.ascd.msk.f32 $0xffff, v9, v3;
	_ =	sdelay $0xa  }
0x2f3: {  	v6, v7, _ =	vpop (xrf1)  }
0x2f4: {  	v52, v53, _ =	vpop (xrf1)  }
0x2f5: {  	v8 =	vperm.xlane v52, v4;
	v55, v54, _ =	vpop (xrf1)  }
0x2f6: {  	v9 =	vperm.xlane v53, v4;
	v57, v56, _ =	vpop (xrf1)  }
0x2f7: {  	vm12 =	vle.f32 v6, v8;
	v12 =	vperm.xlane v57, v4;
	v60 =	vperm.xlane v56, v4  }
0x2f8: {  	v58 =	vsel vm12, v6, v8;
	v59 =	vsel vm12, v7, v9;
	v6 =	vsel vm12, v8, v6  }
0x2f9: {  	v7 =	vsel vm12, v9, v7;
	vm13 =	vle.f32 v55, v12;
	(xrf1) =	vsort.ascd.msk.f32 $0xffff, v58, v59  }
0x2fa: {  	v61 =	vsel vm13, v55, v12;
	v13 =	vsel vm13, v54, v60;
	(xrf1) =	vsort.ascd.msk.f32 $0xffff, v6, v7  }
0x2fb: {  	v6 =	vsel vm13, v12, v55;
	v7 =	vsel vm13, v60, v54;
	(xrf1) =	vsort.ascd.msk.f32 $0xffff, v61, v13  }
0x2fc: {  	(xrf1) =	vsort.ascd.msk.f32 $0xffff, v6, v7;
	_ =	sdelay $0xa  }
0x2fd: {  	v6, v7, _ =	vpop (xrf1)  }
0x2fe: {  	v62, v63, _ =	vpop (xrf1)  }
0x2ff: {  	v21, v22, _ =	vpop (xrf1)  }
0x300: {  	v23, v24, _ =	vpop (xrf1)  }
0x301: {  	v10 =	vperm.xlane v21, v4;
	v12 =	vperm.xlane v23, v4  }
0x302: {  	v11 =	vperm.xlane v22, v4  }
0x303: {  	v13 =	vperm.xlane v24, v4;
	vm15 =	vle.f32 v62, v10;
	vm14 =	vle.f32 v6, v12  }
0x304: {  	v26 =	vsel vm15, v62, v10;
	v25 =	vsel vm14, v6, v12  }
0x305: {  	v28 =	vsel vm15, v63, v11;
	v27 =	vsel vm14, v7, v13;
	vm4 =	vle.f32 v25, v26  }
0x306: {  	v29 =	vsel vm4, v25, v26;
	v30 =	vsel vm4, v27, v28  }
0x307: {  	v8 =	vsel vm15, v10, v62;
	v9 =	vsel vm15, v11, v63;
	(xrf1) =	vsort.ascd.msk.f32 $0xffff, v29, v30  }
0x308: {  	v6 =	vsel vm14, v12, v6;
	v31 =	vsel vm4, v26, v25;
	v32 =	vsel vm4, v28, v27  }
0x309: {  	v7 =	vsel vm14, v13, v7;
	vm5 =	vle.f32 v6, v8;
	(xrf1) =	vsort.ascd.msk.f32 $0xffff, v31, v32  }
0x30a: {  	v33 =	vsel vm5, v6, v8;
	v11 =	vsel vm5, v7, v9  }
0x30b: {  	(xrf1) =	vsort.ascd.msk.f32 $0xffff, v33, v11;
	_ =	sdelay $0x9  }
0x30c: {  	v10, v11, _ =	vpop (xrf1)  }
0x30d: {  	(xrf2) =	vadd.scan.msk.f32 $0xffff, v10  }
0x30e: {  	v34, v12, _ =	vpop (xrf1)  }
0x30f: {  	(xrf2) =	vadd.scan.msk.f32 $0xffff, v34  }
0x310: {  	v36, v35, _ =	vpop (xrf1)  }
0x311: {  	(xrf2) =	vadd.scan.msk.f32 $0xffff, v36;
	_ =	sdelay $0x1  }
0x312: {  	v6 =	vsel vm5, v8, v6;
	v7 =	vsel vm5, v9, v7  }
0x313: {  	(xrf1) =	vsort.ascd.msk.f32 $0xffff, v6, v7;
	_ =	sdelay $0x2  }
0x314: {  	v6, _, _ =	vpop (xrf2)  }
0x315: {  	(v2sf) =	vpush v6, $0xF  }
0x316: {  	v7, _, _ =	vpop (xrf2)  }
0x317: {  	(v2sf) =	vpush v7, $0xF  }
0x318: {  	v37, _, _ =	vpop (xrf2)  }
0x319: {  	(v2sf) =	vpush v37, $0xF;
	_ =	sdelay $0x5  }
0x31a: {  	v39, v38, _ =	vpop (xrf1)  }
0x31b: {  	(xrf2) =	vadd.scan.msk.f32 $0xffff, v39;
	_ =	sdelay $0x3  }
0x31c: {  	s14 =	spop (v2sf)  }
0x31d: {  	s6 =	sadd.f32 $0.0e+00, s14  }
0x31e: {  	s15 =	spop (v2sf)  }
0x31f: {  	v40 =	vadd.s32 $0x600, v11;
	s7 =	sadd.f32 s6, s15  }
0x320: {  	v41 =	vadd.s32 $0x600, v12;
	s16 =	spop (v2sf)  }
0x321: {  	v42 =	vadd.s32 $0x600, v35;
	v7 =	vadd.f32 s6, v7;
	s17 =	sadd.f32 s7, s16  }
0x322: {  	vm6 =	vge.f32 v6, $1.000000010e-01;
	v10 =	vadd.s32 $0x600, v38;
	v43, _, _ =	vpop (xrf2);
	v6 =	vadd.f32 s7, v37  }
0x323: {  	v44 =	vsel vm6, $0x0, v5;
	vm7 =	vge.f32 v7, $1.000000010e-01;
	v7 =	vadd.f32 s17, v43  }
0x324: {  	[tilespmem:v40+s5+$0x0] =	vst.idx.msk $0xffff, v44;
	v45 =	vsel vm7, $0x0, v5;
	vm8 =	vge.f32 v6, $1.000000010e-01  }
0x325: {  	[tilespmem:v41+s5+$0x0] =	vst.idx.msk $0xffff, v45;
	v6 =	vsel vm8, $0x0, v5;
	vm9 =	vge.f32 v7, $1.000000010e-01  }
0x326: {  	[tilespmem:v42+s5+$0x0] =	vst.idx.msk $0xffff, v6;
	v6 =	vsel vm9, $0x0, v5  }
0x327: {  	[tilespmem:v10+s5+$0x0] =	vst.idx.msk $0xffff, v6  }
0x328: {  	v6 =	vld [tilespmem:$0x680]  }
0x329: {  	v7 =	vld [tilespmem:$0x690]  }
0x32a: {  	v8 =	vld [tilespmem:$0x6A0]  }
0x32b: {  	v9 =	vld [tilespmem:$0x6B0];
	_ =	sdelay $0x1  }
0x32c: {  	(xrf1) =	vsort.ascd.msk.f32 $0xffff, v6, v0  }
0x32d: {  	(xrf1) =	vsort.ascd.msk.f32 $0xffff, v7, v1  }
0x32e: {  	(xrf1) =	vsort.ascd.msk.f32 $0xffff, v8, v2  }
0x32f: {  	(xrf1) =	vsort.ascd.msk.f32 $0xffff, v9, v3;
	_ =	sdelay $0xa  }
0x330: {  	v6, v7, _ =	vpop (xrf1)  }
0x331: {  	v46, v47, _ =	vpop (xrf1)  }
0x332: {  	v8 =	vperm.xlane v46, v4;
	v49, v48, _ =	vpop (xrf1)  }
0x333: {  	v9 =	vperm.xlane v47, v4;
	v51, v50, _ =	vpop (xrf1)  }
0x334: {  	vm10 =	vle.f32 v6, v8;
	v12 =	vperm.xlane v51, v4;
	v54 =	vperm.xlane v50, v4  }
0x335: {  	v52 =	vsel vm10, v6, v8;
	v53 =	vsel vm10, v7, v9;
	v6 =	vsel vm10, v8, v6  }
0x336: {  	v7 =	vsel vm10, v9, v7;
	vm11 =	vle.f32 v49, v12;
	(xrf1) =	vsort.ascd.msk.f32 $0xffff, v52, v53  }
0x337: {  	v55 =	vsel vm11, v49, v12;
	v13 =	vsel vm11, v48, v54;
	(xrf1) =	vsort.ascd.msk.f32 $0xffff, v6, v7  }
0x338: {  	v6 =	vsel vm11, v12, v49;
	v7 =	vsel vm11, v54, v48;
	(xrf1) =	vsort.ascd.msk.f32 $0xffff, v55, v13  }
0x339: {  	(xrf1) =	vsort.ascd.msk.f32 $0xffff, v6, v7;
	_ =	sdelay $0xa  }
0x33a: {  	v6, v7, _ =	vpop (xrf1)  }
0x33b: {  	v56, v57, _ =	vpop (xrf1)  }
0x33c: {  	v58, v59, _ =	vpop (xrf1)  }
0x33d: {  	v60, v61, _ =	vpop (xrf1)  }
0x33e: {  	v10 =	vperm.xlane v58, v4;
	v12 =	vperm.xlane v60, v4  }
0x33f: {  	v11 =	vperm.xlane v59, v4  }
0x340: {  	v13 =	vperm.xlane v61, v4;
	vm13 =	vle.f32 v56, v10;
	vm12 =	vle.f32 v6, v12  }
0x341: {  	v63 =	vsel vm13, v56, v10;
	v62 =	vsel vm12, v6, v12  }
0x342: {  	v22 =	vsel vm13, v57, v11;
	v21 =	vsel vm12, v7, v13;
	vm14 =	vle.f32 v62, v63  }
0x343: {  	v23 =	vsel vm14, v62, v63;
	v24 =	vsel vm14, v21, v22  }
0x344: {  	v8 =	vsel vm13, v10, v56;
	v9 =	vsel vm13, v11, v57;
	(xrf1) =	vsort.ascd.msk.f32 $0xffff, v23, v24  }
0x345: {  	v6 =	vsel vm12, v12, v6;
	v25 =	vsel vm14, v63, v62;
	v26 =	vsel vm14, v22, v21  }
0x346: {  	v7 =	vsel vm12, v13, v7;
	vm15 =	vle.f32 v6, v8;
	(xrf1) =	vsort.ascd.msk.f32 $0xffff, v25, v26  }
0x347: {  	v27 =	vsel vm15, v6, v8;
	v11 =	vsel vm15, v7, v9  }
0x348: {  	(xrf1) =	vsort.ascd.msk.f32 $0xffff, v27, v11;
	_ =	sdelay $0x9  }
0x349: {  	v10, v11, _ =	vpop (xrf1)  }
0x34a: {  	(xrf2) =	vadd.scan.msk.f32 $0xffff, v10  }
0x34b: {  	v28, v12, _ =	vpop (xrf1)  }
0x34c: {  	(xrf2) =	vadd.scan.msk.f32 $0xffff, v28  }
0x34d: {  	v30, v29, _ =	vpop (xrf1)  }
0x34e: {  	(xrf2) =	vadd.scan.msk.f32 $0xffff, v30;
	_ =	sdelay $0x1  }
0x34f: {  	v6 =	vsel vm15, v8, v6;
	v7 =	vsel vm15, v9, v7  }
0x350: {  	(xrf1) =	vsort.ascd.msk.f32 $0xffff, v6, v7;
	_ =	sdelay $0x2  }
0x351: {  	v6, _, _ =	vpop (xrf2)  }
0x352: {  	(v2sf) =	vpush v6, $0xF  }
0x353: {  	v7, _, _ =	vpop (xrf2)  }
0x354: {  	(v2sf) =	vpush v7, $0xF  }
0x355: {  	v31, _, _ =	vpop (xrf2)  }
0x356: {  	(v2sf) =	vpush v31, $0xF;
	_ =	sdelay $0x5  }
0x357: {  	v33, v32, _ =	vpop (xrf1)  }
0x358: {  	(xrf2) =	vadd.scan.msk.f32 $0xffff, v33;
	_ =	sdelay $0x3  }
0x359: {  	s18 =	spop (v2sf)  }
0x35a: {  	s6 =	sadd.f32 $0.0e+00, s18  }
0x35b: {  	s19 =	spop (v2sf)  }
0x35c: {  	v34 =	vadd.s32 $0x680, v11;
	s7 =	sadd.f32 s6, s19  }
0x35d: {  	v35 =	vadd.s32 $0x680, v12;
	s20 =	spop (v2sf)  }
0x35e: {  	v36 =	vadd.s32 $0x680, v29;
	v7 =	vadd.f32 s6, v7;
	s21 =	sadd.f32 s7, s20  }
0x35f: {  	vm4 =	vge.f32 v6, $1.000000010e-01;
	v10 =	vadd.s32 $0x680, v32;
	v37, _, _ =	vpop (xrf2);
	v6 =	vadd.f32 s7, v31  }
0x360: {  	v38 =	vsel vm4, $0x0, v5;
	vm5 =	vge.f32 v7, $1.000000010e-01;
	v7 =	vadd.f32 s21, v37  }
0x361: {  	[tilespmem:v34+s5+$0x0] =	vst.idx.msk $0xffff, v38;
	v39 =	vsel vm5, $0x0, v5;
	vm6 =	vge.f32 v6, $1.000000010e-01  }
0x362: {  	[tilespmem:v35+s5+$0x0] =	vst.idx.msk $0xffff, v39;
	v6 =	vsel vm6, $0x0, v5;
	vm7 =	vge.f32 v7, $1.000000010e-01  }
0x363: {  	[tilespmem:v36+s5+$0x0] =	vst.idx.msk $0xffff, v6;
	v6 =	vsel vm7, $0x0, v5  }
0x364: {  	[tilespmem:v10+s5+$0x0] =	vst.idx.msk $0xffff, v6  }
0x365: {  	v6 =	vld [tilespmem:$0x700]  }
0x366: {  	v7 =	vld [tilespmem:$0x710]  }
0x367: {  	v8 =	vld [tilespmem:$0x720]  }
0x368: {  	v9 =	vld [tilespmem:$0x730];
	_ =	sdelay $0x1  }
0x369: {  	(xrf1) =	vsort.ascd.msk.f32 $0xffff, v6, v0  }
0x36a: {  	(xrf1) =	vsort.ascd.msk.f32 $0xffff, v7, v1  }
0x36b: {  	(xrf1) =	vsort.ascd.msk.f32 $0xffff, v8, v2  }
0x36c: {  	(xrf1) =	vsort.ascd.msk.f32 $0xffff, v9, v3;
	_ =	sdelay $0xa  }
0x36d: {  	v6, v7, _ =	vpop (xrf1)  }
0x36e: {  	v40, v41, _ =	vpop (xrf1)  }
0x36f: {  	v8 =	vperm.xlane v40, v4;
	v43, v42, _ =	vpop (xrf1)  }
0x370: {  	v9 =	vperm.xlane v41, v4;
	v45, v44, _ =	vpop (xrf1)  }
0x371: {  	vm8 =	vle.f32 v6, v8;
	v12 =	vperm.xlane v45, v4;
	v48 =	vperm.xlane v44, v4  }
0x372: {  	v46 =	vsel vm8, v6, v8;
	v47 =	vsel vm8, v7, v9;
	v6 =	vsel vm8, v8, v6  }
0x373: {  	v7 =	vsel vm8, v9, v7;
	vm9 =	vle.f32 v43, v12;
	(xrf1) =	vsort.ascd.msk.f32 $0xffff, v46, v47  }
0x374: {  	v49 =	vsel vm9, v43, v12;
	v13 =	vsel vm9, v42, v48;
	(xrf1) =	vsort.ascd.msk.f32 $0xffff, v6, v7  }
0x375: {  	v6 =	vsel vm9, v12, v43;
	v7 =	vsel vm9, v48, v42;
	(xrf1) =	vsort.ascd.msk.f32 $0xffff, v49, v13  }
0x376: {  	(xrf1) =	vsort.ascd.msk.f32 $0xffff, v6, v7;
	_ =	sdelay $0xa  }
0x377: {  	v6, v7, _ =	vpop (xrf1)  }
0x378: {  	v50, v51, _ =	vpop (xrf1)  }
0x379: {  	v52, v53, _ =	vpop (xrf1)  }
0x37a: {  	v54, v55, _ =	vpop (xrf1)  }
0x37b: {  	v10 =	vperm.xlane v52, v4;
	v12 =	vperm.xlane v54, v4  }
0x37c: {  	v11 =	vperm.xlane v53, v4  }
0x37d: {  	v13 =	vperm.xlane v55, v4;
	vm11 =	vle.f32 v50, v10;
	vm10 =	vle.f32 v6, v12  }
0x37e: {  	v57 =	vsel vm11, v50, v10;
	v56 =	vsel vm10, v6, v12  }
0x37f: {  	v59 =	vsel vm11, v51, v11;
	v58 =	vsel vm10, v7, v13;
	vm12 =	vle.f32 v56, v57  }
0x380: {  	v60 =	vsel vm12, v56, v57;
	v61 =	vsel vm12, v58, v59  }
0x381: {  	v8 =	vsel vm11, v10, v50;
	v9 =	vsel vm11, v11, v51;
	(xrf1) =	vsort.ascd.msk.f32 $0xffff, v60, v61  }
0x382: {  	v6 =	vsel vm10, v12, v6;
	v62 =	vsel vm12, v57, v56;
	v63 =	vsel vm12, v59, v58  }
0x383: {  	v7 =	vsel vm10, v13, v7;
	vm13 =	vle.f32 v6, v8;
	(xrf1) =	vsort.ascd.msk.f32 $0xffff, v62, v63  }
0x384: {  	v15 =	vsel vm13, v6, v8;
	v11 =	vsel vm13, v7, v9  }
0x385: {  	(xrf1) =	vsort.ascd.msk.f32 $0xffff, v15, v11;
	_ =	sdelay $0x9  }
0x386: {  	v10, v11, _ =	vpop (xrf1)  }
0x387: {  	(xrf2) =	vadd.scan.msk.f32 $0xffff, v10  }
0x388: {  	v16, v12, _ =	vpop (xrf1)  }
0x389: {  	(xrf2) =	vadd.scan.msk.f32 $0xffff, v16  }
0x38a: {  	v18, v17, _ =	vpop (xrf1)  }
0x38b: {  	(xrf2) =	vadd.scan.msk.f32 $0xffff, v18;
	_ =	sdelay $0x1  }
0x38c: {  	v6 =	vsel vm13, v8, v6;
	v7 =	vsel vm13, v9, v7  }
0x38d: {  	(xrf1) =	vsort.ascd.msk.f32 $0xffff, v6, v7;
	_ =	sdelay $0x2  }
0x38e: {  	v6, _, _ =	vpop (xrf2)  }
0x38f: {  	(v2sf) =	vpush v6, $0xF  }
0x390: {  	v7, _, _ =	vpop (xrf2)  }
0x391: {  	(v2sf) =	vpush v7, $0xF  }
0x392: {  	v19, _, _ =	vpop (xrf2)  }
0x393: {  	(v2sf) =	vpush v19, $0xF;
	_ =	sdelay $0x5  }
0x394: {  	v21, v20, _ =	vpop (xrf1)  }
0x395: {  	(xrf2) =	vadd.scan.msk.f32 $0xffff, v21;
	_ =	sdelay $0x3  }
0x396: {  	s22 =	spop (v2sf)  }
0x397: {  	s6 =	sadd.f32 $0.0e+00, s22  }
0x398: {  	s23 =	spop (v2sf)  }
0x399: {  	v22 =	vadd.s32 $0x700, v11;
	s7 =	sadd.f32 s6, s23  }
0x39a: {  	v23 =	vadd.s32 $0x700, v12;
	s24 =	spop (v2sf)  }
0x39b: {  	v24 =	vadd.s32 $0x700, v17;
	v7 =	vadd.f32 s6, v7;
	s25 =	sadd.f32 s7, s24  }
0x39c: {  	vm14 =	vge.f32 v6, $1.000000010e-01;
	v10 =	vadd.s32 $0x700, v20;
	v25, _, _ =	vpop (xrf2);
	v6 =	vadd.f32 s7, v19  }
0x39d: {  	v26 =	vsel vm14, $0x0, v5;
	vm15 =	vge.f32 v7, $1.000000010e-01;
	v7 =	vadd.f32 s25, v25  }
0x39e: {  	[tilespmem:v22+s5+$0x0] =	vst.idx.msk $0xffff, v26;
	v27 =	vsel vm15, $0x0, v5;
	vm4 =	vge.f32 v6, $1.000000010e-01  }
0x39f: {  	[tilespmem:v23+s5+$0x0] =	vst.idx.msk $0xffff, v27;
	v6 =	vsel vm4, $0x0, v5;
	vm5 =	vge.f32 v7, $1.000000010e-01  }
0x3a0: {  	[tilespmem:v24+s5+$0x0] =	vst.idx.msk $0xffff, v6;
	v6 =	vsel vm5, $0x0, v5  }
0x3a1: {  	[tilespmem:v10+s5+$0x0] =	vst.idx.msk $0xffff, v6  }
0x3a2: {  	v6 =	vld [tilespmem:$0x780]  }
0x3a3: {  	v7 =	vld [tilespmem:$0x790]  }
0x3a4: {  	v8 =	vld [tilespmem:$0x7A0]  }
0x3a5: {  	v9 =	vld [tilespmem:$0x7B0];
	_ =	sdelay $0x1  }
0x3a6: {  	(xrf1) =	vsort.ascd.msk.f32 $0xffff, v6, v0  }
0x3a7: {  	(xrf1) =	vsort.ascd.msk.f32 $0xffff, v7, v1  }
0x3a8: {  	(xrf1) =	vsort.ascd.msk.f32 $0xffff, v8, v2  }
0x3a9: {  	(xrf1) =	vsort.ascd.msk.f32 $0xffff, v9, v3;
	_ =	sdelay $0xa  }
0x3aa: {  	v6, v7, _ =	vpop (xrf1)  }
0x3ab: {  	v28, v29, _ =	vpop (xrf1)  }
0x3ac: {  	v8 =	vperm.xlane v28, v4;
	v31, v30, _ =	vpop (xrf1)  }
0x3ad: {  	v9 =	vperm.xlane v29, v4;
	v33, v32, _ =	vpop (xrf1)  }
0x3ae: {  	vm6 =	vle.f32 v6, v8;
	v12 =	vperm.xlane v33, v4;
	v36 =	vperm.xlane v32, v4  }
0x3af: {  	v34 =	vsel vm6, v6, v8;
	v35 =	vsel vm6, v7, v9;
	v6 =	vsel vm6, v8, v6  }
0x3b0: {  	v7 =	vsel vm6, v9, v7;
	vm7 =	vle.f32 v31, v12;
	(xrf1) =	vsort.ascd.msk.f32 $0xffff, v34, v35  }
0x3b1: {  	v37 =	vsel vm7, v31, v12;
	v13 =	vsel vm7, v30, v36;
	(xrf1) =	vsort.ascd.msk.f32 $0xffff, v6, v7  }
0x3b2: {  	v6 =	vsel vm7, v12, v31;
	v7 =	vsel vm7, v36, v30;
	(xrf1) =	vsort.ascd.msk.f32 $0xffff, v37, v13  }
0x3b3: {  	(xrf1) =	vsort.ascd.msk.f32 $0xffff, v6, v7;
	_ =	sdelay $0xa  }
0x3b4: {  	v6, v7, _ =	vpop (xrf1)  }
0x3b5: {  	v38, v39, _ =	vpop (xrf1)  }
0x3b6: {  	v40, v41, _ =	vpop (xrf1)  }
0x3b7: {  	v42, v43, _ =	vpop (xrf1)  }
0x3b8: {  	v10 =	vperm.xlane v40, v4;
	v12 =	vperm.xlane v42, v4  }
0x3b9: {  	v11 =	vperm.xlane v41, v4  }
0x3ba: {  	v13 =	vperm.xlane v43, v4;
	vm9 =	vle.f32 v38, v10;
	vm8 =	vle.f32 v6, v12  }
0x3bb: {  	v45 =	vsel vm9, v38, v10;
	v44 =	vsel vm8, v6, v12  }
0x3bc: {  	v47 =	vsel vm9, v39, v11;
	v46 =	vsel vm8, v7, v13;
	vm10 =	vle.f32 v44, v45  }
0x3bd: {  	v48 =	vsel vm10, v44, v45;
	v49 =	vsel vm10, v46, v47  }
0x3be: {  	v8 =	vsel vm9, v10, v38;
	v9 =	vsel vm9, v11, v39;
	(xrf1) =	vsort.ascd.msk.f32 $0xffff, v48, v49  }
0x3bf: {  	v6 =	vsel vm8, v12, v6;
	v50 =	vsel vm10, v45, v44;
	v51 =	vsel vm10, v47, v46  }
0x3c0: {  	v7 =	vsel vm8, v13, v7;
	vm11 =	vle.f32 v6, v8;
	(xrf1) =	vsort.ascd.msk.f32 $0xffff, v50, v51  }
0x3c1: {  	v10 =	vsel vm11, v6, v8;
	v11 =	vsel vm11, v7, v9  }
0x3c2: {  	(xrf1) =	vsort.ascd.msk.f32 $0xffff, v10, v11;
	_ =	sdelay $0x9  }
0x3c3: {  	v10, v11, _ =	vpop (xrf1)  }
0x3c4: {  	(xrf2) =	vadd.scan.msk.f32 $0xffff, v10  }
0x3c5: {  	v52, v12, _ =	vpop (xrf1)  }
0x3c6: {  	(xrf2) =	vadd.scan.msk.f32 $0xffff, v52  }
0x3c7: {  	v54, v53, _ =	vpop (xrf1)  }
0x3c8: {  	(xrf2) =	vadd.scan.msk.f32 $0xffff, v54;
	_ =	sdelay $0x1  }
0x3c9: {  	v6 =	vsel vm11, v8, v6;
	v7 =	vsel vm11, v9, v7  }
0x3ca: {  	(xrf1) =	vsort.ascd.msk.f32 $0xffff, v6, v7;
	_ =	sdelay $0x2  }
0x3cb: {  	v6, _, _ =	vpop (xrf2)  }
0x3cc: {  	(v2sf) =	vpush v6, $0xF  }
0x3cd: {  	v7, _, _ =	vpop (xrf2)  }
0x3ce: {  	(v2sf) =	vpush v7, $0xF  }
0x3cf: {  	v55, _, _ =	vpop (xrf2)  }
0x3d0: {  	(v2sf) =	vpush v55, $0xF;
	_ =	sdelay $0x5  }
0x3d1: {  	v57, v56, _ =	vpop (xrf1)  }
0x3d2: {  	(xrf2) =	vadd.scan.msk.f32 $0xffff, v57;
	_ =	sdelay $0x3  }
0x3d3: {  	s26 =	spop (v2sf)  }
0x3d4: {  	s6 =	sadd.f32 $0.0e+00, s26  }
0x3d5: {  	s28 =	spop (v2sf)  }
0x3d6: {  	v58 =	vadd.s32 $0x780, v11;
	s7 =	sadd.f32 s6, s28  }
0x3d7: {  	v59 =	vadd.s32 $0x780, v12;
	s29 =	spop (v2sf)  }
0x3d8: {  	v60 =	vadd.s32 $0x780, v53;
	v7 =	vadd.f32 s6, v7;
	s30 =	sadd.f32 s7, s29  }
0x3d9: {  	vm12 =	vge.f32 v6, $1.000000010e-01;
	v10 =	vadd.s32 $0x780, v56;
	v61, _, _ =	vpop (xrf2);
	v6 =	vadd.f32 s7, v55  }
0x3da: {  	v62 =	vsel vm12, $0x0, v5;
	vm13 =	vge.f32 v7, $1.000000010e-01;
	v7 =	vadd.f32 s30, v61  }
0x3db: {  	[tilespmem:v58+s5+$0x0] =	vst.idx.msk $0xffff, v62;
	v63 =	vsel vm13, $0x0, v5;
	vm14 =	vge.f32 v6, $1.000000010e-01  }
0x3dc: {  	[tilespmem:v59+s5+$0x0] =	vst.idx.msk $0xffff, v63;
	v6 =	vsel vm14, $0x0, v5;
	vm15 =	vge.f32 v7, $1.000000010e-01  }
0x3dd: {  	p0 =	sne.s32 s3, $0x1;
	[tilespmem:v60+s5+$0x0] =	vst.idx.msk $0xffff, v6;
	v6 =	vsel vm15, $0x0, v5  }
.Ltmp0:
0x3de: {  	s31 =	rddreg [dreg:$0x3];
	[tilespmem:v10+s5+$0x0] =	vst.idx.msk $0xffff, v6;
	(pc) =	sbr.rel @p0 .LBB2_1-.Ltmp0, $4  }
0x3df: {  	[hbm4b:s31+s2] =	stream.linear.scatter [tilespmem:s5], [sflag:$0x1], $0x800, $0x38;
	[tilespmem:$0x1000] =	vst v63  }
0x3e0: {  	_ =	swait.ge [sflag:s4], $0x800  }
0x3e1: {  	[sflag:s4] =	ssyncset.done $0x0  }
0x3e2: {  	s3 =	sadd.s32 $0xFFFFFFFF, s3;
	[sflag:s4] =	ssyncadd.s32 $0xFFFFF800  }
0x3e3: {  	_ =	sfence.sel $0x180000  }
0x3e4: {  	[bflag:$0x0] =	sbarrier.arrive $0xFFFF  }
0x3e5: {  	p0 =	sne.s32 s0, $0x0;
	_ =	strace $0x90000047  }
0x3e6: {  	s0 =	sadd.s32 @!p0 $0x100000, s1;
	[bflag:$0x2] =	sbarrier.arrive $0xFFFF  }
0x3e7: {  	[sflag:s0] =	ssyncadd.tile.s32 @!p0 $0x1;
	_ =	shalt  }
.Lfunc_end2:
_tile_overlayer_lowered:
.L_overlay_start_2:
0x3e8: {  	(tag) =	ssettag $0x2  }
0x3e9: {  	s0 =	rddreg [dreg:$0x0];
	s2 =	stileid.u32  }
0x3ea: {  	s1 =	rddreg [dreg:$0x1];
	p0 =	sne.s32 s2, $0x0  }
0x3eb: {  	s3 =	rddreg [dreg:$0x2];
	[bflag:$0x3] =	sbarrier.arrive $0xFFFF;
	s2 =	simm.s32 @!p0 $0x1C01  }
0x3ec: {  	[timem:s3], [sflag:s2] =	dma.local @!p0 [hbm:s0], s1  }
0x3ed: {  	s0 =	simm.s32 @!p0 $0x1  }
0x3ee: {  	_ =	swait.ge @!p0 [sflag:s0], s1  }
0x3ef: {  	s1 =	ssub.s32 @!p0 $0x0, s1;
	[sflag:s0] =	ssyncset.done @!p0 $0x0  }
0x3f0: {  	[sflag:s0] =	ssyncadd.s32 @!p0 s1  }
0x3f1: {  	[bflag:$0x3] =	sbarrier.arrive $0xFFFF  }
0x3f2: {  	_ =	shalt  }

</sc_bundles>
